<compile_context>
chip_gen: v7x
topology: tpu7x:2x2x1
jax: 0.10.2.dev20260603
libtpu: 0.0.44.dev20260713+nightly
codegen_flags: <defaults>
</compile_context>

<pallas_src>
import functools

import jax
import jax.numpy as jnp
from jax import lax
from jax.experimental import pallas as pl
from jax.experimental.pallas import tpu as pltpu
from jax.experimental.pallas import tpu_sc as plsc

ALPHA = 0.2
LANES = 16
NBLK = 2048


def _k0_body(w_ref, x_ref, alpha_ref, m_ref):
  i = pl.program_id(0)
  blk = lax.dot_general(
      w_ref[...], x_ref[...], (((1,), (1,)), ((), ())),
      preferred_element_type=jnp.float32)
  alpha_ref[...] = blk
  bm = jnp.broadcast_to(jnp.max(blk, axis=1, keepdims=True), m_ref.shape)

  @pl.when(i == 0)
  def _():
    m_ref[...] = bm

  @pl.when(i > 0)
  def _():
    m_ref[...] = jnp.maximum(m_ref[...], bm)


def _k2_body(part_ref, den_ref):
  w = pl.program_id(2)

  @pl.when(w == 0)
  def _():
    den_ref[...] = part_ref[...]

  @pl.when(w > 0)
  def _():
    den_ref[...] = den_ref[...] + part_ref[...]


def _make_k1(num_workers, epw, n_pad, heads):
  mesh = plsc.VectorSubcoreMesh(core_axis_name="c", subcore_axis_name="s", num_cores=2, num_subcores=16)

  @functools.partial(
      pl.kernel,
      mesh=mesh,
      compiler_params=pltpu.CompilerParams(needs_layout_passes=False),
      out_type=(
          jax.ShapeDtypeStruct((heads * num_workers * epw,), jnp.float32),
          jax.ShapeDtypeStruct((num_workers * heads * n_pad,), jnp.float32),
      ),
      scratch_types=[
          pltpu.VMEM((epw,), jnp.int32),
          pltpu.VMEM((epw,), jnp.int32),
          pltpu.VMEM((n_pad,), jnp.float32),
          pltpu.VMEM((n_pad,), jnp.float32),
          pltpu.VMEM((n_pad,), jnp.float32),
          pltpu.VMEM((epw,), jnp.float32),
          pltpu.VMEM((LANES,), jnp.float32),
      ],
  )
  def k1(edge_hbm, alpha_hbm, mb_hbm, eexp_hbm, part_hbm,
         src_v, dst_v, as_v, ad_v, den_v, p_v, m_v):
    e_total = num_workers * epw
    wid = lax.axis_index("s") * 2 + lax.axis_index("c")
    base = wid * epw
    pltpu.sync_copy(edge_hbm.at[pl.ds(base, epw)], src_v)
    pltpu.sync_copy(edge_hbm.at[pl.ds(e_total + base, epw)], dst_v)

    for h in range(heads):
      pltpu.sync_copy(alpha_hbm.at[pl.ds(h * n_pad, n_pad)], as_v)
      pltpu.sync_copy(alpha_hbm.at[pl.ds((heads + h) * n_pad, n_pad)], ad_v)
      pltpu.sync_copy(mb_hbm.at[pl.ds(h * LANES, LANES)], m_v)
      mvec = m_v[...]

      @plsc.parallel_loop(0, n_pad // LANES, unroll=8)
      def _(i):
        den_v[pl.ds(i * LANES, LANES)] = jnp.zeros((LANES,), jnp.float32)

      @plsc.parallel_loop(0, epw // LANES, unroll=4)
      def _(g):
        isrc = src_v[pl.ds(g * LANES, LANES)]
        idst = dst_v[pl.ds(g * LANES, LANES)]
        vs = plsc.load_gather(as_v, [isrc])
        vd = plsc.load_gather(ad_v, [idst])
        e = vs + vd
        e = jnp.where(e >= 0.0, e, ALPHA * e)
        p = jnp.exp(e - mvec)
        p_v[pl.ds(g * LANES, LANES)] = p
        plsc.addupdate_scatter(den_v, [idst], p)
      pltpu.sync_copy(p_v, eexp_hbm.at[pl.ds(h * e_total + base, epw)])
      pltpu.sync_copy(den_v, part_hbm.at[pl.ds((wid * heads + h) * n_pad, n_pad)])

  return k1


def _make_k3(num_workers, epw, n_pad, heads):
  mesh = plsc.VectorSubcoreMesh(core_axis_name="c", subcore_axis_name="s", num_cores=2, num_subcores=16)

  @functools.partial(
      pl.kernel,
      mesh=mesh,
      compiler_params=pltpu.CompilerParams(needs_layout_passes=False),
      out_type=jax.ShapeDtypeStruct((num_workers * epw * heads,), jnp.float32),
      scratch_types=[
          pltpu.VMEM((epw,), jnp.int32),
          pltpu.VMEM((n_pad,), jnp.float32),
          pltpu.VMEM((epw,), jnp.float32),
          pltpu.VMEM((epw * heads,), jnp.float32),
      ],
  )
  def k3(edge_hbm, eexp_hbm, den_hbm, att_hbm, dst_v, den_v, p_v, out_v):
    e_total = num_workers * epw
    wid = lax.axis_index("s") * 2 + lax.axis_index("c")
    base = wid * epw
    pltpu.sync_copy(edge_hbm.at[pl.ds(e_total + base, epw)], dst_v)
    lanes = lax.iota(jnp.int32, LANES)

    for h in range(heads):
      pltpu.sync_copy(den_hbm.at[pl.ds(h * n_pad, n_pad)], den_v)
      pltpu.sync_copy(eexp_hbm.at[pl.ds(h * e_total + base, epw)], p_v)
      hvec = jnp.full((LANES,), h, jnp.int32)

      @plsc.parallel_loop(0, epw // LANES, unroll=4)
      def _(g):
        idst = dst_v[pl.ds(g * LANES, LANES)]
        d = plsc.load_gather(den_v, [idst])
        p = p_v[pl.ds(g * LANES, LANES)]
        o = p / (d + 1e-16)
        plsc.store_scatter(out_v, [(g * LANES + lanes) * heads + hvec], o)
    pltpu.sync_copy(out_v, att_hbm.at[pl.ds(base * heads, epw * heads)])

  return k3


def kernel(x, edge, a, I):
  n, f = x.shape
  e_total = edge.shape[1]
  dk = a.shape[0] // 2
  heads = f // dk
  num_workers = 32
  epw = e_total // num_workers
  n_pad = ((n + NBLK - 1) // NBLK) * NBLK

  eye_h = jnp.eye(heads, dtype=x.dtype)
  w_src = jnp.kron(eye_h, a[:dk, 0, 0][None, :])
  w_dst = jnp.kron(eye_h, a[dk:, 0, 0][None, :])
  w = jnp.concatenate([w_src, w_dst], axis=0)
  w_eff = w @ I.T
  xp = jnp.pad(x, ((0, n_pad - n), (0, 0)))

  grid = n_pad // NBLK
  alpha, mout = pl.pallas_call(
      _k0_body,
      grid=(grid,),
      in_specs=[
          pl.BlockSpec((2 * heads, f), lambda i: (0, 0)),
          pl.BlockSpec((NBLK, f), lambda i: (i, 0)),
      ],
      out_specs=[
          pl.BlockSpec((2 * heads, NBLK), lambda i: (0, i)),
          pl.BlockSpec((2 * heads, 128), lambda i: (0, 0)),
      ],
      out_shape=[
          jax.ShapeDtypeStruct((2 * heads, n_pad), jnp.float32),
          jax.ShapeDtypeStruct((2 * heads, 128), jnp.float32),
      ],
  )(w_eff, xp)

  mh = mout[:, 0]
  mb = jnp.broadcast_to(
      (mh[:heads] + mh[heads:])[:, None], (heads, LANES)).reshape(-1)

  edge_flat = edge.reshape(-1)
  eexp, part = _make_k1(num_workers, epw, n_pad, heads)(
      edge_flat, alpha.reshape(-1), mb)

  nb = n_pad // NBLK
  den = pl.pallas_call(
      _k2_body,
      grid=(heads, nb, num_workers),
      in_specs=[
          pl.BlockSpec((NBLK,), lambda h, i, w: ((w * heads + h) * nb + i,))
      ],
      out_specs=pl.BlockSpec((NBLK,), lambda h, i, w: (h * nb + i,)),
      out_shape=jax.ShapeDtypeStruct((heads * n_pad,), jnp.float32),
  )(part)

  att = _make_k3(num_workers, epw, n_pad, heads)(edge_flat, eexp, den)
  return att.reshape(e_total, heads)

# --- scband reference (transcript-rebuilt; emitter-appended) ---
"""Pipeline reference for scband-ham-gatconv-27745488732228 (READ-ONLY COPY).

The authoritative reference and input builder live on the scoring server;
editing this copy changes nothing except your own understanding.
"""

import jax, jax.numpy as jnp
import numpy as np

N = 10000
E = 320000
IN_FEATURES = 128
OUT_FEATURES = 128
HEADS = 8
D_K = OUT_FEATURES // HEADS
ALPHA = 0.2


def setup_inputs(seed: int = 0) -> dict:
    key = jax.random.key(seed)
    k1, k2, k3 = jax.random.split(key, 3)
    x = jax.random.normal(k1, (N, IN_FEATURES), dtype=jnp.float32)
    edge = jax.random.randint(k2, (2, E), 0, N)
    # learned parameter a: shape (2*d_k, 1, 1), xavier_normal_ with gain=1.414
    # torch fan_in = shape[1]*shape[2] = 1, fan_out = shape[0]*shape[2] = 2*D_K
    std = 1.414 * np.sqrt(2.0 / (1.0 + 2 * D_K))
    a = jax.random.normal(k3, (2 * D_K, 1, 1), dtype=jnp.float32) * std
    # buffer I = identity matrix (not learned)
    I = jnp.eye(IN_FEATURES, dtype=jnp.float32)
    return {"x": x, "edge": edge, "a": a, "I": I}


def segment_softmax(e, idx, num_segments):
    # numerically-stable per-segment softmax (torch_geometric.utils.softmax)
    seg_max = jax.ops.segment_max(e, idx, num_segments=num_segments)
    seg_max = jnp.where(jnp.isfinite(seg_max), seg_max, 0.0)
    e_exp = jnp.exp(e - seg_max[idx])
    denom = jax.ops.segment_sum(e_exp, idx, num_segments=num_segments)
    return e_exp / (denom[idx] + 1e-16)


def reference(x, edge, a, I):
    wx = x @ I                                   # [N, in_features]
    h = wx.reshape(-1, HEADS, D_K)               # [N, heads, d_k]
    h = jnp.transpose(h, (0, 2, 1))              # [N, d_k, heads]
    edge_h = jnp.concatenate((h[edge[0, :]], h[edge[1, :]]), axis=1)  # [E, 2*d_k, heads]
    edge_h = jnp.transpose(edge_h, (1, 0, 2))    # [2*d_k, E, heads]
    edge_e = jax.nn.leaky_relu(jnp.sum(a * edge_h, axis=0), negative_slope=ALPHA)  # [E, heads]
    attention = segment_softmax(edge_e, edge[1, :], N)  # attention_norm_idx = 1 (dst nodes)
    return attention

if __name__ == "__main__":
    import jax
    _d = setup_inputs()
    print(jax.jit(kernel)(*tuple(_d.values())))

</pallas_src>

<mosaic_0001>
#map = affine_map<(d0, d1) -> (0)>
module attributes {stable_mosaic.version = 14 : i64} {
  func.func @k1(%arg0: i32, %arg1: i32, %arg2: memref<640000xi32, #tpu.memory_space<hbm>>, %arg3: memref<163840xf32, #tpu.memory_space<hbm>>, %arg4: memref<128xf32, #tpu.memory_space<hbm>>, %arg5: memref<2560000xf32, #tpu.memory_space<hbm>>, %arg6: memref<2621440xf32, #tpu.memory_space<hbm>>, %arg7: memref<10000xi32, #tpu.memory_space<vmem>>, %arg8: memref<10000xi32, #tpu.memory_space<vmem>>, %arg9: memref<10240xf32, #tpu.memory_space<vmem>>, %arg10: memref<10240xf32, #tpu.memory_space<vmem>>, %arg11: memref<10240xf32, #tpu.memory_space<vmem>>, %arg12: memref<10000xf32, #tpu.memory_space<vmem>>, %arg13: memref<16xf32, #tpu.memory_space<vmem>>) attributes {dimension_semantics = [#tpu.dimension_semantics<core_parallel>, #tpu.dimension_semantics<subcore_parallel>], iteration_bounds = array<i64: 2, 16>, scalar_prefetch = 0 : i64, scratch_operands = 7 : i64, tpu.core_type = #tpu.core_type<sc_vector_subcore>, window_params = [{transform_indices = #map}, {transform_indices = #map}, {transform_indices = #map}, {transform_indices = #map}, {transform_indices = #map}]} {
    %mul3A = arith.constant 2 : i32
    %mul3A_0 = arith.muli %arg1, %mul3A : i32
    %add3A = arith.addi %mul3A_0, %arg0 : i32
    %mul3A_1 = arith.constant 10000 : i32
    %mul3A_2 = arith.muli %add3A, %mul3A_1 : i32
    "tpu.region"() ({
      %run_scoped3A = tpu.sem_alloc : memref<!tpu.dma_semaphore, #tpu.memory_space<semaphore_mem>>
      %dma_start3A = tpu.memref_slice %arg2[%mul3A_2] : memref<640000xi32, #tpu.memory_space<hbm>> -> memref<10000xi32, #tpu.memory_space<hbm>>
      %dma_start3A_131 = tpu.memref_slice %arg2[%mul3A_2] : memref<640000xi32, #tpu.memory_space<hbm>> -> memref<10000xi32, #tpu.memory_space<hbm>>
      tpu.enqueue_dma source(%dma_start3A_131 : memref<10000xi32, #tpu.memory_space<hbm>>) target(%arg7 : memref<10000xi32, #tpu.memory_space<vmem>>) target_semaphore(%run_scoped3A : memref<!tpu.dma_semaphore, #tpu.memory_space<semaphore_mem>>)
      %dma_wait3A = tpu.memref_slice %arg2[%mul3A_2] : memref<640000xi32, #tpu.memory_space<hbm>> -> memref<10000xi32, #tpu.memory_space<hbm>>
      %dma_wait3A_132 = tpu.memref_slice %arg2[%mul3A_2] : memref<640000xi32, #tpu.memory_space<hbm>> -> memref<10000xi32, #tpu.memory_space<hbm>>
      tpu.wait_dma2 semaphore(%run_scoped3A : memref<!tpu.dma_semaphore, #tpu.memory_space<semaphore_mem>>) src(%dma_wait3A_132 : memref<10000xi32, #tpu.memory_space<hbm>>) dst(%arg7 : memref<10000xi32, #tpu.memory_space<vmem>>)
      tpu.yield
    }) : () -> ()
    %add3A_3 = arith.constant 320000 : i32
    %add3A_4 = arith.addi %add3A_3, %mul3A_2 : i32
    "tpu.region"() ({
      %run_scoped3A = tpu.sem_alloc : memref<!tpu.dma_semaphore, #tpu.memory_space<semaphore_mem>>
      %dma_start3A = tpu.memref_slice %arg2[%add3A_4] : memref<640000xi32, #tpu.memory_space<hbm>> -> memref<10000xi32, #tpu.memory_space<hbm>>
      %dma_start3A_131 = tpu.memref_slice %arg2[%add3A_4] : memref<640000xi32, #tpu.memory_space<hbm>> -> memref<10000xi32, #tpu.memory_space<hbm>>
      tpu.enqueue_dma source(%dma_start3A_131 : memref<10000xi32, #tpu.memory_space<hbm>>) target(%arg8 : memref<10000xi32, #tpu.memory_space<vmem>>) target_semaphore(%run_scoped3A : memref<!tpu.dma_semaphore, #tpu.memory_space<semaphore_mem>>)
      %dma_wait3A = tpu.memref_slice %arg2[%add3A_4] : memref<640000xi32, #tpu.memory_space<hbm>> -> memref<10000xi32, #tpu.memory_space<hbm>>
      %dma_wait3A_132 = tpu.memref_slice %arg2[%add3A_4] : memref<640000xi32, #tpu.memory_space<hbm>> -> memref<10000xi32, #tpu.memory_space<hbm>>
      tpu.wait_dma2 semaphore(%run_scoped3A : memref<!tpu.dma_semaphore, #tpu.memory_space<semaphore_mem>>) src(%dma_wait3A_132 : memref<10000xi32, #tpu.memory_space<hbm>>) dst(%arg8 : memref<10000xi32, #tpu.memory_space<vmem>>)
      tpu.yield
    }) : () -> ()
    "tpu.region"() ({
      %run_scoped3A = tpu.sem_alloc : memref<!tpu.dma_semaphore, #tpu.memory_space<semaphore_mem>>
      %dma_start3A = arith.constant 0 : i32
      %dma_start3A_131 = tpu.memref_slice %arg3[%dma_start3A] : memref<163840xf32, #tpu.memory_space<hbm>> -> memref<10240xf32, #tpu.memory_space<hbm>>
      %dma_start3A_132 = arith.constant 0 : i32
      %dma_start3A_133 = tpu.memref_slice %arg3[%dma_start3A_132] : memref<163840xf32, #tpu.memory_space<hbm>> -> memref<10240xf32, #tpu.memory_space<hbm>>
      tpu.enqueue_dma source(%dma_start3A_133 : memref<10240xf32, #tpu.memory_space<hbm>>) target(%arg9 : memref<10240xf32, #tpu.memory_space<vmem>>) target_semaphore(%run_scoped3A : memref<!tpu.dma_semaphore, #tpu.memory_space<semaphore_mem>>)
      %dma_wait3A = arith.constant 0 : i32
      %dma_wait3A_134 = tpu.memref_slice %arg3[%dma_wait3A] : memref<163840xf32, #tpu.memory_space<hbm>> -> memref<10240xf32, #tpu.memory_space<hbm>>
      %dma_wait3A_135 = arith.constant 0 : i32
      %dma_wait3A_136 = tpu.memref_slice %arg3[%dma_wait3A_135] : memref<163840xf32, #tpu.memory_space<hbm>> -> memref<10240xf32, #tpu.memory_space<hbm>>
      tpu.wait_dma2 semaphore(%run_scoped3A : memref<!tpu.dma_semaphore, #tpu.memory_space<semaphore_mem>>) src(%dma_wait3A_136 : memref<10240xf32, #tpu.memory_space<hbm>>) dst(%arg9 : memref<10240xf32, #tpu.memory_space<vmem>>)
      tpu.yield
    }) : () -> ()
    "tpu.region"() ({
      %run_scoped3A = tpu.sem_alloc : memref<!tpu.dma_semaphore, #tpu.memory_space<semaphore_mem>>
      %dma_start3A = arith.constant 81920 : i32
      %dma_start3A_131 = tpu.memref_slice %arg3[%dma_start3A] : memref<163840xf32, #tpu.memory_space<hbm>> -> memref<10240xf32, #tpu.memory_space<hbm>>
      %dma_start3A_132 = arith.constant 81920 : i32
      %dma_start3A_133 = tpu.memref_slice %arg3[%dma_start3A_132] : memref<163840xf32, #tpu.memory_space<hbm>> -> memref<10240xf32, #tpu.memory_space<hbm>>
      tpu.enqueue_dma source(%dma_start3A_133 : memref<10240xf32, #tpu.memory_space<hbm>>) target(%arg10 : memref<10240xf32, #tpu.memory_space<vmem>>) target_semaphore(%run_scoped3A : memref<!tpu.dma_semaphore, #tpu.memory_space<semaphore_mem>>)
      %dma_wait3A = arith.constant 81920 : i32
      %dma_wait3A_134 = tpu.memref_slice %arg3[%dma_wait3A] : memref<163840xf32, #tpu.memory_space<hbm>> -> memref<10240xf32, #tpu.memory_space<hbm>>
      %dma_wait3A_135 = arith.constant 81920 : i32
      %dma_wait3A_136 = tpu.memref_slice %arg3[%dma_wait3A_135] : memref<163840xf32, #tpu.memory_space<hbm>> -> memref<10240xf32, #tpu.memory_space<hbm>>
      tpu.wait_dma2 semaphore(%run_scoped3A : memref<!tpu.dma_semaphore, #tpu.memory_space<semaphore_mem>>) src(%dma_wait3A_136 : memref<10240xf32, #tpu.memory_space<hbm>>) dst(%arg10 : memref<10240xf32, #tpu.memory_space<vmem>>)
      tpu.yield
    }) : () -> ()
    "tpu.region"() ({
      %run_scoped3A = tpu.sem_alloc : memref<!tpu.dma_semaphore, #tpu.memory_space<semaphore_mem>>
      %dma_start3A = arith.constant 0 : i32
      %dma_start3A_131 = tpu.memref_slice %arg4[%dma_start3A] : memref<128xf32, #tpu.memory_space<hbm>> -> memref<16xf32, #tpu.memory_space<hbm>>
      %dma_start3A_132 = arith.constant 0 : i32
      %dma_start3A_133 = tpu.memref_slice %arg4[%dma_start3A_132] : memref<128xf32, #tpu.memory_space<hbm>> -> memref<16xf32, #tpu.memory_space<hbm>>
      tpu.enqueue_dma source(%dma_start3A_133 : memref<16xf32, #tpu.memory_space<hbm>>) target(%arg13 : memref<16xf32, #tpu.memory_space<vmem>>) target_semaphore(%run_scoped3A : memref<!tpu.dma_semaphore, #tpu.memory_space<semaphore_mem>>)
      %dma_wait3A = arith.constant 0 : i32
      %dma_wait3A_134 = tpu.memref_slice %arg4[%dma_wait3A] : memref<128xf32, #tpu.memory_space<hbm>> -> memref<16xf32, #tpu.memory_space<hbm>>
      %dma_wait3A_135 = arith.constant 0 : i32
      %dma_wait3A_136 = tpu.memref_slice %arg4[%dma_wait3A_135] : memref<128xf32, #tpu.memory_space<hbm>> -> memref<16xf32, #tpu.memory_space<hbm>>
      tpu.wait_dma2 semaphore(%run_scoped3A : memref<!tpu.dma_semaphore, #tpu.memory_space<semaphore_mem>>) src(%dma_wait3A_136 : memref<16xf32, #tpu.memory_space<hbm>>) dst(%arg13 : memref<16xf32, #tpu.memory_space<vmem>>)
      tpu.yield
    }) : () -> ()
    %get3A = arith.constant 0 : index
    %get3A_5 = tpu.vector_load %arg13[%get3A] {strides = array<i32>} : memref<16xf32, #tpu.memory_space<vmem>>, vector<16xf32>,
    %parallel_loop3A = arith.constant 0 : i32
    %parallel_loop3A_6 = arith.constant 640 : i32
    %parallel_loop3A_7 = arith.constant 1 : i32
    scf.for %parallel_loop3A_131 = %parallel_loop3A to %parallel_loop3A_6 step %parallel_loop3A_7  : i32 {
      %parallel_loop3A_132 = arith.constant 0.000000e+00 : f32
      %parallel_loop3A_133 = vector.broadcast %parallel_loop3A_132 : f32 to vector<16xf32>
      %parallel_loop3A_134 = arith.constant 16 : i32
      %parallel_loop3A_135 = arith.muli %parallel_loop3A_131, %parallel_loop3A_134 : i32
      %parallel_loop3A_136 = arith.index_cast %parallel_loop3A_135 : i32 to index
      %parallel_loop3A_137 = tpu.vector_load %arg11[%parallel_loop3A_136] {strides = array<i32>} : memref<10240xf32, #tpu.memory_space<vmem>>, vector<16xf32>,
      tpu.vector_store %arg11[%parallel_loop3A_136], %parallel_loop3A_133 {strides = array<i32>} : memref<10240xf32, #tpu.memory_space<vmem>>, vector<16xf32>,
    } {sc.loop_unroll_factor = 8 : i64, sc.parallel_access}
    %parallel_loop3A_8 = arith.constant 0 : i32
    %parallel_loop3A_9 = arith.constant 625 : i32
    %parallel_loop3A_10 = arith.constant 1 : i32
    scf.for %parallel_loop3A_131 = %parallel_loop3A_8 to %parallel_loop3A_9 step %parallel_loop3A_10  : i32 {
      %parallel_loop3A_132 = arith.constant 16 : i32
      %parallel_loop3A_133 = arith.muli %parallel_loop3A_131, %parallel_loop3A_132 : i32
      %parallel_loop3A_134 = arith.index_cast %parallel_loop3A_133 : i32 to index
      %parallel_loop3A_135 = tpu.vector_load %arg7[%parallel_loop3A_134] {strides = array<i32>} : memref<10000xi32, #tpu.memory_space<vmem>>, vector<16xi32>,
      %parallel_loop3A_136 = arith.constant 16 : i32
      %parallel_loop3A_137 = arith.muli %parallel_loop3A_131, %parallel_loop3A_136 : i32
      %parallel_loop3A_138 = arith.index_cast %parallel_loop3A_137 : i32 to index
      %parallel_loop3A_139 = tpu.vector_load %arg8[%parallel_loop3A_138] {strides = array<i32>} : memref<10000xi32, #tpu.memory_space<vmem>>, vector<16xi32>,
      %parallel_loop3A_140 = tpu.vector_load_idx %arg9[%parallel_loop3A_135] : memref<10240xf32, #tpu.memory_space<vmem>>[vector<16xi32>], vector<16xf32>,
      %parallel_loop3A_141 = tpu.vector_load_idx %arg10[%parallel_loop3A_139] : memref<10240xf32, #tpu.memory_space<vmem>>[vector<16xi32>], vector<16xf32>,
      %parallel_loop3A_142 = arith.addf %parallel_loop3A_140, %parallel_loop3A_141 : vector<16xf32>
      %parallel_loop3A_143 = arith.constant 0.000000e+00 : f32
      %parallel_loop3A_144 = vector.broadcast %parallel_loop3A_143 : f32 to vector<16xf32>
      %parallel_loop3A_145 = arith.cmpf oge, %parallel_loop3A_142, %parallel_loop3A_144 : vector<16xf32>
      %parallel_loop3A_146 = arith.constant 2.000000e-01 : f32
      %parallel_loop3A_147 = vector.broadcast %parallel_loop3A_146 : f32 to vector<16xf32>
      %parallel_loop3A_148 = arith.mulf %parallel_loop3A_147, %parallel_loop3A_142 : vector<16xf32>
      %parallel_loop3A_149 = arith.select %parallel_loop3A_145, %parallel_loop3A_142, %parallel_loop3A_148 : vector<16xi1>, vector<16xf32>
      %parallel_loop3A_150 = arith.subf %parallel_loop3A_149, %get3A_5 : vector<16xf32>
      %parallel_loop3A_151 = math.exp %parallel_loop3A_150 : vector<16xf32>
      %parallel_loop3A_152 = arith.constant 16 : i32
      %parallel_loop3A_153 = arith.muli %parallel_loop3A_131, %parallel_loop3A_152 : i32
      %parallel_loop3A_154 = arith.index_cast %parallel_loop3A_153 : i32 to index
      %parallel_loop3A_155 = tpu.vector_load %arg12[%parallel_loop3A_154] {strides = array<i32>} : memref<10000xf32, #tpu.memory_space<vmem>>, vector<16xf32>,
      tpu.vector_store %arg12[%parallel_loop3A_154], %parallel_loop3A_151 {strides = array<i32>} : memref<10000xf32, #tpu.memory_space<vmem>>, vector<16xf32>,
      tpu.vector_store_idx %arg11[%parallel_loop3A_139], %parallel_loop3A_151 {add = true} : memref<10240xf32, #tpu.memory_space<vmem>>[vector<16xi32>], vector<16xf32>,
    } {sc.loop_unroll_factor = 4 : i64, sc.parallel_access}
    %add3A_11 = arith.constant 0 : i32
    %add3A_12 = arith.addi %add3A_11, %mul3A_2 : i32
    "tpu.region"() ({
      %run_scoped3A = tpu.sem_alloc : memref<!tpu.dma_semaphore, #tpu.memory_space<semaphore_mem>>
      %dma_start3A = tpu.memref_slice %arg5[%add3A_12] : memref<2560000xf32, #tpu.memory_space<hbm>> -> memref<10000xf32, #tpu.memory_space<hbm>>
      %dma_start3A_131 = tpu.memref_slice %arg5[%add3A_12] : memref<2560000xf32, #tpu.memory_space<hbm>> -> memref<10000xf32, #tpu.memory_space<hbm>>
      tpu.enqueue_dma source(%arg12 : memref<10000xf32, #tpu.memory_space<vmem>>) target(%dma_start3A_131 : memref<10000xf32, #tpu.memory_space<hbm>>) target_semaphore(%run_scoped3A : memref<!tpu.dma_semaphore, #tpu.memory_space<semaphore_mem>>)
      %dma_wait3A = tpu.memref_slice %arg5[%add3A_12] : memref<2560000xf32, #tpu.memory_space<hbm>> -> memref<10000xf32, #tpu.memory_space<hbm>>
      %dma_wait3A_132 = tpu.memref_slice %arg5[%add3A_12] : memref<2560000xf32, #tpu.memory_space<hbm>> -> memref<10000xf32, #tpu.memory_space<hbm>>
      tpu.wait_dma2 semaphore(%run_scoped3A : memref<!tpu.dma_semaphore, #tpu.memory_space<semaphore_mem>>) src(%arg12 : memref<10000xf32, #tpu.memory_space<vmem>>) dst(%dma_wait3A_132 : memref<10000xf32, #tpu.memory_space<hbm>>)
      tpu.yield
    }) : () -> ()
    %mul3A_13 = arith.constant 8 : i32
    %mul3A_14 = arith.muli %add3A, %mul3A_13 : i32
    %add3A_15 = arith.constant 0 : i32
    %add3A_16 = arith.addi %mul3A_14, %add3A_15 : i32
    %mul3A_17 = arith.constant 10240 : i32
    %mul3A_18 = arith.muli %add3A_16, %mul3A_17 : i32
    "tpu.region"() ({
      %run_scoped3A = tpu.sem_alloc : memref<!tpu.dma_semaphore, #tpu.memory_space<semaphore_mem>>
      %dma_start3A = tpu.memref_slice %arg6[%mul3A_18] : memref<2621440xf32, #tpu.memory_space<hbm>> -> memref<10240xf32, #tpu.memory_space<hbm>>
      %dma_start3A_131 = tpu.memref_slice %arg6[%mul3A_18] : memref<2621440xf32, #tpu.memory_space<hbm>> -> memref<10240xf32, #tpu.memory_space<hbm>>
      tpu.enqueue_dma source(%arg11 : memref<10240xf32, #tpu.memory_space<vmem>>) target(%dma_start3A_131 : memref<10240xf32, #tpu.memory_space<hbm>>) target_semaphore(%run_scoped3A : memref<!tpu.dma_semaphore, #tpu.memory_space<semaphore_mem>>)
      %dma_wait3A = tpu.memref_slice %arg6[%mul3A_18] : memref<2621440xf32, #tpu.memory_space<hbm>> -> memref<10240xf32, #tpu.memory_space<hbm>>
      %dma_wait3A_132 = tpu.memref_slice %arg6[%mul3A_18] : memref<2621440xf32, #tpu.memory_space<hbm>> -> memref<10240xf32, #tpu.memory_space<hbm>>
      tpu.wait_dma2 semaphore(%run_scoped3A : memref<!tpu.dma_semaphore, #tpu.memory_space<semaphore_mem>>) src(%arg11 : memref<10240xf32, #tpu.memory_space<vmem>>) dst(%dma_wait3A_132 : memref<10240xf32, #tpu.memory_space<hbm>>)
      tpu.yield
    }) : () -> ()
    "tpu.region"() ({
      %run_scoped3A = tpu.sem_alloc : memref<!tpu.dma_semaphore, #tpu.memory_space<semaphore_mem>>
      %dma_start3A = arith.constant 10240 : i32
      %dma_start3A_131 = tpu.memref_slice %arg3[%dma_start3A] : memref<163840xf32, #tpu.memory_space<hbm>> -> memref<10240xf32, #tpu.memory_space<hbm>>
      %dma_start3A_132 = arith.constant 10240 : i32
      %dma_start3A_133 = tpu.memref_slice %arg3[%dma_start3A_132] : memref<163840xf32, #tpu.memory_space<hbm>> -> memref<10240xf32, #tpu.memory_space<hbm>>
      tpu.enqueue_dma source(%dma_start3A_133 : memref<10240xf32, #tpu.memory_space<hbm>>) target(%arg9 : memref<10240xf32, #tpu.memory_space<vmem>>) target_semaphore(%run_scoped3A : memref<!tpu.dma_semaphore, #tpu.memory_space<semaphore_mem>>)
      %dma_wait3A = arith.constant 10240 : i32
      %dma_wait3A_134 = tpu.memref_slice %arg3[%dma_wait3A] : memref<163840xf32, #tpu.memory_space<hbm>> -> memref<10240xf32, #tpu.memory_space<hbm>>
      %dma_wait3A_135 = arith.constant 10240 : i32
      %dma_wait3A_136 = tpu.memref_slice %arg3[%dma_wait3A_135] : memref<163840xf32, #tpu.memory_space<hbm>> -> memref<10240xf32, #tpu.memory_space<hbm>>
      tpu.wait_dma2 semaphore(%run_scoped3A : memref<!tpu.dma_semaphore, #tpu.memory_space<semaphore_mem>>) src(%dma_wait3A_136 : memref<10240xf32, #tpu.memory_space<hbm>>) dst(%arg9 : memref<10240xf32, #tpu.memory_space<vmem>>)
      tpu.yield
    }) : () -> ()
    "tpu.region"() ({
      %run_scoped3A = tpu.sem_alloc : memref<!tpu.dma_semaphore, #tpu.memory_space<semaphore_mem>>
      %dma_start3A = arith.constant 92160 : i32
      %dma_start3A_131 = tpu.memref_slice %arg3[%dma_start3A] : memref<163840xf32, #tpu.memory_space<hbm>> -> memref<10240xf32, #tpu.memory_space<hbm>>
      %dma_start3A_132 = arith.constant 92160 : i32
      %dma_start3A_133 = tpu.memref_slice %arg3[%dma_start3A_132] : memref<163840xf32, #tpu.memory_space<hbm>> -> memref<10240xf32, #tpu.memory_space<hbm>>
      tpu.enqueue_dma source(%dma_start3A_133 : memref<10240xf32, #tpu.memory_space<hbm>>) target(%arg10 : memref<10240xf32, #tpu.memory_space<vmem>>) target_semaphore(%run_scoped3A : memref<!tpu.dma_semaphore, #tpu.memory_space<semaphore_mem>>)
      %dma_wait3A = arith.constant 92160 : i32
      %dma_wait3A_134 = tpu.memref_slice %arg3[%dma_wait3A] : memref<163840xf32, #tpu.memory_space<hbm>> -> memref<10240xf32, #tpu.memory_space<hbm>>
      %dma_wait3A_135 = arith.constant 92160 : i32
      %dma_wait3A_136 = tpu.memref_slice %arg3[%dma_wait3A_135] : memref<163840xf32, #tpu.memory_space<hbm>> -> memref<10240xf32, #tpu.memory_space<hbm>>
      tpu.wait_dma2 semaphore(%run_scoped3A : memref<!tpu.dma_semaphore, #tpu.memory_space<semaphore_mem>>) src(%dma_wait3A_136 : memref<10240xf32, #tpu.memory_space<hbm>>) dst(%arg10 : memref<10240xf32, #tpu.memory_space<vmem>>)
      tpu.yield
    }) : () -> ()
    "tpu.region"() ({
      %run_scoped3A = tpu.sem_alloc : memref<!tpu.dma_semaphore, #tpu.memory_space<semaphore_mem>>
      %dma_start3A = arith.constant 16 : i32
      %dma_start3A_131 = tpu.memref_slice %arg4[%dma_start3A] : memref<128xf32, #tpu.memory_space<hbm>> -> memref<16xf32, #tpu.memory_space<hbm>>
      %dma_start3A_132 = arith.constant 16 : i32
      %dma_start3A_133 = tpu.memref_slice %arg4[%dma_start3A_132] : memref<128xf32, #tpu.memory_space<hbm>> -> memref<16xf32, #tpu.memory_space<hbm>>
      tpu.enqueue_dma source(%dma_start3A_133 : memref<16xf32, #tpu.memory_space<hbm>>) target(%arg13 : memref<16xf32, #tpu.memory_space<vmem>>) target_semaphore(%run_scoped3A : memref<!tpu.dma_semaphore, #tpu.memory_space<semaphore_mem>>)
      %dma_wait3A = arith.constant 16 : i32
      %dma_wait3A_134 = tpu.memref_slice %arg4[%dma_wait3A] : memref<128xf32, #tpu.memory_space<hbm>> -> memref<16xf32, #tpu.memory_space<hbm>>
      %dma_wait3A_135 = arith.constant 16 : i32
      %dma_wait3A_136 = tpu.memref_slice %arg4[%dma_wait3A_135] : memref<128xf32, #tpu.memory_space<hbm>> -> memref<16xf32, #tpu.memory_space<hbm>>
      tpu.wait_dma2 semaphore(%run_scoped3A : memref<!tpu.dma_semaphore, #tpu.memory_space<semaphore_mem>>) src(%dma_wait3A_136 : memref<16xf32, #tpu.memory_space<hbm>>) dst(%arg13 : memref<16xf32, #tpu.memory_space<vmem>>)
      tpu.yield
    }) : () -> ()
    %get3A_19 = arith.constant 0 : index
    %get3A_20 = tpu.vector_load %arg13[%get3A_19] {strides = array<i32>} : memref<16xf32, #tpu.memory_space<vmem>>, vector<16xf32>,
    %parallel_loop3A_21 = arith.constant 0 : i32
    %parallel_loop3A_22 = arith.constant 640 : i32
    %parallel_loop3A_23 = arith.constant 1 : i32
    scf.for %parallel_loop3A_131 = %parallel_loop3A_21 to %parallel_loop3A_22 step %parallel_loop3A_23  : i32 {
      %parallel_loop3A_132 = arith.constant 0.000000e+00 : f32
      %parallel_loop3A_133 = vector.broadcast %parallel_loop3A_132 : f32 to vector<16xf32>
      %parallel_loop3A_134 = arith.constant 16 : i32
      %parallel_loop3A_135 = arith.muli %parallel_loop3A_131, %parallel_loop3A_134 : i32
      %parallel_loop3A_136 = arith.index_cast %parallel_loop3A_135 : i32 to index
      %parallel_loop3A_137 = tpu.vector_load %arg11[%parallel_loop3A_136] {strides = array<i32>} : memref<10240xf32, #tpu.memory_space<vmem>>, vector<16xf32>,
      tpu.vector_store %arg11[%parallel_loop3A_136], %parallel_loop3A_133 {strides = array<i32>} : memref<10240xf32, #tpu.memory_space<vmem>>, vector<16xf32>,
    } {sc.loop_unroll_factor = 8 : i64, sc.parallel_access}
    %parallel_loop3A_24 = arith.constant 0 : i32
    %parallel_loop3A_25 = arith.constant 625 : i32
    %parallel_loop3A_26 = arith.constant 1 : i32
    scf.for %parallel_loop3A_131 = %parallel_loop3A_24 to %parallel_loop3A_25 step %parallel_loop3A_26  : i32 {
      %parallel_loop3A_132 = arith.constant 16 : i32
      %parallel_loop3A_133 = arith.muli %parallel_loop3A_131, %parallel_loop3A_132 : i32
      %parallel_loop3A_134 = arith.index_cast %parallel_loop3A_133 : i32 to index
      %parallel_loop3A_135 = tpu.vector_load %arg7[%parallel_loop3A_134] {strides = array<i32>} : memref<10000xi32, #tpu.memory_space<vmem>>, vector<16xi32>,
      %parallel_loop3A_136 = arith.constant 16 : i32
      %parallel_loop3A_137 = arith.muli %parallel_loop3A_131, %parallel_loop3A_136 : i32
      %parallel_loop3A_138 = arith.index_cast %parallel_loop3A_137 : i32 to index
      %parallel_loop3A_139 = tpu.vector_load %arg8[%parallel_loop3A_138] {strides = array<i32>} : memref<10000xi32, #tpu.memory_space<vmem>>, vector<16xi32>,
      %parallel_loop3A_140 = tpu.vector_load_idx %arg9[%parallel_loop3A_135] : memref<10240xf32, #tpu.memory_space<vmem>>[vector<16xi32>], vector<16xf32>,
      %parallel_loop3A_141 = tpu.vector_load_idx %arg10[%parallel_loop3A_139] : memref<10240xf32, #tpu.memory_space<vmem>>[vector<16xi32>], vector<16xf32>,
      %parallel_loop3A_142 = arith.addf %parallel_loop3A_140, %parallel_loop3A_141 : vector<16xf32>
      %parallel_loop3A_143 = arith.constant 0.000000e+00 : f32
      %parallel_loop3A_144 = vector.broadcast %parallel_loop3A_143 : f32 to vector<16xf32>
      %parallel_loop3A_145 = arith.cmpf oge, %parallel_loop3A_142, %parallel_loop3A_144 : vector<16xf32>
      %parallel_loop3A_146 = arith.constant 2.000000e-01 : f32
      %parallel_loop3A_147 = vector.broadcast %parallel_loop3A_146 : f32 to vector<16xf32>
      %parallel_loop3A_148 = arith.mulf %parallel_loop3A_147, %parallel_loop3A_142 : vector<16xf32>
      %parallel_loop3A_149 = arith.select %parallel_loop3A_145, %parallel_loop3A_142, %parallel_loop3A_148 : vector<16xi1>, vector<16xf32>
      %parallel_loop3A_150 = arith.subf %parallel_loop3A_149, %get3A_20 : vector<16xf32>
      %parallel_loop3A_151 = math.exp %parallel_loop3A_150 : vector<16xf32>
      %parallel_loop3A_152 = arith.constant 16 : i32
      %parallel_loop3A_153 = arith.muli %parallel_loop3A_131, %parallel_loop3A_152 : i32
      %parallel_loop3A_154 = arith.index_cast %parallel_loop3A_153 : i32 to index
      %parallel_loop3A_155 = tpu.vector_load %arg12[%parallel_loop3A_154] {strides = array<i32>} : memref<10000xf32, #tpu.memory_space<vmem>>, vector<16xf32>,
      tpu.vector_store %arg12[%parallel_loop3A_154], %parallel_loop3A_151 {strides = array<i32>} : memref<10000xf32, #tpu.memory_space<vmem>>, vector<16xf32>,
      tpu.vector_store_idx %arg11[%parallel_loop3A_139], %parallel_loop3A_151 {add = true} : memref<10240xf32, #tpu.memory_space<vmem>>[vector<16xi32>], vector<16xf32>,
    } {sc.loop_unroll_factor = 4 : i64, sc.parallel_access}
    %add3A_27 = arith.constant 320000 : i32
    %add3A_28 = arith.addi %add3A_27, %mul3A_2 : i32
    "tpu.region"() ({
      %run_scoped3A = tpu.sem_alloc : memref<!tpu.dma_semaphore, #tpu.memory_space<semaphore_mem>>
      %dma_start3A = tpu.memref_slice %arg5[%add3A_28] : memref<2560000xf32, #tpu.memory_space<hbm>> -> memref<10000xf32, #tpu.memory_space<hbm>>
      %dma_start3A_131 = tpu.memref_slice %arg5[%add3A_28] : memref<2560000xf32, #tpu.memory_space<hbm>> -> memref<10000xf32, #tpu.memory_space<hbm>>
      tpu.enqueue_dma source(%arg12 : memref<10000xf32, #tpu.memory_space<vmem>>) target(%dma_start3A_131 : memref<10000xf32, #tpu.memory_space<hbm>>) target_semaphore(%run_scoped3A : memref<!tpu.dma_semaphore, #tpu.memory_space<semaphore_mem>>)
      %dma_wait3A = tpu.memref_slice %arg5[%add3A_28] : memref<2560000xf32, #tpu.memory_space<hbm>> -> memref<10000xf32, #tpu.memory_space<hbm>>
      %dma_wait3A_132 = tpu.memref_slice %arg5[%add3A_28] : memref<2560000xf32, #tpu.memory_space<hbm>> -> memref<10000xf32, #tpu.memory_space<hbm>>
      tpu.wait_dma2 semaphore(%run_scoped3A : memref<!tpu.dma_semaphore, #tpu.memory_space<semaphore_mem>>) src(%arg12 : memref<10000xf32, #tpu.memory_space<vmem>>) dst(%dma_wait3A_132 : memref<10000xf32, #tpu.memory_space<hbm>>)
      tpu.yield
    }) : () -> ()
    %mul3A_29 = arith.constant 8 : i32
    %mul3A_30 = arith.muli %add3A, %mul3A_29 : i32
    %add3A_31 = arith.constant 1 : i32
    %add3A_32 = arith.addi %mul3A_30, %add3A_31 : i32
    %mul3A_33 = arith.constant 10240 : i32
    %mul3A_34 = arith.muli %add3A_32, %mul3A_33 : i32
    "tpu.region"() ({
      %run_scoped3A = tpu.sem_alloc : memref<!tpu.dma_semaphore, #tpu.memory_space<semaphore_mem>>
      %dma_start3A = tpu.memref_slice %arg6[%mul3A_34] : memref<2621440xf32, #tpu.memory_space<hbm>> -> memref<10240xf32, #tpu.memory_space<hbm>>
      %dma_start3A_131 = tpu.memref_slice %arg6[%mul3A_34] : memref<2621440xf32, #tpu.memory_space<hbm>> -> memref<10240xf32, #tpu.memory_space<hbm>>
      tpu.enqueue_dma source(%arg11 : memref<10240xf32, #tpu.memory_space<vmem>>) target(%dma_start3A_131 : memref<10240xf32, #tpu.memory_space<hbm>>) target_semaphore(%run_scoped3A : memref<!tpu.dma_semaphore, #tpu.memory_space<semaphore_mem>>)
      %dma_wait3A = tpu.memref_slice %arg6[%mul3A_34] : memref<2621440xf32, #tpu.memory_space<hbm>> -> memref<10240xf32, #tpu.memory_space<hbm>>
      %dma_wait3A_132 = tpu.memref_slice %arg6[%mul3A_34] : memref<2621440xf32, #tpu.memory_space<hbm>> -> memref<10240xf32, #tpu.memory_space<hbm>>
      tpu.wait_dma2 semaphore(%run_scoped3A : memref<!tpu.dma_semaphore, #tpu.memory_space<semaphore_mem>>) src(%arg11 : memref<10240xf32, #tpu.memory_space<vmem>>) dst(%dma_wait3A_132 : memref<10240xf32, #tpu.memory_space<hbm>>)
      tpu.yield
    }) : () -> ()
    "tpu.region"() ({
      %run_scoped3A = tpu.sem_alloc : memref<!tpu.dma_semaphore, #tpu.memory_space<semaphore_mem>>
      %dma_start3A = arith.constant 20480 : i32
      %dma_start3A_131 = tpu.memref_slice %arg3[%dma_start3A] : memref<163840xf32, #tpu.memory_space<hbm>> -> memref<10240xf32, #tpu.memory_space<hbm>>
      %dma_start3A_132 = arith.constant 20480 : i32
      %dma_start3A_133 = tpu.memref_slice %arg3[%dma_start3A_132] : memref<163840xf32, #tpu.memory_space<hbm>> -> memref<10240xf32, #tpu.memory_space<hbm>>
      tpu.enqueue_dma source(%dma_start3A_133 : memref<10240xf32, #tpu.memory_space<hbm>>) target(%arg9 : memref<10240xf32, #tpu.memory_space<vmem>>) target_semaphore(%run_scoped3A : memref<!tpu.dma_semaphore, #tpu.memory_space<semaphore_mem>>)
      %dma_wait3A = arith.constant 20480 : i32
      %dma_wait3A_134 = tpu.memref_slice %arg3[%dma_wait3A] : memref<163840xf32, #tpu.memory_space<hbm>> -> memref<10240xf32, #tpu.memory_space<hbm>>
      %dma_wait3A_135 = arith.constant 20480 : i32
      %dma_wait3A_136 = tpu.memref_slice %arg3[%dma_wait3A_135] : memref<163840xf32, #tpu.memory_space<hbm>> -> memref<10240xf32, #tpu.memory_space<hbm>>
      tpu.wait_dma2 semaphore(%run_scoped3A : memref<!tpu.dma_semaphore, #tpu.memory_space<semaphore_mem>>) src(%dma_wait3A_136 : memref<10240xf32, #tpu.memory_space<hbm>>) dst(%arg9 : memref<10240xf32, #tpu.memory_space<vmem>>)
      tpu.yield
    }) : () -> ()
    "tpu.region"() ({
      %run_scoped3A = tpu.sem_alloc : memref<!tpu.dma_semaphore, #tpu.memory_space<semaphore_mem>>
      %dma_start3A = arith.constant 102400 : i32
      %dma_start3A_131 = tpu.memref_slice %arg3[%dma_start3A] : memref<163840xf32, #tpu.memory_space<hbm>> -> memref<10240xf32, #tpu.memory_space<hbm>>
      %dma_start3A_132 = arith.constant 102400 : i32
      %dma_start3A_133 = tpu.memref_slice %arg3[%dma_start3A_132] : memref<163840xf32, #tpu.memory_space<hbm>> -> memref<10240xf32, #tpu.memory_space<hbm>>
      tpu.enqueue_dma source(%dma_start3A_133 : memref<10240xf32, #tpu.memory_space<hbm>>) target(%arg10 : memref<10240xf32, #tpu.memory_space<vmem>>) target_semaphore(%run_scoped3A : memref<!tpu.dma_semaphore, #tpu.memory_space<semaphore_mem>>)
      %dma_wait3A = arith.constant 102400 : i32
      %dma_wait3A_134 = tpu.memref_slice %arg3[%dma_wait3A] : memref<163840xf32, #tpu.memory_space<hbm>> -> memref<10240xf32, #tpu.memory_space<hbm>>
      %dma_wait3A_135 = arith.constant 102400 : i32
      %dma_wait3A_136 = tpu.memref_slice %arg3[%dma_wait3A_135] : memref<163840xf32, #tpu.memory_space<hbm>> -> memref<10240xf32, #tpu.memory_space<hbm>>
      tpu.wait_dma2 semaphore(%run_scoped3A : memref<!tpu.dma_semaphore, #tpu.memory_space<semaphore_mem>>) src(%dma_wait3A_136 : memref<10240xf32, #tpu.memory_space<hbm>>) dst(%arg10 : memref<10240xf32, #tpu.memory_space<vmem>>)
      tpu.yield
    }) : () -> ()
    "tpu.region"() ({
      %run_scoped3A = tpu.sem_alloc : memref<!tpu.dma_semaphore, #tpu.memory_space<semaphore_mem>>
      %dma_start3A = arith.constant 32 : i32
      %dma_start3A_131 = tpu.memref_slice %arg4[%dma_start3A] : memref<128xf32, #tpu.memory_space<hbm>> -> memref<16xf32, #tpu.memory_space<hbm>>
      %dma_start3A_132 = arith.constant 32 : i32
      %dma_start3A_133 = tpu.memref_slice %arg4[%dma_start3A_132] : memref<128xf32, #tpu.memory_space<hbm>> -> memref<16xf32, #tpu.memory_space<hbm>>
      tpu.enqueue_dma source(%dma_start3A_133 : memref<16xf32, #tpu.memory_space<hbm>>) target(%arg13 : memref<16xf32, #tpu.memory_space<vmem>>) target_semaphore(%run_scoped3A : memref<!tpu.dma_semaphore, #tpu.memory_space<semaphore_mem>>)
      %dma_wait3A = arith.constant 32 : i32
      %dma_wait3A_134 = tpu.memref_slice %arg4[%dma_wait3A] : memref<128xf32, #tpu.memory_space<hbm>> -> memref<16xf32, #tpu.memory_space<hbm>>
      %dma_wait3A_135 = arith.constant 32 : i32
      %dma_wait3A_136 = tpu.memref_slice %arg4[%dma_wait3A_135] : memref<128xf32, #tpu.memory_space<hbm>> -> memref<16xf32, #tpu.memory_space<hbm>>
      tpu.wait_dma2 semaphore(%run_scoped3A : memref<!tpu.dma_semaphore, #tpu.memory_space<semaphore_mem>>) src(%dma_wait3A_136 : memref<16xf32, #tpu.memory_space<hbm>>) dst(%arg13 : memref<16xf32, #tpu.memory_space<vmem>>)
      tpu.yield
    }) : () -> ()
    %get3A_35 = arith.constant 0 : index
    %get3A_36 = tpu.vector_load %arg13[%get3A_35] {strides = array<i32>} : memref<16xf32, #tpu.memory_space<vmem>>, vector<16xf32>,
    %parallel_loop3A_37 = arith.constant 0 : i32
    %parallel_loop3A_38 = arith.constant 640 : i32
    %parallel_loop3A_39 = arith.constant 1 : i32
    scf.for %parallel_loop3A_131 = %parallel_loop3A_37 to %parallel_loop3A_38 step %parallel_loop3A_39  : i32 {
      %parallel_loop3A_132 = arith.constant 0.000000e+00 : f32
      %parallel_loop3A_133 = vector.broadcast %parallel_loop3A_132 : f32 to vector<16xf32>
      %parallel_loop3A_134 = arith.constant 16 : i32
      %parallel_loop3A_135 = arith.muli %parallel_loop3A_131, %parallel_loop3A_134 : i32
      %parallel_loop3A_136 = arith.index_cast %parallel_loop3A_135 : i32 to index
      %parallel_loop3A_137 = tpu.vector_load %arg11[%parallel_loop3A_136] {strides = array<i32>} : memref<10240xf32, #tpu.memory_space<vmem>>, vector<16xf32>,
      tpu.vector_store %arg11[%parallel_loop3A_136], %parallel_loop3A_133 {strides = array<i32>} : memref<10240xf32, #tpu.memory_space<vmem>>, vector<16xf32>,
    } {sc.loop_unroll_factor = 8 : i64, sc.parallel_access}
    %parallel_loop3A_40 = arith.constant 0 : i32
    %parallel_loop3A_41 = arith.constant 625 : i32
    %parallel_loop3A_42 = arith.constant 1 : i32
    scf.for %parallel_loop3A_131 = %parallel_loop3A_40 to %parallel_loop3A_41 step %parallel_loop3A_42  : i32 {
      %parallel_loop3A_132 = arith.constant 16 : i32
      %parallel_loop3A_133 = arith.muli %parallel_loop3A_131, %parallel_loop3A_132 : i32
      %parallel_loop3A_134 = arith.index_cast %parallel_loop3A_133 : i32 to index
      %parallel_loop3A_135 = tpu.vector_load %arg7[%parallel_loop3A_134] {strides = array<i32>} : memref<10000xi32, #tpu.memory_space<vmem>>, vector<16xi32>,
      %parallel_loop3A_136 = arith.constant 16 : i32
      %parallel_loop3A_137 = arith.muli %parallel_loop3A_131, %parallel_loop3A_136 : i32
      %parallel_loop3A_138 = arith.index_cast %parallel_loop3A_137 : i32 to index
      %parallel_loop3A_139 = tpu.vector_load %arg8[%parallel_loop3A_138] {strides = array<i32>} : memref<10000xi32, #tpu.memory_space<vmem>>, vector<16xi32>,
      %parallel_loop3A_140 = tpu.vector_load_idx %arg9[%parallel_loop3A_135] : memref<10240xf32, #tpu.memory_space<vmem>>[vector<16xi32>], vector<16xf32>,
      %parallel_loop3A_141 = tpu.vector_load_idx %arg10[%parallel_loop3A_139] : memref<10240xf32, #tpu.memory_space<vmem>>[vector<16xi32>], vector<16xf32>,
      %parallel_loop3A_142 = arith.addf %parallel_loop3A_140, %parallel_loop3A_141 : vector<16xf32>
      %parallel_loop3A_143 = arith.constant 0.000000e+00 : f32
      %parallel_loop3A_144 = vector.broadcast %parallel_loop3A_143 : f32 to vector<16xf32>
      %parallel_loop3A_145 = arith.cmpf oge, %parallel_loop3A_142, %parallel_loop3A_144 : vector<16xf32>
      %parallel_loop3A_146 = arith.constant 2.000000e-01 : f32
      %parallel_loop3A_147 = vector.broadcast %parallel_loop3A_146 : f32 to vector<16xf32>
      %parallel_loop3A_148 = arith.mulf %parallel_loop3A_147, %parallel_loop3A_142 : vector<16xf32>
      %parallel_loop3A_149 = arith.select %parallel_loop3A_145, %parallel_loop3A_142, %parallel_loop3A_148 : vector<16xi1>, vector<16xf32>
      %parallel_loop3A_150 = arith.subf %parallel_loop3A_149, %get3A_36 : vector<16xf32>
      %parallel_loop3A_151 = math.exp %parallel_loop3A_150 : vector<16xf32>
      %parallel_loop3A_152 = arith.constant 16 : i32
      %parallel_loop3A_153 = arith.muli %parallel_loop3A_131, %parallel_loop3A_152 : i32
      %parallel_loop3A_154 = arith.index_cast %parallel_loop3A_153 : i32 to index
      %parallel_loop3A_155 = tpu.vector_load %arg12[%parallel_loop3A_154] {strides = array<i32>} : memref<10000xf32, #tpu.memory_space<vmem>>, vector<16xf32>,
      tpu.vector_store %arg12[%parallel_loop3A_154], %parallel_loop3A_151 {strides = array<i32>} : memref<10000xf32, #tpu.memory_space<vmem>>, vector<16xf32>,
      tpu.vector_store_idx %arg11[%parallel_loop3A_139], %parallel_loop3A_151 {add = true} : memref<10240xf32, #tpu.memory_space<vmem>>[vector<16xi32>], vector<16xf32>,
    } {sc.loop_unroll_factor = 4 : i64, sc.parallel_access}
    %add3A_43 = arith.constant 640000 : i32
    %add3A_44 = arith.addi %add3A_43, %mul3A_2 : i32
    "tpu.region"() ({
      %run_scoped3A = tpu.sem_alloc : memref<!tpu.dma_semaphore, #tpu.memory_space<semaphore_mem>>
      %dma_start3A = tpu.memref_slice %arg5[%add3A_44] : memref<2560000xf32, #tpu.memory_space<hbm>> -> memref<10000xf32, #tpu.memory_space<hbm>>
      %dma_start3A_131 = tpu.memref_slice %arg5[%add3A_44] : memref<2560000xf32, #tpu.memory_space<hbm>> -> memref<10000xf32, #tpu.memory_space<hbm>>
      tpu.enqueue_dma source(%arg12 : memref<10000xf32, #tpu.memory_space<vmem>>) target(%dma_start3A_131 : memref<10000xf32, #tpu.memory_space<hbm>>) target_semaphore(%run_scoped3A : memref<!tpu.dma_semaphore, #tpu.memory_space<semaphore_mem>>)
      %dma_wait3A = tpu.memref_slice %arg5[%add3A_44] : memref<2560000xf32, #tpu.memory_space<hbm>> -> memref<10000xf32, #tpu.memory_space<hbm>>
      %dma_wait3A_132 = tpu.memref_slice %arg5[%add3A_44] : memref<2560000xf32, #tpu.memory_space<hbm>> -> memref<10000xf32, #tpu.memory_space<hbm>>
      tpu.wait_dma2 semaphore(%run_scoped3A : memref<!tpu.dma_semaphore, #tpu.memory_space<semaphore_mem>>) src(%arg12 : memref<10000xf32, #tpu.memory_space<vmem>>) dst(%dma_wait3A_132 : memref<10000xf32, #tpu.memory_space<hbm>>)
      tpu.yield
    }) : () -> ()
    %mul3A_45 = arith.constant 8 : i32
    %mul3A_46 = arith.muli %add3A, %mul3A_45 : i32
    %add3A_47 = arith.constant 2 : i32
    %add3A_48 = arith.addi %mul3A_46, %add3A_47 : i32
    %mul3A_49 = arith.constant 10240 : i32
    %mul3A_50 = arith.muli %add3A_48, %mul3A_49 : i32
    "tpu.region"() ({
      %run_scoped3A = tpu.sem_alloc : memref<!tpu.dma_semaphore, #tpu.memory_space<semaphore_mem>>
      %dma_start3A = tpu.memref_slice %arg6[%mul3A_50] : memref<2621440xf32, #tpu.memory_space<hbm>> -> memref<10240xf32, #tpu.memory_space<hbm>>
      %dma_start3A_131 = tpu.memref_slice %arg6[%mul3A_50] : memref<2621440xf32, #tpu.memory_space<hbm>> -> memref<10240xf32, #tpu.memory_space<hbm>>
      tpu.enqueue_dma source(%arg11 : memref<10240xf32, #tpu.memory_space<vmem>>) target(%dma_start3A_131 : memref<10240xf32, #tpu.memory_space<hbm>>) target_semaphore(%run_scoped3A : memref<!tpu.dma_semaphore, #tpu.memory_space<semaphore_mem>>)
      %dma_wait3A = tpu.memref_slice %arg6[%mul3A_50] : memref<2621440xf32, #tpu.memory_space<hbm>> -> memref<10240xf32, #tpu.memory_space<hbm>>
      %dma_wait3A_132 = tpu.memref_slice %arg6[%mul3A_50] : memref<2621440xf32, #tpu.memory_space<hbm>> -> memref<10240xf32, #tpu.memory_space<hbm>>
      tpu.wait_dma2 semaphore(%run_scoped3A : memref<!tpu.dma_semaphore, #tpu.memory_space<semaphore_mem>>) src(%arg11 : memref<10240xf32, #tpu.memory_space<vmem>>) dst(%dma_wait3A_132 : memref<10240xf32, #tpu.memory_space<hbm>>)
      tpu.yield
    }) : () -> ()
    "tpu.region"() ({
      %run_scoped3A = tpu.sem_alloc : memref<!tpu.dma_semaphore, #tpu.memory_space<semaphore_mem>>
      %dma_start3A = arith.constant 30720 : i32
      %dma_start3A_131 = tpu.memref_slice %arg3[%dma_start3A] : memref<163840xf32, #tpu.memory_space<hbm>> -> memref<10240xf32, #tpu.memory_space<hbm>>
      %dma_start3A_132 = arith.constant 30720 : i32
      %dma_start3A_133 = tpu.memref_slice %arg3[%dma_start3A_132] : memref<163840xf32, #tpu.memory_space<hbm>> -> memref<10240xf32, #tpu.memory_space<hbm>>
      tpu.enqueue_dma source(%dma_start3A_133 : memref<10240xf32, #tpu.memory_space<hbm>>) target(%arg9 : memref<10240xf32, #tpu.memory_space<vmem>>) target_semaphore(%run_scoped3A : memref<!tpu.dma_semaphore, #tpu.memory_space<semaphore_mem>>)
      %dma_wait3A = arith.constant 30720 : i32
      %dma_wait3A_134 = tpu.memref_slice %arg3[%dma_wait3A] : memref<163840xf32, #tpu.memory_space<hbm>> -> memref<10240xf32, #tpu.memory_space<hbm>>
      %dma_wait3A_135 = arith.constant 30720 : i32
      %dma_wait3A_136 = tpu.memref_slice %arg3[%dma_wait3A_135] : memref<163840xf32, #tpu.memory_space<hbm>> -> memref<10240xf32, #tpu.memory_space<hbm>>
      tpu.wait_dma2 semaphore(%run_scoped3A : memref<!tpu.dma_semaphore, #tpu.memory_space<semaphore_mem>>) src(%dma_wait3A_136 : memref<10240xf32, #tpu.memory_space<hbm>>) dst(%arg9 : memref<10240xf32, #tpu.memory_space<vmem>>)
      tpu.yield
    }) : () -> ()
    "tpu.region"() ({
      %run_scoped3A = tpu.sem_alloc : memref<!tpu.dma_semaphore, #tpu.memory_space<semaphore_mem>>
      %dma_start3A = arith.constant 112640 : i32
      %dma_start3A_131 = tpu.memref_slice %arg3[%dma_start3A] : memref<163840xf32, #tpu.memory_space<hbm>> -> memref<10240xf32, #tpu.memory_space<hbm>>
      %dma_start3A_132 = arith.constant 112640 : i32
      %dma_start3A_133 = tpu.memref_slice %arg3[%dma_start3A_132] : memref<163840xf32, #tpu.memory_space<hbm>> -> memref<10240xf32, #tpu.memory_space<hbm>>
      tpu.enqueue_dma source(%dma_start3A_133 : memref<10240xf32, #tpu.memory_space<hbm>>) target(%arg10 : memref<10240xf32, #tpu.memory_space<vmem>>) target_semaphore(%run_scoped3A : memref<!tpu.dma_semaphore, #tpu.memory_space<semaphore_mem>>)
      %dma_wait3A = arith.constant 112640 : i32
      %dma_wait3A_134 = tpu.memref_slice %arg3[%dma_wait3A] : memref<163840xf32, #tpu.memory_space<hbm>> -> memref<10240xf32, #tpu.memory_space<hbm>>
      %dma_wait3A_135 = arith.constant 112640 : i32
      %dma_wait3A_136 = tpu.memref_slice %arg3[%dma_wait3A_135] : memref<163840xf32, #tpu.memory_space<hbm>> -> memref<10240xf32, #tpu.memory_space<hbm>>
      tpu.wait_dma2 semaphore(%run_scoped3A : memref<!tpu.dma_semaphore, #tpu.memory_space<semaphore_mem>>) src(%dma_wait3A_136 : memref<10240xf32, #tpu.memory_space<hbm>>) dst(%arg10 : memref<10240xf32, #tpu.memory_space<vmem>>)
      tpu.yield
    }) : () -> ()
    "tpu.region"() ({
      %run_scoped3A = tpu.sem_alloc : memref<!tpu.dma_semaphore, #tpu.memory_space<semaphore_mem>>
      %dma_start3A = arith.constant 48 : i32
      %dma_start3A_131 = tpu.memref_slice %arg4[%dma_start3A] : memref<128xf32, #tpu.memory_space<hbm>> -> memref<16xf32, #tpu.memory_space<hbm>>
      %dma_start3A_132 = arith.constant 48 : i32
      %dma_start3A_133 = tpu.memref_slice %arg4[%dma_start3A_132] : memref<128xf32, #tpu.memory_space<hbm>> -> memref<16xf32, #tpu.memory_space<hbm>>
      tpu.enqueue_dma source(%dma_start3A_133 : memref<16xf32, #tpu.memory_space<hbm>>) target(%arg13 : memref<16xf32, #tpu.memory_space<vmem>>) target_semaphore(%run_scoped3A : memref<!tpu.dma_semaphore, #tpu.memory_space<semaphore_mem>>)
      %dma_wait3A = arith.constant 48 : i32
      %dma_wait3A_134 = tpu.memref_slice %arg4[%dma_wait3A] : memref<128xf32, #tpu.memory_space<hbm>> -> memref<16xf32, #tpu.memory_space<hbm>>
      %dma_wait3A_135 = arith.constant 48 : i32
      %dma_wait3A_136 = tpu.memref_slice %arg4[%dma_wait3A_135] : memref<128xf32, #tpu.memory_space<hbm>> -> memref<16xf32, #tpu.memory_space<hbm>>
      tpu.wait_dma2 semaphore(%run_scoped3A : memref<!tpu.dma_semaphore, #tpu.memory_space<semaphore_mem>>) src(%dma_wait3A_136 : memref<16xf32, #tpu.memory_space<hbm>>) dst(%arg13 : memref<16xf32, #tpu.memory_space<vmem>>)
      tpu.yield
    }) : () -> ()
    %get3A_51 = arith.constant 0 : index
    %get3A_52 = tpu.vector_load %arg13[%get3A_51] {strides = array<i32>} : memref<16xf32, #tpu.memory_space<vmem>>, vector<16xf32>,
    %parallel_loop3A_53 = arith.constant 0 : i32
    %parallel_loop3A_54 = arith.constant 640 : i32
    %parallel_loop3A_55 = arith.constant 1 : i32
    scf.for %parallel_loop3A_131 = %parallel_loop3A_53 to %parallel_loop3A_54 step %parallel_loop3A_55  : i32 {
      %parallel_loop3A_132 = arith.constant 0.000000e+00 : f32
      %parallel_loop3A_133 = vector.broadcast %parallel_loop3A_132 : f32 to vector<16xf32>
      %parallel_loop3A_134 = arith.constant 16 : i32
      %parallel_loop3A_135 = arith.muli %parallel_loop3A_131, %parallel_loop3A_134 : i32
      %parallel_loop3A_136 = arith.index_cast %parallel_loop3A_135 : i32 to index
      %parallel_loop3A_137 = tpu.vector_load %arg11[%parallel_loop3A_136] {strides = array<i32>} : memref<10240xf32, #tpu.memory_space<vmem>>, vector<16xf32>,
      tpu.vector_store %arg11[%parallel_loop3A_136], %parallel_loop3A_133 {strides = array<i32>} : memref<10240xf32, #tpu.memory_space<vmem>>, vector<16xf32>,
    } {sc.loop_unroll_factor = 8 : i64, sc.parallel_access}
    %parallel_loop3A_56 = arith.constant 0 : i32
    %parallel_loop3A_57 = arith.constant 625 : i32
    %parallel_loop3A_58 = arith.constant 1 : i32
    scf.for %parallel_loop3A_131 = %parallel_loop3A_56 to %parallel_loop3A_57 step %parallel_loop3A_58  : i32 {
      %parallel_loop3A_132 = arith.constant 16 : i32
      %parallel_loop3A_133 = arith.muli %parallel_loop3A_131, %parallel_loop3A_132 : i32
      %parallel_loop3A_134 = arith.index_cast %parallel_loop3A_133 : i32 to index
      %parallel_loop3A_135 = tpu.vector_load %arg7[%parallel_loop3A_134] {strides = array<i32>} : memref<10000xi32, #tpu.memory_space<vmem>>, vector<16xi32>,
      %parallel_loop3A_136 = arith.constant 16 : i32
      %parallel_loop3A_137 = arith.muli %parallel_loop3A_131, %parallel_loop3A_136 : i32
      %parallel_loop3A_138 = arith.index_cast %parallel_loop3A_137 : i32 to index
      %parallel_loop3A_139 = tpu.vector_load %arg8[%parallel_loop3A_138] {strides = array<i32>} : memref<10000xi32, #tpu.memory_space<vmem>>, vector<16xi32>,
      %parallel_loop3A_140 = tpu.vector_load_idx %arg9[%parallel_loop3A_135] : memref<10240xf32, #tpu.memory_space<vmem>>[vector<16xi32>], vector<16xf32>,
      %parallel_loop3A_141 = tpu.vector_load_idx %arg10[%parallel_loop3A_139] : memref<10240xf32, #tpu.memory_space<vmem>>[vector<16xi32>], vector<16xf32>,
      %parallel_loop3A_142 = arith.addf %parallel_loop3A_140, %parallel_loop3A_141 : vector<16xf32>
      %parallel_loop3A_143 = arith.constant 0.000000e+00 : f32
      %parallel_loop3A_144 = vector.broadcast %parallel_loop3A_143 : f32 to vector<16xf32>
      %parallel_loop3A_145 = arith.cmpf oge, %parallel_loop3A_142, %parallel_loop3A_144 : vector<16xf32>
      %parallel_loop3A_146 = arith.constant 2.000000e-01 : f32
      %parallel_loop3A_147 = vector.broadcast %parallel_loop3A_146 : f32 to vector<16xf32>
      %parallel_loop3A_148 = arith.mulf %parallel_loop3A_147, %parallel_loop3A_142 : vector<16xf32>
      %parallel_loop3A_149 = arith.select %parallel_loop3A_145, %parallel_loop3A_142, %parallel_loop3A_148 : vector<16xi1>, vector<16xf32>
      %parallel_loop3A_150 = arith.subf %parallel_loop3A_149, %get3A_52 : vector<16xf32>
      %parallel_loop3A_151 = math.exp %parallel_loop3A_150 : vector<16xf32>
      %parallel_loop3A_152 = arith.constant 16 : i32
      %parallel_loop3A_153 = arith.muli %parallel_loop3A_131, %parallel_loop3A_152 : i32
      %parallel_loop3A_154 = arith.index_cast %parallel_loop3A_153 : i32 to index
      %parallel_loop3A_155 = tpu.vector_load %arg12[%parallel_loop3A_154] {strides = array<i32>} : memref<10000xf32, #tpu.memory_space<vmem>>, vector<16xf32>,
      tpu.vector_store %arg12[%parallel_loop3A_154], %parallel_loop3A_151 {strides = array<i32>} : memref<10000xf32, #tpu.memory_space<vmem>>, vector<16xf32>,
      tpu.vector_store_idx %arg11[%parallel_loop3A_139], %parallel_loop3A_151 {add = true} : memref<10240xf32, #tpu.memory_space<vmem>>[vector<16xi32>], vector<16xf32>,
    } {sc.loop_unroll_factor = 4 : i64, sc.parallel_access}
    %add3A_59 = arith.constant 960000 : i32
    %add3A_60 = arith.addi %add3A_59, %mul3A_2 : i32
    "tpu.region"() ({
      %run_scoped3A = tpu.sem_alloc : memref<!tpu.dma_semaphore, #tpu.memory_space<semaphore_mem>>
      %dma_start3A = tpu.memref_slice %arg5[%add3A_60] : memref<2560000xf32, #tpu.memory_space<hbm>> -> memref<10000xf32, #tpu.memory_space<hbm>>
      %dma_start3A_131 = tpu.memref_slice %arg5[%add3A_60] : memref<2560000xf32, #tpu.memory_space<hbm>> -> memref<10000xf32, #tpu.memory_space<hbm>>
      tpu.enqueue_dma source(%arg12 : memref<10000xf32, #tpu.memory_space<vmem>>) target(%dma_start3A_131 : memref<10000xf32, #tpu.memory_space<hbm>>) target_semaphore(%run_scoped3A : memref<!tpu.dma_semaphore, #tpu.memory_space<semaphore_mem>>)
      %dma_wait3A = tpu.memref_slice %arg5[%add3A_60] : memref<2560000xf32, #tpu.memory_space<hbm>> -> memref<10000xf32, #tpu.memory_space<hbm>>
      %dma_wait3A_132 = tpu.memref_slice %arg5[%add3A_60] : memref<2560000xf32, #tpu.memory_space<hbm>> -> memref<10000xf32, #tpu.memory_space<hbm>>
      tpu.wait_dma2 semaphore(%run_scoped3A : memref<!tpu.dma_semaphore, #tpu.memory_space<semaphore_mem>>) src(%arg12 : memref<10000xf32, #tpu.memory_space<vmem>>) dst(%dma_wait3A_132 : memref<10000xf32, #tpu.memory_space<hbm>>)
      tpu.yield
    }) : () -> ()
    %mul3A_61 = arith.constant 8 : i32
    %mul3A_62 = arith.muli %add3A, %mul3A_61 : i32
    %add3A_63 = arith.constant 3 : i32
    %add3A_64 = arith.addi %mul3A_62, %add3A_63 : i32
    %mul3A_65 = arith.constant 10240 : i32
    %mul3A_66 = arith.muli %add3A_64, %mul3A_65 : i32
    "tpu.region"() ({
      %run_scoped3A = tpu.sem_alloc : memref<!tpu.dma_semaphore, #tpu.memory_space<semaphore_mem>>
      %dma_start3A = tpu.memref_slice %arg6[%mul3A_66] : memref<2621440xf32, #tpu.memory_space<hbm>> -> memref<10240xf32, #tpu.memory_space<hbm>>
      %dma_start3A_131 = tpu.memref_slice %arg6[%mul3A_66] : memref<2621440xf32, #tpu.memory_space<hbm>> -> memref<10240xf32, #tpu.memory_space<hbm>>
      tpu.enqueue_dma source(%arg11 : memref<10240xf32, #tpu.memory_space<vmem>>) target(%dma_start3A_131 : memref<10240xf32, #tpu.memory_space<hbm>>) target_semaphore(%run_scoped3A : memref<!tpu.dma_semaphore, #tpu.memory_space<semaphore_mem>>)
      %dma_wait3A = tpu.memref_slice %arg6[%mul3A_66] : memref<2621440xf32, #tpu.memory_space<hbm>> -> memref<10240xf32, #tpu.memory_space<hbm>>
      %dma_wait3A_132 = tpu.memref_slice %arg6[%mul3A_66] : memref<2621440xf32, #tpu.memory_space<hbm>> -> memref<10240xf32, #tpu.memory_space<hbm>>
      tpu.wait_dma2 semaphore(%run_scoped3A : memref<!tpu.dma_semaphore, #tpu.memory_space<semaphore_mem>>) src(%arg11 : memref<10240xf32, #tpu.memory_space<vmem>>) dst(%dma_wait3A_132 : memref<10240xf32, #tpu.memory_space<hbm>>)
      tpu.yield
    }) : () -> ()
    "tpu.region"() ({
      %run_scoped3A = tpu.sem_alloc : memref<!tpu.dma_semaphore, #tpu.memory_space<semaphore_mem>>
      %dma_start3A = arith.constant 40960 : i32
      %dma_start3A_131 = tpu.memref_slice %arg3[%dma_start3A] : memref<163840xf32, #tpu.memory_space<hbm>> -> memref<10240xf32, #tpu.memory_space<hbm>>
      %dma_start3A_132 = arith.constant 40960 : i32
      %dma_start3A_133 = tpu.memref_slice %arg3[%dma_start3A_132] : memref<163840xf32, #tpu.memory_space<hbm>> -> memref<10240xf32, #tpu.memory_space<hbm>>
      tpu.enqueue_dma source(%dma_start3A_133 : memref<10240xf32, #tpu.memory_space<hbm>>) target(%arg9 : memref<10240xf32, #tpu.memory_space<vmem>>) target_semaphore(%run_scoped3A : memref<!tpu.dma_semaphore, #tpu.memory_space<semaphore_mem>>)
      %dma_wait3A = arith.constant 40960 : i32
      %dma_wait3A_134 = tpu.memref_slice %arg3[%dma_wait3A] : memref<163840xf32, #tpu.memory_space<hbm>> -> memref<10240xf32, #tpu.memory_space<hbm>>
      %dma_wait3A_135 = arith.constant 40960 : i32
      %dma_wait3A_136 = tpu.memref_slice %arg3[%dma_wait3A_135] : memref<163840xf32, #tpu.memory_space<hbm>> -> memref<10240xf32, #tpu.memory_space<hbm>>
      tpu.wait_dma2 semaphore(%run_scoped3A : memref<!tpu.dma_semaphore, #tpu.memory_space<semaphore_mem>>) src(%dma_wait3A_136 : memref<10240xf32, #tpu.memory_space<hbm>>) dst(%arg9 : memref<10240xf32, #tpu.memory_space<vmem>>)
      tpu.yield
    }) : () -> ()
    "tpu.region"() ({
      %run_scoped3A = tpu.sem_alloc : memref<!tpu.dma_semaphore, #tpu.memory_space<semaphore_mem>>
      %dma_start3A = arith.constant 122880 : i32
      %dma_start3A_131 = tpu.memref_slice %arg3[%dma_start3A] : memref<163840xf32, #tpu.memory_space<hbm>> -> memref<10240xf32, #tpu.memory_space<hbm>>
      %dma_start3A_132 = arith.constant 122880 : i32
      %dma_start3A_133 = tpu.memref_slice %arg3[%dma_start3A_132] : memref<163840xf32, #tpu.memory_space<hbm>> -> memref<10240xf32, #tpu.memory_space<hbm>>
      tpu.enqueue_dma source(%dma_start3A_133 : memref<10240xf32, #tpu.memory_space<hbm>>) target(%arg10 : memref<10240xf32, #tpu.memory_space<vmem>>) target_semaphore(%run_scoped3A : memref<!tpu.dma_semaphore, #tpu.memory_space<semaphore_mem>>)
      %dma_wait3A = arith.constant 122880 : i32
      %dma_wait3A_134 = tpu.memref_slice %arg3[%dma_wait3A] : memref<163840xf32, #tpu.memory_space<hbm>> -> memref<10240xf32, #tpu.memory_space<hbm>>
      %dma_wait3A_135 = arith.constant 122880 : i32
      %dma_wait3A_136 = tpu.memref_slice %arg3[%dma_wait3A_135] : memref<163840xf32, #tpu.memory_space<hbm>> -> memref<10240xf32, #tpu.memory_space<hbm>>
      tpu.wait_dma2 semaphore(%run_scoped3A : memref<!tpu.dma_semaphore, #tpu.memory_space<semaphore_mem>>) src(%dma_wait3A_136 : memref<10240xf32, #tpu.memory_space<hbm>>) dst(%arg10 : memref<10240xf32, #tpu.memory_space<vmem>>)
      tpu.yield
    }) : () -> ()
    "tpu.region"() ({
      %run_scoped3A = tpu.sem_alloc : memref<!tpu.dma_semaphore, #tpu.memory_space<semaphore_mem>>
      %dma_start3A = arith.constant 64 : i32
      %dma_start3A_131 = tpu.memref_slice %arg4[%dma_start3A] : memref<128xf32, #tpu.memory_space<hbm>> -> memref<16xf32, #tpu.memory_space<hbm>>
      %dma_start3A_132 = arith.constant 64 : i32
      %dma_start3A_133 = tpu.memref_slice %arg4[%dma_start3A_132] : memref<128xf32, #tpu.memory_space<hbm>> -> memref<16xf32, #tpu.memory_space<hbm>>
      tpu.enqueue_dma source(%dma_start3A_133 : memref<16xf32, #tpu.memory_space<hbm>>) target(%arg13 : memref<16xf32, #tpu.memory_space<vmem>>) target_semaphore(%run_scoped3A : memref<!tpu.dma_semaphore, #tpu.memory_space<semaphore_mem>>)
      %dma_wait3A = arith.constant 64 : i32
      %dma_wait3A_134 = tpu.memref_slice %arg4[%dma_wait3A] : memref<128xf32, #tpu.memory_space<hbm>> -> memref<16xf32, #tpu.memory_space<hbm>>
      %dma_wait3A_135 = arith.constant 64 : i32
      %dma_wait3A_136 = tpu.memref_slice %arg4[%dma_wait3A_135] : memref<128xf32, #tpu.memory_space<hbm>> -> memref<16xf32, #tpu.memory_space<hbm>>
      tpu.wait_dma2 semaphore(%run_scoped3A : memref<!tpu.dma_semaphore, #tpu.memory_space<semaphore_mem>>) src(%dma_wait3A_136 : memref<16xf32, #tpu.memory_space<hbm>>) dst(%arg13 : memref<16xf32, #tpu.memory_space<vmem>>)
      tpu.yield
    }) : () -> ()
    %get3A_67 = arith.constant 0 : index
    %get3A_68 = tpu.vector_load %arg13[%get3A_67] {strides = array<i32>} : memref<16xf32, #tpu.memory_space<vmem>>, vector<16xf32>,
    %parallel_loop3A_69 = arith.constant 0 : i32
    %parallel_loop3A_70 = arith.constant 640 : i32
    %parallel_loop3A_71 = arith.constant 1 : i32
    scf.for %parallel_loop3A_131 = %parallel_loop3A_69 to %parallel_loop3A_70 step %parallel_loop3A_71  : i32 {
      %parallel_loop3A_132 = arith.constant 0.000000e+00 : f32
      %parallel_loop3A_133 = vector.broadcast %parallel_loop3A_132 : f32 to vector<16xf32>
      %parallel_loop3A_134 = arith.constant 16 : i32
      %parallel_loop3A_135 = arith.muli %parallel_loop3A_131, %parallel_loop3A_134 : i32
      %parallel_loop3A_136 = arith.index_cast %parallel_loop3A_135 : i32 to index
      %parallel_loop3A_137 = tpu.vector_load %arg11[%parallel_loop3A_136] {strides = array<i32>} : memref<10240xf32, #tpu.memory_space<vmem>>, vector<16xf32>,
      tpu.vector_store %arg11[%parallel_loop3A_136], %parallel_loop3A_133 {strides = array<i32>} : memref<10240xf32, #tpu.memory_space<vmem>>, vector<16xf32>,
    } {sc.loop_unroll_factor = 8 : i64, sc.parallel_access}
    %parallel_loop3A_72 = arith.constant 0 : i32
    %parallel_loop3A_73 = arith.constant 625 : i32
    %parallel_loop3A_74 = arith.constant 1 : i32
    scf.for %parallel_loop3A_131 = %parallel_loop3A_72 to %parallel_loop3A_73 step %parallel_loop3A_74  : i32 {
      %parallel_loop3A_132 = arith.constant 16 : i32
      %parallel_loop3A_133 = arith.muli %parallel_loop3A_131, %parallel_loop3A_132 : i32
      %parallel_loop3A_134 = arith.index_cast %parallel_loop3A_133 : i32 to index
      %parallel_loop3A_135 = tpu.vector_load %arg7[%parallel_loop3A_134] {strides = array<i32>} : memref<10000xi32, #tpu.memory_space<vmem>>, vector<16xi32>,
      %parallel_loop3A_136 = arith.constant 16 : i32
      %parallel_loop3A_137 = arith.muli %parallel_loop3A_131, %parallel_loop3A_136 : i32
      %parallel_loop3A_138 = arith.index_cast %parallel_loop3A_137 : i32 to index
      %parallel_loop3A_139 = tpu.vector_load %arg8[%parallel_loop3A_138] {strides = array<i32>} : memref<10000xi32, #tpu.memory_space<vmem>>, vector<16xi32>,
      %parallel_loop3A_140 = tpu.vector_load_idx %arg9[%parallel_loop3A_135] : memref<10240xf32, #tpu.memory_space<vmem>>[vector<16xi32>], vector<16xf32>,
      %parallel_loop3A_141 = tpu.vector_load_idx %arg10[%parallel_loop3A_139] : memref<10240xf32, #tpu.memory_space<vmem>>[vector<16xi32>], vector<16xf32>,
      %parallel_loop3A_142 = arith.addf %parallel_loop3A_140, %parallel_loop3A_141 : vector<16xf32>
      %parallel_loop3A_143 = arith.constant 0.000000e+00 : f32
      %parallel_loop3A_144 = vector.broadcast %parallel_loop3A_143 : f32 to vector<16xf32>
      %parallel_loop3A_145 = arith.cmpf oge, %parallel_loop3A_142, %parallel_loop3A_144 : vector<16xf32>
      %parallel_loop3A_146 = arith.constant 2.000000e-01 : f32
      %parallel_loop3A_147 = vector.broadcast %parallel_loop3A_146 : f32 to vector<16xf32>
      %parallel_loop3A_148 = arith.mulf %parallel_loop3A_147, %parallel_loop3A_142 : vector<16xf32>
      %parallel_loop3A_149 = arith.select %parallel_loop3A_145, %parallel_loop3A_142, %parallel_loop3A_148 : vector<16xi1>, vector<16xf32>
      %parallel_loop3A_150 = arith.subf %parallel_loop3A_149, %get3A_68 : vector<16xf32>
      %parallel_loop3A_151 = math.exp %parallel_loop3A_150 : vector<16xf32>
      %parallel_loop3A_152 = arith.constant 16 : i32
      %parallel_loop3A_153 = arith.muli %parallel_loop3A_131, %parallel_loop3A_152 : i32
      %parallel_loop3A_154 = arith.index_cast %parallel_loop3A_153 : i32 to index
      %parallel_loop3A_155 = tpu.vector_load %arg12[%parallel_loop3A_154] {strides = array<i32>} : memref<10000xf32, #tpu.memory_space<vmem>>, vector<16xf32>,
      tpu.vector_store %arg12[%parallel_loop3A_154], %parallel_loop3A_151 {strides = array<i32>} : memref<10000xf32, #tpu.memory_space<vmem>>, vector<16xf32>,
      tpu.vector_store_idx %arg11[%parallel_loop3A_139], %parallel_loop3A_151 {add = true} : memref<10240xf32, #tpu.memory_space<vmem>>[vector<16xi32>], vector<16xf32>,
    } {sc.loop_unroll_factor = 4 : i64, sc.parallel_access}
    %add3A_75 = arith.constant 1280000 : i32
    %add3A_76 = arith.addi %add3A_75, %mul3A_2 : i32
    "tpu.region"() ({
      %run_scoped3A = tpu.sem_alloc : memref<!tpu.dma_semaphore, #tpu.memory_space<semaphore_mem>>
      %dma_start3A = tpu.memref_slice %arg5[%add3A_76] : memref<2560000xf32, #tpu.memory_space<hbm>> -> memref<10000xf32, #tpu.memory_space<hbm>>
      %dma_start3A_131 = tpu.memref_slice %arg5[%add3A_76] : memref<2560000xf32, #tpu.memory_space<hbm>> -> memref<10000xf32, #tpu.memory_space<hbm>>
      tpu.enqueue_dma source(%arg12 : memref<10000xf32, #tpu.memory_space<vmem>>) target(%dma_start3A_131 : memref<10000xf32, #tpu.memory_space<hbm>>) target_semaphore(%run_scoped3A : memref<!tpu.dma_semaphore, #tpu.memory_space<semaphore_mem>>)
      %dma_wait3A = tpu.memref_slice %arg5[%add3A_76] : memref<2560000xf32, #tpu.memory_space<hbm>> -> memref<10000xf32, #tpu.memory_space<hbm>>
      %dma_wait3A_132 = tpu.memref_slice %arg5[%add3A_76] : memref<2560000xf32, #tpu.memory_space<hbm>> -> memref<10000xf32, #tpu.memory_space<hbm>>
      tpu.wait_dma2 semaphore(%run_scoped3A : memref<!tpu.dma_semaphore, #tpu.memory_space<semaphore_mem>>) src(%arg12 : memref<10000xf32, #tpu.memory_space<vmem>>) dst(%dma_wait3A_132 : memref<10000xf32, #tpu.memory_space<hbm>>)
      tpu.yield
    }) : () -> ()
    %mul3A_77 = arith.constant 8 : i32
    %mul3A_78 = arith.muli %add3A, %mul3A_77 : i32
    %add3A_79 = arith.constant 4 : i32
    %add3A_80 = arith.addi %mul3A_78, %add3A_79 : i32
    %mul3A_81 = arith.constant 10240 : i32
    %mul3A_82 = arith.muli %add3A_80, %mul3A_81 : i32
    "tpu.region"() ({
      %run_scoped3A = tpu.sem_alloc : memref<!tpu.dma_semaphore, #tpu.memory_space<semaphore_mem>>
      %dma_start3A = tpu.memref_slice %arg6[%mul3A_82] : memref<2621440xf32, #tpu.memory_space<hbm>> -> memref<10240xf32, #tpu.memory_space<hbm>>
      %dma_start3A_131 = tpu.memref_slice %arg6[%mul3A_82] : memref<2621440xf32, #tpu.memory_space<hbm>> -> memref<10240xf32, #tpu.memory_space<hbm>>
      tpu.enqueue_dma source(%arg11 : memref<10240xf32, #tpu.memory_space<vmem>>) target(%dma_start3A_131 : memref<10240xf32, #tpu.memory_space<hbm>>) target_semaphore(%run_scoped3A : memref<!tpu.dma_semaphore, #tpu.memory_space<semaphore_mem>>)
      %dma_wait3A = tpu.memref_slice %arg6[%mul3A_82] : memref<2621440xf32, #tpu.memory_space<hbm>> -> memref<10240xf32, #tpu.memory_space<hbm>>
      %dma_wait3A_132 = tpu.memref_slice %arg6[%mul3A_82] : memref<2621440xf32, #tpu.memory_space<hbm>> -> memref<10240xf32, #tpu.memory_space<hbm>>
      tpu.wait_dma2 semaphore(%run_scoped3A : memref<!tpu.dma_semaphore, #tpu.memory_space<semaphore_mem>>) src(%arg11 : memref<10240xf32, #tpu.memory_space<vmem>>) dst(%dma_wait3A_132 : memref<10240xf32, #tpu.memory_space<hbm>>)
      tpu.yield
    }) : () -> ()
    "tpu.region"() ({
      %run_scoped3A = tpu.sem_alloc : memref<!tpu.dma_semaphore, #tpu.memory_space<semaphore_mem>>
      %dma_start3A = arith.constant 51200 : i32
      %dma_start3A_131 = tpu.memref_slice %arg3[%dma_start3A] : memref<163840xf32, #tpu.memory_space<hbm>> -> memref<10240xf32, #tpu.memory_space<hbm>>
      %dma_start3A_132 = arith.constant 51200 : i32
      %dma_start3A_133 = tpu.memref_slice %arg3[%dma_start3A_132] : memref<163840xf32, #tpu.memory_space<hbm>> -> memref<10240xf32, #tpu.memory_space<hbm>>
      tpu.enqueue_dma source(%dma_start3A_133 : memref<10240xf32, #tpu.memory_space<hbm>>) target(%arg9 : memref<10240xf32, #tpu.memory_space<vmem>>) target_semaphore(%run_scoped3A : memref<!tpu.dma_semaphore, #tpu.memory_space<semaphore_mem>>)
      %dma_wait3A = arith.constant 51200 : i32
      %dma_wait3A_134 = tpu.memref_slice %arg3[%dma_wait3A] : memref<163840xf32, #tpu.memory_space<hbm>> -> memref<10240xf32, #tpu.memory_space<hbm>>
      %dma_wait3A_135 = arith.constant 51200 : i32
      %dma_wait3A_136 = tpu.memref_slice %arg3[%dma_wait3A_135] : memref<163840xf32, #tpu.memory_space<hbm>> -> memref<10240xf32, #tpu.memory_space<hbm>>
      tpu.wait_dma2 semaphore(%run_scoped3A : memref<!tpu.dma_semaphore, #tpu.memory_space<semaphore_mem>>) src(%dma_wait3A_136 : memref<10240xf32, #tpu.memory_space<hbm>>) dst(%arg9 : memref<10240xf32, #tpu.memory_space<vmem>>)
      tpu.yield
    }) : () -> ()
    "tpu.region"() ({
      %run_scoped3A = tpu.sem_alloc : memref<!tpu.dma_semaphore, #tpu.memory_space<semaphore_mem>>
      %dma_start3A = arith.constant 133120 : i32
      %dma_start3A_131 = tpu.memref_slice %arg3[%dma_start3A] : memref<163840xf32, #tpu.memory_space<hbm>> -> memref<10240xf32, #tpu.memory_space<hbm>>
      %dma_start3A_132 = arith.constant 133120 : i32
      %dma_start3A_133 = tpu.memref_slice %arg3[%dma_start3A_132] : memref<163840xf32, #tpu.memory_space<hbm>> -> memref<10240xf32, #tpu.memory_space<hbm>>
      tpu.enqueue_dma source(%dma_start3A_133 : memref<10240xf32, #tpu.memory_space<hbm>>) target(%arg10 : memref<10240xf32, #tpu.memory_space<vmem>>) target_semaphore(%run_scoped3A : memref<!tpu.dma_semaphore, #tpu.memory_space<semaphore_mem>>)
      %dma_wait3A = arith.constant 133120 : i32
      %dma_wait3A_134 = tpu.memref_slice %arg3[%dma_wait3A] : memref<163840xf32, #tpu.memory_space<hbm>> -> memref<10240xf32, #tpu.memory_space<hbm>>
      %dma_wait3A_135 = arith.constant 133120 : i32
      %dma_wait3A_136 = tpu.memref_slice %arg3[%dma_wait3A_135] : memref<163840xf32, #tpu.memory_space<hbm>> -> memref<10240xf32, #tpu.memory_space<hbm>>
      tpu.wait_dma2 semaphore(%run_scoped3A : memref<!tpu.dma_semaphore, #tpu.memory_space<semaphore_mem>>) src(%dma_wait3A_136 : memref<10240xf32, #tpu.memory_space<hbm>>) dst(%arg10 : memref<10240xf32, #tpu.memory_space<vmem>>)
      tpu.yield
    }) : () -> ()
    "tpu.region"() ({
      %run_scoped3A = tpu.sem_alloc : memref<!tpu.dma_semaphore, #tpu.memory_space<semaphore_mem>>
      %dma_start3A = arith.constant 80 : i32
      %dma_start3A_131 = tpu.memref_slice %arg4[%dma_start3A] : memref<128xf32, #tpu.memory_space<hbm>> -> memref<16xf32, #tpu.memory_space<hbm>>
      %dma_start3A_132 = arith.constant 80 : i32
      %dma_start3A_133 = tpu.memref_slice %arg4[%dma_start3A_132] : memref<128xf32, #tpu.memory_space<hbm>> -> memref<16xf32, #tpu.memory_space<hbm>>
      tpu.enqueue_dma source(%dma_start3A_133 : memref<16xf32, #tpu.memory_space<hbm>>) target(%arg13 : memref<16xf32, #tpu.memory_space<vmem>>) target_semaphore(%run_scoped3A : memref<!tpu.dma_semaphore, #tpu.memory_space<semaphore_mem>>)
      %dma_wait3A = arith.constant 80 : i32
      %dma_wait3A_134 = tpu.memref_slice %arg4[%dma_wait3A] : memref<128xf32, #tpu.memory_space<hbm>> -> memref<16xf32, #tpu.memory_space<hbm>>
      %dma_wait3A_135 = arith.constant 80 : i32
      %dma_wait3A_136 = tpu.memref_slice %arg4[%dma_wait3A_135] : memref<128xf32, #tpu.memory_space<hbm>> -> memref<16xf32, #tpu.memory_space<hbm>>
      tpu.wait_dma2 semaphore(%run_scoped3A : memref<!tpu.dma_semaphore, #tpu.memory_space<semaphore_mem>>) src(%dma_wait3A_136 : memref<16xf32, #tpu.memory_space<hbm>>) dst(%arg13 : memref<16xf32, #tpu.memory_space<vmem>>)
      tpu.yield
    }) : () -> ()
    %get3A_83 = arith.constant 0 : index
    %get3A_84 = tpu.vector_load %arg13[%get3A_83] {strides = array<i32>} : memref<16xf32, #tpu.memory_space<vmem>>, vector<16xf32>,
    %parallel_loop3A_85 = arith.constant 0 : i32
    %parallel_loop3A_86 = arith.constant 640 : i32
    %parallel_loop3A_87 = arith.constant 1 : i32
    scf.for %parallel_loop3A_131 = %parallel_loop3A_85 to %parallel_loop3A_86 step %parallel_loop3A_87  : i32 {
      %parallel_loop3A_132 = arith.constant 0.000000e+00 : f32
      %parallel_loop3A_133 = vector.broadcast %parallel_loop3A_132 : f32 to vector<16xf32>
      %parallel_loop3A_134 = arith.constant 16 : i32
      %parallel_loop3A_135 = arith.muli %parallel_loop3A_131, %parallel_loop3A_134 : i32
      %parallel_loop3A_136 = arith.index_cast %parallel_loop3A_135 : i32 to index
      %parallel_loop3A_137 = tpu.vector_load %arg11[%parallel_loop3A_136] {strides = array<i32>} : memref<10240xf32, #tpu.memory_space<vmem>>, vector<16xf32>,
      tpu.vector_store %arg11[%parallel_loop3A_136], %parallel_loop3A_133 {strides = array<i32>} : memref<10240xf32, #tpu.memory_space<vmem>>, vector<16xf32>,
    } {sc.loop_unroll_factor = 8 : i64, sc.parallel_access}
    %parallel_loop3A_88 = arith.constant 0 : i32
    %parallel_loop3A_89 = arith.constant 625 : i32
    %parallel_loop3A_90 = arith.constant 1 : i32
    scf.for %parallel_loop3A_131 = %parallel_loop3A_88 to %parallel_loop3A_89 step %parallel_loop3A_90  : i32 {
      %parallel_loop3A_132 = arith.constant 16 : i32
      %parallel_loop3A_133 = arith.muli %parallel_loop3A_131, %parallel_loop3A_132 : i32
      %parallel_loop3A_134 = arith.index_cast %parallel_loop3A_133 : i32 to index
      %parallel_loop3A_135 = tpu.vector_load %arg7[%parallel_loop3A_134] {strides = array<i32>} : memref<10000xi32, #tpu.memory_space<vmem>>, vector<16xi32>,
      %parallel_loop3A_136 = arith.constant 16 : i32
      %parallel_loop3A_137 = arith.muli %parallel_loop3A_131, %parallel_loop3A_136 : i32
      %parallel_loop3A_138 = arith.index_cast %parallel_loop3A_137 : i32 to index
      %parallel_loop3A_139 = tpu.vector_load %arg8[%parallel_loop3A_138] {strides = array<i32>} : memref<10000xi32, #tpu.memory_space<vmem>>, vector<16xi32>,
      %parallel_loop3A_140 = tpu.vector_load_idx %arg9[%parallel_loop3A_135] : memref<10240xf32, #tpu.memory_space<vmem>>[vector<16xi32>], vector<16xf32>,
      %parallel_loop3A_141 = tpu.vector_load_idx %arg10[%parallel_loop3A_139] : memref<10240xf32, #tpu.memory_space<vmem>>[vector<16xi32>], vector<16xf32>,
      %parallel_loop3A_142 = arith.addf %parallel_loop3A_140, %parallel_loop3A_141 : vector<16xf32>
      %parallel_loop3A_143 = arith.constant 0.000000e+00 : f32
      %parallel_loop3A_144 = vector.broadcast %parallel_loop3A_143 : f32 to vector<16xf32>
      %parallel_loop3A_145 = arith.cmpf oge, %parallel_loop3A_142, %parallel_loop3A_144 : vector<16xf32>
      %parallel_loop3A_146 = arith.constant 2.000000e-01 : f32
      %parallel_loop3A_147 = vector.broadcast %parallel_loop3A_146 : f32 to vector<16xf32>
      %parallel_loop3A_148 = arith.mulf %parallel_loop3A_147, %parallel_loop3A_142 : vector<16xf32>
      %parallel_loop3A_149 = arith.select %parallel_loop3A_145, %parallel_loop3A_142, %parallel_loop3A_148 : vector<16xi1>, vector<16xf32>
      %parallel_loop3A_150 = arith.subf %parallel_loop3A_149, %get3A_84 : vector<16xf32>
      %parallel_loop3A_151 = math.exp %parallel_loop3A_150 : vector<16xf32>
      %parallel_loop3A_152 = arith.constant 16 : i32
      %parallel_loop3A_153 = arith.muli %parallel_loop3A_131, %parallel_loop3A_152 : i32
      %parallel_loop3A_154 = arith.index_cast %parallel_loop3A_153 : i32 to index
      %parallel_loop3A_155 = tpu.vector_load %arg12[%parallel_loop3A_154] {strides = array<i32>} : memref<10000xf32, #tpu.memory_space<vmem>>, vector<16xf32>,
      tpu.vector_store %arg12[%parallel_loop3A_154], %parallel_loop3A_151 {strides = array<i32>} : memref<10000xf32, #tpu.memory_space<vmem>>, vector<16xf32>,
      tpu.vector_store_idx %arg11[%parallel_loop3A_139], %parallel_loop3A_151 {add = true} : memref<10240xf32, #tpu.memory_space<vmem>>[vector<16xi32>], vector<16xf32>,
    } {sc.loop_unroll_factor = 4 : i64, sc.parallel_access}
    %add3A_91 = arith.constant 1600000 : i32
    %add3A_92 = arith.addi %add3A_91, %mul3A_2 : i32
    "tpu.region"() ({
      %run_scoped3A = tpu.sem_alloc : memref<!tpu.dma_semaphore, #tpu.memory_space<semaphore_mem>>
      %dma_start3A = tpu.memref_slice %arg5[%add3A_92] : memref<2560000xf32, #tpu.memory_space<hbm>> -> memref<10000xf32, #tpu.memory_space<hbm>>
      %dma_start3A_131 = tpu.memref_slice %arg5[%add3A_92] : memref<2560000xf32, #tpu.memory_space<hbm>> -> memref<10000xf32, #tpu.memory_space<hbm>>
      tpu.enqueue_dma source(%arg12 : memref<10000xf32, #tpu.memory_space<vmem>>) target(%dma_start3A_131 : memref<10000xf32, #tpu.memory_space<hbm>>) target_semaphore(%run_scoped3A : memref<!tpu.dma_semaphore, #tpu.memory_space<semaphore_mem>>)
      %dma_wait3A = tpu.memref_slice %arg5[%add3A_92] : memref<2560000xf32, #tpu.memory_space<hbm>> -> memref<10000xf32, #tpu.memory_space<hbm>>
      %dma_wait3A_132 = tpu.memref_slice %arg5[%add3A_92] : memref<2560000xf32, #tpu.memory_space<hbm>> -> memref<10000xf32, #tpu.memory_space<hbm>>
      tpu.wait_dma2 semaphore(%run_scoped3A : memref<!tpu.dma_semaphore, #tpu.memory_space<semaphore_mem>>) src(%arg12 : memref<10000xf32, #tpu.memory_space<vmem>>) dst(%dma_wait3A_132 : memref<10000xf32, #tpu.memory_space<hbm>>)
      tpu.yield
    }) : () -> ()
    %mul3A_93 = arith.constant 8 : i32
    %mul3A_94 = arith.muli %add3A, %mul3A_93 : i32
    %add3A_95 = arith.constant 5 : i32
    %add3A_96 = arith.addi %mul3A_94, %add3A_95 : i32
    %mul3A_97 = arith.constant 10240 : i32
    %mul3A_98 = arith.muli %add3A_96, %mul3A_97 : i32
    "tpu.region"() ({
      %run_scoped3A = tpu.sem_alloc : memref<!tpu.dma_semaphore, #tpu.memory_space<semaphore_mem>>
      %dma_start3A = tpu.memref_slice %arg6[%mul3A_98] : memref<2621440xf32, #tpu.memory_space<hbm>> -> memref<10240xf32, #tpu.memory_space<hbm>>
      %dma_start3A_131 = tpu.memref_slice %arg6[%mul3A_98] : memref<2621440xf32, #tpu.memory_space<hbm>> -> memref<10240xf32, #tpu.memory_space<hbm>>
      tpu.enqueue_dma source(%arg11 : memref<10240xf32, #tpu.memory_space<vmem>>) target(%dma_start3A_131 : memref<10240xf32, #tpu.memory_space<hbm>>) target_semaphore(%run_scoped3A : memref<!tpu.dma_semaphore, #tpu.memory_space<semaphore_mem>>)
      %dma_wait3A = tpu.memref_slice %arg6[%mul3A_98] : memref<2621440xf32, #tpu.memory_space<hbm>> -> memref<10240xf32, #tpu.memory_space<hbm>>
      %dma_wait3A_132 = tpu.memref_slice %arg6[%mul3A_98] : memref<2621440xf32, #tpu.memory_space<hbm>> -> memref<10240xf32, #tpu.memory_space<hbm>>
      tpu.wait_dma2 semaphore(%run_scoped3A : memref<!tpu.dma_semaphore, #tpu.memory_space<semaphore_mem>>) src(%arg11 : memref<10240xf32, #tpu.memory_space<vmem>>) dst(%dma_wait3A_132 : memref<10240xf32, #tpu.memory_space<hbm>>)
      tpu.yield
    }) : () -> ()
    "tpu.region"() ({
      %run_scoped3A = tpu.sem_alloc : memref<!tpu.dma_semaphore, #tpu.memory_space<semaphore_mem>>
      %dma_start3A = arith.constant 61440 : i32
      %dma_start3A_131 = tpu.memref_slice %arg3[%dma_start3A] : memref<163840xf32, #tpu.memory_space<hbm>> -> memref<10240xf32, #tpu.memory_space<hbm>>
      %dma_start3A_132 = arith.constant 61440 : i32
      %dma_start3A_133 = tpu.memref_slice %arg3[%dma_start3A_132] : memref<163840xf32, #tpu.memory_space<hbm>> -> memref<10240xf32, #tpu.memory_space<hbm>>
      tpu.enqueue_dma source(%dma_start3A_133 : memref<10240xf32, #tpu.memory_space<hbm>>) target(%arg9 : memref<10240xf32, #tpu.memory_space<vmem>>) target_semaphore(%run_scoped3A : memref<!tpu.dma_semaphore, #tpu.memory_space<semaphore_mem>>)
      %dma_wait3A = arith.constant 61440 : i32
      %dma_wait3A_134 = tpu.memref_slice %arg3[%dma_wait3A] : memref<163840xf32, #tpu.memory_space<hbm>> -> memref<10240xf32, #tpu.memory_space<hbm>>
      %dma_wait3A_135 = arith.constant 61440 : i32
      %dma_wait3A_136 = tpu.memref_slice %arg3[%dma_wait3A_135] : memref<163840xf32, #tpu.memory_space<hbm>> -> memref<10240xf32, #tpu.memory_space<hbm>>
      tpu.wait_dma2 semaphore(%run_scoped3A : memref<!tpu.dma_semaphore, #tpu.memory_space<semaphore_mem>>) src(%dma_wait3A_136 : memref<10240xf32, #tpu.memory_space<hbm>>) dst(%arg9 : memref<10240xf32, #tpu.memory_space<vmem>>)
      tpu.yield
    }) : () -> ()
    "tpu.region"() ({
      %run_scoped3A = tpu.sem_alloc : memref<!tpu.dma_semaphore, #tpu.memory_space<semaphore_mem>>
      %dma_start3A = arith.constant 143360 : i32
      %dma_start3A_131 = tpu.memref_slice %arg3[%dma_start3A] : memref<163840xf32, #tpu.memory_space<hbm>> -> memref<10240xf32, #tpu.memory_space<hbm>>
      %dma_start3A_132 = arith.constant 143360 : i32
      %dma_start3A_133 = tpu.memref_slice %arg3[%dma_start3A_132] : memref<163840xf32, #tpu.memory_space<hbm>> -> memref<10240xf32, #tpu.memory_space<hbm>>
      tpu.enqueue_dma source(%dma_start3A_133 : memref<10240xf32, #tpu.memory_space<hbm>>) target(%arg10 : memref<10240xf32, #tpu.memory_space<vmem>>) target_semaphore(%run_scoped3A : memref<!tpu.dma_semaphore, #tpu.memory_space<semaphore_mem>>)
      %dma_wait3A = arith.constant 143360 : i32
      %dma_wait3A_134 = tpu.memref_slice %arg3[%dma_wait3A] : memref<163840xf32, #tpu.memory_space<hbm>> -> memref<10240xf32, #tpu.memory_space<hbm>>
      %dma_wait3A_135 = arith.constant 143360 : i32
      %dma_wait3A_136 = tpu.memref_slice %arg3[%dma_wait3A_135] : memref<163840xf32, #tpu.memory_space<hbm>> -> memref<10240xf32, #tpu.memory_space<hbm>>
      tpu.wait_dma2 semaphore(%run_scoped3A : memref<!tpu.dma_semaphore, #tpu.memory_space<semaphore_mem>>) src(%dma_wait3A_136 : memref<10240xf32, #tpu.memory_space<hbm>>) dst(%arg10 : memref<10240xf32, #tpu.memory_space<vmem>>)
      tpu.yield
    }) : () -> ()
    "tpu.region"() ({
      %run_scoped3A = tpu.sem_alloc : memref<!tpu.dma_semaphore, #tpu.memory_space<semaphore_mem>>
      %dma_start3A = arith.constant 96 : i32
      %dma_start3A_131 = tpu.memref_slice %arg4[%dma_start3A] : memref<128xf32, #tpu.memory_space<hbm>> -> memref<16xf32, #tpu.memory_space<hbm>>
      %dma_start3A_132 = arith.constant 96 : i32
      %dma_start3A_133 = tpu.memref_slice %arg4[%dma_start3A_132] : memref<128xf32, #tpu.memory_space<hbm>> -> memref<16xf32, #tpu.memory_space<hbm>>
      tpu.enqueue_dma source(%dma_start3A_133 : memref<16xf32, #tpu.memory_space<hbm>>) target(%arg13 : memref<16xf32, #tpu.memory_space<vmem>>) target_semaphore(%run_scoped3A : memref<!tpu.dma_semaphore, #tpu.memory_space<semaphore_mem>>)
      %dma_wait3A = arith.constant 96 : i32
      %dma_wait3A_134 = tpu.memref_slice %arg4[%dma_wait3A] : memref<128xf32, #tpu.memory_space<hbm>> -> memref<16xf32, #tpu.memory_space<hbm>>
      %dma_wait3A_135 = arith.constant 96 : i32
      %dma_wait3A_136 = tpu.memref_slice %arg4[%dma_wait3A_135] : memref<128xf32, #tpu.memory_space<hbm>> -> memref<16xf32, #tpu.memory_space<hbm>>
      tpu.wait_dma2 semaphore(%run_scoped3A : memref<!tpu.dma_semaphore, #tpu.memory_space<semaphore_mem>>) src(%dma_wait3A_136 : memref<16xf32, #tpu.memory_space<hbm>>) dst(%arg13 : memref<16xf32, #tpu.memory_space<vmem>>)
      tpu.yield
    }) : () -> ()
    %get3A_99 = arith.constant 0 : index
    %get3A_100 = tpu.vector_load %arg13[%get3A_99] {strides = array<i32>} : memref<16xf32, #tpu.memory_space<vmem>>, vector<16xf32>,
    %parallel_loop3A_101 = arith.constant 0 : i32
    %parallel_loop3A_102 = arith.constant 640 : i32
    %parallel_loop3A_103 = arith.constant 1 : i32
    scf.for %parallel_loop3A_131 = %parallel_loop3A_101 to %parallel_loop3A_102 step %parallel_loop3A_103  : i32 {
      %parallel_loop3A_132 = arith.constant 0.000000e+00 : f32
      %parallel_loop3A_133 = vector.broadcast %parallel_loop3A_132 : f32 to vector<16xf32>
      %parallel_loop3A_134 = arith.constant 16 : i32
      %parallel_loop3A_135 = arith.muli %parallel_loop3A_131, %parallel_loop3A_134 : i32
      %parallel_loop3A_136 = arith.index_cast %parallel_loop3A_135 : i32 to index
      %parallel_loop3A_137 = tpu.vector_load %arg11[%parallel_loop3A_136] {strides = array<i32>} : memref<10240xf32, #tpu.memory_space<vmem>>, vector<16xf32>,
      tpu.vector_store %arg11[%parallel_loop3A_136], %parallel_loop3A_133 {strides = array<i32>} : memref<10240xf32, #tpu.memory_space<vmem>>, vector<16xf32>,
    } {sc.loop_unroll_factor = 8 : i64, sc.parallel_access}
    %parallel_loop3A_104 = arith.constant 0 : i32
    %parallel_loop3A_105 = arith.constant 625 : i32
    %parallel_loop3A_106 = arith.constant 1 : i32
    scf.for %parallel_loop3A_131 = %parallel_loop3A_104 to %parallel_loop3A_105 step %parallel_loop3A_106  : i32 {
      %parallel_loop3A_132 = arith.constant 16 : i32
      %parallel_loop3A_133 = arith.muli %parallel_loop3A_131, %parallel_loop3A_132 : i32
      %parallel_loop3A_134 = arith.index_cast %parallel_loop3A_133 : i32 to index
      %parallel_loop3A_135 = tpu.vector_load %arg7[%parallel_loop3A_134] {strides = array<i32>} : memref<10000xi32, #tpu.memory_space<vmem>>, vector<16xi32>,
      %parallel_loop3A_136 = arith.constant 16 : i32
      %parallel_loop3A_137 = arith.muli %parallel_loop3A_131, %parallel_loop3A_136 : i32
      %parallel_loop3A_138 = arith.index_cast %parallel_loop3A_137 : i32 to index
      %parallel_loop3A_139 = tpu.vector_load %arg8[%parallel_loop3A_138] {strides = array<i32>} : memref<10000xi32, #tpu.memory_space<vmem>>, vector<16xi32>,
      %parallel_loop3A_140 = tpu.vector_load_idx %arg9[%parallel_loop3A_135] : memref<10240xf32, #tpu.memory_space<vmem>>[vector<16xi32>], vector<16xf32>,
      %parallel_loop3A_141 = tpu.vector_load_idx %arg10[%parallel_loop3A_139] : memref<10240xf32, #tpu.memory_space<vmem>>[vector<16xi32>], vector<16xf32>,
      %parallel_loop3A_142 = arith.addf %parallel_loop3A_140, %parallel_loop3A_141 : vector<16xf32>
      %parallel_loop3A_143 = arith.constant 0.000000e+00 : f32
      %parallel_loop3A_144 = vector.broadcast %parallel_loop3A_143 : f32 to vector<16xf32>
      %parallel_loop3A_145 = arith.cmpf oge, %parallel_loop3A_142, %parallel_loop3A_144 : vector<16xf32>
      %parallel_loop3A_146 = arith.constant 2.000000e-01 : f32
      %parallel_loop3A_147 = vector.broadcast %parallel_loop3A_146 : f32 to vector<16xf32>
      %parallel_loop3A_148 = arith.mulf %parallel_loop3A_147, %parallel_loop3A_142 : vector<16xf32>
      %parallel_loop3A_149 = arith.select %parallel_loop3A_145, %parallel_loop3A_142, %parallel_loop3A_148 : vector<16xi1>, vector<16xf32>
      %parallel_loop3A_150 = arith.subf %parallel_loop3A_149, %get3A_100 : vector<16xf32>
      %parallel_loop3A_151 = math.exp %parallel_loop3A_150 : vector<16xf32>
      %parallel_loop3A_152 = arith.constant 16 : i32
      %parallel_loop3A_153 = arith.muli %parallel_loop3A_131, %parallel_loop3A_152 : i32
      %parallel_loop3A_154 = arith.index_cast %parallel_loop3A_153 : i32 to index
      %parallel_loop3A_155 = tpu.vector_load %arg12[%parallel_loop3A_154] {strides = array<i32>} : memref<10000xf32, #tpu.memory_space<vmem>>, vector<16xf32>,
      tpu.vector_store %arg12[%parallel_loop3A_154], %parallel_loop3A_151 {strides = array<i32>} : memref<10000xf32, #tpu.memory_space<vmem>>, vector<16xf32>,
      tpu.vector_store_idx %arg11[%parallel_loop3A_139], %parallel_loop3A_151 {add = true} : memref<10240xf32, #tpu.memory_space<vmem>>[vector<16xi32>], vector<16xf32>,
    } {sc.loop_unroll_factor = 4 : i64, sc.parallel_access}
    %add3A_107 = arith.constant 1920000 : i32
    %add3A_108 = arith.addi %add3A_107, %mul3A_2 : i32
    "tpu.region"() ({
      %run_scoped3A = tpu.sem_alloc : memref<!tpu.dma_semaphore, #tpu.memory_space<semaphore_mem>>
      %dma_start3A = tpu.memref_slice %arg5[%add3A_108] : memref<2560000xf32, #tpu.memory_space<hbm>> -> memref<10000xf32, #tpu.memory_space<hbm>>
      %dma_start3A_131 = tpu.memref_slice %arg5[%add3A_108] : memref<2560000xf32, #tpu.memory_space<hbm>> -> memref<10000xf32, #tpu.memory_space<hbm>>
      tpu.enqueue_dma source(%arg12 : memref<10000xf32, #tpu.memory_space<vmem>>) target(%dma_start3A_131 : memref<10000xf32, #tpu.memory_space<hbm>>) target_semaphore(%run_scoped3A : memref<!tpu.dma_semaphore, #tpu.memory_space<semaphore_mem>>)
      %dma_wait3A = tpu.memref_slice %arg5[%add3A_108] : memref<2560000xf32, #tpu.memory_space<hbm>> -> memref<10000xf32, #tpu.memory_space<hbm>>
      %dma_wait3A_132 = tpu.memref_slice %arg5[%add3A_108] : memref<2560000xf32, #tpu.memory_space<hbm>> -> memref<10000xf32, #tpu.memory_space<hbm>>
      tpu.wait_dma2 semaphore(%run_scoped3A : memref<!tpu.dma_semaphore, #tpu.memory_space<semaphore_mem>>) src(%arg12 : memref<10000xf32, #tpu.memory_space<vmem>>) dst(%dma_wait3A_132 : memref<10000xf32, #tpu.memory_space<hbm>>)
      tpu.yield
    }) : () -> ()
    %mul3A_109 = arith.constant 8 : i32
    %mul3A_110 = arith.muli %add3A, %mul3A_109 : i32
    %add3A_111 = arith.constant 6 : i32
    %add3A_112 = arith.addi %mul3A_110, %add3A_111 : i32
    %mul3A_113 = arith.constant 10240 : i32
    %mul3A_114 = arith.muli %add3A_112, %mul3A_113 : i32
    "tpu.region"() ({
      %run_scoped3A = tpu.sem_alloc : memref<!tpu.dma_semaphore, #tpu.memory_space<semaphore_mem>>
      %dma_start3A = tpu.memref_slice %arg6[%mul3A_114] : memref<2621440xf32, #tpu.memory_space<hbm>> -> memref<10240xf32, #tpu.memory_space<hbm>>
      %dma_start3A_131 = tpu.memref_slice %arg6[%mul3A_114] : memref<2621440xf32, #tpu.memory_space<hbm>> -> memref<10240xf32, #tpu.memory_space<hbm>>
      tpu.enqueue_dma source(%arg11 : memref<10240xf32, #tpu.memory_space<vmem>>) target(%dma_start3A_131 : memref<10240xf32, #tpu.memory_space<hbm>>) target_semaphore(%run_scoped3A : memref<!tpu.dma_semaphore, #tpu.memory_space<semaphore_mem>>)
      %dma_wait3A = tpu.memref_slice %arg6[%mul3A_114] : memref<2621440xf32, #tpu.memory_space<hbm>> -> memref<10240xf32, #tpu.memory_space<hbm>>
      %dma_wait3A_132 = tpu.memref_slice %arg6[%mul3A_114] : memref<2621440xf32, #tpu.memory_space<hbm>> -> memref<10240xf32, #tpu.memory_space<hbm>>
      tpu.wait_dma2 semaphore(%run_scoped3A : memref<!tpu.dma_semaphore, #tpu.memory_space<semaphore_mem>>) src(%arg11 : memref<10240xf32, #tpu.memory_space<vmem>>) dst(%dma_wait3A_132 : memref<10240xf32, #tpu.memory_space<hbm>>)
      tpu.yield
    }) : () -> ()
    "tpu.region"() ({
      %run_scoped3A = tpu.sem_alloc : memref<!tpu.dma_semaphore, #tpu.memory_space<semaphore_mem>>
      %dma_start3A = arith.constant 71680 : i32
      %dma_start3A_131 = tpu.memref_slice %arg3[%dma_start3A] : memref<163840xf32, #tpu.memory_space<hbm>> -> memref<10240xf32, #tpu.memory_space<hbm>>
      %dma_start3A_132 = arith.constant 71680 : i32
      %dma_start3A_133 = tpu.memref_slice %arg3[%dma_start3A_132] : memref<163840xf32, #tpu.memory_space<hbm>> -> memref<10240xf32, #tpu.memory_space<hbm>>
      tpu.enqueue_dma source(%dma_start3A_133 : memref<10240xf32, #tpu.memory_space<hbm>>) target(%arg9 : memref<10240xf32, #tpu.memory_space<vmem>>) target_semaphore(%run_scoped3A : memref<!tpu.dma_semaphore, #tpu.memory_space<semaphore_mem>>)
      %dma_wait3A = arith.constant 71680 : i32
      %dma_wait3A_134 = tpu.memref_slice %arg3[%dma_wait3A] : memref<163840xf32, #tpu.memory_space<hbm>> -> memref<10240xf32, #tpu.memory_space<hbm>>
      %dma_wait3A_135 = arith.constant 71680 : i32
      %dma_wait3A_136 = tpu.memref_slice %arg3[%dma_wait3A_135] : memref<163840xf32, #tpu.memory_space<hbm>> -> memref<10240xf32, #tpu.memory_space<hbm>>
      tpu.wait_dma2 semaphore(%run_scoped3A : memref<!tpu.dma_semaphore, #tpu.memory_space<semaphore_mem>>) src(%dma_wait3A_136 : memref<10240xf32, #tpu.memory_space<hbm>>) dst(%arg9 : memref<10240xf32, #tpu.memory_space<vmem>>)
      tpu.yield
    }) : () -> ()
    "tpu.region"() ({
      %run_scoped3A = tpu.sem_alloc : memref<!tpu.dma_semaphore, #tpu.memory_space<semaphore_mem>>
      %dma_start3A = arith.constant 153600 : i32
      %dma_start3A_131 = tpu.memref_slice %arg3[%dma_start3A] : memref<163840xf32, #tpu.memory_space<hbm>> -> memref<10240xf32, #tpu.memory_space<hbm>>
      %dma_start3A_132 = arith.constant 153600 : i32
      %dma_start3A_133 = tpu.memref_slice %arg3[%dma_start3A_132] : memref<163840xf32, #tpu.memory_space<hbm>> -> memref<10240xf32, #tpu.memory_space<hbm>>
      tpu.enqueue_dma source(%dma_start3A_133 : memref<10240xf32, #tpu.memory_space<hbm>>) target(%arg10 : memref<10240xf32, #tpu.memory_space<vmem>>) target_semaphore(%run_scoped3A : memref<!tpu.dma_semaphore, #tpu.memory_space<semaphore_mem>>)
      %dma_wait3A = arith.constant 153600 : i32
      %dma_wait3A_134 = tpu.memref_slice %arg3[%dma_wait3A] : memref<163840xf32, #tpu.memory_space<hbm>> -> memref<10240xf32, #tpu.memory_space<hbm>>
      %dma_wait3A_135 = arith.constant 153600 : i32
      %dma_wait3A_136 = tpu.memref_slice %arg3[%dma_wait3A_135] : memref<163840xf32, #tpu.memory_space<hbm>> -> memref<10240xf32, #tpu.memory_space<hbm>>
      tpu.wait_dma2 semaphore(%run_scoped3A : memref<!tpu.dma_semaphore, #tpu.memory_space<semaphore_mem>>) src(%dma_wait3A_136 : memref<10240xf32, #tpu.memory_space<hbm>>) dst(%arg10 : memref<10240xf32, #tpu.memory_space<vmem>>)
      tpu.yield
    }) : () -> ()
    "tpu.region"() ({
      %run_scoped3A = tpu.sem_alloc : memref<!tpu.dma_semaphore, #tpu.memory_space<semaphore_mem>>
      %dma_start3A = arith.constant 112 : i32
      %dma_start3A_131 = tpu.memref_slice %arg4[%dma_start3A] : memref<128xf32, #tpu.memory_space<hbm>> -> memref<16xf32, #tpu.memory_space<hbm>>
      %dma_start3A_132 = arith.constant 112 : i32
      %dma_start3A_133 = tpu.memref_slice %arg4[%dma_start3A_132] : memref<128xf32, #tpu.memory_space<hbm>> -> memref<16xf32, #tpu.memory_space<hbm>>
      tpu.enqueue_dma source(%dma_start3A_133 : memref<16xf32, #tpu.memory_space<hbm>>) target(%arg13 : memref<16xf32, #tpu.memory_space<vmem>>) target_semaphore(%run_scoped3A : memref<!tpu.dma_semaphore, #tpu.memory_space<semaphore_mem>>)
      %dma_wait3A = arith.constant 112 : i32
      %dma_wait3A_134 = tpu.memref_slice %arg4[%dma_wait3A] : memref<128xf32, #tpu.memory_space<hbm>> -> memref<16xf32, #tpu.memory_space<hbm>>
      %dma_wait3A_135 = arith.constant 112 : i32
      %dma_wait3A_136 = tpu.memref_slice %arg4[%dma_wait3A_135] : memref<128xf32, #tpu.memory_space<hbm>> -> memref<16xf32, #tpu.memory_space<hbm>>
      tpu.wait_dma2 semaphore(%run_scoped3A : memref<!tpu.dma_semaphore, #tpu.memory_space<semaphore_mem>>) src(%dma_wait3A_136 : memref<16xf32, #tpu.memory_space<hbm>>) dst(%arg13 : memref<16xf32, #tpu.memory_space<vmem>>)
      tpu.yield
    }) : () -> ()
    %get3A_115 = arith.constant 0 : index
    %get3A_116 = tpu.vector_load %arg13[%get3A_115] {strides = array<i32>} : memref<16xf32, #tpu.memory_space<vmem>>, vector<16xf32>,
    %parallel_loop3A_117 = arith.constant 0 : i32
    %parallel_loop3A_118 = arith.constant 640 : i32
    %parallel_loop3A_119 = arith.constant 1 : i32
    scf.for %parallel_loop3A_131 = %parallel_loop3A_117 to %parallel_loop3A_118 step %parallel_loop3A_119  : i32 {
      %parallel_loop3A_132 = arith.constant 0.000000e+00 : f32
      %parallel_loop3A_133 = vector.broadcast %parallel_loop3A_132 : f32 to vector<16xf32>
      %parallel_loop3A_134 = arith.constant 16 : i32
      %parallel_loop3A_135 = arith.muli %parallel_loop3A_131, %parallel_loop3A_134 : i32
      %parallel_loop3A_136 = arith.index_cast %parallel_loop3A_135 : i32 to index
      %parallel_loop3A_137 = tpu.vector_load %arg11[%parallel_loop3A_136] {strides = array<i32>} : memref<10240xf32, #tpu.memory_space<vmem>>, vector<16xf32>,
      tpu.vector_store %arg11[%parallel_loop3A_136], %parallel_loop3A_133 {strides = array<i32>} : memref<10240xf32, #tpu.memory_space<vmem>>, vector<16xf32>,
    } {sc.loop_unroll_factor = 8 : i64, sc.parallel_access}
    %parallel_loop3A_120 = arith.constant 0 : i32
    %parallel_loop3A_121 = arith.constant 625 : i32
    %parallel_loop3A_122 = arith.constant 1 : i32
    scf.for %parallel_loop3A_131 = %parallel_loop3A_120 to %parallel_loop3A_121 step %parallel_loop3A_122  : i32 {
      %parallel_loop3A_132 = arith.constant 16 : i32
      %parallel_loop3A_133 = arith.muli %parallel_loop3A_131, %parallel_loop3A_132 : i32
      %parallel_loop3A_134 = arith.index_cast %parallel_loop3A_133 : i32 to index
      %parallel_loop3A_135 = tpu.vector_load %arg7[%parallel_loop3A_134] {strides = array<i32>} : memref<10000xi32, #tpu.memory_space<vmem>>, vector<16xi32>,
      %parallel_loop3A_136 = arith.constant 16 : i32
      %parallel_loop3A_137 = arith.muli %parallel_loop3A_131, %parallel_loop3A_136 : i32
      %parallel_loop3A_138 = arith.index_cast %parallel_loop3A_137 : i32 to index
      %parallel_loop3A_139 = tpu.vector_load %arg8[%parallel_loop3A_138] {strides = array<i32>} : memref<10000xi32, #tpu.memory_space<vmem>>, vector<16xi32>,
      %parallel_loop3A_140 = tpu.vector_load_idx %arg9[%parallel_loop3A_135] : memref<10240xf32, #tpu.memory_space<vmem>>[vector<16xi32>], vector<16xf32>,
      %parallel_loop3A_141 = tpu.vector_load_idx %arg10[%parallel_loop3A_139] : memref<10240xf32, #tpu.memory_space<vmem>>[vector<16xi32>], vector<16xf32>,
      %parallel_loop3A_142 = arith.addf %parallel_loop3A_140, %parallel_loop3A_141 : vector<16xf32>
      %parallel_loop3A_143 = arith.constant 0.000000e+00 : f32
      %parallel_loop3A_144 = vector.broadcast %parallel_loop3A_143 : f32 to vector<16xf32>
      %parallel_loop3A_145 = arith.cmpf oge, %parallel_loop3A_142, %parallel_loop3A_144 : vector<16xf32>
      %parallel_loop3A_146 = arith.constant 2.000000e-01 : f32
      %parallel_loop3A_147 = vector.broadcast %parallel_loop3A_146 : f32 to vector<16xf32>
      %parallel_loop3A_148 = arith.mulf %parallel_loop3A_147, %parallel_loop3A_142 : vector<16xf32>
      %parallel_loop3A_149 = arith.select %parallel_loop3A_145, %parallel_loop3A_142, %parallel_loop3A_148 : vector<16xi1>, vector<16xf32>
      %parallel_loop3A_150 = arith.subf %parallel_loop3A_149, %get3A_116 : vector<16xf32>
      %parallel_loop3A_151 = math.exp %parallel_loop3A_150 : vector<16xf32>
      %parallel_loop3A_152 = arith.constant 16 : i32
      %parallel_loop3A_153 = arith.muli %parallel_loop3A_131, %parallel_loop3A_152 : i32
      %parallel_loop3A_154 = arith.index_cast %parallel_loop3A_153 : i32 to index
      %parallel_loop3A_155 = tpu.vector_load %arg12[%parallel_loop3A_154] {strides = array<i32>} : memref<10000xf32, #tpu.memory_space<vmem>>, vector<16xf32>,
      tpu.vector_store %arg12[%parallel_loop3A_154], %parallel_loop3A_151 {strides = array<i32>} : memref<10000xf32, #tpu.memory_space<vmem>>, vector<16xf32>,
      tpu.vector_store_idx %arg11[%parallel_loop3A_139], %parallel_loop3A_151 {add = true} : memref<10240xf32, #tpu.memory_space<vmem>>[vector<16xi32>], vector<16xf32>,
    } {sc.loop_unroll_factor = 4 : i64, sc.parallel_access}
    %add3A_123 = arith.constant 2240000 : i32
    %add3A_124 = arith.addi %add3A_123, %mul3A_2 : i32
    "tpu.region"() ({
      %run_scoped3A = tpu.sem_alloc : memref<!tpu.dma_semaphore, #tpu.memory_space<semaphore_mem>>
      %dma_start3A = tpu.memref_slice %arg5[%add3A_124] : memref<2560000xf32, #tpu.memory_space<hbm>> -> memref<10000xf32, #tpu.memory_space<hbm>>
      %dma_start3A_131 = tpu.memref_slice %arg5[%add3A_124] : memref<2560000xf32, #tpu.memory_space<hbm>> -> memref<10000xf32, #tpu.memory_space<hbm>>
      tpu.enqueue_dma source(%arg12 : memref<10000xf32, #tpu.memory_space<vmem>>) target(%dma_start3A_131 : memref<10000xf32, #tpu.memory_space<hbm>>) target_semaphore(%run_scoped3A : memref<!tpu.dma_semaphore, #tpu.memory_space<semaphore_mem>>)
      %dma_wait3A = tpu.memref_slice %arg5[%add3A_124] : memref<2560000xf32, #tpu.memory_space<hbm>> -> memref<10000xf32, #tpu.memory_space<hbm>>
      %dma_wait3A_132 = tpu.memref_slice %arg5[%add3A_124] : memref<2560000xf32, #tpu.memory_space<hbm>> -> memref<10000xf32, #tpu.memory_space<hbm>>
      tpu.wait_dma2 semaphore(%run_scoped3A : memref<!tpu.dma_semaphore, #tpu.memory_space<semaphore_mem>>) src(%arg12 : memref<10000xf32, #tpu.memory_space<vmem>>) dst(%dma_wait3A_132 : memref<10000xf32, #tpu.memory_space<hbm>>)
      tpu.yield
    }) : () -> ()
    %mul3A_125 = arith.constant 8 : i32
    %mul3A_126 = arith.muli %add3A, %mul3A_125 : i32
    %add3A_127 = arith.constant 7 : i32
    %add3A_128 = arith.addi %mul3A_126, %add3A_127 : i32
    %mul3A_129 = arith.constant 10240 : i32
    %mul3A_130 = arith.muli %add3A_128, %mul3A_129 : i32
    "tpu.region"() ({
      %run_scoped3A = tpu.sem_alloc : memref<!tpu.dma_semaphore, #tpu.memory_space<semaphore_mem>>
      %dma_start3A = tpu.memref_slice %arg6[%mul3A_130] : memref<2621440xf32, #tpu.memory_space<hbm>> -> memref<10240xf32, #tpu.memory_space<hbm>>
      %dma_start3A_131 = tpu.memref_slice %arg6[%mul3A_130] : memref<2621440xf32, #tpu.memory_space<hbm>> -> memref<10240xf32, #tpu.memory_space<hbm>>
      tpu.enqueue_dma source(%arg11 : memref<10240xf32, #tpu.memory_space<vmem>>) target(%dma_start3A_131 : memref<10240xf32, #tpu.memory_space<hbm>>) target_semaphore(%run_scoped3A : memref<!tpu.dma_semaphore, #tpu.memory_space<semaphore_mem>>)
      %dma_wait3A = tpu.memref_slice %arg6[%mul3A_130] : memref<2621440xf32, #tpu.memory_space<hbm>> -> memref<10240xf32, #tpu.memory_space<hbm>>
      %dma_wait3A_132 = tpu.memref_slice %arg6[%mul3A_130] : memref<2621440xf32, #tpu.memory_space<hbm>> -> memref<10240xf32, #tpu.memory_space<hbm>>
      tpu.wait_dma2 semaphore(%run_scoped3A : memref<!tpu.dma_semaphore, #tpu.memory_space<semaphore_mem>>) src(%arg11 : memref<10240xf32, #tpu.memory_space<vmem>>) dst(%dma_wait3A_132 : memref<10240xf32, #tpu.memory_space<hbm>>)
      tpu.yield
    }) : () -> ()
    return
  }
}

#map = affine_map<(d0, d1) -> (0)>
module attributes {stable_mosaic.version = 14 : i64} {
  func.func @k3(%arg0: i32, %arg1: i32, %arg2: memref<640000xi32, #tpu.memory_space<hbm>>, %arg3: memref<2560000xf32, #tpu.memory_space<hbm>>, %arg4: memref<81920xf32, #tpu.memory_space<hbm>>, %arg5: memref<2560000xf32, #tpu.memory_space<hbm>>, %arg6: memref<10000xi32, #tpu.memory_space<vmem>>, %arg7: memref<10240xf32, #tpu.memory_space<vmem>>, %arg8: memref<10000xf32, #tpu.memory_space<vmem>>, %arg9: memref<80000xf32, #tpu.memory_space<vmem>>) attributes {dimension_semantics = [#tpu.dimension_semantics<core_parallel>, #tpu.dimension_semantics<subcore_parallel>], iteration_bounds = array<i64: 2, 16>, scalar_prefetch = 0 : i64, scratch_operands = 4 : i64, tpu.core_type = #tpu.core_type<sc_vector_subcore>, window_params = [{transform_indices = #map}, {transform_indices = #map}, {transform_indices = #map}, {transform_indices = #map}]} {
    %mul3A = arith.constant 2 : i32
    %mul3A_0 = arith.muli %arg1, %mul3A : i32
    %add3A = arith.addi %mul3A_0, %arg0 : i32
    %mul3A_1 = arith.constant 10000 : i32
    %mul3A_2 = arith.muli %add3A, %mul3A_1 : i32
    %add3A_3 = arith.constant 320000 : i32
    %add3A_4 = arith.addi %add3A_3, %mul3A_2 : i32
    "tpu.region"() ({
      %run_scoped3A = tpu.sem_alloc : memref<!tpu.dma_semaphore, #tpu.memory_space<semaphore_mem>>
      %dma_start3A = tpu.memref_slice %arg2[%add3A_4] : memref<640000xi32, #tpu.memory_space<hbm>> -> memref<10000xi32, #tpu.memory_space<hbm>>
      %dma_start3A_61 = tpu.memref_slice %arg2[%add3A_4] : memref<640000xi32, #tpu.memory_space<hbm>> -> memref<10000xi32, #tpu.memory_space<hbm>>
      tpu.enqueue_dma source(%dma_start3A_61 : memref<10000xi32, #tpu.memory_space<hbm>>) target(%arg6 : memref<10000xi32, #tpu.memory_space<vmem>>) target_semaphore(%run_scoped3A : memref<!tpu.dma_semaphore, #tpu.memory_space<semaphore_mem>>)
      %dma_wait3A = tpu.memref_slice %arg2[%add3A_4] : memref<640000xi32, #tpu.memory_space<hbm>> -> memref<10000xi32, #tpu.memory_space<hbm>>
      %dma_wait3A_62 = tpu.memref_slice %arg2[%add3A_4] : memref<640000xi32, #tpu.memory_space<hbm>> -> memref<10000xi32, #tpu.memory_space<hbm>>
      tpu.wait_dma2 semaphore(%run_scoped3A : memref<!tpu.dma_semaphore, #tpu.memory_space<semaphore_mem>>) src(%dma_wait3A_62 : memref<10000xi32, #tpu.memory_space<hbm>>) dst(%arg6 : memref<10000xi32, #tpu.memory_space<vmem>>)
      tpu.yield
    }) : () -> ()
    %iota3A = tpu.iota {dimensions = array<i32: 0>} : vector<16xi32>
    "tpu.region"() ({
      %run_scoped3A = tpu.sem_alloc : memref<!tpu.dma_semaphore, #tpu.memory_space<semaphore_mem>>
      %dma_start3A = arith.constant 0 : i32
      %dma_start3A_61 = tpu.memref_slice %arg4[%dma_start3A] : memref<81920xf32, #tpu.memory_space<hbm>> -> memref<10240xf32, #tpu.memory_space<hbm>>
      %dma_start3A_62 = arith.constant 0 : i32
      %dma_start3A_63 = tpu.memref_slice %arg4[%dma_start3A_62] : memref<81920xf32, #tpu.memory_space<hbm>> -> memref<10240xf32, #tpu.memory_space<hbm>>
      tpu.enqueue_dma source(%dma_start3A_63 : memref<10240xf32, #tpu.memory_space<hbm>>) target(%arg7 : memref<10240xf32, #tpu.memory_space<vmem>>) target_semaphore(%run_scoped3A : memref<!tpu.dma_semaphore, #tpu.memory_space<semaphore_mem>>)
      %dma_wait3A = arith.constant 0 : i32
      %dma_wait3A_64 = tpu.memref_slice %arg4[%dma_wait3A] : memref<81920xf32, #tpu.memory_space<hbm>> -> memref<10240xf32, #tpu.memory_space<hbm>>
      %dma_wait3A_65 = arith.constant 0 : i32
      %dma_wait3A_66 = tpu.memref_slice %arg4[%dma_wait3A_65] : memref<81920xf32, #tpu.memory_space<hbm>> -> memref<10240xf32, #tpu.memory_space<hbm>>
      tpu.wait_dma2 semaphore(%run_scoped3A : memref<!tpu.dma_semaphore, #tpu.memory_space<semaphore_mem>>) src(%dma_wait3A_66 : memref<10240xf32, #tpu.memory_space<hbm>>) dst(%arg7 : memref<10240xf32, #tpu.memory_space<vmem>>)
      tpu.yield
    }) : () -> ()
    %add3A_5 = arith.constant 0 : i32
    %add3A_6 = arith.addi %add3A_5, %mul3A_2 : i32
    "tpu.region"() ({
      %run_scoped3A = tpu.sem_alloc : memref<!tpu.dma_semaphore, #tpu.memory_space<semaphore_mem>>
      %dma_start3A = tpu.memref_slice %arg3[%add3A_6] : memref<2560000xf32, #tpu.memory_space<hbm>> -> memref<10000xf32, #tpu.memory_space<hbm>>
      %dma_start3A_61 = tpu.memref_slice %arg3[%add3A_6] : memref<2560000xf32, #tpu.memory_space<hbm>> -> memref<10000xf32, #tpu.memory_space<hbm>>
      tpu.enqueue_dma source(%dma_start3A_61 : memref<10000xf32, #tpu.memory_space<hbm>>) target(%arg8 : memref<10000xf32, #tpu.memory_space<vmem>>) target_semaphore(%run_scoped3A : memref<!tpu.dma_semaphore, #tpu.memory_space<semaphore_mem>>)
      %dma_wait3A = tpu.memref_slice %arg3[%add3A_6] : memref<2560000xf32, #tpu.memory_space<hbm>> -> memref<10000xf32, #tpu.memory_space<hbm>>
      %dma_wait3A_62 = tpu.memref_slice %arg3[%add3A_6] : memref<2560000xf32, #tpu.memory_space<hbm>> -> memref<10000xf32, #tpu.memory_space<hbm>>
      tpu.wait_dma2 semaphore(%run_scoped3A : memref<!tpu.dma_semaphore, #tpu.memory_space<semaphore_mem>>) src(%dma_wait3A_62 : memref<10000xf32, #tpu.memory_space<hbm>>) dst(%arg8 : memref<10000xf32, #tpu.memory_space<vmem>>)
      tpu.yield
    }) : () -> ()
    %broadcast_in_dim3A = arith.constant 0 : i32
    %broadcast_in_dim3A_7 = vector.broadcast %broadcast_in_dim3A : i32 to vector<16xi32>
    %parallel_loop3A = arith.constant 0 : i32
    %parallel_loop3A_8 = arith.constant 625 : i32
    %parallel_loop3A_9 = arith.constant 1 : i32
    scf.for %parallel_loop3A_61 = %parallel_loop3A to %parallel_loop3A_8 step %parallel_loop3A_9  : i32 {
      %parallel_loop3A_62 = arith.constant 16 : i32
      %parallel_loop3A_63 = arith.muli %parallel_loop3A_61, %parallel_loop3A_62 : i32
      %parallel_loop3A_64 = arith.index_cast %parallel_loop3A_63 : i32 to index
      %parallel_loop3A_65 = tpu.vector_load %arg6[%parallel_loop3A_64] {strides = array<i32>} : memref<10000xi32, #tpu.memory_space<vmem>>, vector<16xi32>,
      %parallel_loop3A_66 = tpu.vector_load_idx %arg7[%parallel_loop3A_65] : memref<10240xf32, #tpu.memory_space<vmem>>[vector<16xi32>], vector<16xf32>,
      %parallel_loop3A_67 = arith.constant 16 : i32
      %parallel_loop3A_68 = arith.muli %parallel_loop3A_61, %parallel_loop3A_67 : i32
      %parallel_loop3A_69 = arith.index_cast %parallel_loop3A_68 : i32 to index
      %parallel_loop3A_70 = tpu.vector_load %arg8[%parallel_loop3A_69] {strides = array<i32>} : memref<10000xf32, #tpu.memory_space<vmem>>, vector<16xf32>,
      %parallel_loop3A_71 = arith.constant 1.000000e-16 : f32
      %parallel_loop3A_72 = vector.broadcast %parallel_loop3A_71 : f32 to vector<16xf32>
      %parallel_loop3A_73 = arith.addf %parallel_loop3A_66, %parallel_loop3A_72 : vector<16xf32>
      %parallel_loop3A_74 = arith.divf %parallel_loop3A_70, %parallel_loop3A_73 : vector<16xf32>
      %parallel_loop3A_75 = arith.constant 16 : i32
      %parallel_loop3A_76 = arith.muli %parallel_loop3A_61, %parallel_loop3A_75 : i32
      %parallel_loop3A_77 = vector.broadcast %parallel_loop3A_76 : i32 to vector<16xi32>
      %parallel_loop3A_78 = arith.addi %parallel_loop3A_77, %iota3A : vector<16xi32>
      %parallel_loop3A_79 = arith.constant 8 : i32
      %parallel_loop3A_80 = vector.broadcast %parallel_loop3A_79 : i32 to vector<16xi32>
      %parallel_loop3A_81 = arith.muli %parallel_loop3A_78, %parallel_loop3A_80 : vector<16xi32>
      %parallel_loop3A_82 = arith.addi %parallel_loop3A_81, %broadcast_in_dim3A_7 : vector<16xi32>
      tpu.vector_store_idx %arg9[%parallel_loop3A_82], %parallel_loop3A_74 : memref<80000xf32, #tpu.memory_space<vmem>>[vector<16xi32>], vector<16xf32>,
    } {sc.loop_unroll_factor = 4 : i64, sc.parallel_access}
    "tpu.region"() ({
      %run_scoped3A = tpu.sem_alloc : memref<!tpu.dma_semaphore, #tpu.memory_space<semaphore_mem>>
      %dma_start3A = arith.constant 10240 : i32
      %dma_start3A_61 = tpu.memref_slice %arg4[%dma_start3A] : memref<81920xf32, #tpu.memory_space<hbm>> -> memref<10240xf32, #tpu.memory_space<hbm>>
      %dma_start3A_62 = arith.constant 10240 : i32
      %dma_start3A_63 = tpu.memref_slice %arg4[%dma_start3A_62] : memref<81920xf32, #tpu.memory_space<hbm>> -> memref<10240xf32, #tpu.memory_space<hbm>>
      tpu.enqueue_dma source(%dma_start3A_63 : memref<10240xf32, #tpu.memory_space<hbm>>) target(%arg7 : memref<10240xf32, #tpu.memory_space<vmem>>) target_semaphore(%run_scoped3A : memref<!tpu.dma_semaphore, #tpu.memory_space<semaphore_mem>>)
      %dma_wait3A = arith.constant 10240 : i32
      %dma_wait3A_64 = tpu.memref_slice %arg4[%dma_wait3A] : memref<81920xf32, #tpu.memory_space<hbm>> -> memref<10240xf32, #tpu.memory_space<hbm>>
      %dma_wait3A_65 = arith.constant 10240 : i32
      %dma_wait3A_66 = tpu.memref_slice %arg4[%dma_wait3A_65] : memref<81920xf32, #tpu.memory_space<hbm>> -> memref<10240xf32, #tpu.memory_space<hbm>>
      tpu.wait_dma2 semaphore(%run_scoped3A : memref<!tpu.dma_semaphore, #tpu.memory_space<semaphore_mem>>) src(%dma_wait3A_66 : memref<10240xf32, #tpu.memory_space<hbm>>) dst(%arg7 : memref<10240xf32, #tpu.memory_space<vmem>>)
      tpu.yield
    }) : () -> ()
    %add3A_10 = arith.constant 320000 : i32
    %add3A_11 = arith.addi %add3A_10, %mul3A_2 : i32
    "tpu.region"() ({
      %run_scoped3A = tpu.sem_alloc : memref<!tpu.dma_semaphore, #tpu.memory_space<semaphore_mem>>
      %dma_start3A = tpu.memref_slice %arg3[%add3A_11] : memref<2560000xf32, #tpu.memory_space<hbm>> -> memref<10000xf32, #tpu.memory_space<hbm>>
      %dma_start3A_61 = tpu.memref_slice %arg3[%add3A_11] : memref<2560000xf32, #tpu.memory_space<hbm>> -> memref<10000xf32, #tpu.memory_space<hbm>>
      tpu.enqueue_dma source(%dma_start3A_61 : memref<10000xf32, #tpu.memory_space<hbm>>) target(%arg8 : memref<10000xf32, #tpu.memory_space<vmem>>) target_semaphore(%run_scoped3A : memref<!tpu.dma_semaphore, #tpu.memory_space<semaphore_mem>>)
      %dma_wait3A = tpu.memref_slice %arg3[%add3A_11] : memref<2560000xf32, #tpu.memory_space<hbm>> -> memref<10000xf32, #tpu.memory_space<hbm>>
      %dma_wait3A_62 = tpu.memref_slice %arg3[%add3A_11] : memref<2560000xf32, #tpu.memory_space<hbm>> -> memref<10000xf32, #tpu.memory_space<hbm>>
      tpu.wait_dma2 semaphore(%run_scoped3A : memref<!tpu.dma_semaphore, #tpu.memory_space<semaphore_mem>>) src(%dma_wait3A_62 : memref<10000xf32, #tpu.memory_space<hbm>>) dst(%arg8 : memref<10000xf32, #tpu.memory_space<vmem>>)
      tpu.yield
    }) : () -> ()
    %broadcast_in_dim3A_12 = arith.constant 1 : i32
    %broadcast_in_dim3A_13 = vector.broadcast %broadcast_in_dim3A_12 : i32 to vector<16xi32>
    %parallel_loop3A_14 = arith.constant 0 : i32
    %parallel_loop3A_15 = arith.constant 625 : i32
    %parallel_loop3A_16 = arith.constant 1 : i32
    scf.for %parallel_loop3A_61 = %parallel_loop3A_14 to %parallel_loop3A_15 step %parallel_loop3A_16  : i32 {
      %parallel_loop3A_62 = arith.constant 16 : i32
      %parallel_loop3A_63 = arith.muli %parallel_loop3A_61, %parallel_loop3A_62 : i32
      %parallel_loop3A_64 = arith.index_cast %parallel_loop3A_63 : i32 to index
      %parallel_loop3A_65 = tpu.vector_load %arg6[%parallel_loop3A_64] {strides = array<i32>} : memref<10000xi32, #tpu.memory_space<vmem>>, vector<16xi32>,
      %parallel_loop3A_66 = tpu.vector_load_idx %arg7[%parallel_loop3A_65] : memref<10240xf32, #tpu.memory_space<vmem>>[vector<16xi32>], vector<16xf32>,
      %parallel_loop3A_67 = arith.constant 16 : i32
      %parallel_loop3A_68 = arith.muli %parallel_loop3A_61, %parallel_loop3A_67 : i32
      %parallel_loop3A_69 = arith.index_cast %parallel_loop3A_68 : i32 to index
      %parallel_loop3A_70 = tpu.vector_load %arg8[%parallel_loop3A_69] {strides = array<i32>} : memref<10000xf32, #tpu.memory_space<vmem>>, vector<16xf32>,
      %parallel_loop3A_71 = arith.constant 1.000000e-16 : f32
      %parallel_loop3A_72 = vector.broadcast %parallel_loop3A_71 : f32 to vector<16xf32>
      %parallel_loop3A_73 = arith.addf %parallel_loop3A_66, %parallel_loop3A_72 : vector<16xf32>
      %parallel_loop3A_74 = arith.divf %parallel_loop3A_70, %parallel_loop3A_73 : vector<16xf32>
      %parallel_loop3A_75 = arith.constant 16 : i32
      %parallel_loop3A_76 = arith.muli %parallel_loop3A_61, %parallel_loop3A_75 : i32
      %parallel_loop3A_77 = vector.broadcast %parallel_loop3A_76 : i32 to vector<16xi32>
      %parallel_loop3A_78 = arith.addi %parallel_loop3A_77, %iota3A : vector<16xi32>
      %parallel_loop3A_79 = arith.constant 8 : i32
      %parallel_loop3A_80 = vector.broadcast %parallel_loop3A_79 : i32 to vector<16xi32>
      %parallel_loop3A_81 = arith.muli %parallel_loop3A_78, %parallel_loop3A_80 : vector<16xi32>
      %parallel_loop3A_82 = arith.addi %parallel_loop3A_81, %broadcast_in_dim3A_13 : vector<16xi32>
      tpu.vector_store_idx %arg9[%parallel_loop3A_82], %parallel_loop3A_74 : memref<80000xf32, #tpu.memory_space<vmem>>[vector<16xi32>], vector<16xf32>,
    } {sc.loop_unroll_factor = 4 : i64, sc.parallel_access}
    "tpu.region"() ({
      %run_scoped3A = tpu.sem_alloc : memref<!tpu.dma_semaphore, #tpu.memory_space<semaphore_mem>>
      %dma_start3A = arith.constant 20480 : i32
      %dma_start3A_61 = tpu.memref_slice %arg4[%dma_start3A] : memref<81920xf32, #tpu.memory_space<hbm>> -> memref<10240xf32, #tpu.memory_space<hbm>>
      %dma_start3A_62 = arith.constant 20480 : i32
      %dma_start3A_63 = tpu.memref_slice %arg4[%dma_start3A_62] : memref<81920xf32, #tpu.memory_space<hbm>> -> memref<10240xf32, #tpu.memory_space<hbm>>
      tpu.enqueue_dma source(%dma_start3A_63 : memref<10240xf32, #tpu.memory_space<hbm>>) target(%arg7 : memref<10240xf32, #tpu.memory_space<vmem>>) target_semaphore(%run_scoped3A : memref<!tpu.dma_semaphore, #tpu.memory_space<semaphore_mem>>)
      %dma_wait3A = arith.constant 20480 : i32
      %dma_wait3A_64 = tpu.memref_slice %arg4[%dma_wait3A] : memref<81920xf32, #tpu.memory_space<hbm>> -> memref<10240xf32, #tpu.memory_space<hbm>>
      %dma_wait3A_65 = arith.constant 20480 : i32
      %dma_wait3A_66 = tpu.memref_slice %arg4[%dma_wait3A_65] : memref<81920xf32, #tpu.memory_space<hbm>> -> memref<10240xf32, #tpu.memory_space<hbm>>
      tpu.wait_dma2 semaphore(%run_scoped3A : memref<!tpu.dma_semaphore, #tpu.memory_space<semaphore_mem>>) src(%dma_wait3A_66 : memref<10240xf32, #tpu.memory_space<hbm>>) dst(%arg7 : memref<10240xf32, #tpu.memory_space<vmem>>)
      tpu.yield
    }) : () -> ()
    %add3A_17 = arith.constant 640000 : i32
    %add3A_18 = arith.addi %add3A_17, %mul3A_2 : i32
    "tpu.region"() ({
      %run_scoped3A = tpu.sem_alloc : memref<!tpu.dma_semaphore, #tpu.memory_space<semaphore_mem>>
      %dma_start3A = tpu.memref_slice %arg3[%add3A_18] : memref<2560000xf32, #tpu.memory_space<hbm>> -> memref<10000xf32, #tpu.memory_space<hbm>>
      %dma_start3A_61 = tpu.memref_slice %arg3[%add3A_18] : memref<2560000xf32, #tpu.memory_space<hbm>> -> memref<10000xf32, #tpu.memory_space<hbm>>
      tpu.enqueue_dma source(%dma_start3A_61 : memref<10000xf32, #tpu.memory_space<hbm>>) target(%arg8 : memref<10000xf32, #tpu.memory_space<vmem>>) target_semaphore(%run_scoped3A : memref<!tpu.dma_semaphore, #tpu.memory_space<semaphore_mem>>)
      %dma_wait3A = tpu.memref_slice %arg3[%add3A_18] : memref<2560000xf32, #tpu.memory_space<hbm>> -> memref<10000xf32, #tpu.memory_space<hbm>>
      %dma_wait3A_62 = tpu.memref_slice %arg3[%add3A_18] : memref<2560000xf32, #tpu.memory_space<hbm>> -> memref<10000xf32, #tpu.memory_space<hbm>>
      tpu.wait_dma2 semaphore(%run_scoped3A : memref<!tpu.dma_semaphore, #tpu.memory_space<semaphore_mem>>) src(%dma_wait3A_62 : memref<10000xf32, #tpu.memory_space<hbm>>) dst(%arg8 : memref<10000xf32, #tpu.memory_space<vmem>>)
      tpu.yield
    }) : () -> ()
    %broadcast_in_dim3A_19 = arith.constant 2 : i32
    %broadcast_in_dim3A_20 = vector.broadcast %broadcast_in_dim3A_19 : i32 to vector<16xi32>
    %parallel_loop3A_21 = arith.constant 0 : i32
    %parallel_loop3A_22 = arith.constant 625 : i32
    %parallel_loop3A_23 = arith.constant 1 : i32
    scf.for %parallel_loop3A_61 = %parallel_loop3A_21 to %parallel_loop3A_22 step %parallel_loop3A_23  : i32 {
      %parallel_loop3A_62 = arith.constant 16 : i32
      %parallel_loop3A_63 = arith.muli %parallel_loop3A_61, %parallel_loop3A_62 : i32
      %parallel_loop3A_64 = arith.index_cast %parallel_loop3A_63 : i32 to index
      %parallel_loop3A_65 = tpu.vector_load %arg6[%parallel_loop3A_64] {strides = array<i32>} : memref<10000xi32, #tpu.memory_space<vmem>>, vector<16xi32>,
      %parallel_loop3A_66 = tpu.vector_load_idx %arg7[%parallel_loop3A_65] : memref<10240xf32, #tpu.memory_space<vmem>>[vector<16xi32>], vector<16xf32>,
      %parallel_loop3A_67 = arith.constant 16 : i32
      %parallel_loop3A_68 = arith.muli %parallel_loop3A_61, %parallel_loop3A_67 : i32
      %parallel_loop3A_69 = arith.index_cast %parallel_loop3A_68 : i32 to index
      %parallel_loop3A_70 = tpu.vector_load %arg8[%parallel_loop3A_69] {strides = array<i32>} : memref<10000xf32, #tpu.memory_space<vmem>>, vector<16xf32>,
      %parallel_loop3A_71 = arith.constant 1.000000e-16 : f32
      %parallel_loop3A_72 = vector.broadcast %parallel_loop3A_71 : f32 to vector<16xf32>
      %parallel_loop3A_73 = arith.addf %parallel_loop3A_66, %parallel_loop3A_72 : vector<16xf32>
      %parallel_loop3A_74 = arith.divf %parallel_loop3A_70, %parallel_loop3A_73 : vector<16xf32>
      %parallel_loop3A_75 = arith.constant 16 : i32
      %parallel_loop3A_76 = arith.muli %parallel_loop3A_61, %parallel_loop3A_75 : i32
      %parallel_loop3A_77 = vector.broadcast %parallel_loop3A_76 : i32 to vector<16xi32>
      %parallel_loop3A_78 = arith.addi %parallel_loop3A_77, %iota3A : vector<16xi32>
      %parallel_loop3A_79 = arith.constant 8 : i32
      %parallel_loop3A_80 = vector.broadcast %parallel_loop3A_79 : i32 to vector<16xi32>
      %parallel_loop3A_81 = arith.muli %parallel_loop3A_78, %parallel_loop3A_80 : vector<16xi32>
      %parallel_loop3A_82 = arith.addi %parallel_loop3A_81, %broadcast_in_dim3A_20 : vector<16xi32>
      tpu.vector_store_idx %arg9[%parallel_loop3A_82], %parallel_loop3A_74 : memref<80000xf32, #tpu.memory_space<vmem>>[vector<16xi32>], vector<16xf32>,
    } {sc.loop_unroll_factor = 4 : i64, sc.parallel_access}
    "tpu.region"() ({
      %run_scoped3A = tpu.sem_alloc : memref<!tpu.dma_semaphore, #tpu.memory_space<semaphore_mem>>
      %dma_start3A = arith.constant 30720 : i32
      %dma_start3A_61 = tpu.memref_slice %arg4[%dma_start3A] : memref<81920xf32, #tpu.memory_space<hbm>> -> memref<10240xf32, #tpu.memory_space<hbm>>
      %dma_start3A_62 = arith.constant 30720 : i32
      %dma_start3A_63 = tpu.memref_slice %arg4[%dma_start3A_62] : memref<81920xf32, #tpu.memory_space<hbm>> -> memref<10240xf32, #tpu.memory_space<hbm>>
      tpu.enqueue_dma source(%dma_start3A_63 : memref<10240xf32, #tpu.memory_space<hbm>>) target(%arg7 : memref<10240xf32, #tpu.memory_space<vmem>>) target_semaphore(%run_scoped3A : memref<!tpu.dma_semaphore, #tpu.memory_space<semaphore_mem>>)
      %dma_wait3A = arith.constant 30720 : i32
      %dma_wait3A_64 = tpu.memref_slice %arg4[%dma_wait3A] : memref<81920xf32, #tpu.memory_space<hbm>> -> memref<10240xf32, #tpu.memory_space<hbm>>
      %dma_wait3A_65 = arith.constant 30720 : i32
      %dma_wait3A_66 = tpu.memref_slice %arg4[%dma_wait3A_65] : memref<81920xf32, #tpu.memory_space<hbm>> -> memref<10240xf32, #tpu.memory_space<hbm>>
      tpu.wait_dma2 semaphore(%run_scoped3A : memref<!tpu.dma_semaphore, #tpu.memory_space<semaphore_mem>>) src(%dma_wait3A_66 : memref<10240xf32, #tpu.memory_space<hbm>>) dst(%arg7 : memref<10240xf32, #tpu.memory_space<vmem>>)
      tpu.yield
    }) : () -> ()
    %add3A_24 = arith.constant 960000 : i32
    %add3A_25 = arith.addi %add3A_24, %mul3A_2 : i32
    "tpu.region"() ({
      %run_scoped3A = tpu.sem_alloc : memref<!tpu.dma_semaphore, #tpu.memory_space<semaphore_mem>>
      %dma_start3A = tpu.memref_slice %arg3[%add3A_25] : memref<2560000xf32, #tpu.memory_space<hbm>> -> memref<10000xf32, #tpu.memory_space<hbm>>
      %dma_start3A_61 = tpu.memref_slice %arg3[%add3A_25] : memref<2560000xf32, #tpu.memory_space<hbm>> -> memref<10000xf32, #tpu.memory_space<hbm>>
      tpu.enqueue_dma source(%dma_start3A_61 : memref<10000xf32, #tpu.memory_space<hbm>>) target(%arg8 : memref<10000xf32, #tpu.memory_space<vmem>>) target_semaphore(%run_scoped3A : memref<!tpu.dma_semaphore, #tpu.memory_space<semaphore_mem>>)
      %dma_wait3A = tpu.memref_slice %arg3[%add3A_25] : memref<2560000xf32, #tpu.memory_space<hbm>> -> memref<10000xf32, #tpu.memory_space<hbm>>
      %dma_wait3A_62 = tpu.memref_slice %arg3[%add3A_25] : memref<2560000xf32, #tpu.memory_space<hbm>> -> memref<10000xf32, #tpu.memory_space<hbm>>
      tpu.wait_dma2 semaphore(%run_scoped3A : memref<!tpu.dma_semaphore, #tpu.memory_space<semaphore_mem>>) src(%dma_wait3A_62 : memref<10000xf32, #tpu.memory_space<hbm>>) dst(%arg8 : memref<10000xf32, #tpu.memory_space<vmem>>)
      tpu.yield
    }) : () -> ()
    %broadcast_in_dim3A_26 = arith.constant 3 : i32
    %broadcast_in_dim3A_27 = vector.broadcast %broadcast_in_dim3A_26 : i32 to vector<16xi32>
    %parallel_loop3A_28 = arith.constant 0 : i32
    %parallel_loop3A_29 = arith.constant 625 : i32
    %parallel_loop3A_30 = arith.constant 1 : i32
    scf.for %parallel_loop3A_61 = %parallel_loop3A_28 to %parallel_loop3A_29 step %parallel_loop3A_30  : i32 {
      %parallel_loop3A_62 = arith.constant 16 : i32
      %parallel_loop3A_63 = arith.muli %parallel_loop3A_61, %parallel_loop3A_62 : i32
      %parallel_loop3A_64 = arith.index_cast %parallel_loop3A_63 : i32 to index
      %parallel_loop3A_65 = tpu.vector_load %arg6[%parallel_loop3A_64] {strides = array<i32>} : memref<10000xi32, #tpu.memory_space<vmem>>, vector<16xi32>,
      %parallel_loop3A_66 = tpu.vector_load_idx %arg7[%parallel_loop3A_65] : memref<10240xf32, #tpu.memory_space<vmem>>[vector<16xi32>], vector<16xf32>,
      %parallel_loop3A_67 = arith.constant 16 : i32
      %parallel_loop3A_68 = arith.muli %parallel_loop3A_61, %parallel_loop3A_67 : i32
      %parallel_loop3A_69 = arith.index_cast %parallel_loop3A_68 : i32 to index
      %parallel_loop3A_70 = tpu.vector_load %arg8[%parallel_loop3A_69] {strides = array<i32>} : memref<10000xf32, #tpu.memory_space<vmem>>, vector<16xf32>,
      %parallel_loop3A_71 = arith.constant 1.000000e-16 : f32
      %parallel_loop3A_72 = vector.broadcast %parallel_loop3A_71 : f32 to vector<16xf32>
      %parallel_loop3A_73 = arith.addf %parallel_loop3A_66, %parallel_loop3A_72 : vector<16xf32>
      %parallel_loop3A_74 = arith.divf %parallel_loop3A_70, %parallel_loop3A_73 : vector<16xf32>
      %parallel_loop3A_75 = arith.constant 16 : i32
      %parallel_loop3A_76 = arith.muli %parallel_loop3A_61, %parallel_loop3A_75 : i32
      %parallel_loop3A_77 = vector.broadcast %parallel_loop3A_76 : i32 to vector<16xi32>
      %parallel_loop3A_78 = arith.addi %parallel_loop3A_77, %iota3A : vector<16xi32>
      %parallel_loop3A_79 = arith.constant 8 : i32
      %parallel_loop3A_80 = vector.broadcast %parallel_loop3A_79 : i32 to vector<16xi32>
      %parallel_loop3A_81 = arith.muli %parallel_loop3A_78, %parallel_loop3A_80 : vector<16xi32>
      %parallel_loop3A_82 = arith.addi %parallel_loop3A_81, %broadcast_in_dim3A_27 : vector<16xi32>
      tpu.vector_store_idx %arg9[%parallel_loop3A_82], %parallel_loop3A_74 : memref<80000xf32, #tpu.memory_space<vmem>>[vector<16xi32>], vector<16xf32>,
    } {sc.loop_unroll_factor = 4 : i64, sc.parallel_access}
    "tpu.region"() ({
      %run_scoped3A = tpu.sem_alloc : memref<!tpu.dma_semaphore, #tpu.memory_space<semaphore_mem>>
      %dma_start3A = arith.constant 40960 : i32
      %dma_start3A_61 = tpu.memref_slice %arg4[%dma_start3A] : memref<81920xf32, #tpu.memory_space<hbm>> -> memref<10240xf32, #tpu.memory_space<hbm>>
      %dma_start3A_62 = arith.constant 40960 : i32
      %dma_start3A_63 = tpu.memref_slice %arg4[%dma_start3A_62] : memref<81920xf32, #tpu.memory_space<hbm>> -> memref<10240xf32, #tpu.memory_space<hbm>>
      tpu.enqueue_dma source(%dma_start3A_63 : memref<10240xf32, #tpu.memory_space<hbm>>) target(%arg7 : memref<10240xf32, #tpu.memory_space<vmem>>) target_semaphore(%run_scoped3A : memref<!tpu.dma_semaphore, #tpu.memory_space<semaphore_mem>>)
      %dma_wait3A = arith.constant 40960 : i32
      %dma_wait3A_64 = tpu.memref_slice %arg4[%dma_wait3A] : memref<81920xf32, #tpu.memory_space<hbm>> -> memref<10240xf32, #tpu.memory_space<hbm>>
      %dma_wait3A_65 = arith.constant 40960 : i32
      %dma_wait3A_66 = tpu.memref_slice %arg4[%dma_wait3A_65] : memref<81920xf32, #tpu.memory_space<hbm>> -> memref<10240xf32, #tpu.memory_space<hbm>>
      tpu.wait_dma2 semaphore(%run_scoped3A : memref<!tpu.dma_semaphore, #tpu.memory_space<semaphore_mem>>) src(%dma_wait3A_66 : memref<10240xf32, #tpu.memory_space<hbm>>) dst(%arg7 : memref<10240xf32, #tpu.memory_space<vmem>>)
      tpu.yield
    }) : () -> ()
    %add3A_31 = arith.constant 1280000 : i32
    %add3A_32 = arith.addi %add3A_31, %mul3A_2 : i32
    "tpu.region"() ({
      %run_scoped3A = tpu.sem_alloc : memref<!tpu.dma_semaphore, #tpu.memory_space<semaphore_mem>>
      %dma_start3A = tpu.memref_slice %arg3[%add3A_32] : memref<2560000xf32, #tpu.memory_space<hbm>> -> memref<10000xf32, #tpu.memory_space<hbm>>
      %dma_start3A_61 = tpu.memref_slice %arg3[%add3A_32] : memref<2560000xf32, #tpu.memory_space<hbm>> -> memref<10000xf32, #tpu.memory_space<hbm>>
      tpu.enqueue_dma source(%dma_start3A_61 : memref<10000xf32, #tpu.memory_space<hbm>>) target(%arg8 : memref<10000xf32, #tpu.memory_space<vmem>>) target_semaphore(%run_scoped3A : memref<!tpu.dma_semaphore, #tpu.memory_space<semaphore_mem>>)
      %dma_wait3A = tpu.memref_slice %arg3[%add3A_32] : memref<2560000xf32, #tpu.memory_space<hbm>> -> memref<10000xf32, #tpu.memory_space<hbm>>
      %dma_wait3A_62 = tpu.memref_slice %arg3[%add3A_32] : memref<2560000xf32, #tpu.memory_space<hbm>> -> memref<10000xf32, #tpu.memory_space<hbm>>
      tpu.wait_dma2 semaphore(%run_scoped3A : memref<!tpu.dma_semaphore, #tpu.memory_space<semaphore_mem>>) src(%dma_wait3A_62 : memref<10000xf32, #tpu.memory_space<hbm>>) dst(%arg8 : memref<10000xf32, #tpu.memory_space<vmem>>)
      tpu.yield
    }) : () -> ()
    %broadcast_in_dim3A_33 = arith.constant 4 : i32
    %broadcast_in_dim3A_34 = vector.broadcast %broadcast_in_dim3A_33 : i32 to vector<16xi32>
    %parallel_loop3A_35 = arith.constant 0 : i32
    %parallel_loop3A_36 = arith.constant 625 : i32
    %parallel_loop3A_37 = arith.constant 1 : i32
    scf.for %parallel_loop3A_61 = %parallel_loop3A_35 to %parallel_loop3A_36 step %parallel_loop3A_37  : i32 {
      %parallel_loop3A_62 = arith.constant 16 : i32
      %parallel_loop3A_63 = arith.muli %parallel_loop3A_61, %parallel_loop3A_62 : i32
      %parallel_loop3A_64 = arith.index_cast %parallel_loop3A_63 : i32 to index
      %parallel_loop3A_65 = tpu.vector_load %arg6[%parallel_loop3A_64] {strides = array<i32>} : memref<10000xi32, #tpu.memory_space<vmem>>, vector<16xi32>,
      %parallel_loop3A_66 = tpu.vector_load_idx %arg7[%parallel_loop3A_65] : memref<10240xf32, #tpu.memory_space<vmem>>[vector<16xi32>], vector<16xf32>,
      %parallel_loop3A_67 = arith.constant 16 : i32
      %parallel_loop3A_68 = arith.muli %parallel_loop3A_61, %parallel_loop3A_67 : i32
      %parallel_loop3A_69 = arith.index_cast %parallel_loop3A_68 : i32 to index
      %parallel_loop3A_70 = tpu.vector_load %arg8[%parallel_loop3A_69] {strides = array<i32>} : memref<10000xf32, #tpu.memory_space<vmem>>, vector<16xf32>,
      %parallel_loop3A_71 = arith.constant 1.000000e-16 : f32
      %parallel_loop3A_72 = vector.broadcast %parallel_loop3A_71 : f32 to vector<16xf32>
      %parallel_loop3A_73 = arith.addf %parallel_loop3A_66, %parallel_loop3A_72 : vector<16xf32>
      %parallel_loop3A_74 = arith.divf %parallel_loop3A_70, %parallel_loop3A_73 : vector<16xf32>
      %parallel_loop3A_75 = arith.constant 16 : i32
      %parallel_loop3A_76 = arith.muli %parallel_loop3A_61, %parallel_loop3A_75 : i32
      %parallel_loop3A_77 = vector.broadcast %parallel_loop3A_76 : i32 to vector<16xi32>
      %parallel_loop3A_78 = arith.addi %parallel_loop3A_77, %iota3A : vector<16xi32>
      %parallel_loop3A_79 = arith.constant 8 : i32
      %parallel_loop3A_80 = vector.broadcast %parallel_loop3A_79 : i32 to vector<16xi32>
      %parallel_loop3A_81 = arith.muli %parallel_loop3A_78, %parallel_loop3A_80 : vector<16xi32>
      %parallel_loop3A_82 = arith.addi %parallel_loop3A_81, %broadcast_in_dim3A_34 : vector<16xi32>
      tpu.vector_store_idx %arg9[%parallel_loop3A_82], %parallel_loop3A_74 : memref<80000xf32, #tpu.memory_space<vmem>>[vector<16xi32>], vector<16xf32>,
    } {sc.loop_unroll_factor = 4 : i64, sc.parallel_access}
    "tpu.region"() ({
      %run_scoped3A = tpu.sem_alloc : memref<!tpu.dma_semaphore, #tpu.memory_space<semaphore_mem>>
      %dma_start3A = arith.constant 51200 : i32
      %dma_start3A_61 = tpu.memref_slice %arg4[%dma_start3A] : memref<81920xf32, #tpu.memory_space<hbm>> -> memref<10240xf32, #tpu.memory_space<hbm>>
      %dma_start3A_62 = arith.constant 51200 : i32
      %dma_start3A_63 = tpu.memref_slice %arg4[%dma_start3A_62] : memref<81920xf32, #tpu.memory_space<hbm>> -> memref<10240xf32, #tpu.memory_space<hbm>>
      tpu.enqueue_dma source(%dma_start3A_63 : memref<10240xf32, #tpu.memory_space<hbm>>) target(%arg7 : memref<10240xf32, #tpu.memory_space<vmem>>) target_semaphore(%run_scoped3A : memref<!tpu.dma_semaphore, #tpu.memory_space<semaphore_mem>>)
      %dma_wait3A = arith.constant 51200 : i32
      %dma_wait3A_64 = tpu.memref_slice %arg4[%dma_wait3A] : memref<81920xf32, #tpu.memory_space<hbm>> -> memref<10240xf32, #tpu.memory_space<hbm>>
      %dma_wait3A_65 = arith.constant 51200 : i32
      %dma_wait3A_66 = tpu.memref_slice %arg4[%dma_wait3A_65] : memref<81920xf32, #tpu.memory_space<hbm>> -> memref<10240xf32, #tpu.memory_space<hbm>>
      tpu.wait_dma2 semaphore(%run_scoped3A : memref<!tpu.dma_semaphore, #tpu.memory_space<semaphore_mem>>) src(%dma_wait3A_66 : memref<10240xf32, #tpu.memory_space<hbm>>) dst(%arg7 : memref<10240xf32, #tpu.memory_space<vmem>>)
      tpu.yield
    }) : () -> ()
    %add3A_38 = arith.constant 1600000 : i32
    %add3A_39 = arith.addi %add3A_38, %mul3A_2 : i32
    "tpu.region"() ({
      %run_scoped3A = tpu.sem_alloc : memref<!tpu.dma_semaphore, #tpu.memory_space<semaphore_mem>>
      %dma_start3A = tpu.memref_slice %arg3[%add3A_39] : memref<2560000xf32, #tpu.memory_space<hbm>> -> memref<10000xf32, #tpu.memory_space<hbm>>
      %dma_start3A_61 = tpu.memref_slice %arg3[%add3A_39] : memref<2560000xf32, #tpu.memory_space<hbm>> -> memref<10000xf32, #tpu.memory_space<hbm>>
      tpu.enqueue_dma source(%dma_start3A_61 : memref<10000xf32, #tpu.memory_space<hbm>>) target(%arg8 : memref<10000xf32, #tpu.memory_space<vmem>>) target_semaphore(%run_scoped3A : memref<!tpu.dma_semaphore, #tpu.memory_space<semaphore_mem>>)
      %dma_wait3A = tpu.memref_slice %arg3[%add3A_39] : memref<2560000xf32, #tpu.memory_space<hbm>> -> memref<10000xf32, #tpu.memory_space<hbm>>
      %dma_wait3A_62 = tpu.memref_slice %arg3[%add3A_39] : memref<2560000xf32, #tpu.memory_space<hbm>> -> memref<10000xf32, #tpu.memory_space<hbm>>
      tpu.wait_dma2 semaphore(%run_scoped3A : memref<!tpu.dma_semaphore, #tpu.memory_space<semaphore_mem>>) src(%dma_wait3A_62 : memref<10000xf32, #tpu.memory_space<hbm>>) dst(%arg8 : memref<10000xf32, #tpu.memory_space<vmem>>)
      tpu.yield
    }) : () -> ()
    %broadcast_in_dim3A_40 = arith.constant 5 : i32
    %broadcast_in_dim3A_41 = vector.broadcast %broadcast_in_dim3A_40 : i32 to vector<16xi32>
    %parallel_loop3A_42 = arith.constant 0 : i32
    %parallel_loop3A_43 = arith.constant 625 : i32
    %parallel_loop3A_44 = arith.constant 1 : i32
    scf.for %parallel_loop3A_61 = %parallel_loop3A_42 to %parallel_loop3A_43 step %parallel_loop3A_44  : i32 {
      %parallel_loop3A_62 = arith.constant 16 : i32
      %parallel_loop3A_63 = arith.muli %parallel_loop3A_61, %parallel_loop3A_62 : i32
      %parallel_loop3A_64 = arith.index_cast %parallel_loop3A_63 : i32 to index
      %parallel_loop3A_65 = tpu.vector_load %arg6[%parallel_loop3A_64] {strides = array<i32>} : memref<10000xi32, #tpu.memory_space<vmem>>, vector<16xi32>,
      %parallel_loop3A_66 = tpu.vector_load_idx %arg7[%parallel_loop3A_65] : memref<10240xf32, #tpu.memory_space<vmem>>[vector<16xi32>], vector<16xf32>,
      %parallel_loop3A_67 = arith.constant 16 : i32
      %parallel_loop3A_68 = arith.muli %parallel_loop3A_61, %parallel_loop3A_67 : i32
      %parallel_loop3A_69 = arith.index_cast %parallel_loop3A_68 : i32 to index
      %parallel_loop3A_70 = tpu.vector_load %arg8[%parallel_loop3A_69] {strides = array<i32>} : memref<10000xf32, #tpu.memory_space<vmem>>, vector<16xf32>,
      %parallel_loop3A_71 = arith.constant 1.000000e-16 : f32
      %parallel_loop3A_72 = vector.broadcast %parallel_loop3A_71 : f32 to vector<16xf32>
      %parallel_loop3A_73 = arith.addf %parallel_loop3A_66, %parallel_loop3A_72 : vector<16xf32>
      %parallel_loop3A_74 = arith.divf %parallel_loop3A_70, %parallel_loop3A_73 : vector<16xf32>
      %parallel_loop3A_75 = arith.constant 16 : i32
      %parallel_loop3A_76 = arith.muli %parallel_loop3A_61, %parallel_loop3A_75 : i32
      %parallel_loop3A_77 = vector.broadcast %parallel_loop3A_76 : i32 to vector<16xi32>
      %parallel_loop3A_78 = arith.addi %parallel_loop3A_77, %iota3A : vector<16xi32>
      %parallel_loop3A_79 = arith.constant 8 : i32
      %parallel_loop3A_80 = vector.broadcast %parallel_loop3A_79 : i32 to vector<16xi32>
      %parallel_loop3A_81 = arith.muli %parallel_loop3A_78, %parallel_loop3A_80 : vector<16xi32>
      %parallel_loop3A_82 = arith.addi %parallel_loop3A_81, %broadcast_in_dim3A_41 : vector<16xi32>
      tpu.vector_store_idx %arg9[%parallel_loop3A_82], %parallel_loop3A_74 : memref<80000xf32, #tpu.memory_space<vmem>>[vector<16xi32>], vector<16xf32>,
    } {sc.loop_unroll_factor = 4 : i64, sc.parallel_access}
    "tpu.region"() ({
      %run_scoped3A = tpu.sem_alloc : memref<!tpu.dma_semaphore, #tpu.memory_space<semaphore_mem>>
      %dma_start3A = arith.constant 61440 : i32
      %dma_start3A_61 = tpu.memref_slice %arg4[%dma_start3A] : memref<81920xf32, #tpu.memory_space<hbm>> -> memref<10240xf32, #tpu.memory_space<hbm>>
      %dma_start3A_62 = arith.constant 61440 : i32
      %dma_start3A_63 = tpu.memref_slice %arg4[%dma_start3A_62] : memref<81920xf32, #tpu.memory_space<hbm>> -> memref<10240xf32, #tpu.memory_space<hbm>>
      tpu.enqueue_dma source(%dma_start3A_63 : memref<10240xf32, #tpu.memory_space<hbm>>) target(%arg7 : memref<10240xf32, #tpu.memory_space<vmem>>) target_semaphore(%run_scoped3A : memref<!tpu.dma_semaphore, #tpu.memory_space<semaphore_mem>>)
      %dma_wait3A = arith.constant 61440 : i32
      %dma_wait3A_64 = tpu.memref_slice %arg4[%dma_wait3A] : memref<81920xf32, #tpu.memory_space<hbm>> -> memref<10240xf32, #tpu.memory_space<hbm>>
      %dma_wait3A_65 = arith.constant 61440 : i32
      %dma_wait3A_66 = tpu.memref_slice %arg4[%dma_wait3A_65] : memref<81920xf32, #tpu.memory_space<hbm>> -> memref<10240xf32, #tpu.memory_space<hbm>>
      tpu.wait_dma2 semaphore(%run_scoped3A : memref<!tpu.dma_semaphore, #tpu.memory_space<semaphore_mem>>) src(%dma_wait3A_66 : memref<10240xf32, #tpu.memory_space<hbm>>) dst(%arg7 : memref<10240xf32, #tpu.memory_space<vmem>>)
      tpu.yield
    }) : () -> ()
    %add3A_45 = arith.constant 1920000 : i32
    %add3A_46 = arith.addi %add3A_45, %mul3A_2 : i32
    "tpu.region"() ({
      %run_scoped3A = tpu.sem_alloc : memref<!tpu.dma_semaphore, #tpu.memory_space<semaphore_mem>>
      %dma_start3A = tpu.memref_slice %arg3[%add3A_46] : memref<2560000xf32, #tpu.memory_space<hbm>> -> memref<10000xf32, #tpu.memory_space<hbm>>
      %dma_start3A_61 = tpu.memref_slice %arg3[%add3A_46] : memref<2560000xf32, #tpu.memory_space<hbm>> -> memref<10000xf32, #tpu.memory_space<hbm>>
      tpu.enqueue_dma source(%dma_start3A_61 : memref<10000xf32, #tpu.memory_space<hbm>>) target(%arg8 : memref<10000xf32, #tpu.memory_space<vmem>>) target_semaphore(%run_scoped3A : memref<!tpu.dma_semaphore, #tpu.memory_space<semaphore_mem>>)
      %dma_wait3A = tpu.memref_slice %arg3[%add3A_46] : memref<2560000xf32, #tpu.memory_space<hbm>> -> memref<10000xf32, #tpu.memory_space<hbm>>
      %dma_wait3A_62 = tpu.memref_slice %arg3[%add3A_46] : memref<2560000xf32, #tpu.memory_space<hbm>> -> memref<10000xf32, #tpu.memory_space<hbm>>
      tpu.wait_dma2 semaphore(%run_scoped3A : memref<!tpu.dma_semaphore, #tpu.memory_space<semaphore_mem>>) src(%dma_wait3A_62 : memref<10000xf32, #tpu.memory_space<hbm>>) dst(%arg8 : memref<10000xf32, #tpu.memory_space<vmem>>)
      tpu.yield
    }) : () -> ()
    %broadcast_in_dim3A_47 = arith.constant 6 : i32
    %broadcast_in_dim3A_48 = vector.broadcast %broadcast_in_dim3A_47 : i32 to vector<16xi32>
    %parallel_loop3A_49 = arith.constant 0 : i32
    %parallel_loop3A_50 = arith.constant 625 : i32
    %parallel_loop3A_51 = arith.constant 1 : i32
    scf.for %parallel_loop3A_61 = %parallel_loop3A_49 to %parallel_loop3A_50 step %parallel_loop3A_51  : i32 {
      %parallel_loop3A_62 = arith.constant 16 : i32
      %parallel_loop3A_63 = arith.muli %parallel_loop3A_61, %parallel_loop3A_62 : i32
      %parallel_loop3A_64 = arith.index_cast %parallel_loop3A_63 : i32 to index
      %parallel_loop3A_65 = tpu.vector_load %arg6[%parallel_loop3A_64] {strides = array<i32>} : memref<10000xi32, #tpu.memory_space<vmem>>, vector<16xi32>,
      %parallel_loop3A_66 = tpu.vector_load_idx %arg7[%parallel_loop3A_65] : memref<10240xf32, #tpu.memory_space<vmem>>[vector<16xi32>], vector<16xf32>,
      %parallel_loop3A_67 = arith.constant 16 : i32
      %parallel_loop3A_68 = arith.muli %parallel_loop3A_61, %parallel_loop3A_67 : i32
      %parallel_loop3A_69 = arith.index_cast %parallel_loop3A_68 : i32 to index
      %parallel_loop3A_70 = tpu.vector_load %arg8[%parallel_loop3A_69] {strides = array<i32>} : memref<10000xf32, #tpu.memory_space<vmem>>, vector<16xf32>,
      %parallel_loop3A_71 = arith.constant 1.000000e-16 : f32
      %parallel_loop3A_72 = vector.broadcast %parallel_loop3A_71 : f32 to vector<16xf32>
      %parallel_loop3A_73 = arith.addf %parallel_loop3A_66, %parallel_loop3A_72 : vector<16xf32>
      %parallel_loop3A_74 = arith.divf %parallel_loop3A_70, %parallel_loop3A_73 : vector<16xf32>
      %parallel_loop3A_75 = arith.constant 16 : i32
      %parallel_loop3A_76 = arith.muli %parallel_loop3A_61, %parallel_loop3A_75 : i32
      %parallel_loop3A_77 = vector.broadcast %parallel_loop3A_76 : i32 to vector<16xi32>
      %parallel_loop3A_78 = arith.addi %parallel_loop3A_77, %iota3A : vector<16xi32>
      %parallel_loop3A_79 = arith.constant 8 : i32
      %parallel_loop3A_80 = vector.broadcast %parallel_loop3A_79 : i32 to vector<16xi32>
      %parallel_loop3A_81 = arith.muli %parallel_loop3A_78, %parallel_loop3A_80 : vector<16xi32>
      %parallel_loop3A_82 = arith.addi %parallel_loop3A_81, %broadcast_in_dim3A_48 : vector<16xi32>
      tpu.vector_store_idx %arg9[%parallel_loop3A_82], %parallel_loop3A_74 : memref<80000xf32, #tpu.memory_space<vmem>>[vector<16xi32>], vector<16xf32>,
    } {sc.loop_unroll_factor = 4 : i64, sc.parallel_access}
    "tpu.region"() ({
      %run_scoped3A = tpu.sem_alloc : memref<!tpu.dma_semaphore, #tpu.memory_space<semaphore_mem>>
      %dma_start3A = arith.constant 71680 : i32
      %dma_start3A_61 = tpu.memref_slice %arg4[%dma_start3A] : memref<81920xf32, #tpu.memory_space<hbm>> -> memref<10240xf32, #tpu.memory_space<hbm>>
      %dma_start3A_62 = arith.constant 71680 : i32
      %dma_start3A_63 = tpu.memref_slice %arg4[%dma_start3A_62] : memref<81920xf32, #tpu.memory_space<hbm>> -> memref<10240xf32, #tpu.memory_space<hbm>>
      tpu.enqueue_dma source(%dma_start3A_63 : memref<10240xf32, #tpu.memory_space<hbm>>) target(%arg7 : memref<10240xf32, #tpu.memory_space<vmem>>) target_semaphore(%run_scoped3A : memref<!tpu.dma_semaphore, #tpu.memory_space<semaphore_mem>>)
      %dma_wait3A = arith.constant 71680 : i32
      %dma_wait3A_64 = tpu.memref_slice %arg4[%dma_wait3A] : memref<81920xf32, #tpu.memory_space<hbm>> -> memref<10240xf32, #tpu.memory_space<hbm>>
      %dma_wait3A_65 = arith.constant 71680 : i32
      %dma_wait3A_66 = tpu.memref_slice %arg4[%dma_wait3A_65] : memref<81920xf32, #tpu.memory_space<hbm>> -> memref<10240xf32, #tpu.memory_space<hbm>>
      tpu.wait_dma2 semaphore(%run_scoped3A : memref<!tpu.dma_semaphore, #tpu.memory_space<semaphore_mem>>) src(%dma_wait3A_66 : memref<10240xf32, #tpu.memory_space<hbm>>) dst(%arg7 : memref<10240xf32, #tpu.memory_space<vmem>>)
      tpu.yield
    }) : () -> ()
    %add3A_52 = arith.constant 2240000 : i32
    %add3A_53 = arith.addi %add3A_52, %mul3A_2 : i32
    "tpu.region"() ({
      %run_scoped3A = tpu.sem_alloc : memref<!tpu.dma_semaphore, #tpu.memory_space<semaphore_mem>>
      %dma_start3A = tpu.memref_slice %arg3[%add3A_53] : memref<2560000xf32, #tpu.memory_space<hbm>> -> memref<10000xf32, #tpu.memory_space<hbm>>
      %dma_start3A_61 = tpu.memref_slice %arg3[%add3A_53] : memref<2560000xf32, #tpu.memory_space<hbm>> -> memref<10000xf32, #tpu.memory_space<hbm>>
      tpu.enqueue_dma source(%dma_start3A_61 : memref<10000xf32, #tpu.memory_space<hbm>>) target(%arg8 : memref<10000xf32, #tpu.memory_space<vmem>>) target_semaphore(%run_scoped3A : memref<!tpu.dma_semaphore, #tpu.memory_space<semaphore_mem>>)
      %dma_wait3A = tpu.memref_slice %arg3[%add3A_53] : memref<2560000xf32, #tpu.memory_space<hbm>> -> memref<10000xf32, #tpu.memory_space<hbm>>
      %dma_wait3A_62 = tpu.memref_slice %arg3[%add3A_53] : memref<2560000xf32, #tpu.memory_space<hbm>> -> memref<10000xf32, #tpu.memory_space<hbm>>
      tpu.wait_dma2 semaphore(%run_scoped3A : memref<!tpu.dma_semaphore, #tpu.memory_space<semaphore_mem>>) src(%dma_wait3A_62 : memref<10000xf32, #tpu.memory_space<hbm>>) dst(%arg8 : memref<10000xf32, #tpu.memory_space<vmem>>)
      tpu.yield
    }) : () -> ()
    %broadcast_in_dim3A_54 = arith.constant 7 : i32
    %broadcast_in_dim3A_55 = vector.broadcast %broadcast_in_dim3A_54 : i32 to vector<16xi32>
    %parallel_loop3A_56 = arith.constant 0 : i32
    %parallel_loop3A_57 = arith.constant 625 : i32
    %parallel_loop3A_58 = arith.constant 1 : i32
    scf.for %parallel_loop3A_61 = %parallel_loop3A_56 to %parallel_loop3A_57 step %parallel_loop3A_58  : i32 {
      %parallel_loop3A_62 = arith.constant 16 : i32
      %parallel_loop3A_63 = arith.muli %parallel_loop3A_61, %parallel_loop3A_62 : i32
      %parallel_loop3A_64 = arith.index_cast %parallel_loop3A_63 : i32 to index
      %parallel_loop3A_65 = tpu.vector_load %arg6[%parallel_loop3A_64] {strides = array<i32>} : memref<10000xi32, #tpu.memory_space<vmem>>, vector<16xi32>,
      %parallel_loop3A_66 = tpu.vector_load_idx %arg7[%parallel_loop3A_65] : memref<10240xf32, #tpu.memory_space<vmem>>[vector<16xi32>], vector<16xf32>,
      %parallel_loop3A_67 = arith.constant 16 : i32
      %parallel_loop3A_68 = arith.muli %parallel_loop3A_61, %parallel_loop3A_67 : i32
      %parallel_loop3A_69 = arith.index_cast %parallel_loop3A_68 : i32 to index
      %parallel_loop3A_70 = tpu.vector_load %arg8[%parallel_loop3A_69] {strides = array<i32>} : memref<10000xf32, #tpu.memory_space<vmem>>, vector<16xf32>,
      %parallel_loop3A_71 = arith.constant 1.000000e-16 : f32
      %parallel_loop3A_72 = vector.broadcast %parallel_loop3A_71 : f32 to vector<16xf32>
      %parallel_loop3A_73 = arith.addf %parallel_loop3A_66, %parallel_loop3A_72 : vector<16xf32>
      %parallel_loop3A_74 = arith.divf %parallel_loop3A_70, %parallel_loop3A_73 : vector<16xf32>
      %parallel_loop3A_75 = arith.constant 16 : i32
      %parallel_loop3A_76 = arith.muli %parallel_loop3A_61, %parallel_loop3A_75 : i32
      %parallel_loop3A_77 = vector.broadcast %parallel_loop3A_76 : i32 to vector<16xi32>
      %parallel_loop3A_78 = arith.addi %parallel_loop3A_77, %iota3A : vector<16xi32>
      %parallel_loop3A_79 = arith.constant 8 : i32
      %parallel_loop3A_80 = vector.broadcast %parallel_loop3A_79 : i32 to vector<16xi32>
      %parallel_loop3A_81 = arith.muli %parallel_loop3A_78, %parallel_loop3A_80 : vector<16xi32>
      %parallel_loop3A_82 = arith.addi %parallel_loop3A_81, %broadcast_in_dim3A_55 : vector<16xi32>
      tpu.vector_store_idx %arg9[%parallel_loop3A_82], %parallel_loop3A_74 : memref<80000xf32, #tpu.memory_space<vmem>>[vector<16xi32>], vector<16xf32>,
    } {sc.loop_unroll_factor = 4 : i64, sc.parallel_access}
    %mul3A_59 = arith.constant 8 : i32
    %mul3A_60 = arith.muli %mul3A_2, %mul3A_59 : i32
    "tpu.region"() ({
      %run_scoped3A = tpu.sem_alloc : memref<!tpu.dma_semaphore, #tpu.memory_space<semaphore_mem>>
      %dma_start3A = tpu.memref_slice %arg5[%mul3A_60] : memref<2560000xf32, #tpu.memory_space<hbm>> -> memref<80000xf32, #tpu.memory_space<hbm>>
      %dma_start3A_61 = tpu.memref_slice %arg5[%mul3A_60] : memref<2560000xf32, #tpu.memory_space<hbm>> -> memref<80000xf32, #tpu.memory_space<hbm>>
      tpu.enqueue_dma source(%arg9 : memref<80000xf32, #tpu.memory_space<vmem>>) target(%dma_start3A_61 : memref<80000xf32, #tpu.memory_space<hbm>>) target_semaphore(%run_scoped3A : memref<!tpu.dma_semaphore, #tpu.memory_space<semaphore_mem>>)
      %dma_wait3A = tpu.memref_slice %arg5[%mul3A_60] : memref<2560000xf32, #tpu.memory_space<hbm>> -> memref<80000xf32, #tpu.memory_space<hbm>>
      %dma_wait3A_62 = tpu.memref_slice %arg5[%mul3A_60] : memref<2560000xf32, #tpu.memory_space<hbm>> -> memref<80000xf32, #tpu.memory_space<hbm>>
      tpu.wait_dma2 semaphore(%run_scoped3A : memref<!tpu.dma_semaphore, #tpu.memory_space<semaphore_mem>>) src(%arg9 : memref<80000xf32, #tpu.memory_space<vmem>>) dst(%dma_wait3A_62 : memref<80000xf32, #tpu.memory_space<hbm>>)
      tpu.yield
    }) : () -> ()
    return
  }
}

module attributes {stable_mosaic.version = 14 : i64} {
  func.func @_k0_body(%arg0: i32, %arg1: memref<16x128xf32, #tpu.memory_space<vmem>>, %arg2: memref<2048x128xf32, #tpu.memory_space<vmem>>, %arg3: memref<16x2048xf32, #tpu.memory_space<vmem>>, %arg4: memref<16x128xf32, #tpu.memory_space<vmem>>) attributes {dimension_semantics = [#tpu.dimension_semantics<arbitrary>], iteration_bounds = array<i64: 5>, scalar_prefetch = 0 : i64, scratch_operands = 0 : i64, tpu.core_type = #tpu.core_type<tc>, window_params = [{pipeline_mode = #tpu.pipeline_mode<synchronous>, transform_indices = @transform_0, window_bounds = array<i64: 16, 128>}, {transform_indices = @transform_1, window_bounds = array<i64: 2048, 128>}, {transform_indices = @transform_2, window_bounds = array<i64: 16, 2048>}, {pipeline_mode = #tpu.pipeline_mode<synchronous>, transform_indices = @transform_3, window_bounds = array<i64: 16, 128>}]} {
    %get3A = arith.constant 0 : index
    %get3A_0 = arith.constant 0 : index
    %get3A_1 = vector.load %arg1[%get3A, %get3A_0] : memref<16x128xf32, #tpu.memory_space<vmem>>, vector<16x128xf32>
    %get3A_2 = arith.constant 0 : index
    %get3A_3 = arith.constant 0 : index
    %get3A_4 = vector.load %arg2[%get3A_2, %get3A_3] : memref<2048x128xf32, #tpu.memory_space<vmem>>, vector<2048x128xf32>
    %dot_general3A = arith.constant dense<0.000000e+00> : vector<16x2048xf32>
    %dot_general3A_5 = tpu.matmul %get3A_1, %get3A_4, %dot_general3A {dimension_numbers = #tpu.dot_dimension_numbers<[1], [1], [0], [0], [0, 0, 1, 0], [], []>, transpose_lhs_hint = false} : vector<16x128xf32>, vector<2048x128xf32>, vector<16x2048xf32> -> vector<16x2048xf32>
    %swap3A = arith.constant 0 : index
    %swap3A_6 = arith.constant 0 : index
    %swap3A_7 = vector.load %arg3[%swap3A, %swap3A_6] : memref<16x2048xf32, #tpu.memory_space<vmem>>, vector<16x2048xf32>
    tpu.vector_store %arg3[%swap3A, %swap3A_6], %dot_general3A_5 {strides = array<i32>} : memref<16x2048xf32, #tpu.memory_space<vmem>>, vector<16x2048xf32>,
    %reduce_max3A = arith.constant dense<0xFF800000> : vector<16xf32>
    %reduce_max3A_8 = vector.multi_reduction <maximumf>, %dot_general3A_5, %reduce_max3A [1] : vector<16x2048xf32> to vector<16xf32>
    %broadcast_in_dim3A = vector.shape_cast %reduce_max3A_8 : vector<16xf32> to vector<16x1xf32>
    %broadcast_in_dim3A_9 = vector.shape_cast %broadcast_in_dim3A : vector<16x1xf32> to vector<16x1xf32>
    %broadcast_in_dim3A_10 = vector.broadcast %broadcast_in_dim3A_9 : vector<16x1xf32> to vector<16x128xf32>
    %eq3A = arith.constant 0 : i32
    %eq3A_11 = arith.cmpi eq, %arg0, %eq3A : i32
    %convert_element_type3A = arith.extui %eq3A_11 : i1 to i32
    %cond3A = arith.constant 0 : i32
    %cond3A_12 = arith.cmpi ne, %convert_element_type3A, %cond3A : i32
    scf.if %cond3A_12 {
      %swap3A_17 = arith.constant 0 : index
      %swap3A_18 = arith.constant 0 : index
      %swap3A_19 = vector.load %arg4[%swap3A_17, %swap3A_18] : memref<16x128xf32, #tpu.memory_space<vmem>>, vector<16x128xf32>
      tpu.vector_store %arg4[%swap3A_17, %swap3A_18], %broadcast_in_dim3A_10 {strides = array<i32>} : memref<16x128xf32, #tpu.memory_space<vmem>>, vector<16x128xf32>,
    } else {
    }
    %gt3A = arith.constant 0 : i32
    %gt3A_13 = arith.cmpi sgt, %arg0, %gt3A : i32
    %convert_element_type3A_14 = arith.extui %gt3A_13 : i1 to i32
    %cond3A_15 = arith.constant 0 : i32
    %cond3A_16 = arith.cmpi ne, %convert_element_type3A_14, %cond3A_15 : i32
    scf.if %cond3A_16 {
      %get3A_17 = arith.constant 0 : index
      %get3A_18 = arith.constant 0 : index
      %get3A_19 = vector.load %arg4[%get3A_17, %get3A_18] : memref<16x128xf32, #tpu.memory_space<vmem>>, vector<16x128xf32>
      %max3A = arith.maximumf %get3A_19, %broadcast_in_dim3A_10 : vector<16x128xf32>
      %swap3A_20 = arith.constant 0 : index
      %swap3A_21 = arith.constant 0 : index
      %swap3A_22 = vector.load %arg4[%swap3A_20, %swap3A_21] : memref<16x128xf32, #tpu.memory_space<vmem>>, vector<16x128xf32>
      tpu.vector_store %arg4[%swap3A_20, %swap3A_21], %max3A {strides = array<i32>} : memref<16x128xf32, #tpu.memory_space<vmem>>, vector<16x128xf32>,
    } else {
    }
    return
  }
  func.func @transform_0(%arg0: i32) -> (i32, i32) {
    %c0_i32 = arith.constant 0 : i32
    %c0_i32_0 = arith.constant 0 : i32
    %c0_i32_1 = arith.constant 0 : i32
    return %c0_i32, %c0_i32_0 : i32, i32
  }
  func.func @transform_1(%arg0: i32) -> (i32, i32) {
    %c0_i32 = arith.constant 0 : i32
    %c0_i32_0 = arith.constant 0 : i32
    return %arg0, %c0_i32 : i32, i32
  }
  func.func @transform_2(%arg0: i32) -> (i32, i32) {
    %c0_i32 = arith.constant 0 : i32
    %c0_i32_0 = arith.constant 0 : i32
    return %c0_i32, %arg0 : i32, i32
  }
  func.func @transform_3(%arg0: i32) -> (i32, i32) {
    %c0_i32 = arith.constant 0 : i32
    %c0_i32_0 = arith.constant 0 : i32
    %c0_i32_1 = arith.constant 0 : i32
    return %c0_i32, %c0_i32_0 : i32, i32
  }
}

module attributes {stable_mosaic.version = 14 : i64} {
  func.func @_k2_body(%arg0: i32, %arg1: i32, %arg2: i32, %arg3: memref<2048xf32, #tpu.memory_space<vmem>>, %arg4: memref<2048xf32, #tpu.memory_space<vmem>>) attributes {dimension_semantics = [#tpu.dimension_semantics<arbitrary>, #tpu.dimension_semantics<arbitrary>, #tpu.dimension_semantics<arbitrary>], iteration_bounds = array<i64: 8, 5, 32>, scalar_prefetch = 0 : i64, scratch_operands = 0 : i64, tpu.core_type = #tpu.core_type<tc>, window_params = [{transform_indices = @transform_0, window_bounds = array<i64: 2048>}, {transform_indices = @transform_1, window_bounds = array<i64: 2048>}]} {
    %eq3A = arith.constant 0 : i32
    %eq3A_0 = arith.cmpi eq, %arg2, %eq3A : i32
    %convert_element_type3A = arith.extui %eq3A_0 : i1 to i32
    %cond3A = arith.constant 0 : i32
    %cond3A_1 = arith.cmpi ne, %convert_element_type3A, %cond3A : i32
    scf.if %cond3A_1 {
      %get3A = arith.constant 0 : index
      %get3A_6 = vector.load %arg3[%get3A] : memref<2048xf32, #tpu.memory_space<vmem>>, vector<2048xf32>
      %swap3A = arith.constant 0 : index
      %swap3A_7 = vector.load %arg4[%swap3A] : memref<2048xf32, #tpu.memory_space<vmem>>, vector<2048xf32>
      tpu.vector_store %arg4[%swap3A], %get3A_6 {strides = array<i32>} : memref<2048xf32, #tpu.memory_space<vmem>>, vector<2048xf32>,
    } else {
    }
    %gt3A = arith.constant 0 : i32
    %gt3A_2 = arith.cmpi sgt, %arg2, %gt3A : i32
    %convert_element_type3A_3 = arith.extui %gt3A_2 : i1 to i32
    %cond3A_4 = arith.constant 0 : i32
    %cond3A_5 = arith.cmpi ne, %convert_element_type3A_3, %cond3A_4 : i32
    scf.if %cond3A_5 {
      %get3A = arith.constant 0 : index
      %get3A_6 = vector.load %arg4[%get3A] : memref<2048xf32, #tpu.memory_space<vmem>>, vector<2048xf32>
      %get3A_7 = arith.constant 0 : index
      %get3A_8 = vector.load %arg3[%get3A_7] : memref<2048xf32, #tpu.memory_space<vmem>>, vector<2048xf32>
      %add3A = arith.addf %get3A_6, %get3A_8 : vector<2048xf32>
      %swap3A = arith.constant 0 : index
      %swap3A_9 = vector.load %arg4[%swap3A] : memref<2048xf32, #tpu.memory_space<vmem>>, vector<2048xf32>
      tpu.vector_store %arg4[%swap3A], %add3A {strides = array<i32>} : memref<2048xf32, #tpu.memory_space<vmem>>, vector<2048xf32>,
    } else {
    }
    return
  }
  func.func @transform_0(%arg0: i32, %arg1: i32, %arg2: i32) -> i32 {
    %mul3A = arith.constant 8 : i32
    %mul3A_0 = arith.muli %arg2, %mul3A : i32
    %add3A = arith.addi %mul3A_0, %arg0 : i32
    %mul3A_1 = arith.constant 5 : i32
    %mul3A_2 = arith.muli %add3A, %mul3A_1 : i32
    %add3A_3 = arith.addi %mul3A_2, %arg1 : i32
    %c0_i32 = arith.constant 0 : i32
    return %add3A_3 : i32
  }
  func.func @transform_1(%arg0: i32, %arg1: i32, %arg2: i32) -> i32 {
    %mul3A = arith.constant 5 : i32
    %mul3A_0 = arith.muli %arg0, %mul3A : i32
    %add3A = arith.addi %mul3A_0, %arg1 : i32
    %c0_i32 = arith.constant 0 : i32
    return %add3A : i32
  }
}

</mosaic_0001>

<sc_bundles>
// kernel: kernel.6.cloned.1.call-start
scs
__scs_entry_jumppad:
0x0: {  	(pc) =	sbr.rel $0x88, $3  }
0x1: {  	(tag) =	ssettag $0x0;
	lr =	simm.s32 $0x1  }
0x2: {  	[smem:$0x3F9D] =	sst lr;
	_ =	strace $0xD0000000  }
0x3: {  	_ = 	snop  }
0x4: {  	_ = 	snop  }
0x5: {  	_ = 	snop  }
0x6: {  	_ = 	snop  }
0x7: {  	_ = 	snop  }
__scs_overlays_trampoline_lowered:
0x8: {  	[smem:$0x3FAC] =	sst s0  }
0x9: {  	[smem:$0x3FAD] =	sst s1  }
0xa: {  	[smem:$0x3FAE] =	sst s2  }
0xb: {  	[smem:$0x3FAF] =	sst s3  }
0xc: {  	[smem:$0x3FB0] =	sst s4  }
0xd: {  	[smem:$0x3FB1] =	sst s5  }
0xe: {  	[smem:$0x3FB2] =	sst s6  }
0xf: {  	[smem:$0x3FB3] =	sst s7  }
0x10: {  	[smem:$0x3FB4] =	sst s8  }
0x11: {  	[smem:$0x3FB5] =	sst s9;
	s0 =	simm.s32 @!p0 $0x0  }
0x12: {  	s1 =	sld [smem:$0x3F9B];
	s0 =	simm.s32 @p0 $0x1  }
0x13: {  	[smem:$0x3FB6] =	sst s0;
	s0 =	simm.s32 @!p1 $0x0  }
0x14: {  	s2 =	sld [smem:$0x3F9A];
	s0 =	simm.s32 @p1 $0x1  }
0x15: {  	[smem:$0x3FB7] =	sst s0;
	s0 =	simm.s32 @!p2 $0x0  }
0x16: {  	s3 =	sld [smem:$0x3FDB];
	s0 =	simm.s32 @p2 $0x1  }
0x17: {  	s4 =	simm.s32 $0x1BF5;
	[smem:$0x3FB9] =	sst s0  }
0x18: {  	s0 =	sld [smem:$0x3F9C];
	_ =	swait.ge [sflag:s4], $0x0  }
0x19: {  	s7 =	sld [smem:$0x3F9D]  }
0x1a: {  	s8 =	sadd.s32 $0xFFFFE003, lr  }
0x1b: {  	s9 =	sadd.s32 $0xFFFFFEF7, lr;
	s5 =	simm.s32 $0xFFFFFFFF;
	p2 =	slt.u32 s8, $0xFFFFF086  }
0x1c: {  	p1 =	slt.u32 s9, $0xF7A;
	s5 =	simm.s32 @!p2 $0x0  }
0x1d: {  	s5 =	simm.s32 @p1 $0x1;
	p0 =	seq.s32 s7, s2  }
0x1e: {  	s7 =	smul.u32 @!p0 $0xF7A, s2;
	p2 =	seq.s32 @!p0 s5, $0x0  }
0x1f: {  	s9 =	smul.u32 $0xF7A, s1;
	s8 =	simm.s32 @!p0 $0x1BF5;
	p2 =	por !p2, p0  }
0x20: {  	[sflag:s8] =	ssyncset.s32 @!p0 $0xFFFFF086;
	s6 =	sadd.s32 @!p0 s3, s7;
	s7 =	simm.s32 @!p0 $0x108  }
0x21: {  	s3 =	sadd.s32 s3, s9;
	s6 =	sadd.s32 @!p0 $0x88, s6;
	s7 =	simm.s32 @p2 $0x1082  }
0x22: {  	[simem:s7], [sflag:s8] =	dma.local @!p0 [hbm:s6], $0xF7A  }
0x23: {  	s9 =	sor.u32 $0xD0000000, s2;
	s6 =	simm.s32 $0x108;
	_ =	swait.ge @!p0 [sflag:s8], $0x0  }
0x24: {  	s3 =	sadd.s32 $0x88, s3;
	s6 =	simm.s32 @!p1 $0x1082;
	[sflag:s4] =	ssyncset.s32 $0xFFFFF086  }
0x25: {  	[simem:s6], [sflag:s4] =	dma.local [hbm:s3], $0xF7A  }
0x26: {  	[smem:$0x3F9D] =	sst s1;
	(tag) =	ssettag s2;
	_ =	strace s9  }
0x27: {  	s1 =	sld [smem:$0x3FAD]  }
0x28: {  	s2 =	sld [smem:$0x3FAE]  }
0x29: {  	s4 =	sld [smem:$0x3FB0]  }
0x2a: {  	p0 =	seq.s32 s5, $0x0;
	s5 =	sld [smem:$0x3FB1]  }
0x2b: {  	s6 =	sld [smem:$0x3FB2]  }
0x2c: {  	s7 =	sld [smem:$0x3FB3]  }
0x2d: {  	s3 =	simm.s32 $0x108;
	s8 =	sld [smem:$0x3FB4]  }
0x2e: {  	s3 =	simm.s32 @!p0 $0x1082;
	s9 =	sld [smem:$0x3FB5]  }
0x2f: {  	lr =	sadd.s32 s0, s3;
	s0 =	sld [smem:$0x3FAC]  }
0x30: {  	s3 =	sld [smem:$0x3FAF]  }
0x31: {  	[smem:$0x3FB8] =	sst s10  }
0x32: {  	s10 =	sld [smem:$0x3FB6];
	_ =	sdelay $0x3  }
0x33: {  	p0 =	seq.s32 s10, $0x1;
	s10 =	sld [smem:$0x3FB8];
	_ =	sdelay $0x3  }
0x34: {  	[smem:$0x3FB8] =	sst s10  }
0x35: {  	s10 =	sld [smem:$0x3FB7];
	_ =	sdelay $0x3  }
0x36: {  	p1 =	seq.s32 s10, $0x1;
	s10 =	sld [smem:$0x3FB8];
	_ =	sdelay $0x3  }
0x37: {  	[smem:$0x3FB8] =	sst s10  }
0x38: {  	s10 =	sld [smem:$0x3FB9]  }
0x39: {  	_ = 	snop;
	(pc) =	sbr.ind lr, $3  }
0x3a: {  	_ = 	snop  }
0x3b: {  	_ = 	snop  }
0x3c: {  	p2 =	seq.s32 s10, $0x1;
	s10 =	sld [smem:$0x3FB8]  }
0x3d: {  	_ =	shalt  }
0x3e: {  	_ =	shalt  }
0x3f: {  	_ =	shalt  }
0x40: {  	_ =	shalt  }
0x41: {  	_ =	shalt  }
0x42: {  	_ =	shalt  }
0x43: {  	_ =	shalt  }
0x44: {  	_ =	shalt  }
0x45: {  	_ =	shalt  }
0x46: {  	_ =	shalt  }
0x47: {  	_ =	shalt  }
0x48: {  	_ =	shalt  }
0x49: {  	_ =	shalt  }
0x4a: {  	_ =	shalt  }
0x4b: {  	_ =	shalt  }
0x4c: {  	_ =	shalt  }
0x4d: {  	_ =	shalt  }
0x4e: {  	_ =	shalt  }
0x4f: {  	_ =	shalt  }
0x50: {  	_ =	shalt  }
0x51: {  	_ =	shalt  }
0x52: {  	_ =	shalt  }
0x53: {  	_ =	shalt  }
0x54: {  	_ =	shalt  }
0x55: {  	_ =	shalt  }
0x56: {  	_ =	shalt  }
0x57: {  	_ =	shalt  }
0x58: {  	_ =	shalt  }
0x59: {  	_ =	shalt  }
0x5a: {  	_ =	shalt  }
0x5b: {  	_ =	shalt  }
0x5c: {  	_ =	shalt  }
0x5d: {  	_ =	shalt  }
0x5e: {  	_ =	shalt  }
0x5f: {  	_ =	shalt  }
0x60: {  	_ =	shalt  }
0x61: {  	_ =	shalt  }
0x62: {  	_ =	shalt  }
0x63: {  	_ =	shalt  }
0x64: {  	_ =	shalt  }
0x65: {  	_ =	shalt  }
0x66: {  	_ =	shalt  }
0x67: {  	_ =	shalt  }
0x68: {  	_ =	shalt  }
0x69: {  	_ =	shalt  }
0x6a: {  	_ =	shalt  }
0x6b: {  	_ =	shalt  }
0x6c: {  	_ =	shalt  }
0x6d: {  	_ =	shalt  }
0x6e: {  	_ =	shalt  }
0x6f: {  	_ =	shalt  }
0x70: {  	_ =	shalt  }
0x71: {  	_ =	shalt  }
0x72: {  	_ =	shalt  }
0x73: {  	_ =	shalt  }
0x74: {  	_ =	shalt  }
0x75: {  	_ =	shalt  }
0x76: {  	_ =	shalt  }
0x77: {  	_ =	shalt  }
0x78: {  	_ =	shalt  }
0x79: {  	_ =	shalt  }
0x7a: {  	_ =	shalt  }
0x7b: {  	_ =	shalt  }
0x7c: {  	_ =	shalt  }
0x7d: {  	_ =	shalt  }
0x7e: {  	_ =	shalt  }
0x7f: {  	_ =	shalt  }
0x80: {  	_ =	shalt  }
0x81: {  	_ =	shalt  }
0x82: {  	_ =	shalt  }
0x83: {  	_ =	shalt  }
0x84: {  	_ =	shalt  }
0x85: {  	_ =	shalt  }
0x86: {  	_ =	shalt  }
0x87: {  	_ =	shalt  }
.Lfunc_end0:
.L_simem_size_0:
called_computation_lowered:
.L_overlay_start_0:
0x88: {  	s2 =	sld [smem:$0x3FD9]  }
0x89: {  	s3 =	sld [smem:$0x3FFE];
	_ =	sdelay $0x1  }
0x8a: {  	s1 =	srdreg.scid  }
0x8b: {  	s0 =	sand.u32 $0x1, s1  }
0x8c: {  	s17 =	sshll.u32 s0, $0xA;
	s2 =	sadd.s32 s3, s2  }
0x8d: {  	s2 =	sadd.s32 s2, s17  }
0x8e: {  	[smem:$0x3FC4] =	sst s2  }
0x8f: {  	_ = 	snop  }
0x90: {  	s2 =	sld [smem:$0x3FD0];
	(tm) =	ssettm $0x1  }
0x91: {  	s18 =	sld [smem:$0x3FFB];
	_ =	sdelay $0x3  }
0x92: {  	_ =	strace s18  }
0x93: {  	s3 =	sld [smem:$0x3FFC];
	_ =	sdelay $0x3  }
0x94: {  	_ =	strace s3  }
0x95: {  	s3 =	sld [smem:$0x3FFD];
	_ =	sdelay $0x3  }
0x96: {  	_ =	strace s3  }
0x97: {  	_ =	strace $0x8FFFFFFF  }
0x98: {  	s19 =	sld [smem:$0x3FDB];
	_ =	sdelay $0x1  }
0x99: {  	s4 =	simm.s32 $_scs_section_size  }
0x9a: {  	s5 =	simm.s32 $_size__tile_overlayer_lowered;
	s6 =	simm.s32 $_tile_overlayer_lowered  }
0x9b: {  	s22 =	simm.s32 $0x1BFF;
	s21 =	sshll.u32 s6, $0x1;
	s3 =	sadd.s32 s4, s19  }
0x9c: {  	s7 =	simm.s32 $0x0;
	s20 =	sshll.u32 s5, $0x1;
	s5 =	sadd.s32 s21, s3  }
0x9d: {  	[timem:s7], [sflag:s22] =	dma.local [hbm:s5], s20  }
0x9e: {  	_ =	swait.ge [sflag:s22], s20  }
0x9f: {  	s4 =	ssub.s32 $0x0, s20;
	[sflag:s22] =	ssyncset.done $0x0  }
0xa0: {  	[sflag:s22] =	ssyncadd.s32 s4;
	_ =	sdelay $0x1  }
0xa1: {  	s23 =	simm.s32 $0x1B8B  }
0xa2: {  	_ =	swait.ge [sflag:s23], $0x1  }
0xa3: {  	[sflag:s23] =	ssyncset.done $0x0  }
0xa4: {  	s25 =	simm.s32 $0x1B8E;
	s24 =	sld [smem:$0x3FFE];
	[sflag:s23] =	ssyncadd.s32 $0xFFFFFFFF  }
0xa5: {  	s26 =	simm.s32 $execute0_lowered;
	[smem:$0x3FD2] =	sst s25  }
0xa6: {  	s5 =	sshll.u32 s26, $0x1;
	_ =	strace $0x80000046;
	[dreg:$0x1] =	wrdreg $0xFFFFFFFF  }
0xa7: {  	s28 =	simm.s32 $_size_execute0_lowered;
	s3 =	sadd.s32 s3, s5;
	[dreg:$0x0] =	wrdreg $0x0  }
0xa8: {  	s5 =	sshll.u32 s28, $0x1;
	[dreg:$0x2] =	wrdreg s3  }
0xa9: {  	[dreg:$0x3] =	wrdreg s5  }
0xaa: {  	[dreg:$0x4] =	wrdreg $0xC0  }
0xab: {  	_ =	task [dreg:s7], $0x5FFFF  }
0xac: {  	[dreg:$0x1] =	wrdreg $0xFFFFFFFF  }
0xad: {  	[dreg:$0x0] =	wrdreg $0x60  }
0xae: {  	[dreg:$0x2] =	wrdreg s24  }
0xaf: {  	[dreg:$0x3] =	wrdreg s2  }
0xb0: {  	[dreg:$0x4] =	wrdreg $0x9  }
0xb1: {  	_ =	task.clear_ibuf [dreg:s7], $0x5FFFF;
	_ =	strace $0x90000046  }
0xb2: {  	s29 =	simm.s32 $0x9;
	_ =	strace $0x80000048  }
0xb3: {  	_ =	swait.ge [sflag:s29], $0x1  }
0xb4: {  	[sflag:s29] =	ssyncadd.s32 $0xFFFFFFFF  }
0xb5: {  	_ =	strace $0x90000048  }
0xb6: {  	_ =	sfence  }
0xb7: {  	s30 =	sld [smem:$0x0];
	_ =	sdelay $0x2  }
0xb8: {  	s31 =	sshll.u32 s1, $0xD;
	s1 =	sshrl.u32 s1, $0x2  }
0xb9: {  	s3 =	sand.u32 $0x4000, s31;
	s1 =	sadd.s32 s1, s30  }
0xba: {  	s0 =	sor.u32 s3, s0;
	s1 =	sshll.u32 s1, $0x11  }
0xbb: {  	s0 =	sor.u32 s1, s0  }
0xbc: {  	s0 =	sadd.s32 $0x8F2B, s0  }
0xbd: {  	[sflag:s0] =	ssyncadd.remote.s32 $0x1  }
0xbe: {  	_ =	sfence.sel $0xFFFF  }
0xbf: {  	[dreg:$0x0] =	wrdreg $0xFFFFFFFF;
	(pc) =	sbr.abs _section_cstart, $3  }
0xc0: {  	[dreg:$0x1] =	wrdreg $0xFFFFFFFF  }
0xc1: {  	_ =	task.clear_ibuf [dreg:s7], $0x2FFFF;
	_ =	strace $0x9FFFFFFF  }
0xc2: {  	(tm) =	ssettm $0x7FFFFFFF  }
0xc3: {  	_ =	shalt  }
tec
execute0_lowered:
.L_overlay_start_1:
0x0: {  	(tag) =	ssettag $0x1  }
0x1: {  	s0 =	rddreg [dreg:$0x0]  }
0x2: {  	s16 =	rddreg [dreg:$0x1];
	s3 =	simm.s32 $0x0  }
0x3: {  	s1 =	srdreg.scid;
	[smem:$0x7FF] =	sst s3;
	s5 =	sadd.s32 $0x14A00, s0  }
0x4: {  	s30 =	sadd.s32 $0x2800, s16;
	_ =	strace $0x80000047;
	[dreg:$0x3] =	wrdreg s5  }
0x5: {  	s2 =	stileid.u32;
	s11 =	sadd.s32 $0x14A02, s0;
	[dreg:$0x6] =	wrdreg s30  }
0x6: {  	s1 =	sand.u32 $0x1, s1;
	s13 =	sadd.s32 $0x14A04, s0;
	[dreg:$0x8] =	wrdreg s11  }
0x7: {  	s2 =	sshll.u32 s2, $0x1;
	s15 =	sadd.s32 $0x14A06, s0;
	[dreg:$0xa] =	wrdreg s13  }
0x8: {  	s4 =	sadd.s32 $0x1000, s0;
	s18 =	sadd.s32 $0x14A08, s0;
	[dreg:$0xc] =	wrdreg s15  }
0x9: {  	s6 =	sadd.s32 $0x64C00, s0;
	s20 =	sadd.s32 $0x14A0A, s0;
	[dreg:$0xe] =	wrdreg s18  }
0xa: {  	s7 =	sadd.s32 $0x14C00, s0;
	s22 =	sadd.s32 $0x14A0C, s0;
	[dreg:$0x10] =	wrdreg s20  }
0xb: {  	s0 =	sadd.s32 $0x14A0E, s0;
	s26 =	sadd.s32 $0x2D00, s16;
	[dreg:$0x12] =	wrdreg s22  }
0xc: {  	s2 =	sor.u32 s1, s2;
	s1 =	ssub.s32 $0x2, s1;
	[dreg:$0x14] =	wrdreg s0  }
0xd: {  	[dreg:$0x17] =	wrdreg s26;
	s30 =	sadd.s32 $0x3200, s16;
	s0 =	sadd.s32 $0xF00, s16  }
0xe: {  	s13 =	sadd.s32 $0x4600, s16;
	s15 =	sadd.s32 $0x2300, s16;
	s28 =	smul.u32 $0x2710, s2  }
0xf: {  	s18 =	simm.s32 $0x1;
	s8 =	sshrl.u32 s1, $0x1;
	s9 =	smul.u32 $0x2800, s2  }
0x10: {  	s2 =	smul.u32 $0x14000, s2;
	[dreg:$0x1a] =	wrdreg s30;
	s1 =	ssub.s32 s1, s8  }
0x11: {  	s5 =	sshrl.u32 s28, $0x3;
	s9 =	sadd.s32 s7, s9;
	s25 =	smax.u32 s1, $0x1  }
0x12: {  	s10 =	sadd.s32 $0x9C40, s5;
	s29 =	sadd.s32 s4, s5;
	[dreg:$0x16] =	wrdreg s25  }
0x13: {  	s8 =	sadd.s32 s6, s5;
	s5 =	sadd.s32 $0x500, s16;
	[dreg:$0x4] =	wrdreg s29  }
0x14: {  	s20 =	simm.s32 $0x7700;
	s28 =	sadd.s32 $0x500, s9;
	[dreg:$0x7] =	wrdreg s5  }
0x15: {  	s2 =	sshrl.u32 s2, $0x3;
	s4 =	sadd.s32 s4, s10;
	[dreg:$0x18] =	wrdreg s28  }
0x16: {  	s2 =	sadd.s32 s7, s2;
	s12 =	sadd.s32 s6, s10;
	[dreg:$0x5] =	wrdreg s4  }
0x17: {  	s22 =	simm.s32 $0x9F00;
	s14 =	sadd.s32 $0xA00, s2;
	[dreg:$0x9] =	wrdreg s12  }
0x18: {  	s1 =	sadd.s32 $0x3700, s16;
	s17 =	sadd.s32 $0xF00, s2;
	[dreg:$0xb] =	wrdreg s14  }
0x19: {  	s7 =	sadd.s32 $0x1900, s16;
	s19 =	sadd.s32 $0x1400, s2;
	[dreg:$0xd] =	wrdreg s17  }
0x1a: {  	s21 =	sadd.s32 $0x1900, s2;
	s23 =	sadd.s32 $0x1E00, s2;
	[dreg:$0xf] =	wrdreg s19  }
0x1b: {  	s24 =	sadd.s32 $0x2300, s2;
	s29 =	sadd.s32 $0xA00, s16;
	[dreg:$0x11] =	wrdreg s21  }
0x1c: {  	s31 =	sadd.s32 $0x13880, s8;
	s2 =	sadd.s32 $0x1D4C0, s8;
	[dreg:$0x13] =	wrdreg s23  }
0x1d: {  	s5 =	sadd.s32 $0x3C00, s16;
	s6 =	sadd.s32 $0x27100, s8;
	[dreg:$0x15] =	wrdreg s24  }
0x1e: {  	s10 =	sadd.s32 $0x4100, s16;
	s11 =	sadd.s32 $0x30D40, s8;
	[dreg:$0x19] =	wrdreg s29  }
0x1f: {  	s4 =	sadd.s32 $0x1400, s16;
	s12 =	sadd.s32 $0x1E00, s16;
	s14 =	sadd.s32 $0x3A980, s8  }
0x20: {  	s16 =	sadd.s32 $0x4B00, s16;
	s17 =	sadd.s32 $0x445C0, s8;
	s19 =	simm.s32 $0x4F00  }
0x21: {  	v0 =	vimm.f32 $0.0e+00;
	s21 =	simm.s32 $0xEE80;
	s23 =	simm.s32 $0xC700;
	s24 =	simm.s32 $0x0  }
.LBB2_1:
0x22: {  	s25 =	rddreg [dreg:$0x4]  }
0x23: {  	[tilespmem:s3], [sflag:$0x1] =	stream.linear.gather [hbm4b:s25+s3], $0x2710, $0x38;
	[tilespmem:$0xEF00] =	vst v63  }
0x24: {  	_ =	swait.ge [sflag:s18], $0x2710  }
0x25: {  	[sflag:s18] =	ssyncset.done $0x0  }
0x26: {  	s26 =	simm.s32 $0x2780;
	s25 =	rddreg [dreg:$0x5];
	[sflag:s18] =	ssyncadd.s32 $0xFFFFD8F0  }
0x27: {  	[tilespmem:s26], [sflag:$0x1] =	stream.linear.gather [hbm4b:s25+s3], $0x2710, $0x38;
	[tilespmem:$0xEF00] =	vst v63  }
0x28: {  	_ =	swait.ge [sflag:s18], $0x2710  }
0x29: {  	[sflag:s18] =	ssyncset.done $0x0  }
0x2a: {  	[sflag:s18] =	ssyncadd.s32 $0xFFFFD8F0  }
0x2b: {  	s26 =	rddreg [dreg:$0x1]  }
0x2c: {  	[tilespmem:s19], [sflag:$0x1] =	stream.linear.gather [hbm4b:s26+s3], $0x2800, $0x38;
	[tilespmem:$0xEF00] =	vst v63  }
0x2d: {  	_ =	swait.ge [sflag:s18], $0x2800  }
0x2e: {  	[sflag:s18] =	ssyncset.done $0x0  }
0x2f: {  	s26 =	rddreg [dreg:$0x6];
	[sflag:s18] =	ssyncadd.s32 $0xFFFFD800  }
0x30: {  	[tilespmem:s20], [sflag:$0x1] =	stream.linear.gather [hbm4b:s26+s3], $0x2800, $0x38;
	[tilespmem:$0xEF00] =	vst v63  }
0x31: {  	_ =	swait.ge [sflag:s18], $0x2800  }
0x32: {  	[sflag:s18] =	ssyncset.done $0x0  }
0x33: {  	s26 =	rddreg [dreg:$0x3];
	[sflag:s18] =	ssyncadd.s32 $0xFFFFD800  }
0x34: {  	[tilespmem:s21], [sflag:$0x1] =	stream.linear.gather [hbm4b:s26+s3], $0x10, $0x38;
	[tilespmem:$0xEF00] =	vst v63  }
0x35: {  	_ =	swait.ge [sflag:s18], $0x10  }
0x36: {  	[sflag:s18] =	ssyncset.done $0x0  }
0x37: {  	s26 =	simm.s32 $0x9F40;
	[sflag:s18] =	ssyncadd.s32 $0xFFFFFFF0  }
0x38: {  	v1 =	vld [tilespmem:$0xEE80];
	[tilespmem:s26+$0xFFFFFFC0] =	vst v0  }
0x39: {  	[tilespmem:s26+$0x30] =	vst v0  }
0x3a: {  	[tilespmem:s26+$0x20] =	vst v0  }
0x3b: {  	[tilespmem:s26+$0x10] =	vst v0  }
0x3c: {  	[tilespmem:s26+$0x0] =	vst v0  }
0x3d: {  	s30 =	simm.s32 $0x0;
	[tilespmem:s26+$0xFFFFFFF0] =	vst v0  }
0x3e: {  	s29 =	simm.s32 $0x27A0;
	s28 =	simm.s32 $0x20;
	s25 =	simm.s32 $0xC720;
	[tilespmem:s26+$0xFFFFFFE0] =	vst v0  }
.LBB2_2:
0x3f: {  	s30 =	sadd.s32 $0x8, s30;
	[tilespmem:s26+$0xFFFFFFD0] =	vst v0;
	s26 =	sadd.s32 $0x80, s26  }
0x40: {  	[tilespmem:s26+$0xFFFFFFC0] =	vst v0;
	p0 =	slt.u32 s30, $0x278  }
0x41: {  	[tilespmem:s26+$0x30] =	vst v0  }
.Ltmp0:
0x42: {  	[tilespmem:s26+$0x20] =	vst v0;
	(pc) =	sbr.rel @p0 .LBB2_2-.Ltmp0, $4  }
0x43: {  	[tilespmem:s26+$0x10] =	vst v0  }
0x44: {  	[tilespmem:s26+$0x0] =	vst v0  }
0x45: {  	[tilespmem:s26+$0xFFFFFFF0] =	vst v0  }
0x46: {  	[tilespmem:s26+$0xFFFFFFE0] =	vst v0  }
0x47: {  	[tilespmem:s26+$0xFFFFFFD0] =	vst v0  }
0x48: {  	v4 =	vld [tilespmem:s28+$0x10]  }
0x49: {  	v5 =	vld [tilespmem:s28+$0xFFFFFFF0]  }
0x4a: {  	v2 =	vld [tilespmem:s29+$0xFFFFFFE0]  }
0x4b: {  	v3 =	vld [tilespmem:s29+$0x10]  }
0x4c: {  	v6 =	vld [tilespmem:s29+$0xFFFFFFF0]  }
0x4d: {  	v7 =	vld [tilespmem:s29+$0x0]  }
0x4e: {  	v8 =	vld [tilespmem:s28+$0xFFFFFFE0]  }
0x4f: {  	v9 =	vld [tilespmem:s28+$0x0]  }
0x50: {  	v10 =	vld.idx.msk [tilespmem:v4+s19+$0x0], $0xffff  }
0x51: {  	v11 =	vld.idx.msk [tilespmem:v5+s19+$0x0], $0xffff  }
0x52: {  	v12 =	vld.idx.msk [tilespmem:v2+s20+$0x0], $0xffff  }
0x53: {  	v13 =	vld.idx.msk [tilespmem:v3+s20+$0x0], $0xffff  }
0x54: {  	v14 =	vld.idx.msk [tilespmem:v6+s20+$0x0], $0xffff  }
0x55: {  	v15 =	vld.idx.msk [tilespmem:v7+s20+$0x0], $0xffff  }
0x56: {  	v8 =	vld.idx.msk [tilespmem:v8+s19+$0x0], $0xffff  }
0x57: {  	v16 =	vld.idx.msk [tilespmem:v9+s19+$0x0], $0xffff  }
0x58: {  	s26 =	simm.s32 $0x60  }
0x59: {  	v17 =	vld [tilespmem:s26+$0x10]  }
0x5a: {  	v18 =	vld [tilespmem:s26+$0xFFFFFFF0];
	v11 =	vadd.f32 v14, v11  }
0x5b: {  	s28 =	simm.s32 $0x27E0;
	v19 =	vld [tilespmem:s26+$0xFFFFFFE0];
	v12 =	vadd.f32 v12, v8  }
0x5c: {  	v5 =	vld [tilespmem:s28+$0xFFFFFFE0];
	v15 =	vadd.f32 v15, v16;
	v13 =	vadd.f32 v13, v10;
	v14 =	vmul.f32 $2.000000030e-01, v11  }
0x5d: {  	v4 =	vld [tilespmem:s28+$0x10];
	v16 =	vmul.f32 $2.000000030e-01, v12;
	vm0 =	vge.f32 v11, $0.0e+00;
	vm1 =	vge.f32 v12, $0.0e+00  }
0x5e: {  	v9 =	vld [tilespmem:s28+$0xFFFFFFF0];
	vm14 =	vge.f32 v15, $0.0e+00;
	v10 =	vsel vm0, v11, v14;
	v11 =	vmul.f32 $2.000000030e-01, v15  }
0x5f: {  	v8 =	vld [tilespmem:s28+$0x0];
	v12 =	vsel vm1, v12, v16;
	v16 =	vmul.f32 $2.000000030e-01, v13;
	v20 =	vsub.f32 v10, v1  }
0x60: {  	vm15 =	vge.f32 v13, $0.0e+00;
	v14 =	vld [tilespmem:s26+$0x0];
	v11 =	vsel vm14, v15, v11;
	v15 =	vsub.f32 v12, v1  }
0x61: {  	v10 =	vld.idx.msk [tilespmem:v17+s19+$0x0], $0xffff;
	v13 =	vsel vm15, v13, v16;
	v16 =	vmul.f32 $1.442695020e+00, v20;
	v17 =	vsub.f32 v11, v1  }
0x62: {  	v12 =	vld.idx.msk [tilespmem:v18+s19+$0x0], $0xffff;
	v13 =	vsub.f32 v13, v1;
	v18 =	vmul.f32 $1.442695020e+00, v15  }
0x63: {  	v63 =	vmul.f32 $1.442695020e+00, v17;
	(erf) = vpow2.f32 v16  }
0x64: {  	v21 =	vmul.f32 $1.442695020e+00, v13;
	(erf) = vpow2.f32 v18  }
0x65: {  	v11 =	vld.idx.msk [tilespmem:v5+s20+$0x0], $0xffff;
	(erf) = vpow2.f32 v63  }
0x66: {  	v15 =	vld.idx.msk [tilespmem:v4+s20+$0x0], $0xffff;
	(erf) = vpow2.f32 v21  }
0x67: {  	v17 =	vld.idx.msk [tilespmem:v9+s20+$0x0], $0xffff  }
0x68: {  	v13 =	vld.idx.msk [tilespmem:v8+s20+$0x0], $0xffff  }
0x69: {  	s30 =	simm.s32 $0xA0;
	v16 =	vld.idx.msk [tilespmem:v19+s19+$0x0], $0xffff  }
0x6a: {  	s29 =	simm.s32 $0x2820;
	s28 =	simm.s32 $0x4;
	s26 =	simm.s32 $0xC720;
	v14 =	vld.idx.msk [tilespmem:v14+s19+$0x0], $0xffff  }
.LBB2_4:
0x6b: {  	v18 =	vld [tilespmem:s29+$0x10];
	s28 =	sadd.s32 $0x4, s28;
	s25 =	sadd.s32 $0x40, s25  }
0x6c: {  	v10 =	vadd.f32 v15, v10;
	v19 =	vld [tilespmem:s30+$0x10];
	p0 =	slt.u32 s28, $0x26C;
	v15 =	vpop (erf)  }
0x6d: {  	v12 =	vadd.f32 v17, v12;
	v20 =	vld [tilespmem:s29+$0xFFFFFFE0];
	[tilespmem:s26+$0xFFFFFFF0] =	vst v15;
	v17 =	vpop (erf)  }
0x6e: {  	v22 =	vmul.f32 $2.000000030e-01, v10;
	v21 =	vld [tilespmem:s29+$0xFFFFFFF0];
	[tilespmem:s26+$0xFFFFFFE0] =	vst v17;
	v23 =	vpop (erf)  }
0x6f: {  	vm0 =	vge.f32 v10, $0.0e+00;
	v11 =	vadd.f32 v11, v16;
	v16 =	vmul.f32 $2.000000030e-01, v12;
	[tilespmem:v6+s22+$0x0] =	vst.idx.add.f32.msk $0xffff, v15;
	v15 =	vpop (erf)  }
0x70: {  	vm1 =	vge.f32 v12, $0.0e+00;
	v13 =	vadd.f32 v13, v14;
	v10 =	vsel vm0, v10, v22;
	v6 =	vmovc v9;
	v24 =	vld [tilespmem:s30+$0xFFFFFFF0];
	[tilespmem:s26+$0x10] =	vst v15  }
0x71: {  	v9 =	vmul.f32 $2.000000030e-01, v11;
	v12 =	vsel vm1, v12, v16;
	v10 =	vsub.f32 v10, v1;
	v14 =	vld [tilespmem:s29+$0x0];
	[tilespmem:s26+$0x0] =	vst v23;
	s26 =	smov.u32 s25  }
0x72: {  	vm0 =	vge.f32 v11, $0.0e+00;
	vm1 =	vge.f32 v13, $0.0e+00;
	v16 =	vmul.f32 $2.000000030e-01, v13;
	[tilespmem:v3+s22+$0x0] =	vst.idx.add.f32.msk $0xffff, v15;
	v3 =	vmovc v4;
	v4 =	vmovc v18  }
0x73: {  	v15 =	vsel vm0, v11, v9;
	v11 =	vsub.f32 v12, v1;
	v18 =	vmul.f32 $1.442695020e+00, v10;
	[tilespmem:v7+s22+$0x0] =	vst.idx.add.f32.msk $0xffff, v23  }
0x74: {  	v10 =	vsub.f32 v15, v1;
	v13 =	vsel vm1, v13, v16;
	[tilespmem:v2+s22+$0x0] =	vst.idx.add.f32.msk $0xffff, v17;
	v2 =	vmov v5  }
0x75: {  	v7 =	vmovc v8;
	v11 =	vmul.f32 $1.442695020e+00, v11;
	v12 =	vsub.f32 v13, v1;
	v5 =	vmovc v20;
	v9 =	vmov v21;
	v16 =	vld [tilespmem:s30+$0xFFFFFFE0]  }
0x76: {  	v13 =	vmul.f32 $1.442695020e+00, v10;
	v21 =	vld [tilespmem:s30+$0x0];
	v8 =	vmov v14  }
0x77: {  	v14 =	vmul.f32 $1.442695020e+00, v12;
	v10 =	vld.idx.msk [tilespmem:v19+s19+$0x0], $0xffff;
	(erf) = vpow2.f32 v11  }
0x78: {  	v12 =	vld.idx.msk [tilespmem:v24+s19+$0x0], $0xffff;
	(erf) = vpow2.f32 v13  }
0x79: {  	v11 =	vld.idx.msk [tilespmem:v20+s20+$0x0], $0xffff;
	(erf) = vpow2.f32 v14  }
.Ltmp1:
0x7a: {  	v15 =	vld.idx.msk [tilespmem:v4+s20+$0x0], $0xffff;
	(erf) = vpow2.f32 v18;
	(pc) =	sbr.rel @p0 .LBB2_4-.Ltmp1, $4  }
0x7b: {  	v17 =	vld.idx.msk [tilespmem:v9+s20+$0x0], $0xffff  }
0x7c: {  	v13 =	vld.idx.msk [tilespmem:v8+s20+$0x0], $0xffff  }
0x7d: {  	v16 =	vld.idx.msk [tilespmem:v16+s19+$0x0], $0xffff  }
0x7e: {  	s29 =	sadd.s32 $0x40, s29;
	s30 =	sadd.s32 $0x40, s30;
	v14 =	vld.idx.msk [tilespmem:v21+s19+$0x0], $0xffff  }
0x7f: {  	_ = 	snop  }
0x80: {  	v12 =	vadd.f32 v17, v12;
	_ =	sdelay $0x1  }
0x81: {  	v11 =	vadd.f32 v11, v16;
	v56 =	vmul.f32 $2.000000030e-01, v12  }
0x82: {  	vm0 =	vge.f32 v12, $0.0e+00;
	v13 =	vadd.f32 v13, v14  }
0x83: {  	v10 =	vadd.f32 v15, v10;
	v16 =	vmul.f32 $2.000000030e-01, v11;
	v12 =	vsel vm0, v12, v56  }
0x84: {  	vm13 =	vge.f32 v11, $0.0e+00;
	v58 =	vmul.f32 $2.000000030e-01, v13;
	v12 =	vsub.f32 v12, v1  }
0x85: {  	v57 =	vmul.f32 $2.000000030e-01, v10;
	vm1 =	vge.f32 v13, $0.0e+00;
	v11 =	vsel vm13, v11, v16  }
0x86: {  	v11 =	vsub.f32 v11, v1;
	v13 =	vsel vm1, v13, v58;
	v12 =	vmul.f32 $1.442695020e+00, v12  }
0x87: {  	vm14 =	vge.f32 v10, $0.0e+00;
	v13 =	vsub.f32 v13, v1  }
0x88: {  	v10 =	vsel vm14, v10, v57;
	v11 =	vmul.f32 $1.442695020e+00, v11;
	(erf) = vpow2.f32 v12  }
0x89: {  	v59 =	vpop (erf);
	v10 =	vsub.f32 v10, v1;
	v13 =	vmul.f32 $1.442695020e+00, v13  }
0x8a: {  	[tilespmem:s26+$0xFFFFFFF0] =	vst v59;
	v60 =	vpop (erf);
	(erf) = vpow2.f32 v11  }
0x8b: {  	[tilespmem:s26+$0xFFFFFFE0] =	vst v60;
	v10 =	vmul.f32 $1.442695020e+00, v10;
	(erf) = vpow2.f32 v13  }
0x8c: {  	v61 =	vpop (erf);
	[tilespmem:v6+s22+$0x0] =	vst.idx.add.f32.msk $0xffff, v59  }
0x8d: {  	[tilespmem:s26+$0x0] =	vst v61;
	(erf) = vpow2.f32 v10  }
0x8e: {  	v62 =	vpop (erf);
	[tilespmem:v2+s22+$0x0] =	vst.idx.add.f32.msk $0xffff, v60  }
0x8f: {  	[tilespmem:s26+$0x10] =	vst v62  }
0x90: {  	[tilespmem:v7+s22+$0x0] =	vst.idx.add.f32.msk $0xffff, v61  }
0x91: {  	s25 =	sadd.s32 $0x40, s25;
	[tilespmem:v3+s22+$0x0] =	vst.idx.add.f32.msk $0xffff, v62;
	v2 =	vpop (erf)  }
0x92: {  	[tilespmem:s25+$0xFFFFFFF0] =	vst v2  }
0x93: {  	v3 =	vpop (erf);
	[tilespmem:v9+s22+$0x0] =	vst.idx.add.f32.msk $0xffff, v2  }
0x94: {  	[tilespmem:s25+$0xFFFFFFE0] =	vst v3;
	v63 =	vpop (erf)  }
0x95: {  	[tilespmem:s25+$0x0] =	vst v63  }
0x96: {  	v2 =	vpop (erf);
	[tilespmem:v5+s22+$0x0] =	vst.idx.add.f32.msk $0xffff, v3  }
0x97: {  	[tilespmem:s25+$0x10] =	vst v2  }
0x98: {  	[tilespmem:v8+s22+$0x0] =	vst.idx.add.f32.msk $0xffff, v63  }
0x99: {  	[tilespmem:v4+s22+$0x0] =	vst.idx.add.f32.msk $0xffff, v2  }
0x9a: {  	v2 =	vld [tilespmem:$0x2700]  }
0x9b: {  	v3 =	vld [tilespmem:$0x4E80];
	_ =	sdelay $0x6  }
0x9c: {  	v2 =	vld.idx.msk [tilespmem:v2+s19+$0x0], $0xffff  }
0x9d: {  	v4 =	vld.idx.msk [tilespmem:v3+s20+$0x0], $0xffff;
	_ =	sdelay $0x4  }
0x9e: {  	v2 =	vadd.f32 v4, v2;
	_ =	sdelay $0x1  }
0x9f: {  	v4 =	vmul.f32 $2.000000030e-01, v2  }
0xa0: {  	vm15 =	vge.f32 v2, $0.0e+00  }
0xa1: {  	v2 =	vsel vm15, v2, v4  }
0xa2: {  	v1 =	vsub.f32 v2, v1;
	_ =	sdelay $0x1  }
0xa3: {  	v1 =	vmul.f32 $1.442695020e+00, v1;
	_ =	sdelay $0x1  }
0xa4: {  	(erf) = vpow2.f32 v1;
	_ =	sdelay $0x8  }
0xa5: {  	v1 =	vpop (erf)  }
0xa6: {  	[tilespmem:$0xEE00] =	vst v1  }
0xa7: {  	[tilespmem:v3+s22+$0x0] =	vst.idx.add.f32.msk $0xffff, v1  }
0xa8: {  	[hbm4b:s8+s3] =	stream.linear.scatter [tilespmem:s23], [sflag:$0x1], $0x2710, $0x38;
	[tilespmem:$0xEF00] =	vst v63  }
0xa9: {  	_ =	swait.ge [sflag:s18], $0x2710  }
0xaa: {  	[sflag:s18] =	ssyncset.done $0x0  }
0xab: {  	[sflag:s18] =	ssyncadd.s32 $0xFFFFD8F0  }
0xac: {  	[hbm4b:s9+s3] =	stream.linear.scatter [tilespmem:s22], [sflag:$0x1], $0x2800, $0x38;
	[tilespmem:$0xEF00] =	vst v63  }
0xad: {  	_ =	swait.ge [sflag:s18], $0x2800  }
0xae: {  	[sflag:s18] =	ssyncset.done $0x0  }
0xaf: {  	s26 =	rddreg [dreg:$0x7];
	[sflag:s18] =	ssyncadd.s32 $0xFFFFD800  }
0xb0: {  	[tilespmem:s19], [sflag:$0x1] =	stream.linear.gather [hbm4b:s26+s3], $0x2800, $0x38;
	[tilespmem:$0xEF00] =	vst v63  }
0xb1: {  	_ =	swait.ge [sflag:s18], $0x2800  }
0xb2: {  	[sflag:s18] =	ssyncset.done $0x0  }
0xb3: {  	s29 =	rddreg [dreg:$0x17];
	[sflag:s18] =	ssyncadd.s32 $0xFFFFD800  }
0xb4: {  	[tilespmem:s20], [sflag:$0x1] =	stream.linear.gather [hbm4b:s29+s3], $0x2800, $0x38;
	[tilespmem:$0xEF00] =	vst v63  }
0xb5: {  	_ =	swait.ge [sflag:s18], $0x2800  }
0xb6: {  	[sflag:s18] =	ssyncset.done $0x0  }
0xb7: {  	s30 =	rddreg [dreg:$0x8];
	[sflag:s18] =	ssyncadd.s32 $0xFFFFD800  }
0xb8: {  	[tilespmem:s21], [sflag:$0x1] =	stream.linear.gather [hbm4b:s30+s3], $0x10, $0x38;
	[tilespmem:$0xEF00] =	vst v63  }
0xb9: {  	_ =	swait.ge [sflag:s18], $0x10  }
0xba: {  	[sflag:s18] =	ssyncset.done $0x0  }
0xbb: {  	s26 =	simm.s32 $0x9F40;
	[sflag:s18] =	ssyncadd.s32 $0xFFFFFFF0  }
0xbc: {  	v1 =	vld [tilespmem:$0xEE80];
	[tilespmem:s26+$0xFFFFFFC0] =	vst v0  }
0xbd: {  	[tilespmem:s26+$0x30] =	vst v0  }
0xbe: {  	[tilespmem:s26+$0x20] =	vst v0  }
0xbf: {  	[tilespmem:s26+$0x10] =	vst v0  }
0xc0: {  	[tilespmem:s26+$0x0] =	vst v0  }
0xc1: {  	[tilespmem:s26+$0xFFFFFFF0] =	vst v0  }
0xc2: {  	s28 =	simm.s32 $0x0;
	[tilespmem:s26+$0xFFFFFFE0] =	vst v0  }
.LBB2_6:
0xc3: {  	s28 =	sadd.s32 $0x8, s28;
	[tilespmem:s26+$0xFFFFFFD0] =	vst v0;
	s26 =	sadd.s32 $0x80, s26  }
0xc4: {  	[tilespmem:s26+$0xFFFFFFC0] =	vst v0;
	p0 =	slt.u32 s28, $0x278  }
0xc5: {  	[tilespmem:s26+$0x30] =	vst v0  }
.Ltmp2:
0xc6: {  	[tilespmem:s26+$0x20] =	vst v0;
	(pc) =	sbr.rel @p0 .LBB2_6-.Ltmp2, $4  }
0xc7: {  	[tilespmem:s26+$0x10] =	vst v0  }
0xc8: {  	[tilespmem:s26+$0x0] =	vst v0  }
0xc9: {  	[tilespmem:s26+$0xFFFFFFF0] =	vst v0  }
0xca: {  	s25 =	simm.s32 $0xC720;
	s30 =	simm.s32 $0x27A0;
	s29 =	simm.s32 $0x20;
	[tilespmem:s26+$0xFFFFFFE0] =	vst v0  }
0xcb: {  	[tilespmem:s26+$0xFFFFFFD0] =	vst v0  }
0xcc: {  	v4 =	vld [tilespmem:s29+$0x10]  }
0xcd: {  	v5 =	vld [tilespmem:s29+$0xFFFFFFF0]  }
0xce: {  	v2 =	vld [tilespmem:s30+$0xFFFFFFE0]  }
0xcf: {  	v3 =	vld [tilespmem:s30+$0x10]  }
0xd0: {  	v6 =	vld [tilespmem:s30+$0xFFFFFFF0]  }
0xd1: {  	v7 =	vld [tilespmem:s30+$0x0]  }
0xd2: {  	v8 =	vld [tilespmem:s29+$0xFFFFFFE0]  }
0xd3: {  	v9 =	vld [tilespmem:s29+$0x0]  }
0xd4: {  	v10 =	vld.idx.msk [tilespmem:v4+s19+$0x0], $0xffff  }
0xd5: {  	v11 =	vld.idx.msk [tilespmem:v5+s19+$0x0], $0xffff  }
0xd6: {  	v12 =	vld.idx.msk [tilespmem:v2+s20+$0x0], $0xffff  }
0xd7: {  	v13 =	vld.idx.msk [tilespmem:v3+s20+$0x0], $0xffff  }
0xd8: {  	v14 =	vld.idx.msk [tilespmem:v6+s20+$0x0], $0xffff  }
0xd9: {  	v15 =	vld.idx.msk [tilespmem:v7+s20+$0x0], $0xffff  }
0xda: {  	v8 =	vld.idx.msk [tilespmem:v8+s19+$0x0], $0xffff  }
0xdb: {  	v16 =	vld.idx.msk [tilespmem:v9+s19+$0x0], $0xffff  }
0xdc: {  	s26 =	simm.s32 $0x60  }
0xdd: {  	v17 =	vld [tilespmem:s26+$0x10]  }
0xde: {  	v18 =	vld [tilespmem:s26+$0xFFFFFFF0];
	v11 =	vadd.f32 v14, v11  }
0xdf: {  	s28 =	simm.s32 $0x27E0;
	v19 =	vld [tilespmem:s26+$0xFFFFFFE0];
	v12 =	vadd.f32 v12, v8  }
0xe0: {  	v5 =	vld [tilespmem:s28+$0xFFFFFFE0];
	v15 =	vadd.f32 v15, v16;
	v13 =	vadd.f32 v13, v10;
	v14 =	vmul.f32 $2.000000030e-01, v11  }
0xe1: {  	v4 =	vld [tilespmem:s28+$0x10];
	v16 =	vmul.f32 $2.000000030e-01, v12;
	vm0 =	vge.f32 v11, $0.0e+00;
	vm1 =	vge.f32 v12, $0.0e+00  }
0xe2: {  	v9 =	vld [tilespmem:s28+$0xFFFFFFF0];
	vm14 =	vge.f32 v15, $0.0e+00;
	v10 =	vsel vm0, v11, v14;
	v11 =	vmul.f32 $2.000000030e-01, v15  }
0xe3: {  	v8 =	vld [tilespmem:s28+$0x0];
	v12 =	vsel vm1, v12, v16;
	v16 =	vmul.f32 $2.000000030e-01, v13;
	v20 =	vsub.f32 v10, v1  }
0xe4: {  	vm15 =	vge.f32 v13, $0.0e+00;
	v14 =	vld [tilespmem:s26+$0x0];
	v11 =	vsel vm14, v15, v11;
	v15 =	vsub.f32 v12, v1  }
0xe5: {  	v10 =	vld.idx.msk [tilespmem:v17+s19+$0x0], $0xffff;
	v13 =	vsel vm15, v13, v16;
	v16 =	vmul.f32 $1.442695020e+00, v20;
	v17 =	vsub.f32 v11, v1  }
0xe6: {  	v12 =	vld.idx.msk [tilespmem:v18+s19+$0x0], $0xffff;
	v13 =	vsub.f32 v13, v1;
	v18 =	vmul.f32 $1.442695020e+00, v15  }
0xe7: {  	v63 =	vmul.f32 $1.442695020e+00, v17;
	(erf) = vpow2.f32 v16  }
0xe8: {  	v21 =	vmul.f32 $1.442695020e+00, v13;
	(erf) = vpow2.f32 v18  }
0xe9: {  	v11 =	vld.idx.msk [tilespmem:v5+s20+$0x0], $0xffff;
	(erf) = vpow2.f32 v63  }
0xea: {  	v15 =	vld.idx.msk [tilespmem:v4+s20+$0x0], $0xffff;
	(erf) = vpow2.f32 v21  }
0xeb: {  	v17 =	vld.idx.msk [tilespmem:v9+s20+$0x0], $0xffff  }
0xec: {  	v13 =	vld.idx.msk [tilespmem:v8+s20+$0x0], $0xffff  }
0xed: {  	s29 =	simm.s32 $0x2820;
	v16 =	vld.idx.msk [tilespmem:v19+s19+$0x0], $0xffff  }
0xee: {  	s30 =	simm.s32 $0xA0;
	s28 =	simm.s32 $0x4;
	s26 =	simm.s32 $0xC720;
	v14 =	vld.idx.msk [tilespmem:v14+s19+$0x0], $0xffff  }
.LBB2_8:
0xef: {  	v18 =	vld [tilespmem:s29+$0x10];
	s28 =	sadd.s32 $0x4, s28;
	s25 =	sadd.s32 $0x40, s25  }
0xf0: {  	v10 =	vadd.f32 v15, v10;
	v19 =	vld [tilespmem:s30+$0x10];
	p0 =	slt.u32 s28, $0x26C;
	v15 =	vpop (erf)  }
0xf1: {  	v12 =	vadd.f32 v17, v12;
	v20 =	vld [tilespmem:s29+$0xFFFFFFE0];
	[tilespmem:s26+$0xFFFFFFF0] =	vst v15;
	v17 =	vpop (erf)  }
0xf2: {  	v22 =	vmul.f32 $2.000000030e-01, v10;
	v21 =	vld [tilespmem:s29+$0xFFFFFFF0];
	[tilespmem:s26+$0xFFFFFFE0] =	vst v17;
	v23 =	vpop (erf)  }
0xf3: {  	vm0 =	vge.f32 v10, $0.0e+00;
	v11 =	vadd.f32 v11, v16;
	v16 =	vmul.f32 $2.000000030e-01, v12;
	[tilespmem:v6+s22+$0x0] =	vst.idx.add.f32.msk $0xffff, v15;
	v15 =	vpop (erf)  }
0xf4: {  	vm1 =	vge.f32 v12, $0.0e+00;
	v13 =	vadd.f32 v13, v14;
	v10 =	vsel vm0, v10, v22;
	v6 =	vmovc v9;
	v24 =	vld [tilespmem:s30+$0xFFFFFFF0];
	[tilespmem:s26+$0x10] =	vst v15  }
0xf5: {  	v9 =	vmul.f32 $2.000000030e-01, v11;
	v12 =	vsel vm1, v12, v16;
	v10 =	vsub.f32 v10, v1;
	v14 =	vld [tilespmem:s29+$0x0];
	[tilespmem:s26+$0x0] =	vst v23;
	s26 =	smov.u32 s25  }
0xf6: {  	vm0 =	vge.f32 v11, $0.0e+00;
	vm1 =	vge.f32 v13, $0.0e+00;
	v16 =	vmul.f32 $2.000000030e-01, v13;
	[tilespmem:v3+s22+$0x0] =	vst.idx.add.f32.msk $0xffff, v15;
	v3 =	vmovc v4;
	v4 =	vmovc v18  }
0xf7: {  	v15 =	vsel vm0, v11, v9;
	v11 =	vsub.f32 v12, v1;
	v18 =	vmul.f32 $1.442695020e+00, v10;
	[tilespmem:v7+s22+$0x0] =	vst.idx.add.f32.msk $0xffff, v23  }
0xf8: {  	v10 =	vsub.f32 v15, v1;
	v13 =	vsel vm1, v13, v16;
	[tilespmem:v2+s22+$0x0] =	vst.idx.add.f32.msk $0xffff, v17;
	v2 =	vmov v5  }
0xf9: {  	v7 =	vmovc v8;
	v11 =	vmul.f32 $1.442695020e+00, v11;
	v12 =	vsub.f32 v13, v1;
	v5 =	vmovc v20;
	v9 =	vmov v21;
	v16 =	vld [tilespmem:s30+$0xFFFFFFE0]  }
0xfa: {  	v13 =	vmul.f32 $1.442695020e+00, v10;
	v21 =	vld [tilespmem:s30+$0x0];
	v8 =	vmov v14  }
0xfb: {  	v14 =	vmul.f32 $1.442695020e+00, v12;
	v10 =	vld.idx.msk [tilespmem:v19+s19+$0x0], $0xffff;
	(erf) = vpow2.f32 v11  }
0xfc: {  	v12 =	vld.idx.msk [tilespmem:v24+s19+$0x0], $0xffff;
	(erf) = vpow2.f32 v13  }
0xfd: {  	v11 =	vld.idx.msk [tilespmem:v20+s20+$0x0], $0xffff;
	(erf) = vpow2.f32 v14  }
.Ltmp3:
0xfe: {  	v15 =	vld.idx.msk [tilespmem:v4+s20+$0x0], $0xffff;
	(erf) = vpow2.f32 v18;
	(pc) =	sbr.rel @p0 .LBB2_8-.Ltmp3, $4  }
0xff: {  	v17 =	vld.idx.msk [tilespmem:v9+s20+$0x0], $0xffff  }
0x100: {  	v13 =	vld.idx.msk [tilespmem:v8+s20+$0x0], $0xffff  }
0x101: {  	v16 =	vld.idx.msk [tilespmem:v16+s19+$0x0], $0xffff  }
0x102: {  	s29 =	sadd.s32 $0x40, s29;
	s30 =	sadd.s32 $0x40, s30;
	v14 =	vld.idx.msk [tilespmem:v21+s19+$0x0], $0xffff  }
0x103: {  	_ = 	snop  }
0x104: {  	v12 =	vadd.f32 v17, v12;
	_ =	sdelay $0x1  }
0x105: {  	v11 =	vadd.f32 v11, v16;
	v56 =	vmul.f32 $2.000000030e-01, v12  }
0x106: {  	vm0 =	vge.f32 v12, $0.0e+00;
	v13 =	vadd.f32 v13, v14  }
0x107: {  	v10 =	vadd.f32 v15, v10;
	v16 =	vmul.f32 $2.000000030e-01, v11;
	v12 =	vsel vm0, v12, v56  }
0x108: {  	vm13 =	vge.f32 v11, $0.0e+00;
	v58 =	vmul.f32 $2.000000030e-01, v13;
	v12 =	vsub.f32 v12, v1  }
0x109: {  	v57 =	vmul.f32 $2.000000030e-01, v10;
	vm1 =	vge.f32 v13, $0.0e+00;
	v11 =	vsel vm13, v11, v16  }
0x10a: {  	v11 =	vsub.f32 v11, v1;
	v13 =	vsel vm1, v13, v58;
	v12 =	vmul.f32 $1.442695020e+00, v12  }
0x10b: {  	vm14 =	vge.f32 v10, $0.0e+00;
	v13 =	vsub.f32 v13, v1  }
0x10c: {  	v10 =	vsel vm14, v10, v57;
	v11 =	vmul.f32 $1.442695020e+00, v11;
	(erf) = vpow2.f32 v12  }
0x10d: {  	v59 =	vpop (erf);
	v10 =	vsub.f32 v10, v1;
	v13 =	vmul.f32 $1.442695020e+00, v13  }
0x10e: {  	[tilespmem:s26+$0xFFFFFFF0] =	vst v59;
	v60 =	vpop (erf);
	(erf) = vpow2.f32 v11  }
0x10f: {  	[tilespmem:s26+$0xFFFFFFE0] =	vst v60;
	v10 =	vmul.f32 $1.442695020e+00, v10;
	(erf) = vpow2.f32 v13  }
0x110: {  	v61 =	vpop (erf);
	[tilespmem:v6+s22+$0x0] =	vst.idx.add.f32.msk $0xffff, v59  }
0x111: {  	[tilespmem:s26+$0x0] =	vst v61;
	(erf) = vpow2.f32 v10  }
0x112: {  	v62 =	vpop (erf);
	[tilespmem:v2+s22+$0x0] =	vst.idx.add.f32.msk $0xffff, v60  }
0x113: {  	[tilespmem:s26+$0x10] =	vst v62  }
0x114: {  	[tilespmem:v7+s22+$0x0] =	vst.idx.add.f32.msk $0xffff, v61  }
0x115: {  	s25 =	sadd.s32 $0x40, s25;
	[tilespmem:v3+s22+$0x0] =	vst.idx.add.f32.msk $0xffff, v62;
	v2 =	vpop (erf)  }
0x116: {  	[tilespmem:s25+$0xFFFFFFF0] =	vst v2  }
0x117: {  	v3 =	vpop (erf);
	[tilespmem:v9+s22+$0x0] =	vst.idx.add.f32.msk $0xffff, v2  }
0x118: {  	[tilespmem:s25+$0xFFFFFFE0] =	vst v3;
	v63 =	vpop (erf)  }
0x119: {  	[tilespmem:s25+$0x0] =	vst v63  }
0x11a: {  	v2 =	vpop (erf);
	[tilespmem:v5+s22+$0x0] =	vst.idx.add.f32.msk $0xffff, v3  }
0x11b: {  	[tilespmem:s25+$0x10] =	vst v2  }
0x11c: {  	[tilespmem:v8+s22+$0x0] =	vst.idx.add.f32.msk $0xffff, v63  }
0x11d: {  	[tilespmem:v4+s22+$0x0] =	vst.idx.add.f32.msk $0xffff, v2  }
0x11e: {  	v2 =	vld [tilespmem:$0x2700]  }
0x11f: {  	v3 =	vld [tilespmem:$0x4E80];
	_ =	sdelay $0x6  }
0x120: {  	v2 =	vld.idx.msk [tilespmem:v2+s19+$0x0], $0xffff  }
0x121: {  	v4 =	vld.idx.msk [tilespmem:v3+s20+$0x0], $0xffff;
	_ =	sdelay $0x4  }
0x122: {  	v2 =	vadd.f32 v4, v2;
	_ =	sdelay $0x1  }
0x123: {  	v4 =	vmul.f32 $2.000000030e-01, v2  }
0x124: {  	vm15 =	vge.f32 v2, $0.0e+00  }
0x125: {  	v2 =	vsel vm15, v2, v4  }
0x126: {  	v1 =	vsub.f32 v2, v1;
	_ =	sdelay $0x1  }
0x127: {  	v1 =	vmul.f32 $1.442695020e+00, v1;
	_ =	sdelay $0x1  }
0x128: {  	(erf) = vpow2.f32 v1;
	_ =	sdelay $0x8  }
0x129: {  	v1 =	vpop (erf)  }
0x12a: {  	[tilespmem:$0xEE00] =	vst v1  }
0x12b: {  	s25 =	rddreg [dreg:$0x9];
	[tilespmem:v3+s22+$0x0] =	vst.idx.add.f32.msk $0xffff, v1  }
0x12c: {  	[hbm4b:s25+s3] =	stream.linear.scatter [tilespmem:s23], [sflag:$0x1], $0x2710, $0x38;
	[tilespmem:$0xEF00] =	vst v63  }
0x12d: {  	_ =	swait.ge [sflag:s18], $0x2710  }
0x12e: {  	[sflag:s18] =	ssyncset.done $0x0  }
0x12f: {  	s30 =	rddreg [dreg:$0x18];
	[sflag:s18] =	ssyncadd.s32 $0xFFFFD8F0  }
0x130: {  	[hbm4b:s30+s3] =	stream.linear.scatter [tilespmem:s22], [sflag:$0x1], $0x2800, $0x38;
	[tilespmem:$0xEF00] =	vst v63  }
0x131: {  	_ =	swait.ge [sflag:s18], $0x2800  }
0x132: {  	[sflag:s18] =	ssyncset.done $0x0  }
0x133: {  	s26 =	rddreg [dreg:$0x19];
	[sflag:s18] =	ssyncadd.s32 $0xFFFFD800  }
0x134: {  	[tilespmem:s19], [sflag:$0x1] =	stream.linear.gather [hbm4b:s26+s3], $0x2800, $0x38;
	[tilespmem:$0xEF00] =	vst v63  }
0x135: {  	_ =	swait.ge [sflag:s18], $0x2800  }
0x136: {  	[sflag:s18] =	ssyncset.done $0x0  }
0x137: {  	s29 =	rddreg [dreg:$0x1a];
	[sflag:s18] =	ssyncadd.s32 $0xFFFFD800  }
0x138: {  	[tilespmem:s20], [sflag:$0x1] =	stream.linear.gather [hbm4b:s29+s3], $0x2800, $0x38;
	[tilespmem:$0xEF00] =	vst v63  }
0x139: {  	_ =	swait.ge [sflag:s18], $0x2800  }
0x13a: {  	[sflag:s18] =	ssyncset.done $0x0  }
0x13b: {  	s30 =	rddreg [dreg:$0xa];
	[sflag:s18] =	ssyncadd.s32 $0xFFFFD800  }
0x13c: {  	[tilespmem:s21], [sflag:$0x1] =	stream.linear.gather [hbm4b:s30+s3], $0x10, $0x38;
	[tilespmem:$0xEF00] =	vst v63  }
0x13d: {  	_ =	swait.ge [sflag:s18], $0x10  }
0x13e: {  	[sflag:s18] =	ssyncset.done $0x0  }
0x13f: {  	s26 =	simm.s32 $0x9F40;
	[sflag:s18] =	ssyncadd.s32 $0xFFFFFFF0  }
0x140: {  	v1 =	vld [tilespmem:$0xEE80];
	[tilespmem:s26+$0xFFFFFFC0] =	vst v0  }
0x141: {  	[tilespmem:s26+$0x30] =	vst v0  }
0x142: {  	[tilespmem:s26+$0x20] =	vst v0  }
0x143: {  	[tilespmem:s26+$0x10] =	vst v0  }
0x144: {  	[tilespmem:s26+$0x0] =	vst v0  }
0x145: {  	[tilespmem:s26+$0xFFFFFFF0] =	vst v0  }
0x146: {  	s28 =	simm.s32 $0x0;
	[tilespmem:s26+$0xFFFFFFE0] =	vst v0  }
.LBB2_10:
0x147: {  	s28 =	sadd.s32 $0x8, s28;
	[tilespmem:s26+$0xFFFFFFD0] =	vst v0;
	s26 =	sadd.s32 $0x80, s26  }
0x148: {  	[tilespmem:s26+$0xFFFFFFC0] =	vst v0;
	p0 =	slt.u32 s28, $0x278  }
0x149: {  	[tilespmem:s26+$0x30] =	vst v0  }
.Ltmp4:
0x14a: {  	[tilespmem:s26+$0x20] =	vst v0;
	(pc) =	sbr.rel @p0 .LBB2_10-.Ltmp4, $4  }
0x14b: {  	[tilespmem:s26+$0x10] =	vst v0  }
0x14c: {  	[tilespmem:s26+$0x0] =	vst v0  }
0x14d: {  	[tilespmem:s26+$0xFFFFFFF0] =	vst v0  }
0x14e: {  	s25 =	simm.s32 $0xC720;
	s30 =	simm.s32 $0x27A0;
	s29 =	simm.s32 $0x20;
	[tilespmem:s26+$0xFFFFFFE0] =	vst v0  }
0x14f: {  	[tilespmem:s26+$0xFFFFFFD0] =	vst v0  }
0x150: {  	v4 =	vld [tilespmem:s29+$0x10]  }
0x151: {  	v5 =	vld [tilespmem:s29+$0xFFFFFFF0]  }
0x152: {  	v2 =	vld [tilespmem:s30+$0xFFFFFFE0]  }
0x153: {  	v3 =	vld [tilespmem:s30+$0x10]  }
0x154: {  	v6 =	vld [tilespmem:s30+$0xFFFFFFF0]  }
0x155: {  	v7 =	vld [tilespmem:s30+$0x0]  }
0x156: {  	v8 =	vld [tilespmem:s29+$0xFFFFFFE0]  }
0x157: {  	v9 =	vld [tilespmem:s29+$0x0]  }
0x158: {  	v10 =	vld.idx.msk [tilespmem:v4+s19+$0x0], $0xffff  }
0x159: {  	v11 =	vld.idx.msk [tilespmem:v5+s19+$0x0], $0xffff  }
0x15a: {  	v12 =	vld.idx.msk [tilespmem:v2+s20+$0x0], $0xffff  }
0x15b: {  	v13 =	vld.idx.msk [tilespmem:v3+s20+$0x0], $0xffff  }
0x15c: {  	v14 =	vld.idx.msk [tilespmem:v6+s20+$0x0], $0xffff  }
0x15d: {  	v15 =	vld.idx.msk [tilespmem:v7+s20+$0x0], $0xffff  }
0x15e: {  	v8 =	vld.idx.msk [tilespmem:v8+s19+$0x0], $0xffff  }
0x15f: {  	v16 =	vld.idx.msk [tilespmem:v9+s19+$0x0], $0xffff  }
0x160: {  	s26 =	simm.s32 $0x60  }
0x161: {  	v17 =	vld [tilespmem:s26+$0x10]  }
0x162: {  	v18 =	vld [tilespmem:s26+$0xFFFFFFF0];
	v11 =	vadd.f32 v14, v11  }
0x163: {  	s28 =	simm.s32 $0x27E0;
	v19 =	vld [tilespmem:s26+$0xFFFFFFE0];
	v12 =	vadd.f32 v12, v8  }
0x164: {  	v5 =	vld [tilespmem:s28+$0xFFFFFFE0];
	v15 =	vadd.f32 v15, v16;
	v13 =	vadd.f32 v13, v10;
	v14 =	vmul.f32 $2.000000030e-01, v11  }
0x165: {  	v4 =	vld [tilespmem:s28+$0x10];
	v16 =	vmul.f32 $2.000000030e-01, v12;
	vm0 =	vge.f32 v11, $0.0e+00;
	vm1 =	vge.f32 v12, $0.0e+00  }
0x166: {  	v9 =	vld [tilespmem:s28+$0xFFFFFFF0];
	vm14 =	vge.f32 v15, $0.0e+00;
	v10 =	vsel vm0, v11, v14;
	v11 =	vmul.f32 $2.000000030e-01, v15  }
0x167: {  	v8 =	vld [tilespmem:s28+$0x0];
	v12 =	vsel vm1, v12, v16;
	v16 =	vmul.f32 $2.000000030e-01, v13;
	v20 =	vsub.f32 v10, v1  }
0x168: {  	vm15 =	vge.f32 v13, $0.0e+00;
	v14 =	vld [tilespmem:s26+$0x0];
	v11 =	vsel vm14, v15, v11;
	v15 =	vsub.f32 v12, v1  }
0x169: {  	v10 =	vld.idx.msk [tilespmem:v17+s19+$0x0], $0xffff;
	v13 =	vsel vm15, v13, v16;
	v16 =	vmul.f32 $1.442695020e+00, v20;
	v17 =	vsub.f32 v11, v1  }
0x16a: {  	v12 =	vld.idx.msk [tilespmem:v18+s19+$0x0], $0xffff;
	v13 =	vsub.f32 v13, v1;
	v18 =	vmul.f32 $1.442695020e+00, v15  }
0x16b: {  	v63 =	vmul.f32 $1.442695020e+00, v17;
	(erf) = vpow2.f32 v16  }
0x16c: {  	v21 =	vmul.f32 $1.442695020e+00, v13;
	(erf) = vpow2.f32 v18  }
0x16d: {  	v11 =	vld.idx.msk [tilespmem:v5+s20+$0x0], $0xffff;
	(erf) = vpow2.f32 v63  }
0x16e: {  	v15 =	vld.idx.msk [tilespmem:v4+s20+$0x0], $0xffff;
	(erf) = vpow2.f32 v21  }
0x16f: {  	v17 =	vld.idx.msk [tilespmem:v9+s20+$0x0], $0xffff  }
0x170: {  	v13 =	vld.idx.msk [tilespmem:v8+s20+$0x0], $0xffff  }
0x171: {  	s29 =	simm.s32 $0x2820;
	v16 =	vld.idx.msk [tilespmem:v19+s19+$0x0], $0xffff  }
0x172: {  	s30 =	simm.s32 $0xA0;
	s28 =	simm.s32 $0x4;
	s26 =	simm.s32 $0xC720;
	v14 =	vld.idx.msk [tilespmem:v14+s19+$0x0], $0xffff  }
.LBB2_12:
0x173: {  	v18 =	vld [tilespmem:s29+$0x10];
	s28 =	sadd.s32 $0x4, s28;
	s25 =	sadd.s32 $0x40, s25  }
0x174: {  	v10 =	vadd.f32 v15, v10;
	v19 =	vld [tilespmem:s30+$0x10];
	p0 =	slt.u32 s28, $0x26C;
	v15 =	vpop (erf)  }
0x175: {  	v12 =	vadd.f32 v17, v12;
	v20 =	vld [tilespmem:s29+$0xFFFFFFE0];
	[tilespmem:s26+$0xFFFFFFF0] =	vst v15;
	v17 =	vpop (erf)  }
0x176: {  	v22 =	vmul.f32 $2.000000030e-01, v10;
	v21 =	vld [tilespmem:s29+$0xFFFFFFF0];
	[tilespmem:s26+$0xFFFFFFE0] =	vst v17;
	v23 =	vpop (erf)  }
0x177: {  	vm0 =	vge.f32 v10, $0.0e+00;
	v11 =	vadd.f32 v11, v16;
	v16 =	vmul.f32 $2.000000030e-01, v12;
	[tilespmem:v6+s22+$0x0] =	vst.idx.add.f32.msk $0xffff, v15;
	v15 =	vpop (erf)  }
0x178: {  	vm1 =	vge.f32 v12, $0.0e+00;
	v13 =	vadd.f32 v13, v14;
	v10 =	vsel vm0, v10, v22;
	v6 =	vmovc v9;
	v24 =	vld [tilespmem:s30+$0xFFFFFFF0];
	[tilespmem:s26+$0x10] =	vst v15  }
0x179: {  	v9 =	vmul.f32 $2.000000030e-01, v11;
	v12 =	vsel vm1, v12, v16;
	v10 =	vsub.f32 v10, v1;
	v14 =	vld [tilespmem:s29+$0x0];
	[tilespmem:s26+$0x0] =	vst v23;
	s26 =	smov.u32 s25  }
0x17a: {  	vm0 =	vge.f32 v11, $0.0e+00;
	vm1 =	vge.f32 v13, $0.0e+00;
	v16 =	vmul.f32 $2.000000030e-01, v13;
	[tilespmem:v3+s22+$0x0] =	vst.idx.add.f32.msk $0xffff, v15;
	v3 =	vmovc v4;
	v4 =	vmovc v18  }
0x17b: {  	v15 =	vsel vm0, v11, v9;
	v11 =	vsub.f32 v12, v1;
	v18 =	vmul.f32 $1.442695020e+00, v10;
	[tilespmem:v7+s22+$0x0] =	vst.idx.add.f32.msk $0xffff, v23  }
0x17c: {  	v10 =	vsub.f32 v15, v1;
	v13 =	vsel vm1, v13, v16;
	[tilespmem:v2+s22+$0x0] =	vst.idx.add.f32.msk $0xffff, v17;
	v2 =	vmov v5  }
0x17d: {  	v7 =	vmovc v8;
	v11 =	vmul.f32 $1.442695020e+00, v11;
	v12 =	vsub.f32 v13, v1;
	v5 =	vmovc v20;
	v9 =	vmov v21;
	v16 =	vld [tilespmem:s30+$0xFFFFFFE0]  }
0x17e: {  	v13 =	vmul.f32 $1.442695020e+00, v10;
	v21 =	vld [tilespmem:s30+$0x0];
	v8 =	vmov v14  }
0x17f: {  	v14 =	vmul.f32 $1.442695020e+00, v12;
	v10 =	vld.idx.msk [tilespmem:v19+s19+$0x0], $0xffff;
	(erf) = vpow2.f32 v11  }
0x180: {  	v12 =	vld.idx.msk [tilespmem:v24+s19+$0x0], $0xffff;
	(erf) = vpow2.f32 v13  }
0x181: {  	v11 =	vld.idx.msk [tilespmem:v20+s20+$0x0], $0xffff;
	(erf) = vpow2.f32 v14  }
.Ltmp5:
0x182: {  	v15 =	vld.idx.msk [tilespmem:v4+s20+$0x0], $0xffff;
	(erf) = vpow2.f32 v18;
	(pc) =	sbr.rel @p0 .LBB2_12-.Ltmp5, $4  }
0x183: {  	v17 =	vld.idx.msk [tilespmem:v9+s20+$0x0], $0xffff  }
0x184: {  	v13 =	vld.idx.msk [tilespmem:v8+s20+$0x0], $0xffff  }
0x185: {  	v16 =	vld.idx.msk [tilespmem:v16+s19+$0x0], $0xffff  }
0x186: {  	s29 =	sadd.s32 $0x40, s29;
	s30 =	sadd.s32 $0x40, s30;
	v14 =	vld.idx.msk [tilespmem:v21+s19+$0x0], $0xffff  }
0x187: {  	_ = 	snop  }
0x188: {  	v12 =	vadd.f32 v17, v12;
	_ =	sdelay $0x1  }
0x189: {  	v11 =	vadd.f32 v11, v16;
	v56 =	vmul.f32 $2.000000030e-01, v12  }
0x18a: {  	vm0 =	vge.f32 v12, $0.0e+00;
	v13 =	vadd.f32 v13, v14  }
0x18b: {  	v10 =	vadd.f32 v15, v10;
	v16 =	vmul.f32 $2.000000030e-01, v11;
	v12 =	vsel vm0, v12, v56  }
0x18c: {  	vm13 =	vge.f32 v11, $0.0e+00;
	v58 =	vmul.f32 $2.000000030e-01, v13;
	v12 =	vsub.f32 v12, v1  }
0x18d: {  	v57 =	vmul.f32 $2.000000030e-01, v10;
	vm1 =	vge.f32 v13, $0.0e+00;
	v11 =	vsel vm13, v11, v16  }
0x18e: {  	v11 =	vsub.f32 v11, v1;
	v13 =	vsel vm1, v13, v58;
	v12 =	vmul.f32 $1.442695020e+00, v12  }
0x18f: {  	vm14 =	vge.f32 v10, $0.0e+00;
	v13 =	vsub.f32 v13, v1  }
0x190: {  	v10 =	vsel vm14, v10, v57;
	v11 =	vmul.f32 $1.442695020e+00, v11;
	(erf) = vpow2.f32 v12  }
0x191: {  	v59 =	vpop (erf);
	v10 =	vsub.f32 v10, v1;
	v13 =	vmul.f32 $1.442695020e+00, v13  }
0x192: {  	[tilespmem:s26+$0xFFFFFFF0] =	vst v59;
	v60 =	vpop (erf);
	(erf) = vpow2.f32 v11  }
0x193: {  	[tilespmem:s26+$0xFFFFFFE0] =	vst v60;
	v10 =	vmul.f32 $1.442695020e+00, v10;
	(erf) = vpow2.f32 v13  }
0x194: {  	v61 =	vpop (erf);
	[tilespmem:v6+s22+$0x0] =	vst.idx.add.f32.msk $0xffff, v59  }
0x195: {  	[tilespmem:s26+$0x0] =	vst v61;
	(erf) = vpow2.f32 v10  }
0x196: {  	v62 =	vpop (erf);
	[tilespmem:v2+s22+$0x0] =	vst.idx.add.f32.msk $0xffff, v60  }
0x197: {  	[tilespmem:s26+$0x10] =	vst v62  }
0x198: {  	[tilespmem:v7+s22+$0x0] =	vst.idx.add.f32.msk $0xffff, v61  }
0x199: {  	s25 =	sadd.s32 $0x40, s25;
	[tilespmem:v3+s22+$0x0] =	vst.idx.add.f32.msk $0xffff, v62;
	v2 =	vpop (erf)  }
0x19a: {  	[tilespmem:s25+$0xFFFFFFF0] =	vst v2  }
0x19b: {  	v3 =	vpop (erf);
	[tilespmem:v9+s22+$0x0] =	vst.idx.add.f32.msk $0xffff, v2  }
0x19c: {  	[tilespmem:s25+$0xFFFFFFE0] =	vst v3;
	v63 =	vpop (erf)  }
0x19d: {  	[tilespmem:s25+$0x0] =	vst v63  }
0x19e: {  	v2 =	vpop (erf);
	[tilespmem:v5+s22+$0x0] =	vst.idx.add.f32.msk $0xffff, v3  }
0x19f: {  	[tilespmem:s25+$0x10] =	vst v2  }
0x1a0: {  	[tilespmem:v8+s22+$0x0] =	vst.idx.add.f32.msk $0xffff, v63  }
0x1a1: {  	[tilespmem:v4+s22+$0x0] =	vst.idx.add.f32.msk $0xffff, v2  }
0x1a2: {  	v2 =	vld [tilespmem:$0x2700]  }
0x1a3: {  	v3 =	vld [tilespmem:$0x4E80];
	_ =	sdelay $0x6  }
0x1a4: {  	v2 =	vld.idx.msk [tilespmem:v2+s19+$0x0], $0xffff  }
0x1a5: {  	v4 =	vld.idx.msk [tilespmem:v3+s20+$0x0], $0xffff;
	_ =	sdelay $0x4  }
0x1a6: {  	v2 =	vadd.f32 v4, v2;
	_ =	sdelay $0x1  }
0x1a7: {  	v4 =	vmul.f32 $2.000000030e-01, v2  }
0x1a8: {  	vm15 =	vge.f32 v2, $0.0e+00  }
0x1a9: {  	v2 =	vsel vm15, v2, v4  }
0x1aa: {  	v1 =	vsub.f32 v2, v1;
	_ =	sdelay $0x1  }
0x1ab: {  	v1 =	vmul.f32 $1.442695020e+00, v1;
	_ =	sdelay $0x1  }
0x1ac: {  	(erf) = vpow2.f32 v1;
	_ =	sdelay $0x8  }
0x1ad: {  	v1 =	vpop (erf)  }
0x1ae: {  	[tilespmem:$0xEE00] =	vst v1  }
0x1af: {  	[tilespmem:v3+s22+$0x0] =	vst.idx.add.f32.msk $0xffff, v1  }
0x1b0: {  	[hbm4b:s31+s3] =	stream.linear.scatter [tilespmem:s23], [sflag:$0x1], $0x2710, $0x38;
	[tilespmem:$0xEF00] =	vst v63  }
0x1b1: {  	_ =	swait.ge [sflag:s18], $0x2710  }
0x1b2: {  	[sflag:s18] =	ssyncset.done $0x0  }
0x1b3: {  	s29 =	rddreg [dreg:$0xb];
	[sflag:s18] =	ssyncadd.s32 $0xFFFFD8F0  }
0x1b4: {  	[hbm4b:s29+s3] =	stream.linear.scatter [tilespmem:s22], [sflag:$0x1], $0x2800, $0x38;
	[tilespmem:$0xEF00] =	vst v63  }
0x1b5: {  	_ =	swait.ge [sflag:s18], $0x2800  }
0x1b6: {  	[sflag:s18] =	ssyncset.done $0x0  }
0x1b7: {  	[sflag:s18] =	ssyncadd.s32 $0xFFFFD800  }
0x1b8: {  	[tilespmem:s19], [sflag:$0x1] =	stream.linear.gather [hbm4b:s0+s3], $0x2800, $0x38;
	[tilespmem:$0xEF00] =	vst v63  }
0x1b9: {  	_ =	swait.ge [sflag:s18], $0x2800  }
0x1ba: {  	[sflag:s18] =	ssyncset.done $0x0  }
0x1bb: {  	[sflag:s18] =	ssyncadd.s32 $0xFFFFD800  }
0x1bc: {  	[tilespmem:s20], [sflag:$0x1] =	stream.linear.gather [hbm4b:s1+s3], $0x2800, $0x38;
	[tilespmem:$0xEF00] =	vst v63  }
0x1bd: {  	_ =	swait.ge [sflag:s18], $0x2800  }
0x1be: {  	[sflag:s18] =	ssyncset.done $0x0  }
0x1bf: {  	s30 =	rddreg [dreg:$0xc];
	[sflag:s18] =	ssyncadd.s32 $0xFFFFD800  }
0x1c0: {  	[tilespmem:s21], [sflag:$0x1] =	stream.linear.gather [hbm4b:s30+s3], $0x10, $0x38;
	[tilespmem:$0xEF00] =	vst v63  }
0x1c1: {  	_ =	swait.ge [sflag:s18], $0x10  }
0x1c2: {  	[sflag:s18] =	ssyncset.done $0x0  }
0x1c3: {  	s26 =	simm.s32 $0x9F40;
	[sflag:s18] =	ssyncadd.s32 $0xFFFFFFF0  }
0x1c4: {  	v1 =	vld [tilespmem:$0xEE80];
	[tilespmem:s26+$0xFFFFFFC0] =	vst v0  }
0x1c5: {  	[tilespmem:s26+$0x30] =	vst v0  }
0x1c6: {  	[tilespmem:s26+$0x20] =	vst v0  }
0x1c7: {  	[tilespmem:s26+$0x10] =	vst v0  }
0x1c8: {  	[tilespmem:s26+$0x0] =	vst v0  }
0x1c9: {  	[tilespmem:s26+$0xFFFFFFF0] =	vst v0  }
0x1ca: {  	s28 =	simm.s32 $0x0;
	[tilespmem:s26+$0xFFFFFFE0] =	vst v0  }
.LBB2_14:
0x1cb: {  	s28 =	sadd.s32 $0x8, s28;
	[tilespmem:s26+$0xFFFFFFD0] =	vst v0;
	s26 =	sadd.s32 $0x80, s26  }
0x1cc: {  	[tilespmem:s26+$0xFFFFFFC0] =	vst v0;
	p0 =	slt.u32 s28, $0x278  }
0x1cd: {  	[tilespmem:s26+$0x30] =	vst v0  }
.Ltmp6:
0x1ce: {  	[tilespmem:s26+$0x20] =	vst v0;
	(pc) =	sbr.rel @p0 .LBB2_14-.Ltmp6, $4  }
0x1cf: {  	[tilespmem:s26+$0x10] =	vst v0  }
0x1d0: {  	[tilespmem:s26+$0x0] =	vst v0  }
0x1d1: {  	[tilespmem:s26+$0xFFFFFFF0] =	vst v0  }
0x1d2: {  	s25 =	simm.s32 $0xC720;
	s30 =	simm.s32 $0x27A0;
	s29 =	simm.s32 $0x20;
	[tilespmem:s26+$0xFFFFFFE0] =	vst v0  }
0x1d3: {  	[tilespmem:s26+$0xFFFFFFD0] =	vst v0  }
0x1d4: {  	v4 =	vld [tilespmem:s29+$0x10]  }
0x1d5: {  	v5 =	vld [tilespmem:s29+$0xFFFFFFF0]  }
0x1d6: {  	v2 =	vld [tilespmem:s30+$0xFFFFFFE0]  }
0x1d7: {  	v3 =	vld [tilespmem:s30+$0x10]  }
0x1d8: {  	v6 =	vld [tilespmem:s30+$0xFFFFFFF0]  }
0x1d9: {  	v7 =	vld [tilespmem:s30+$0x0]  }
0x1da: {  	v8 =	vld [tilespmem:s29+$0xFFFFFFE0]  }
0x1db: {  	v9 =	vld [tilespmem:s29+$0x0]  }
0x1dc: {  	v10 =	vld.idx.msk [tilespmem:v4+s19+$0x0], $0xffff  }
0x1dd: {  	v11 =	vld.idx.msk [tilespmem:v5+s19+$0x0], $0xffff  }
0x1de: {  	v12 =	vld.idx.msk [tilespmem:v2+s20+$0x0], $0xffff  }
0x1df: {  	v13 =	vld.idx.msk [tilespmem:v3+s20+$0x0], $0xffff  }
0x1e0: {  	v14 =	vld.idx.msk [tilespmem:v6+s20+$0x0], $0xffff  }
0x1e1: {  	v15 =	vld.idx.msk [tilespmem:v7+s20+$0x0], $0xffff  }
0x1e2: {  	v8 =	vld.idx.msk [tilespmem:v8+s19+$0x0], $0xffff  }
0x1e3: {  	v16 =	vld.idx.msk [tilespmem:v9+s19+$0x0], $0xffff  }
0x1e4: {  	s26 =	simm.s32 $0x60  }
0x1e5: {  	v17 =	vld [tilespmem:s26+$0x10]  }
0x1e6: {  	v18 =	vld [tilespmem:s26+$0xFFFFFFF0];
	v11 =	vadd.f32 v14, v11  }
0x1e7: {  	s28 =	simm.s32 $0x27E0;
	v19 =	vld [tilespmem:s26+$0xFFFFFFE0];
	v12 =	vadd.f32 v12, v8  }
0x1e8: {  	v5 =	vld [tilespmem:s28+$0xFFFFFFE0];
	v15 =	vadd.f32 v15, v16;
	v13 =	vadd.f32 v13, v10;
	v14 =	vmul.f32 $2.000000030e-01, v11  }
0x1e9: {  	v4 =	vld [tilespmem:s28+$0x10];
	v16 =	vmul.f32 $2.000000030e-01, v12;
	vm0 =	vge.f32 v11, $0.0e+00;
	vm1 =	vge.f32 v12, $0.0e+00  }
0x1ea: {  	v9 =	vld [tilespmem:s28+$0xFFFFFFF0];
	vm14 =	vge.f32 v15, $0.0e+00;
	v10 =	vsel vm0, v11, v14;
	v11 =	vmul.f32 $2.000000030e-01, v15  }
0x1eb: {  	v8 =	vld [tilespmem:s28+$0x0];
	v12 =	vsel vm1, v12, v16;
	v16 =	vmul.f32 $2.000000030e-01, v13;
	v20 =	vsub.f32 v10, v1  }
0x1ec: {  	vm15 =	vge.f32 v13, $0.0e+00;
	v14 =	vld [tilespmem:s26+$0x0];
	v11 =	vsel vm14, v15, v11;
	v15 =	vsub.f32 v12, v1  }
0x1ed: {  	v10 =	vld.idx.msk [tilespmem:v17+s19+$0x0], $0xffff;
	v13 =	vsel vm15, v13, v16;
	v16 =	vmul.f32 $1.442695020e+00, v20;
	v17 =	vsub.f32 v11, v1  }
0x1ee: {  	v12 =	vld.idx.msk [tilespmem:v18+s19+$0x0], $0xffff;
	v13 =	vsub.f32 v13, v1;
	v18 =	vmul.f32 $1.442695020e+00, v15  }
0x1ef: {  	v63 =	vmul.f32 $1.442695020e+00, v17;
	(erf) = vpow2.f32 v16  }
0x1f0: {  	v21 =	vmul.f32 $1.442695020e+00, v13;
	(erf) = vpow2.f32 v18  }
0x1f1: {  	v11 =	vld.idx.msk [tilespmem:v5+s20+$0x0], $0xffff;
	(erf) = vpow2.f32 v63  }
0x1f2: {  	v15 =	vld.idx.msk [tilespmem:v4+s20+$0x0], $0xffff;
	(erf) = vpow2.f32 v21  }
0x1f3: {  	v17 =	vld.idx.msk [tilespmem:v9+s20+$0x0], $0xffff  }
0x1f4: {  	v13 =	vld.idx.msk [tilespmem:v8+s20+$0x0], $0xffff  }
0x1f5: {  	s29 =	simm.s32 $0x2820;
	v16 =	vld.idx.msk [tilespmem:v19+s19+$0x0], $0xffff  }
0x1f6: {  	s30 =	simm.s32 $0xA0;
	s28 =	simm.s32 $0x4;
	s26 =	simm.s32 $0xC720;
	v14 =	vld.idx.msk [tilespmem:v14+s19+$0x0], $0xffff  }
.LBB2_16:
0x1f7: {  	v18 =	vld [tilespmem:s29+$0x10];
	s28 =	sadd.s32 $0x4, s28;
	s25 =	sadd.s32 $0x40, s25  }
0x1f8: {  	v10 =	vadd.f32 v15, v10;
	v19 =	vld [tilespmem:s30+$0x10];
	p0 =	slt.u32 s28, $0x26C;
	v15 =	vpop (erf)  }
0x1f9: {  	v12 =	vadd.f32 v17, v12;
	v20 =	vld [tilespmem:s29+$0xFFFFFFE0];
	[tilespmem:s26+$0xFFFFFFF0] =	vst v15;
	v17 =	vpop (erf)  }
0x1fa: {  	v22 =	vmul.f32 $2.000000030e-01, v10;
	v21 =	vld [tilespmem:s29+$0xFFFFFFF0];
	[tilespmem:s26+$0xFFFFFFE0] =	vst v17;
	v23 =	vpop (erf)  }
0x1fb: {  	vm0 =	vge.f32 v10, $0.0e+00;
	v11 =	vadd.f32 v11, v16;
	v16 =	vmul.f32 $2.000000030e-01, v12;
	[tilespmem:v6+s22+$0x0] =	vst.idx.add.f32.msk $0xffff, v15;
	v15 =	vpop (erf)  }
0x1fc: {  	vm1 =	vge.f32 v12, $0.0e+00;
	v13 =	vadd.f32 v13, v14;
	v10 =	vsel vm0, v10, v22;
	v6 =	vmovc v9;
	v24 =	vld [tilespmem:s30+$0xFFFFFFF0];
	[tilespmem:s26+$0x10] =	vst v15  }
0x1fd: {  	v9 =	vmul.f32 $2.000000030e-01, v11;
	v12 =	vsel vm1, v12, v16;
	v10 =	vsub.f32 v10, v1;
	v14 =	vld [tilespmem:s29+$0x0];
	[tilespmem:s26+$0x0] =	vst v23;
	s26 =	smov.u32 s25  }
0x1fe: {  	vm0 =	vge.f32 v11, $0.0e+00;
	vm1 =	vge.f32 v13, $0.0e+00;
	v16 =	vmul.f32 $2.000000030e-01, v13;
	[tilespmem:v3+s22+$0x0] =	vst.idx.add.f32.msk $0xffff, v15;
	v3 =	vmovc v4;
	v4 =	vmovc v18  }
0x1ff: {  	v15 =	vsel vm0, v11, v9;
	v11 =	vsub.f32 v12, v1;
	v18 =	vmul.f32 $1.442695020e+00, v10;
	[tilespmem:v7+s22+$0x0] =	vst.idx.add.f32.msk $0xffff, v23  }
0x200: {  	v10 =	vsub.f32 v15, v1;
	v13 =	vsel vm1, v13, v16;
	[tilespmem:v2+s22+$0x0] =	vst.idx.add.f32.msk $0xffff, v17;
	v2 =	vmov v5  }
0x201: {  	v7 =	vmovc v8;
	v11 =	vmul.f32 $1.442695020e+00, v11;
	v12 =	vsub.f32 v13, v1;
	v5 =	vmovc v20;
	v9 =	vmov v21;
	v16 =	vld [tilespmem:s30+$0xFFFFFFE0]  }
0x202: {  	v13 =	vmul.f32 $1.442695020e+00, v10;
	v21 =	vld [tilespmem:s30+$0x0];
	v8 =	vmov v14  }
0x203: {  	v14 =	vmul.f32 $1.442695020e+00, v12;
	v10 =	vld.idx.msk [tilespmem:v19+s19+$0x0], $0xffff;
	(erf) = vpow2.f32 v11  }
0x204: {  	v12 =	vld.idx.msk [tilespmem:v24+s19+$0x0], $0xffff;
	(erf) = vpow2.f32 v13  }
0x205: {  	v11 =	vld.idx.msk [tilespmem:v20+s20+$0x0], $0xffff;
	(erf) = vpow2.f32 v14  }
.Ltmp7:
0x206: {  	v15 =	vld.idx.msk [tilespmem:v4+s20+$0x0], $0xffff;
	(erf) = vpow2.f32 v18;
	(pc) =	sbr.rel @p0 .LBB2_16-.Ltmp7, $4  }
0x207: {  	v17 =	vld.idx.msk [tilespmem:v9+s20+$0x0], $0xffff  }
0x208: {  	v13 =	vld.idx.msk [tilespmem:v8+s20+$0x0], $0xffff  }
0x209: {  	v16 =	vld.idx.msk [tilespmem:v16+s19+$0x0], $0xffff  }
0x20a: {  	s29 =	sadd.s32 $0x40, s29;
	s30 =	sadd.s32 $0x40, s30;
	v14 =	vld.idx.msk [tilespmem:v21+s19+$0x0], $0xffff  }
0x20b: {  	_ = 	snop  }
0x20c: {  	v12 =	vadd.f32 v17, v12;
	_ =	sdelay $0x1  }
0x20d: {  	v11 =	vadd.f32 v11, v16;
	v56 =	vmul.f32 $2.000000030e-01, v12  }
0x20e: {  	vm0 =	vge.f32 v12, $0.0e+00;
	v13 =	vadd.f32 v13, v14  }
0x20f: {  	v10 =	vadd.f32 v15, v10;
	v16 =	vmul.f32 $2.000000030e-01, v11;
	v12 =	vsel vm0, v12, v56  }
0x210: {  	vm13 =	vge.f32 v11, $0.0e+00;
	v58 =	vmul.f32 $2.000000030e-01, v13;
	v12 =	vsub.f32 v12, v1  }
0x211: {  	v57 =	vmul.f32 $2.000000030e-01, v10;
	vm1 =	vge.f32 v13, $0.0e+00;
	v11 =	vsel vm13, v11, v16  }
0x212: {  	v11 =	vsub.f32 v11, v1;
	v13 =	vsel vm1, v13, v58;
	v12 =	vmul.f32 $1.442695020e+00, v12  }
0x213: {  	vm14 =	vge.f32 v10, $0.0e+00;
	v13 =	vsub.f32 v13, v1  }
0x214: {  	v10 =	vsel vm14, v10, v57;
	v11 =	vmul.f32 $1.442695020e+00, v11;
	(erf) = vpow2.f32 v12  }
0x215: {  	v59 =	vpop (erf);
	v10 =	vsub.f32 v10, v1;
	v13 =	vmul.f32 $1.442695020e+00, v13  }
0x216: {  	[tilespmem:s26+$0xFFFFFFF0] =	vst v59;
	v60 =	vpop (erf);
	(erf) = vpow2.f32 v11  }
0x217: {  	[tilespmem:s26+$0xFFFFFFE0] =	vst v60;
	v10 =	vmul.f32 $1.442695020e+00, v10;
	(erf) = vpow2.f32 v13  }
0x218: {  	v61 =	vpop (erf);
	[tilespmem:v6+s22+$0x0] =	vst.idx.add.f32.msk $0xffff, v59  }
0x219: {  	[tilespmem:s26+$0x0] =	vst v61;
	(erf) = vpow2.f32 v10  }
0x21a: {  	v62 =	vpop (erf);
	[tilespmem:v2+s22+$0x0] =	vst.idx.add.f32.msk $0xffff, v60  }
0x21b: {  	[tilespmem:s26+$0x10] =	vst v62  }
0x21c: {  	[tilespmem:v7+s22+$0x0] =	vst.idx.add.f32.msk $0xffff, v61  }
0x21d: {  	s25 =	sadd.s32 $0x40, s25;
	[tilespmem:v3+s22+$0x0] =	vst.idx.add.f32.msk $0xffff, v62;
	v2 =	vpop (erf)  }
0x21e: {  	[tilespmem:s25+$0xFFFFFFF0] =	vst v2  }
0x21f: {  	v3 =	vpop (erf);
	[tilespmem:v9+s22+$0x0] =	vst.idx.add.f32.msk $0xffff, v2  }
0x220: {  	[tilespmem:s25+$0xFFFFFFE0] =	vst v3;
	v63 =	vpop (erf)  }
0x221: {  	[tilespmem:s25+$0x0] =	vst v63  }
0x222: {  	v2 =	vpop (erf);
	[tilespmem:v5+s22+$0x0] =	vst.idx.add.f32.msk $0xffff, v3  }
0x223: {  	[tilespmem:s25+$0x10] =	vst v2  }
0x224: {  	[tilespmem:v8+s22+$0x0] =	vst.idx.add.f32.msk $0xffff, v63  }
0x225: {  	[tilespmem:v4+s22+$0x0] =	vst.idx.add.f32.msk $0xffff, v2  }
0x226: {  	v2 =	vld [tilespmem:$0x2700]  }
0x227: {  	v3 =	vld [tilespmem:$0x4E80];
	_ =	sdelay $0x6  }
0x228: {  	v2 =	vld.idx.msk [tilespmem:v2+s19+$0x0], $0xffff  }
0x229: {  	v4 =	vld.idx.msk [tilespmem:v3+s20+$0x0], $0xffff;
	_ =	sdelay $0x4  }
0x22a: {  	v2 =	vadd.f32 v4, v2;
	_ =	sdelay $0x1  }
0x22b: {  	v4 =	vmul.f32 $2.000000030e-01, v2  }
0x22c: {  	vm15 =	vge.f32 v2, $0.0e+00  }
0x22d: {  	v2 =	vsel vm15, v2, v4  }
0x22e: {  	v1 =	vsub.f32 v2, v1;
	_ =	sdelay $0x1  }
0x22f: {  	v1 =	vmul.f32 $1.442695020e+00, v1;
	_ =	sdelay $0x1  }
0x230: {  	(erf) = vpow2.f32 v1;
	_ =	sdelay $0x8  }
0x231: {  	v1 =	vpop (erf)  }
0x232: {  	[tilespmem:$0xEE00] =	vst v1  }
0x233: {  	[tilespmem:v3+s22+$0x0] =	vst.idx.add.f32.msk $0xffff, v1  }
0x234: {  	[hbm4b:s2+s3] =	stream.linear.scatter [tilespmem:s23], [sflag:$0x1], $0x2710, $0x38;
	[tilespmem:$0xEF00] =	vst v63  }
0x235: {  	_ =	swait.ge [sflag:s18], $0x2710  }
0x236: {  	[sflag:s18] =	ssyncset.done $0x0  }
0x237: {  	s29 =	rddreg [dreg:$0xd];
	[sflag:s18] =	ssyncadd.s32 $0xFFFFD8F0  }
0x238: {  	[hbm4b:s29+s3] =	stream.linear.scatter [tilespmem:s22], [sflag:$0x1], $0x2800, $0x38;
	[tilespmem:$0xEF00] =	vst v63  }
0x239: {  	_ =	swait.ge [sflag:s18], $0x2800  }
0x23a: {  	[sflag:s18] =	ssyncset.done $0x0  }
0x23b: {  	[sflag:s18] =	ssyncadd.s32 $0xFFFFD800  }
0x23c: {  	[tilespmem:s19], [sflag:$0x1] =	stream.linear.gather [hbm4b:s4+s3], $0x2800, $0x38;
	[tilespmem:$0xEF00] =	vst v63  }
0x23d: {  	_ =	swait.ge [sflag:s18], $0x2800  }
0x23e: {  	[sflag:s18] =	ssyncset.done $0x0  }
0x23f: {  	[sflag:s18] =	ssyncadd.s32 $0xFFFFD800  }
0x240: {  	[tilespmem:s20], [sflag:$0x1] =	stream.linear.gather [hbm4b:s5+s3], $0x2800, $0x38;
	[tilespmem:$0xEF00] =	vst v63  }
0x241: {  	_ =	swait.ge [sflag:s18], $0x2800  }
0x242: {  	[sflag:s18] =	ssyncset.done $0x0  }
0x243: {  	s30 =	rddreg [dreg:$0xe];
	[sflag:s18] =	ssyncadd.s32 $0xFFFFD800  }
0x244: {  	[tilespmem:s21], [sflag:$0x1] =	stream.linear.gather [hbm4b:s30+s3], $0x10, $0x38;
	[tilespmem:$0xEF00] =	vst v63  }
0x245: {  	_ =	swait.ge [sflag:s18], $0x10  }
0x246: {  	[sflag:s18] =	ssyncset.done $0x0  }
0x247: {  	s26 =	simm.s32 $0x9F40;
	[sflag:s18] =	ssyncadd.s32 $0xFFFFFFF0  }
0x248: {  	v1 =	vld [tilespmem:$0xEE80];
	[tilespmem:s26+$0xFFFFFFC0] =	vst v0  }
0x249: {  	[tilespmem:s26+$0x30] =	vst v0  }
0x24a: {  	[tilespmem:s26+$0x20] =	vst v0  }
0x24b: {  	[tilespmem:s26+$0x10] =	vst v0  }
0x24c: {  	[tilespmem:s26+$0x0] =	vst v0  }
0x24d: {  	[tilespmem:s26+$0xFFFFFFF0] =	vst v0  }
0x24e: {  	s28 =	simm.s32 $0x0;
	[tilespmem:s26+$0xFFFFFFE0] =	vst v0  }
.LBB2_18:
0x24f: {  	s28 =	sadd.s32 $0x8, s28;
	[tilespmem:s26+$0xFFFFFFD0] =	vst v0;
	s26 =	sadd.s32 $0x80, s26  }
0x250: {  	[tilespmem:s26+$0xFFFFFFC0] =	vst v0;
	p0 =	slt.u32 s28, $0x278  }
0x251: {  	[tilespmem:s26+$0x30] =	vst v0  }
.Ltmp8:
0x252: {  	[tilespmem:s26+$0x20] =	vst v0;
	(pc) =	sbr.rel @p0 .LBB2_18-.Ltmp8, $4  }
0x253: {  	[tilespmem:s26+$0x10] =	vst v0  }
0x254: {  	[tilespmem:s26+$0x0] =	vst v0  }
0x255: {  	[tilespmem:s26+$0xFFFFFFF0] =	vst v0  }
0x256: {  	s25 =	simm.s32 $0xC720;
	s30 =	simm.s32 $0x27A0;
	s29 =	simm.s32 $0x20;
	[tilespmem:s26+$0xFFFFFFE0] =	vst v0  }
0x257: {  	[tilespmem:s26+$0xFFFFFFD0] =	vst v0  }
0x258: {  	v4 =	vld [tilespmem:s29+$0x10]  }
0x259: {  	v5 =	vld [tilespmem:s29+$0xFFFFFFF0]  }
0x25a: {  	v2 =	vld [tilespmem:s30+$0xFFFFFFE0]  }
0x25b: {  	v3 =	vld [tilespmem:s30+$0x10]  }
0x25c: {  	v6 =	vld [tilespmem:s30+$0xFFFFFFF0]  }
0x25d: {  	v7 =	vld [tilespmem:s30+$0x0]  }
0x25e: {  	v8 =	vld [tilespmem:s29+$0xFFFFFFE0]  }
0x25f: {  	v9 =	vld [tilespmem:s29+$0x0]  }
0x260: {  	v10 =	vld.idx.msk [tilespmem:v4+s19+$0x0], $0xffff  }
0x261: {  	v11 =	vld.idx.msk [tilespmem:v5+s19+$0x0], $0xffff  }
0x262: {  	v12 =	vld.idx.msk [tilespmem:v2+s20+$0x0], $0xffff  }
0x263: {  	v13 =	vld.idx.msk [tilespmem:v3+s20+$0x0], $0xffff  }
0x264: {  	v14 =	vld.idx.msk [tilespmem:v6+s20+$0x0], $0xffff  }
0x265: {  	v15 =	vld.idx.msk [tilespmem:v7+s20+$0x0], $0xffff  }
0x266: {  	v8 =	vld.idx.msk [tilespmem:v8+s19+$0x0], $0xffff  }
0x267: {  	v16 =	vld.idx.msk [tilespmem:v9+s19+$0x0], $0xffff  }
0x268: {  	s26 =	simm.s32 $0x60  }
0x269: {  	v17 =	vld [tilespmem:s26+$0x10]  }
0x26a: {  	v18 =	vld [tilespmem:s26+$0xFFFFFFF0];
	v11 =	vadd.f32 v14, v11  }
0x26b: {  	s28 =	simm.s32 $0x27E0;
	v19 =	vld [tilespmem:s26+$0xFFFFFFE0];
	v12 =	vadd.f32 v12, v8  }
0x26c: {  	v5 =	vld [tilespmem:s28+$0xFFFFFFE0];
	v15 =	vadd.f32 v15, v16;
	v13 =	vadd.f32 v13, v10;
	v14 =	vmul.f32 $2.000000030e-01, v11  }
0x26d: {  	v4 =	vld [tilespmem:s28+$0x10];
	v16 =	vmul.f32 $2.000000030e-01, v12;
	vm0 =	vge.f32 v11, $0.0e+00;
	vm1 =	vge.f32 v12, $0.0e+00  }
0x26e: {  	v9 =	vld [tilespmem:s28+$0xFFFFFFF0];
	vm14 =	vge.f32 v15, $0.0e+00;
	v10 =	vsel vm0, v11, v14;
	v11 =	vmul.f32 $2.000000030e-01, v15  }
0x26f: {  	v8 =	vld [tilespmem:s28+$0x0];
	v12 =	vsel vm1, v12, v16;
	v16 =	vmul.f32 $2.000000030e-01, v13;
	v20 =	vsub.f32 v10, v1  }
0x270: {  	vm15 =	vge.f32 v13, $0.0e+00;
	v14 =	vld [tilespmem:s26+$0x0];
	v11 =	vsel vm14, v15, v11;
	v15 =	vsub.f32 v12, v1  }
0x271: {  	v10 =	vld.idx.msk [tilespmem:v17+s19+$0x0], $0xffff;
	v13 =	vsel vm15, v13, v16;
	v16 =	vmul.f32 $1.442695020e+00, v20;
	v17 =	vsub.f32 v11, v1  }
0x272: {  	v12 =	vld.idx.msk [tilespmem:v18+s19+$0x0], $0xffff;
	v13 =	vsub.f32 v13, v1;
	v18 =	vmul.f32 $1.442695020e+00, v15  }
0x273: {  	v63 =	vmul.f32 $1.442695020e+00, v17;
	(erf) = vpow2.f32 v16  }
0x274: {  	v21 =	vmul.f32 $1.442695020e+00, v13;
	(erf) = vpow2.f32 v18  }
0x275: {  	v11 =	vld.idx.msk [tilespmem:v5+s20+$0x0], $0xffff;
	(erf) = vpow2.f32 v63  }
0x276: {  	v15 =	vld.idx.msk [tilespmem:v4+s20+$0x0], $0xffff;
	(erf) = vpow2.f32 v21  }
0x277: {  	v17 =	vld.idx.msk [tilespmem:v9+s20+$0x0], $0xffff  }
0x278: {  	v13 =	vld.idx.msk [tilespmem:v8+s20+$0x0], $0xffff  }
0x279: {  	s29 =	simm.s32 $0x2820;
	v16 =	vld.idx.msk [tilespmem:v19+s19+$0x0], $0xffff  }
0x27a: {  	s30 =	simm.s32 $0xA0;
	s28 =	simm.s32 $0x4;
	s26 =	simm.s32 $0xC720;
	v14 =	vld.idx.msk [tilespmem:v14+s19+$0x0], $0xffff  }
.LBB2_20:
0x27b: {  	v18 =	vld [tilespmem:s29+$0x10];
	s28 =	sadd.s32 $0x4, s28;
	s25 =	sadd.s32 $0x40, s25  }
0x27c: {  	v10 =	vadd.f32 v15, v10;
	v19 =	vld [tilespmem:s30+$0x10];
	p0 =	slt.u32 s28, $0x26C;
	v15 =	vpop (erf)  }
0x27d: {  	v12 =	vadd.f32 v17, v12;
	v20 =	vld [tilespmem:s29+$0xFFFFFFE0];
	[tilespmem:s26+$0xFFFFFFF0] =	vst v15;
	v17 =	vpop (erf)  }
0x27e: {  	v22 =	vmul.f32 $2.000000030e-01, v10;
	v21 =	vld [tilespmem:s29+$0xFFFFFFF0];
	[tilespmem:s26+$0xFFFFFFE0] =	vst v17;
	v23 =	vpop (erf)  }
0x27f: {  	vm0 =	vge.f32 v10, $0.0e+00;
	v11 =	vadd.f32 v11, v16;
	v16 =	vmul.f32 $2.000000030e-01, v12;
	[tilespmem:v6+s22+$0x0] =	vst.idx.add.f32.msk $0xffff, v15;
	v15 =	vpop (erf)  }
0x280: {  	vm1 =	vge.f32 v12, $0.0e+00;
	v13 =	vadd.f32 v13, v14;
	v10 =	vsel vm0, v10, v22;
	v6 =	vmovc v9;
	v24 =	vld [tilespmem:s30+$0xFFFFFFF0];
	[tilespmem:s26+$0x10] =	vst v15  }
0x281: {  	v9 =	vmul.f32 $2.000000030e-01, v11;
	v12 =	vsel vm1, v12, v16;
	v10 =	vsub.f32 v10, v1;
	v14 =	vld [tilespmem:s29+$0x0];
	[tilespmem:s26+$0x0] =	vst v23;
	s26 =	smov.u32 s25  }
0x282: {  	vm0 =	vge.f32 v11, $0.0e+00;
	vm1 =	vge.f32 v13, $0.0e+00;
	v16 =	vmul.f32 $2.000000030e-01, v13;
	[tilespmem:v3+s22+$0x0] =	vst.idx.add.f32.msk $0xffff, v15;
	v3 =	vmovc v4;
	v4 =	vmovc v18  }
0x283: {  	v15 =	vsel vm0, v11, v9;
	v11 =	vsub.f32 v12, v1;
	v18 =	vmul.f32 $1.442695020e+00, v10;
	[tilespmem:v7+s22+$0x0] =	vst.idx.add.f32.msk $0xffff, v23  }
0x284: {  	v10 =	vsub.f32 v15, v1;
	v13 =	vsel vm1, v13, v16;
	[tilespmem:v2+s22+$0x0] =	vst.idx.add.f32.msk $0xffff, v17;
	v2 =	vmov v5  }
0x285: {  	v7 =	vmovc v8;
	v11 =	vmul.f32 $1.442695020e+00, v11;
	v12 =	vsub.f32 v13, v1;
	v5 =	vmovc v20;
	v9 =	vmov v21;
	v16 =	vld [tilespmem:s30+$0xFFFFFFE0]  }
0x286: {  	v13 =	vmul.f32 $1.442695020e+00, v10;
	v21 =	vld [tilespmem:s30+$0x0];
	v8 =	vmov v14  }
0x287: {  	v14 =	vmul.f32 $1.442695020e+00, v12;
	v10 =	vld.idx.msk [tilespmem:v19+s19+$0x0], $0xffff;
	(erf) = vpow2.f32 v11  }
0x288: {  	v12 =	vld.idx.msk [tilespmem:v24+s19+$0x0], $0xffff;
	(erf) = vpow2.f32 v13  }
0x289: {  	v11 =	vld.idx.msk [tilespmem:v20+s20+$0x0], $0xffff;
	(erf) = vpow2.f32 v14  }
.Ltmp9:
0x28a: {  	v15 =	vld.idx.msk [tilespmem:v4+s20+$0x0], $0xffff;
	(erf) = vpow2.f32 v18;
	(pc) =	sbr.rel @p0 .LBB2_20-.Ltmp9, $4  }
0x28b: {  	v17 =	vld.idx.msk [tilespmem:v9+s20+$0x0], $0xffff  }
0x28c: {  	v13 =	vld.idx.msk [tilespmem:v8+s20+$0x0], $0xffff  }
0x28d: {  	v16 =	vld.idx.msk [tilespmem:v16+s19+$0x0], $0xffff  }
0x28e: {  	s29 =	sadd.s32 $0x40, s29;
	s30 =	sadd.s32 $0x40, s30;
	v14 =	vld.idx.msk [tilespmem:v21+s19+$0x0], $0xffff  }
0x28f: {  	_ = 	snop  }
0x290: {  	v12 =	vadd.f32 v17, v12;
	_ =	sdelay $0x1  }
0x291: {  	v11 =	vadd.f32 v11, v16;
	v56 =	vmul.f32 $2.000000030e-01, v12  }
0x292: {  	vm0 =	vge.f32 v12, $0.0e+00;
	v13 =	vadd.f32 v13, v14  }
0x293: {  	v10 =	vadd.f32 v15, v10;
	v16 =	vmul.f32 $2.000000030e-01, v11;
	v12 =	vsel vm0, v12, v56  }
0x294: {  	vm13 =	vge.f32 v11, $0.0e+00;
	v58 =	vmul.f32 $2.000000030e-01, v13;
	v12 =	vsub.f32 v12, v1  }
0x295: {  	v57 =	vmul.f32 $2.000000030e-01, v10;
	vm1 =	vge.f32 v13, $0.0e+00;
	v11 =	vsel vm13, v11, v16  }
0x296: {  	v11 =	vsub.f32 v11, v1;
	v13 =	vsel vm1, v13, v58;
	v12 =	vmul.f32 $1.442695020e+00, v12  }
0x297: {  	vm14 =	vge.f32 v10, $0.0e+00;
	v13 =	vsub.f32 v13, v1  }
0x298: {  	v10 =	vsel vm14, v10, v57;
	v11 =	vmul.f32 $1.442695020e+00, v11;
	(erf) = vpow2.f32 v12  }
0x299: {  	v59 =	vpop (erf);
	v10 =	vsub.f32 v10, v1;
	v13 =	vmul.f32 $1.442695020e+00, v13  }
0x29a: {  	[tilespmem:s26+$0xFFFFFFF0] =	vst v59;
	v60 =	vpop (erf);
	(erf) = vpow2.f32 v11  }
0x29b: {  	[tilespmem:s26+$0xFFFFFFE0] =	vst v60;
	v10 =	vmul.f32 $1.442695020e+00, v10;
	(erf) = vpow2.f32 v13  }
0x29c: {  	v61 =	vpop (erf);
	[tilespmem:v6+s22+$0x0] =	vst.idx.add.f32.msk $0xffff, v59  }
0x29d: {  	[tilespmem:s26+$0x0] =	vst v61;
	(erf) = vpow2.f32 v10  }
0x29e: {  	v62 =	vpop (erf);
	[tilespmem:v2+s22+$0x0] =	vst.idx.add.f32.msk $0xffff, v60  }
0x29f: {  	[tilespmem:s26+$0x10] =	vst v62  }
0x2a0: {  	[tilespmem:v7+s22+$0x0] =	vst.idx.add.f32.msk $0xffff, v61  }
0x2a1: {  	s25 =	sadd.s32 $0x40, s25;
	[tilespmem:v3+s22+$0x0] =	vst.idx.add.f32.msk $0xffff, v62;
	v2 =	vpop (erf)  }
0x2a2: {  	[tilespmem:s25+$0xFFFFFFF0] =	vst v2  }
0x2a3: {  	v3 =	vpop (erf);
	[tilespmem:v9+s22+$0x0] =	vst.idx.add.f32.msk $0xffff, v2  }
0x2a4: {  	[tilespmem:s25+$0xFFFFFFE0] =	vst v3;
	v63 =	vpop (erf)  }
0x2a5: {  	[tilespmem:s25+$0x0] =	vst v63  }
0x2a6: {  	v2 =	vpop (erf);
	[tilespmem:v5+s22+$0x0] =	vst.idx.add.f32.msk $0xffff, v3  }
0x2a7: {  	[tilespmem:s25+$0x10] =	vst v2  }
0x2a8: {  	[tilespmem:v8+s22+$0x0] =	vst.idx.add.f32.msk $0xffff, v63  }
0x2a9: {  	[tilespmem:v4+s22+$0x0] =	vst.idx.add.f32.msk $0xffff, v2  }
0x2aa: {  	v2 =	vld [tilespmem:$0x2700]  }
0x2ab: {  	v3 =	vld [tilespmem:$0x4E80];
	_ =	sdelay $0x6  }
0x2ac: {  	v2 =	vld.idx.msk [tilespmem:v2+s19+$0x0], $0xffff  }
0x2ad: {  	v4 =	vld.idx.msk [tilespmem:v3+s20+$0x0], $0xffff;
	_ =	sdelay $0x4  }
0x2ae: {  	v2 =	vadd.f32 v4, v2;
	_ =	sdelay $0x1  }
0x2af: {  	v4 =	vmul.f32 $2.000000030e-01, v2  }
0x2b0: {  	vm15 =	vge.f32 v2, $0.0e+00  }
0x2b1: {  	v2 =	vsel vm15, v2, v4  }
0x2b2: {  	v1 =	vsub.f32 v2, v1;
	_ =	sdelay $0x1  }
0x2b3: {  	v1 =	vmul.f32 $1.442695020e+00, v1;
	_ =	sdelay $0x1  }
0x2b4: {  	(erf) = vpow2.f32 v1;
	_ =	sdelay $0x8  }
0x2b5: {  	v1 =	vpop (erf)  }
0x2b6: {  	[tilespmem:$0xEE00] =	vst v1  }
0x2b7: {  	[tilespmem:v3+s22+$0x0] =	vst.idx.add.f32.msk $0xffff, v1  }
0x2b8: {  	[hbm4b:s6+s3] =	stream.linear.scatter [tilespmem:s23], [sflag:$0x1], $0x2710, $0x38;
	[tilespmem:$0xEF00] =	vst v63  }
0x2b9: {  	_ =	swait.ge [sflag:s18], $0x2710  }
0x2ba: {  	[sflag:s18] =	ssyncset.done $0x0  }
0x2bb: {  	s29 =	rddreg [dreg:$0xf];
	[sflag:s18] =	ssyncadd.s32 $0xFFFFD8F0  }
0x2bc: {  	[hbm4b:s29+s3] =	stream.linear.scatter [tilespmem:s22], [sflag:$0x1], $0x2800, $0x38;
	[tilespmem:$0xEF00] =	vst v63  }
0x2bd: {  	_ =	swait.ge [sflag:s18], $0x2800  }
0x2be: {  	[sflag:s18] =	ssyncset.done $0x0  }
0x2bf: {  	[sflag:s18] =	ssyncadd.s32 $0xFFFFD800  }
0x2c0: {  	[tilespmem:s19], [sflag:$0x1] =	stream.linear.gather [hbm4b:s7+s3], $0x2800, $0x38;
	[tilespmem:$0xEF00] =	vst v63  }
0x2c1: {  	_ =	swait.ge [sflag:s18], $0x2800  }
0x2c2: {  	[sflag:s18] =	ssyncset.done $0x0  }
0x2c3: {  	[sflag:s18] =	ssyncadd.s32 $0xFFFFD800  }
0x2c4: {  	[tilespmem:s20], [sflag:$0x1] =	stream.linear.gather [hbm4b:s10+s3], $0x2800, $0x38;
	[tilespmem:$0xEF00] =	vst v63  }
0x2c5: {  	_ =	swait.ge [sflag:s18], $0x2800  }
0x2c6: {  	[sflag:s18] =	ssyncset.done $0x0  }
0x2c7: {  	s30 =	rddreg [dreg:$0x10];
	[sflag:s18] =	ssyncadd.s32 $0xFFFFD800  }
0x2c8: {  	[tilespmem:s21], [sflag:$0x1] =	stream.linear.gather [hbm4b:s30+s3], $0x10, $0x38;
	[tilespmem:$0xEF00] =	vst v63  }
0x2c9: {  	_ =	swait.ge [sflag:s18], $0x10  }
0x2ca: {  	[sflag:s18] =	ssyncset.done $0x0  }
0x2cb: {  	s26 =	simm.s32 $0x9F40;
	[sflag:s18] =	ssyncadd.s32 $0xFFFFFFF0  }
0x2cc: {  	v1 =	vld [tilespmem:$0xEE80];
	[tilespmem:s26+$0xFFFFFFC0] =	vst v0  }
0x2cd: {  	[tilespmem:s26+$0x30] =	vst v0  }
0x2ce: {  	[tilespmem:s26+$0x20] =	vst v0  }
0x2cf: {  	[tilespmem:s26+$0x10] =	vst v0  }
0x2d0: {  	[tilespmem:s26+$0x0] =	vst v0  }
0x2d1: {  	[tilespmem:s26+$0xFFFFFFF0] =	vst v0  }
0x2d2: {  	s28 =	simm.s32 $0x0;
	[tilespmem:s26+$0xFFFFFFE0] =	vst v0  }
.LBB2_22:
0x2d3: {  	s28 =	sadd.s32 $0x8, s28;
	[tilespmem:s26+$0xFFFFFFD0] =	vst v0;
	s26 =	sadd.s32 $0x80, s26  }
0x2d4: {  	[tilespmem:s26+$0xFFFFFFC0] =	vst v0;
	p0 =	slt.u32 s28, $0x278  }
0x2d5: {  	[tilespmem:s26+$0x30] =	vst v0  }
.Ltmp10:
0x2d6: {  	[tilespmem:s26+$0x20] =	vst v0;
	(pc) =	sbr.rel @p0 .LBB2_22-.Ltmp10, $4  }
0x2d7: {  	[tilespmem:s26+$0x10] =	vst v0  }
0x2d8: {  	[tilespmem:s26+$0x0] =	vst v0  }
0x2d9: {  	[tilespmem:s26+$0xFFFFFFF0] =	vst v0  }
0x2da: {  	s25 =	simm.s32 $0xC720;
	s30 =	simm.s32 $0x27A0;
	s29 =	simm.s32 $0x20;
	[tilespmem:s26+$0xFFFFFFE0] =	vst v0  }
0x2db: {  	[tilespmem:s26+$0xFFFFFFD0] =	vst v0  }
0x2dc: {  	v4 =	vld [tilespmem:s29+$0x10]  }
0x2dd: {  	v5 =	vld [tilespmem:s29+$0xFFFFFFF0]  }
0x2de: {  	v2 =	vld [tilespmem:s30+$0xFFFFFFE0]  }
0x2df: {  	v3 =	vld [tilespmem:s30+$0x10]  }
0x2e0: {  	v6 =	vld [tilespmem:s30+$0xFFFFFFF0]  }
0x2e1: {  	v7 =	vld [tilespmem:s30+$0x0]  }
0x2e2: {  	v8 =	vld [tilespmem:s29+$0xFFFFFFE0]  }
0x2e3: {  	v9 =	vld [tilespmem:s29+$0x0]  }
0x2e4: {  	v10 =	vld.idx.msk [tilespmem:v4+s19+$0x0], $0xffff  }
0x2e5: {  	v11 =	vld.idx.msk [tilespmem:v5+s19+$0x0], $0xffff  }
0x2e6: {  	v12 =	vld.idx.msk [tilespmem:v2+s20+$0x0], $0xffff  }
0x2e7: {  	v13 =	vld.idx.msk [tilespmem:v3+s20+$0x0], $0xffff  }
0x2e8: {  	v14 =	vld.idx.msk [tilespmem:v6+s20+$0x0], $0xffff  }
0x2e9: {  	v15 =	vld.idx.msk [tilespmem:v7+s20+$0x0], $0xffff  }
0x2ea: {  	v8 =	vld.idx.msk [tilespmem:v8+s19+$0x0], $0xffff  }
0x2eb: {  	v16 =	vld.idx.msk [tilespmem:v9+s19+$0x0], $0xffff  }
0x2ec: {  	s26 =	simm.s32 $0x60  }
0x2ed: {  	v17 =	vld [tilespmem:s26+$0x10]  }
0x2ee: {  	v18 =	vld [tilespmem:s26+$0xFFFFFFF0];
	v11 =	vadd.f32 v14, v11  }
0x2ef: {  	s28 =	simm.s32 $0x27E0;
	v19 =	vld [tilespmem:s26+$0xFFFFFFE0];
	v12 =	vadd.f32 v12, v8  }
0x2f0: {  	v5 =	vld [tilespmem:s28+$0xFFFFFFE0];
	v15 =	vadd.f32 v15, v16;
	v13 =	vadd.f32 v13, v10;
	v14 =	vmul.f32 $2.000000030e-01, v11  }
0x2f1: {  	v4 =	vld [tilespmem:s28+$0x10];
	v16 =	vmul.f32 $2.000000030e-01, v12;
	vm0 =	vge.f32 v11, $0.0e+00;
	vm1 =	vge.f32 v12, $0.0e+00  }
0x2f2: {  	v9 =	vld [tilespmem:s28+$0xFFFFFFF0];
	vm14 =	vge.f32 v15, $0.0e+00;
	v10 =	vsel vm0, v11, v14;
	v11 =	vmul.f32 $2.000000030e-01, v15  }
0x2f3: {  	v8 =	vld [tilespmem:s28+$0x0];
	v12 =	vsel vm1, v12, v16;
	v16 =	vmul.f32 $2.000000030e-01, v13;
	v20 =	vsub.f32 v10, v1  }
0x2f4: {  	vm15 =	vge.f32 v13, $0.0e+00;
	v14 =	vld [tilespmem:s26+$0x0];
	v11 =	vsel vm14, v15, v11;
	v15 =	vsub.f32 v12, v1  }
0x2f5: {  	v10 =	vld.idx.msk [tilespmem:v17+s19+$0x0], $0xffff;
	v13 =	vsel vm15, v13, v16;
	v16 =	vmul.f32 $1.442695020e+00, v20;
	v17 =	vsub.f32 v11, v1  }
0x2f6: {  	v12 =	vld.idx.msk [tilespmem:v18+s19+$0x0], $0xffff;
	v13 =	vsub.f32 v13, v1;
	v18 =	vmul.f32 $1.442695020e+00, v15  }
0x2f7: {  	v63 =	vmul.f32 $1.442695020e+00, v17;
	(erf) = vpow2.f32 v16  }
0x2f8: {  	v21 =	vmul.f32 $1.442695020e+00, v13;
	(erf) = vpow2.f32 v18  }
0x2f9: {  	v11 =	vld.idx.msk [tilespmem:v5+s20+$0x0], $0xffff;
	(erf) = vpow2.f32 v63  }
0x2fa: {  	v15 =	vld.idx.msk [tilespmem:v4+s20+$0x0], $0xffff;
	(erf) = vpow2.f32 v21  }
0x2fb: {  	v17 =	vld.idx.msk [tilespmem:v9+s20+$0x0], $0xffff  }
0x2fc: {  	v13 =	vld.idx.msk [tilespmem:v8+s20+$0x0], $0xffff  }
0x2fd: {  	s29 =	simm.s32 $0x2820;
	v16 =	vld.idx.msk [tilespmem:v19+s19+$0x0], $0xffff  }
0x2fe: {  	s30 =	simm.s32 $0xA0;
	s28 =	simm.s32 $0x4;
	s26 =	simm.s32 $0xC720;
	v14 =	vld.idx.msk [tilespmem:v14+s19+$0x0], $0xffff  }
.LBB2_24:
0x2ff: {  	v18 =	vld [tilespmem:s29+$0x10];
	s28 =	sadd.s32 $0x4, s28;
	s25 =	sadd.s32 $0x40, s25  }
0x300: {  	v10 =	vadd.f32 v15, v10;
	v19 =	vld [tilespmem:s30+$0x10];
	p0 =	slt.u32 s28, $0x26C;
	v15 =	vpop (erf)  }
0x301: {  	v12 =	vadd.f32 v17, v12;
	v20 =	vld [tilespmem:s29+$0xFFFFFFE0];
	[tilespmem:s26+$0xFFFFFFF0] =	vst v15;
	v17 =	vpop (erf)  }
0x302: {  	v22 =	vmul.f32 $2.000000030e-01, v10;
	v21 =	vld [tilespmem:s29+$0xFFFFFFF0];
	[tilespmem:s26+$0xFFFFFFE0] =	vst v17;
	v23 =	vpop (erf)  }
0x303: {  	vm0 =	vge.f32 v10, $0.0e+00;
	v11 =	vadd.f32 v11, v16;
	v16 =	vmul.f32 $2.000000030e-01, v12;
	[tilespmem:v6+s22+$0x0] =	vst.idx.add.f32.msk $0xffff, v15;
	v15 =	vpop (erf)  }
0x304: {  	vm1 =	vge.f32 v12, $0.0e+00;
	v13 =	vadd.f32 v13, v14;
	v10 =	vsel vm0, v10, v22;
	v6 =	vmovc v9;
	v24 =	vld [tilespmem:s30+$0xFFFFFFF0];
	[tilespmem:s26+$0x10] =	vst v15  }
0x305: {  	v9 =	vmul.f32 $2.000000030e-01, v11;
	v12 =	vsel vm1, v12, v16;
	v10 =	vsub.f32 v10, v1;
	v14 =	vld [tilespmem:s29+$0x0];
	[tilespmem:s26+$0x0] =	vst v23;
	s26 =	smov.u32 s25  }
0x306: {  	vm0 =	vge.f32 v11, $0.0e+00;
	vm1 =	vge.f32 v13, $0.0e+00;
	v16 =	vmul.f32 $2.000000030e-01, v13;
	[tilespmem:v3+s22+$0x0] =	vst.idx.add.f32.msk $0xffff, v15;
	v3 =	vmovc v4;
	v4 =	vmovc v18  }
0x307: {  	v15 =	vsel vm0, v11, v9;
	v11 =	vsub.f32 v12, v1;
	v18 =	vmul.f32 $1.442695020e+00, v10;
	[tilespmem:v7+s22+$0x0] =	vst.idx.add.f32.msk $0xffff, v23  }
0x308: {  	v10 =	vsub.f32 v15, v1;
	v13 =	vsel vm1, v13, v16;
	[tilespmem:v2+s22+$0x0] =	vst.idx.add.f32.msk $0xffff, v17;
	v2 =	vmov v5  }
0x309: {  	v7 =	vmovc v8;
	v11 =	vmul.f32 $1.442695020e+00, v11;
	v12 =	vsub.f32 v13, v1;
	v5 =	vmovc v20;
	v9 =	vmov v21;
	v16 =	vld [tilespmem:s30+$0xFFFFFFE0]  }
0x30a: {  	v13 =	vmul.f32 $1.442695020e+00, v10;
	v21 =	vld [tilespmem:s30+$0x0];
	v8 =	vmov v14  }
0x30b: {  	v14 =	vmul.f32 $1.442695020e+00, v12;
	v10 =	vld.idx.msk [tilespmem:v19+s19+$0x0], $0xffff;
	(erf) = vpow2.f32 v11  }
0x30c: {  	v12 =	vld.idx.msk [tilespmem:v24+s19+$0x0], $0xffff;
	(erf) = vpow2.f32 v13  }
0x30d: {  	v11 =	vld.idx.msk [tilespmem:v20+s20+$0x0], $0xffff;
	(erf) = vpow2.f32 v14  }
.Ltmp11:
0x30e: {  	v15 =	vld.idx.msk [tilespmem:v4+s20+$0x0], $0xffff;
	(erf) = vpow2.f32 v18;
	(pc) =	sbr.rel @p0 .LBB2_24-.Ltmp11, $4  }
0x30f: {  	v17 =	vld.idx.msk [tilespmem:v9+s20+$0x0], $0xffff  }
0x310: {  	v13 =	vld.idx.msk [tilespmem:v8+s20+$0x0], $0xffff  }
0x311: {  	v16 =	vld.idx.msk [tilespmem:v16+s19+$0x0], $0xffff  }
0x312: {  	s29 =	sadd.s32 $0x40, s29;
	s30 =	sadd.s32 $0x40, s30;
	v14 =	vld.idx.msk [tilespmem:v21+s19+$0x0], $0xffff  }
0x313: {  	_ = 	snop  }
0x314: {  	v12 =	vadd.f32 v17, v12;
	_ =	sdelay $0x1  }
0x315: {  	v11 =	vadd.f32 v11, v16;
	v56 =	vmul.f32 $2.000000030e-01, v12  }
0x316: {  	vm0 =	vge.f32 v12, $0.0e+00;
	v13 =	vadd.f32 v13, v14  }
0x317: {  	v10 =	vadd.f32 v15, v10;
	v16 =	vmul.f32 $2.000000030e-01, v11;
	v12 =	vsel vm0, v12, v56  }
0x318: {  	vm13 =	vge.f32 v11, $0.0e+00;
	v58 =	vmul.f32 $2.000000030e-01, v13;
	v12 =	vsub.f32 v12, v1  }
0x319: {  	v57 =	vmul.f32 $2.000000030e-01, v10;
	vm1 =	vge.f32 v13, $0.0e+00;
	v11 =	vsel vm13, v11, v16  }
0x31a: {  	v11 =	vsub.f32 v11, v1;
	v13 =	vsel vm1, v13, v58;
	v12 =	vmul.f32 $1.442695020e+00, v12  }
0x31b: {  	vm14 =	vge.f32 v10, $0.0e+00;
	v13 =	vsub.f32 v13, v1  }
0x31c: {  	v10 =	vsel vm14, v10, v57;
	v11 =	vmul.f32 $1.442695020e+00, v11;
	(erf) = vpow2.f32 v12  }
0x31d: {  	v59 =	vpop (erf);
	v10 =	vsub.f32 v10, v1;
	v13 =	vmul.f32 $1.442695020e+00, v13  }
0x31e: {  	[tilespmem:s26+$0xFFFFFFF0] =	vst v59;
	v60 =	vpop (erf);
	(erf) = vpow2.f32 v11  }
0x31f: {  	[tilespmem:s26+$0xFFFFFFE0] =	vst v60;
	v10 =	vmul.f32 $1.442695020e+00, v10;
	(erf) = vpow2.f32 v13  }
0x320: {  	v61 =	vpop (erf);
	[tilespmem:v6+s22+$0x0] =	vst.idx.add.f32.msk $0xffff, v59  }
0x321: {  	[tilespmem:s26+$0x0] =	vst v61;
	(erf) = vpow2.f32 v10  }
0x322: {  	v62 =	vpop (erf);
	[tilespmem:v2+s22+$0x0] =	vst.idx.add.f32.msk $0xffff, v60  }
0x323: {  	[tilespmem:s26+$0x10] =	vst v62  }
0x324: {  	[tilespmem:v7+s22+$0x0] =	vst.idx.add.f32.msk $0xffff, v61  }
0x325: {  	s25 =	sadd.s32 $0x40, s25;
	[tilespmem:v3+s22+$0x0] =	vst.idx.add.f32.msk $0xffff, v62;
	v2 =	vpop (erf)  }
0x326: {  	[tilespmem:s25+$0xFFFFFFF0] =	vst v2  }
0x327: {  	v3 =	vpop (erf);
	[tilespmem:v9+s22+$0x0] =	vst.idx.add.f32.msk $0xffff, v2  }
0x328: {  	[tilespmem:s25+$0xFFFFFFE0] =	vst v3;
	v63 =	vpop (erf)  }
0x329: {  	[tilespmem:s25+$0x0] =	vst v63  }
0x32a: {  	v2 =	vpop (erf);
	[tilespmem:v5+s22+$0x0] =	vst.idx.add.f32.msk $0xffff, v3  }
0x32b: {  	[tilespmem:s25+$0x10] =	vst v2  }
0x32c: {  	[tilespmem:v8+s22+$0x0] =	vst.idx.add.f32.msk $0xffff, v63  }
0x32d: {  	[tilespmem:v4+s22+$0x0] =	vst.idx.add.f32.msk $0xffff, v2  }
0x32e: {  	v2 =	vld [tilespmem:$0x2700]  }
0x32f: {  	v3 =	vld [tilespmem:$0x4E80];
	_ =	sdelay $0x6  }
0x330: {  	v2 =	vld.idx.msk [tilespmem:v2+s19+$0x0], $0xffff  }
0x331: {  	v4 =	vld.idx.msk [tilespmem:v3+s20+$0x0], $0xffff;
	_ =	sdelay $0x4  }
0x332: {  	v2 =	vadd.f32 v4, v2;
	_ =	sdelay $0x1  }
0x333: {  	v4 =	vmul.f32 $2.000000030e-01, v2  }
0x334: {  	vm15 =	vge.f32 v2, $0.0e+00  }
0x335: {  	v2 =	vsel vm15, v2, v4  }
0x336: {  	v1 =	vsub.f32 v2, v1;
	_ =	sdelay $0x1  }
0x337: {  	v1 =	vmul.f32 $1.442695020e+00, v1;
	_ =	sdelay $0x1  }
0x338: {  	(erf) = vpow2.f32 v1;
	_ =	sdelay $0x8  }
0x339: {  	v1 =	vpop (erf)  }
0x33a: {  	[tilespmem:$0xEE00] =	vst v1  }
0x33b: {  	[tilespmem:v3+s22+$0x0] =	vst.idx.add.f32.msk $0xffff, v1  }
0x33c: {  	[hbm4b:s11+s3] =	stream.linear.scatter [tilespmem:s23], [sflag:$0x1], $0x2710, $0x38;
	[tilespmem:$0xEF00] =	vst v63  }
0x33d: {  	_ =	swait.ge [sflag:s18], $0x2710  }
0x33e: {  	[sflag:s18] =	ssyncset.done $0x0  }
0x33f: {  	s29 =	rddreg [dreg:$0x11];
	[sflag:s18] =	ssyncadd.s32 $0xFFFFD8F0  }
0x340: {  	[hbm4b:s29+s3] =	stream.linear.scatter [tilespmem:s22], [sflag:$0x1], $0x2800, $0x38;
	[tilespmem:$0xEF00] =	vst v63  }
0x341: {  	_ =	swait.ge [sflag:s18], $0x2800  }
0x342: {  	[sflag:s18] =	ssyncset.done $0x0  }
0x343: {  	[sflag:s18] =	ssyncadd.s32 $0xFFFFD800  }
0x344: {  	[tilespmem:s19], [sflag:$0x1] =	stream.linear.gather [hbm4b:s12+s3], $0x2800, $0x38;
	[tilespmem:$0xEF00] =	vst v63  }
0x345: {  	_ =	swait.ge [sflag:s18], $0x2800  }
0x346: {  	[sflag:s18] =	ssyncset.done $0x0  }
0x347: {  	[sflag:s18] =	ssyncadd.s32 $0xFFFFD800  }
0x348: {  	[tilespmem:s20], [sflag:$0x1] =	stream.linear.gather [hbm4b:s13+s3], $0x2800, $0x38;
	[tilespmem:$0xEF00] =	vst v63  }
0x349: {  	_ =	swait.ge [sflag:s18], $0x2800  }
0x34a: {  	[sflag:s18] =	ssyncset.done $0x0  }
0x34b: {  	s30 =	rddreg [dreg:$0x12];
	[sflag:s18] =	ssyncadd.s32 $0xFFFFD800  }
0x34c: {  	[tilespmem:s21], [sflag:$0x1] =	stream.linear.gather [hbm4b:s30+s3], $0x10, $0x38;
	[tilespmem:$0xEF00] =	vst v63  }
0x34d: {  	_ =	swait.ge [sflag:s18], $0x10  }
0x34e: {  	[sflag:s18] =	ssyncset.done $0x0  }
0x34f: {  	s26 =	simm.s32 $0x9F40;
	[sflag:s18] =	ssyncadd.s32 $0xFFFFFFF0  }
0x350: {  	v1 =	vld [tilespmem:$0xEE80];
	[tilespmem:s26+$0xFFFFFFC0] =	vst v0  }
0x351: {  	[tilespmem:s26+$0x30] =	vst v0  }
0x352: {  	[tilespmem:s26+$0x20] =	vst v0  }
0x353: {  	[tilespmem:s26+$0x10] =	vst v0  }
0x354: {  	[tilespmem:s26+$0x0] =	vst v0  }
0x355: {  	[tilespmem:s26+$0xFFFFFFF0] =	vst v0  }
0x356: {  	s28 =	simm.s32 $0x0;
	[tilespmem:s26+$0xFFFFFFE0] =	vst v0  }
.LBB2_26:
0x357: {  	s28 =	sadd.s32 $0x8, s28;
	[tilespmem:s26+$0xFFFFFFD0] =	vst v0;
	s26 =	sadd.s32 $0x80, s26  }
0x358: {  	[tilespmem:s26+$0xFFFFFFC0] =	vst v0;
	p0 =	slt.u32 s28, $0x278  }
0x359: {  	[tilespmem:s26+$0x30] =	vst v0  }
.Ltmp12:
0x35a: {  	[tilespmem:s26+$0x20] =	vst v0;
	(pc) =	sbr.rel @p0 .LBB2_26-.Ltmp12, $4  }
0x35b: {  	[tilespmem:s26+$0x10] =	vst v0  }
0x35c: {  	[tilespmem:s26+$0x0] =	vst v0  }
0x35d: {  	[tilespmem:s26+$0xFFFFFFF0] =	vst v0  }
0x35e: {  	s25 =	simm.s32 $0xC720;
	s30 =	simm.s32 $0x27A0;
	s29 =	simm.s32 $0x20;
	[tilespmem:s26+$0xFFFFFFE0] =	vst v0  }
0x35f: {  	[tilespmem:s26+$0xFFFFFFD0] =	vst v0  }
0x360: {  	v4 =	vld [tilespmem:s29+$0x10]  }
0x361: {  	v5 =	vld [tilespmem:s29+$0xFFFFFFF0]  }
0x362: {  	v2 =	vld [tilespmem:s30+$0xFFFFFFE0]  }
0x363: {  	v3 =	vld [tilespmem:s30+$0x10]  }
0x364: {  	v6 =	vld [tilespmem:s30+$0xFFFFFFF0]  }
0x365: {  	v7 =	vld [tilespmem:s30+$0x0]  }
0x366: {  	v8 =	vld [tilespmem:s29+$0xFFFFFFE0]  }
0x367: {  	v9 =	vld [tilespmem:s29+$0x0]  }
0x368: {  	v10 =	vld.idx.msk [tilespmem:v4+s19+$0x0], $0xffff  }
0x369: {  	v11 =	vld.idx.msk [tilespmem:v5+s19+$0x0], $0xffff  }
0x36a: {  	v12 =	vld.idx.msk [tilespmem:v2+s20+$0x0], $0xffff  }
0x36b: {  	v13 =	vld.idx.msk [tilespmem:v3+s20+$0x0], $0xffff  }
0x36c: {  	v14 =	vld.idx.msk [tilespmem:v6+s20+$0x0], $0xffff  }
0x36d: {  	v15 =	vld.idx.msk [tilespmem:v7+s20+$0x0], $0xffff  }
0x36e: {  	v8 =	vld.idx.msk [tilespmem:v8+s19+$0x0], $0xffff  }
0x36f: {  	v16 =	vld.idx.msk [tilespmem:v9+s19+$0x0], $0xffff  }
0x370: {  	s26 =	simm.s32 $0x60  }
0x371: {  	v17 =	vld [tilespmem:s26+$0x10]  }
0x372: {  	v18 =	vld [tilespmem:s26+$0xFFFFFFF0];
	v11 =	vadd.f32 v14, v11  }
0x373: {  	s28 =	simm.s32 $0x27E0;
	v19 =	vld [tilespmem:s26+$0xFFFFFFE0];
	v12 =	vadd.f32 v12, v8  }
0x374: {  	v5 =	vld [tilespmem:s28+$0xFFFFFFE0];
	v15 =	vadd.f32 v15, v16;
	v13 =	vadd.f32 v13, v10;
	v14 =	vmul.f32 $2.000000030e-01, v11  }
0x375: {  	v4 =	vld [tilespmem:s28+$0x10];
	v16 =	vmul.f32 $2.000000030e-01, v12;
	vm0 =	vge.f32 v11, $0.0e+00;
	vm1 =	vge.f32 v12, $0.0e+00  }
0x376: {  	v9 =	vld [tilespmem:s28+$0xFFFFFFF0];
	vm14 =	vge.f32 v15, $0.0e+00;
	v10 =	vsel vm0, v11, v14;
	v11 =	vmul.f32 $2.000000030e-01, v15  }
0x377: {  	v8 =	vld [tilespmem:s28+$0x0];
	v12 =	vsel vm1, v12, v16;
	v16 =	vmul.f32 $2.000000030e-01, v13;
	v20 =	vsub.f32 v10, v1  }
0x378: {  	vm15 =	vge.f32 v13, $0.0e+00;
	v14 =	vld [tilespmem:s26+$0x0];
	v11 =	vsel vm14, v15, v11;
	v15 =	vsub.f32 v12, v1  }
0x379: {  	v10 =	vld.idx.msk [tilespmem:v17+s19+$0x0], $0xffff;
	v13 =	vsel vm15, v13, v16;
	v16 =	vmul.f32 $1.442695020e+00, v20;
	v17 =	vsub.f32 v11, v1  }
0x37a: {  	v12 =	vld.idx.msk [tilespmem:v18+s19+$0x0], $0xffff;
	v13 =	vsub.f32 v13, v1;
	v18 =	vmul.f32 $1.442695020e+00, v15  }
0x37b: {  	v63 =	vmul.f32 $1.442695020e+00, v17;
	(erf) = vpow2.f32 v16  }
0x37c: {  	v21 =	vmul.f32 $1.442695020e+00, v13;
	(erf) = vpow2.f32 v18  }
0x37d: {  	v11 =	vld.idx.msk [tilespmem:v5+s20+$0x0], $0xffff;
	(erf) = vpow2.f32 v63  }
0x37e: {  	v15 =	vld.idx.msk [tilespmem:v4+s20+$0x0], $0xffff;
	(erf) = vpow2.f32 v21  }
0x37f: {  	v17 =	vld.idx.msk [tilespmem:v9+s20+$0x0], $0xffff  }
0x380: {  	v13 =	vld.idx.msk [tilespmem:v8+s20+$0x0], $0xffff  }
0x381: {  	s29 =	simm.s32 $0x2820;
	v16 =	vld.idx.msk [tilespmem:v19+s19+$0x0], $0xffff  }
0x382: {  	s30 =	simm.s32 $0xA0;
	s28 =	simm.s32 $0x4;
	s26 =	simm.s32 $0xC720;
	v14 =	vld.idx.msk [tilespmem:v14+s19+$0x0], $0xffff  }
.LBB2_28:
0x383: {  	v18 =	vld [tilespmem:s29+$0x10];
	s28 =	sadd.s32 $0x4, s28;
	s25 =	sadd.s32 $0x40, s25  }
0x384: {  	v10 =	vadd.f32 v15, v10;
	v19 =	vld [tilespmem:s30+$0x10];
	p0 =	slt.u32 s28, $0x26C;
	v15 =	vpop (erf)  }
0x385: {  	v12 =	vadd.f32 v17, v12;
	v20 =	vld [tilespmem:s29+$0xFFFFFFE0];
	[tilespmem:s26+$0xFFFFFFF0] =	vst v15;
	v17 =	vpop (erf)  }
0x386: {  	v22 =	vmul.f32 $2.000000030e-01, v10;
	v21 =	vld [tilespmem:s29+$0xFFFFFFF0];
	[tilespmem:s26+$0xFFFFFFE0] =	vst v17;
	v23 =	vpop (erf)  }
0x387: {  	vm0 =	vge.f32 v10, $0.0e+00;
	v11 =	vadd.f32 v11, v16;
	v16 =	vmul.f32 $2.000000030e-01, v12;
	[tilespmem:v6+s22+$0x0] =	vst.idx.add.f32.msk $0xffff, v15;
	v15 =	vpop (erf)  }
0x388: {  	vm1 =	vge.f32 v12, $0.0e+00;
	v13 =	vadd.f32 v13, v14;
	v10 =	vsel vm0, v10, v22;
	v6 =	vmovc v9;
	v24 =	vld [tilespmem:s30+$0xFFFFFFF0];
	[tilespmem:s26+$0x10] =	vst v15  }
0x389: {  	v9 =	vmul.f32 $2.000000030e-01, v11;
	v12 =	vsel vm1, v12, v16;
	v10 =	vsub.f32 v10, v1;
	v14 =	vld [tilespmem:s29+$0x0];
	[tilespmem:s26+$0x0] =	vst v23;
	s26 =	smov.u32 s25  }
0x38a: {  	vm0 =	vge.f32 v11, $0.0e+00;
	vm1 =	vge.f32 v13, $0.0e+00;
	v16 =	vmul.f32 $2.000000030e-01, v13;
	[tilespmem:v3+s22+$0x0] =	vst.idx.add.f32.msk $0xffff, v15;
	v3 =	vmovc v4;
	v4 =	vmovc v18  }
0x38b: {  	v15 =	vsel vm0, v11, v9;
	v11 =	vsub.f32 v12, v1;
	v18 =	vmul.f32 $1.442695020e+00, v10;
	[tilespmem:v7+s22+$0x0] =	vst.idx.add.f32.msk $0xffff, v23  }
0x38c: {  	v10 =	vsub.f32 v15, v1;
	v13 =	vsel vm1, v13, v16;
	[tilespmem:v2+s22+$0x0] =	vst.idx.add.f32.msk $0xffff, v17;
	v2 =	vmov v5  }
0x38d: {  	v7 =	vmovc v8;
	v11 =	vmul.f32 $1.442695020e+00, v11;
	v12 =	vsub.f32 v13, v1;
	v5 =	vmovc v20;
	v9 =	vmov v21;
	v16 =	vld [tilespmem:s30+$0xFFFFFFE0]  }
0x38e: {  	v13 =	vmul.f32 $1.442695020e+00, v10;
	v21 =	vld [tilespmem:s30+$0x0];
	v8 =	vmov v14  }
0x38f: {  	v14 =	vmul.f32 $1.442695020e+00, v12;
	v10 =	vld.idx.msk [tilespmem:v19+s19+$0x0], $0xffff;
	(erf) = vpow2.f32 v11  }
0x390: {  	v12 =	vld.idx.msk [tilespmem:v24+s19+$0x0], $0xffff;
	(erf) = vpow2.f32 v13  }
0x391: {  	v11 =	vld.idx.msk [tilespmem:v20+s20+$0x0], $0xffff;
	(erf) = vpow2.f32 v14  }
.Ltmp13:
0x392: {  	v15 =	vld.idx.msk [tilespmem:v4+s20+$0x0], $0xffff;
	(erf) = vpow2.f32 v18;
	(pc) =	sbr.rel @p0 .LBB2_28-.Ltmp13, $4  }
0x393: {  	v17 =	vld.idx.msk [tilespmem:v9+s20+$0x0], $0xffff  }
0x394: {  	v13 =	vld.idx.msk [tilespmem:v8+s20+$0x0], $0xffff  }
0x395: {  	v16 =	vld.idx.msk [tilespmem:v16+s19+$0x0], $0xffff  }
0x396: {  	s29 =	sadd.s32 $0x40, s29;
	s30 =	sadd.s32 $0x40, s30;
	v14 =	vld.idx.msk [tilespmem:v21+s19+$0x0], $0xffff  }
0x397: {  	_ = 	snop  }
0x398: {  	v12 =	vadd.f32 v17, v12;
	_ =	sdelay $0x1  }
0x399: {  	v11 =	vadd.f32 v11, v16;
	v56 =	vmul.f32 $2.000000030e-01, v12  }
0x39a: {  	vm0 =	vge.f32 v12, $0.0e+00;
	v13 =	vadd.f32 v13, v14  }
0x39b: {  	v10 =	vadd.f32 v15, v10;
	v16 =	vmul.f32 $2.000000030e-01, v11;
	v12 =	vsel vm0, v12, v56  }
0x39c: {  	vm13 =	vge.f32 v11, $0.0e+00;
	v58 =	vmul.f32 $2.000000030e-01, v13;
	v12 =	vsub.f32 v12, v1  }
0x39d: {  	v57 =	vmul.f32 $2.000000030e-01, v10;
	vm1 =	vge.f32 v13, $0.0e+00;
	v11 =	vsel vm13, v11, v16  }
0x39e: {  	v11 =	vsub.f32 v11, v1;
	v13 =	vsel vm1, v13, v58;
	v12 =	vmul.f32 $1.442695020e+00, v12  }
0x39f: {  	vm14 =	vge.f32 v10, $0.0e+00;
	v13 =	vsub.f32 v13, v1  }
0x3a0: {  	v10 =	vsel vm14, v10, v57;
	v11 =	vmul.f32 $1.442695020e+00, v11;
	(erf) = vpow2.f32 v12  }
0x3a1: {  	v59 =	vpop (erf);
	v10 =	vsub.f32 v10, v1;
	v13 =	vmul.f32 $1.442695020e+00, v13  }
0x3a2: {  	[tilespmem:s26+$0xFFFFFFF0] =	vst v59;
	v60 =	vpop (erf);
	(erf) = vpow2.f32 v11  }
0x3a3: {  	[tilespmem:s26+$0xFFFFFFE0] =	vst v60;
	v10 =	vmul.f32 $1.442695020e+00, v10;
	(erf) = vpow2.f32 v13  }
0x3a4: {  	v61 =	vpop (erf);
	[tilespmem:v6+s22+$0x0] =	vst.idx.add.f32.msk $0xffff, v59  }
0x3a5: {  	[tilespmem:s26+$0x0] =	vst v61;
	(erf) = vpow2.f32 v10  }
0x3a6: {  	v62 =	vpop (erf);
	[tilespmem:v2+s22+$0x0] =	vst.idx.add.f32.msk $0xffff, v60  }
0x3a7: {  	[tilespmem:s26+$0x10] =	vst v62  }
0x3a8: {  	[tilespmem:v7+s22+$0x0] =	vst.idx.add.f32.msk $0xffff, v61  }
0x3a9: {  	s25 =	sadd.s32 $0x40, s25;
	[tilespmem:v3+s22+$0x0] =	vst.idx.add.f32.msk $0xffff, v62;
	v2 =	vpop (erf)  }
0x3aa: {  	[tilespmem:s25+$0xFFFFFFF0] =	vst v2  }
0x3ab: {  	v3 =	vpop (erf);
	[tilespmem:v9+s22+$0x0] =	vst.idx.add.f32.msk $0xffff, v2  }
0x3ac: {  	[tilespmem:s25+$0xFFFFFFE0] =	vst v3;
	v63 =	vpop (erf)  }
0x3ad: {  	[tilespmem:s25+$0x0] =	vst v63  }
0x3ae: {  	v2 =	vpop (erf);
	[tilespmem:v5+s22+$0x0] =	vst.idx.add.f32.msk $0xffff, v3  }
0x3af: {  	[tilespmem:s25+$0x10] =	vst v2  }
0x3b0: {  	[tilespmem:v8+s22+$0x0] =	vst.idx.add.f32.msk $0xffff, v63  }
0x3b1: {  	[tilespmem:v4+s22+$0x0] =	vst.idx.add.f32.msk $0xffff, v2  }
0x3b2: {  	v2 =	vld [tilespmem:$0x2700]  }
0x3b3: {  	v3 =	vld [tilespmem:$0x4E80];
	_ =	sdelay $0x6  }
0x3b4: {  	v2 =	vld.idx.msk [tilespmem:v2+s19+$0x0], $0xffff  }
0x3b5: {  	v4 =	vld.idx.msk [tilespmem:v3+s20+$0x0], $0xffff;
	_ =	sdelay $0x4  }
0x3b6: {  	v2 =	vadd.f32 v4, v2;
	_ =	sdelay $0x1  }
0x3b7: {  	v4 =	vmul.f32 $2.000000030e-01, v2  }
0x3b8: {  	vm15 =	vge.f32 v2, $0.0e+00  }
0x3b9: {  	v2 =	vsel vm15, v2, v4  }
0x3ba: {  	v1 =	vsub.f32 v2, v1;
	_ =	sdelay $0x1  }
0x3bb: {  	v1 =	vmul.f32 $1.442695020e+00, v1;
	_ =	sdelay $0x1  }
0x3bc: {  	(erf) = vpow2.f32 v1;
	_ =	sdelay $0x8  }
0x3bd: {  	v1 =	vpop (erf)  }
0x3be: {  	[tilespmem:$0xEE00] =	vst v1  }
0x3bf: {  	[tilespmem:v3+s22+$0x0] =	vst.idx.add.f32.msk $0xffff, v1  }
0x3c0: {  	[hbm4b:s14+s3] =	stream.linear.scatter [tilespmem:s23], [sflag:$0x1], $0x2710, $0x38;
	[tilespmem:$0xEF00] =	vst v63  }
0x3c1: {  	_ =	swait.ge [sflag:s18], $0x2710  }
0x3c2: {  	[sflag:s18] =	ssyncset.done $0x0  }
0x3c3: {  	s29 =	rddreg [dreg:$0x13];
	[sflag:s18] =	ssyncadd.s32 $0xFFFFD8F0  }
0x3c4: {  	[hbm4b:s29+s3] =	stream.linear.scatter [tilespmem:s22], [sflag:$0x1], $0x2800, $0x38;
	[tilespmem:$0xEF00] =	vst v63  }
0x3c5: {  	_ =	swait.ge [sflag:s18], $0x2800  }
0x3c6: {  	[sflag:s18] =	ssyncset.done $0x0  }
0x3c7: {  	[sflag:s18] =	ssyncadd.s32 $0xFFFFD800  }
0x3c8: {  	[tilespmem:s19], [sflag:$0x1] =	stream.linear.gather [hbm4b:s15+s3], $0x2800, $0x38;
	[tilespmem:$0xEF00] =	vst v63  }
0x3c9: {  	_ =	swait.ge [sflag:s18], $0x2800  }
0x3ca: {  	[sflag:s18] =	ssyncset.done $0x0  }
0x3cb: {  	[sflag:s18] =	ssyncadd.s32 $0xFFFFD800  }
0x3cc: {  	[tilespmem:s20], [sflag:$0x1] =	stream.linear.gather [hbm4b:s16+s3], $0x2800, $0x38;
	[tilespmem:$0xEF00] =	vst v63  }
0x3cd: {  	_ =	swait.ge [sflag:s18], $0x2800  }
0x3ce: {  	[sflag:s18] =	ssyncset.done $0x0  }
0x3cf: {  	s30 =	rddreg [dreg:$0x14];
	[sflag:s18] =	ssyncadd.s32 $0xFFFFD800  }
0x3d0: {  	[tilespmem:s21], [sflag:$0x1] =	stream.linear.gather [hbm4b:s30+s3], $0x10, $0x38;
	[tilespmem:$0xEF00] =	vst v63  }
0x3d1: {  	_ =	swait.ge [sflag:s18], $0x10  }
0x3d2: {  	[sflag:s18] =	ssyncset.done $0x0  }
0x3d3: {  	s26 =	simm.s32 $0x9F40;
	[sflag:s18] =	ssyncadd.s32 $0xFFFFFFF0  }
0x3d4: {  	v1 =	vld [tilespmem:$0xEE80];
	[tilespmem:s26+$0xFFFFFFC0] =	vst v0  }
0x3d5: {  	[tilespmem:s26+$0x30] =	vst v0  }
0x3d6: {  	[tilespmem:s26+$0x20] =	vst v0  }
0x3d7: {  	[tilespmem:s26+$0x10] =	vst v0  }
0x3d8: {  	[tilespmem:s26+$0x0] =	vst v0  }
0x3d9: {  	[tilespmem:s26+$0xFFFFFFF0] =	vst v0  }
0x3da: {  	s28 =	simm.s32 $0x0;
	[tilespmem:s26+$0xFFFFFFE0] =	vst v0  }
.LBB2_30:
0x3db: {  	s28 =	sadd.s32 $0x8, s28;
	[tilespmem:s26+$0xFFFFFFD0] =	vst v0;
	s26 =	sadd.s32 $0x80, s26  }
0x3dc: {  	[tilespmem:s26+$0xFFFFFFC0] =	vst v0;
	p0 =	slt.u32 s28, $0x278  }
0x3dd: {  	[tilespmem:s26+$0x30] =	vst v0  }
.Ltmp14:
0x3de: {  	[tilespmem:s26+$0x20] =	vst v0;
	(pc) =	sbr.rel @p0 .LBB2_30-.Ltmp14, $4  }
0x3df: {  	[tilespmem:s26+$0x10] =	vst v0  }
0x3e0: {  	[tilespmem:s26+$0x0] =	vst v0  }
0x3e1: {  	[tilespmem:s26+$0xFFFFFFF0] =	vst v0  }
0x3e2: {  	s25 =	simm.s32 $0xC720;
	s30 =	simm.s32 $0x27A0;
	s29 =	simm.s32 $0x20;
	[tilespmem:s26+$0xFFFFFFE0] =	vst v0  }
0x3e3: {  	[tilespmem:s26+$0xFFFFFFD0] =	vst v0  }
0x3e4: {  	v4 =	vld [tilespmem:s29+$0x10]  }
0x3e5: {  	v5 =	vld [tilespmem:s29+$0xFFFFFFF0]  }
0x3e6: {  	v2 =	vld [tilespmem:s30+$0xFFFFFFE0]  }
0x3e7: {  	v3 =	vld [tilespmem:s30+$0x10]  }
0x3e8: {  	v6 =	vld [tilespmem:s30+$0xFFFFFFF0]  }
0x3e9: {  	v7 =	vld [tilespmem:s30+$0x0]  }
0x3ea: {  	v8 =	vld [tilespmem:s29+$0xFFFFFFE0]  }
0x3eb: {  	v9 =	vld [tilespmem:s29+$0x0]  }
0x3ec: {  	v10 =	vld.idx.msk [tilespmem:v4+s19+$0x0], $0xffff  }
0x3ed: {  	v11 =	vld.idx.msk [tilespmem:v5+s19+$0x0], $0xffff  }
0x3ee: {  	v12 =	vld.idx.msk [tilespmem:v2+s20+$0x0], $0xffff  }
0x3ef: {  	v13 =	vld.idx.msk [tilespmem:v3+s20+$0x0], $0xffff  }
0x3f0: {  	v14 =	vld.idx.msk [tilespmem:v6+s20+$0x0], $0xffff  }
0x3f1: {  	v15 =	vld.idx.msk [tilespmem:v7+s20+$0x0], $0xffff  }
0x3f2: {  	v8 =	vld.idx.msk [tilespmem:v8+s19+$0x0], $0xffff  }
0x3f3: {  	v16 =	vld.idx.msk [tilespmem:v9+s19+$0x0], $0xffff  }
0x3f4: {  	s26 =	simm.s32 $0x60  }
0x3f5: {  	v17 =	vld [tilespmem:s26+$0x10]  }
0x3f6: {  	v18 =	vld [tilespmem:s26+$0xFFFFFFF0];
	v11 =	vadd.f32 v14, v11  }
0x3f7: {  	s28 =	simm.s32 $0x27E0;
	v19 =	vld [tilespmem:s26+$0xFFFFFFE0];
	v12 =	vadd.f32 v12, v8  }
0x3f8: {  	v5 =	vld [tilespmem:s28+$0xFFFFFFE0];
	v15 =	vadd.f32 v15, v16;
	v13 =	vadd.f32 v13, v10;
	v14 =	vmul.f32 $2.000000030e-01, v11  }
0x3f9: {  	v4 =	vld [tilespmem:s28+$0x10];
	v16 =	vmul.f32 $2.000000030e-01, v12;
	vm0 =	vge.f32 v11, $0.0e+00;
	vm1 =	vge.f32 v12, $0.0e+00  }
0x3fa: {  	v9 =	vld [tilespmem:s28+$0xFFFFFFF0];
	vm14 =	vge.f32 v15, $0.0e+00;
	v10 =	vsel vm0, v11, v14;
	v11 =	vmul.f32 $2.000000030e-01, v15  }
0x3fb: {  	v8 =	vld [tilespmem:s28+$0x0];
	v12 =	vsel vm1, v12, v16;
	v16 =	vmul.f32 $2.000000030e-01, v13;
	v20 =	vsub.f32 v10, v1  }
0x3fc: {  	vm15 =	vge.f32 v13, $0.0e+00;
	v14 =	vld [tilespmem:s26+$0x0];
	v11 =	vsel vm14, v15, v11;
	v15 =	vsub.f32 v12, v1  }
0x3fd: {  	v10 =	vld.idx.msk [tilespmem:v17+s19+$0x0], $0xffff;
	v13 =	vsel vm15, v13, v16;
	v16 =	vmul.f32 $1.442695020e+00, v20;
	v17 =	vsub.f32 v11, v1  }
0x3fe: {  	v12 =	vld.idx.msk [tilespmem:v18+s19+$0x0], $0xffff;
	v13 =	vsub.f32 v13, v1;
	v18 =	vmul.f32 $1.442695020e+00, v15  }
0x3ff: {  	v63 =	vmul.f32 $1.442695020e+00, v17;
	(erf) = vpow2.f32 v16  }
0x400: {  	v21 =	vmul.f32 $1.442695020e+00, v13;
	(erf) = vpow2.f32 v18  }
0x401: {  	v11 =	vld.idx.msk [tilespmem:v5+s20+$0x0], $0xffff;
	(erf) = vpow2.f32 v63  }
0x402: {  	v15 =	vld.idx.msk [tilespmem:v4+s20+$0x0], $0xffff;
	(erf) = vpow2.f32 v21  }
0x403: {  	v17 =	vld.idx.msk [tilespmem:v9+s20+$0x0], $0xffff  }
0x404: {  	v13 =	vld.idx.msk [tilespmem:v8+s20+$0x0], $0xffff  }
0x405: {  	s29 =	simm.s32 $0x2820;
	v16 =	vld.idx.msk [tilespmem:v19+s19+$0x0], $0xffff  }
0x406: {  	s30 =	simm.s32 $0xA0;
	s28 =	simm.s32 $0x4;
	s26 =	simm.s32 $0xC720;
	v14 =	vld.idx.msk [tilespmem:v14+s19+$0x0], $0xffff  }
.LBB2_32:
0x407: {  	v18 =	vld [tilespmem:s29+$0x10];
	s28 =	sadd.s32 $0x4, s28;
	s25 =	sadd.s32 $0x40, s25  }
0x408: {  	v10 =	vadd.f32 v15, v10;
	v19 =	vld [tilespmem:s30+$0x10];
	p0 =	slt.u32 s28, $0x26C;
	v15 =	vpop (erf)  }
0x409: {  	v12 =	vadd.f32 v17, v12;
	v20 =	vld [tilespmem:s29+$0xFFFFFFE0];
	[tilespmem:s26+$0xFFFFFFF0] =	vst v15;
	v17 =	vpop (erf)  }
0x40a: {  	v22 =	vmul.f32 $2.000000030e-01, v10;
	v21 =	vld [tilespmem:s29+$0xFFFFFFF0];
	[tilespmem:s26+$0xFFFFFFE0] =	vst v17;
	v23 =	vpop (erf)  }
0x40b: {  	vm0 =	vge.f32 v10, $0.0e+00;
	v11 =	vadd.f32 v11, v16;
	v16 =	vmul.f32 $2.000000030e-01, v12;
	[tilespmem:v6+s22+$0x0] =	vst.idx.add.f32.msk $0xffff, v15;
	v15 =	vpop (erf)  }
0x40c: {  	vm1 =	vge.f32 v12, $0.0e+00;
	v13 =	vadd.f32 v13, v14;
	v10 =	vsel vm0, v10, v22;
	v6 =	vmovc v9;
	v24 =	vld [tilespmem:s30+$0xFFFFFFF0];
	[tilespmem:s26+$0x10] =	vst v15  }
0x40d: {  	v9 =	vmul.f32 $2.000000030e-01, v11;
	v12 =	vsel vm1, v12, v16;
	v10 =	vsub.f32 v10, v1;
	v14 =	vld [tilespmem:s29+$0x0];
	[tilespmem:s26+$0x0] =	vst v23;
	s26 =	smov.u32 s25  }
0x40e: {  	vm0 =	vge.f32 v11, $0.0e+00;
	vm1 =	vge.f32 v13, $0.0e+00;
	v16 =	vmul.f32 $2.000000030e-01, v13;
	[tilespmem:v3+s22+$0x0] =	vst.idx.add.f32.msk $0xffff, v15;
	v3 =	vmovc v4;
	v4 =	vmovc v18  }
0x40f: {  	v15 =	vsel vm0, v11, v9;
	v11 =	vsub.f32 v12, v1;
	v18 =	vmul.f32 $1.442695020e+00, v10;
	[tilespmem:v7+s22+$0x0] =	vst.idx.add.f32.msk $0xffff, v23  }
0x410: {  	v10 =	vsub.f32 v15, v1;
	v13 =	vsel vm1, v13, v16;
	[tilespmem:v2+s22+$0x0] =	vst.idx.add.f32.msk $0xffff, v17;
	v2 =	vmov v5  }
0x411: {  	v7 =	vmovc v8;
	v11 =	vmul.f32 $1.442695020e+00, v11;
	v12 =	vsub.f32 v13, v1;
	v5 =	vmovc v20;
	v9 =	vmov v21;
	v16 =	vld [tilespmem:s30+$0xFFFFFFE0]  }
0x412: {  	v13 =	vmul.f32 $1.442695020e+00, v10;
	v21 =	vld [tilespmem:s30+$0x0];
	v8 =	vmov v14  }
0x413: {  	v14 =	vmul.f32 $1.442695020e+00, v12;
	v10 =	vld.idx.msk [tilespmem:v19+s19+$0x0], $0xffff;
	(erf) = vpow2.f32 v11  }
0x414: {  	v12 =	vld.idx.msk [tilespmem:v24+s19+$0x0], $0xffff;
	(erf) = vpow2.f32 v13  }
0x415: {  	v11 =	vld.idx.msk [tilespmem:v20+s20+$0x0], $0xffff;
	(erf) = vpow2.f32 v14  }
.Ltmp15:
0x416: {  	v15 =	vld.idx.msk [tilespmem:v4+s20+$0x0], $0xffff;
	(erf) = vpow2.f32 v18;
	(pc) =	sbr.rel @p0 .LBB2_32-.Ltmp15, $4  }
0x417: {  	v17 =	vld.idx.msk [tilespmem:v9+s20+$0x0], $0xffff  }
0x418: {  	v13 =	vld.idx.msk [tilespmem:v8+s20+$0x0], $0xffff  }
0x419: {  	v16 =	vld.idx.msk [tilespmem:v16+s19+$0x0], $0xffff  }
0x41a: {  	s29 =	sadd.s32 $0x40, s29;
	s30 =	sadd.s32 $0x40, s30;
	v14 =	vld.idx.msk [tilespmem:v21+s19+$0x0], $0xffff  }
0x41b: {  	_ = 	snop  }
0x41c: {  	v12 =	vadd.f32 v17, v12;
	_ =	sdelay $0x1  }
0x41d: {  	v11 =	vadd.f32 v11, v16;
	v56 =	vmul.f32 $2.000000030e-01, v12  }
0x41e: {  	vm0 =	vge.f32 v12, $0.0e+00;
	v13 =	vadd.f32 v13, v14  }
0x41f: {  	v10 =	vadd.f32 v15, v10;
	v16 =	vmul.f32 $2.000000030e-01, v11;
	v12 =	vsel vm0, v12, v56  }
0x420: {  	vm13 =	vge.f32 v11, $0.0e+00;
	v58 =	vmul.f32 $2.000000030e-01, v13;
	v12 =	vsub.f32 v12, v1  }
0x421: {  	v57 =	vmul.f32 $2.000000030e-01, v10;
	vm1 =	vge.f32 v13, $0.0e+00;
	v11 =	vsel vm13, v11, v16  }
0x422: {  	v11 =	vsub.f32 v11, v1;
	v13 =	vsel vm1, v13, v58;
	v12 =	vmul.f32 $1.442695020e+00, v12  }
0x423: {  	vm14 =	vge.f32 v10, $0.0e+00;
	v13 =	vsub.f32 v13, v1  }
0x424: {  	v10 =	vsel vm14, v10, v57;
	v11 =	vmul.f32 $1.442695020e+00, v11;
	(erf) = vpow2.f32 v12  }
0x425: {  	v59 =	vpop (erf);
	v10 =	vsub.f32 v10, v1;
	v13 =	vmul.f32 $1.442695020e+00, v13  }
0x426: {  	[tilespmem:s26+$0xFFFFFFF0] =	vst v59;
	v60 =	vpop (erf);
	(erf) = vpow2.f32 v11  }
0x427: {  	[tilespmem:s26+$0xFFFFFFE0] =	vst v60;
	v10 =	vmul.f32 $1.442695020e+00, v10;
	(erf) = vpow2.f32 v13  }
0x428: {  	v61 =	vpop (erf);
	[tilespmem:v6+s22+$0x0] =	vst.idx.add.f32.msk $0xffff, v59  }
0x429: {  	[tilespmem:s26+$0x0] =	vst v61;
	(erf) = vpow2.f32 v10  }
0x42a: {  	v62 =	vpop (erf);
	[tilespmem:v2+s22+$0x0] =	vst.idx.add.f32.msk $0xffff, v60  }
0x42b: {  	[tilespmem:s26+$0x10] =	vst v62  }
0x42c: {  	[tilespmem:v7+s22+$0x0] =	vst.idx.add.f32.msk $0xffff, v61  }
0x42d: {  	s25 =	sadd.s32 $0x40, s25;
	[tilespmem:v3+s22+$0x0] =	vst.idx.add.f32.msk $0xffff, v62;
	v2 =	vpop (erf)  }
0x42e: {  	[tilespmem:s25+$0xFFFFFFF0] =	vst v2  }
0x42f: {  	v3 =	vpop (erf);
	[tilespmem:v9+s22+$0x0] =	vst.idx.add.f32.msk $0xffff, v2  }
0x430: {  	[tilespmem:s25+$0xFFFFFFE0] =	vst v3;
	v63 =	vpop (erf)  }
0x431: {  	[tilespmem:s25+$0x0] =	vst v63  }
0x432: {  	v2 =	vpop (erf);
	[tilespmem:v5+s22+$0x0] =	vst.idx.add.f32.msk $0xffff, v3  }
0x433: {  	[tilespmem:s25+$0x10] =	vst v2  }
0x434: {  	[tilespmem:v8+s22+$0x0] =	vst.idx.add.f32.msk $0xffff, v63  }
0x435: {  	[tilespmem:v4+s22+$0x0] =	vst.idx.add.f32.msk $0xffff, v2  }
0x436: {  	v2 =	vld [tilespmem:$0x2700]  }
0x437: {  	v3 =	vld [tilespmem:$0x4E80];
	_ =	sdelay $0x6  }
0x438: {  	v2 =	vld.idx.msk [tilespmem:v2+s19+$0x0], $0xffff  }
0x439: {  	v4 =	vld.idx.msk [tilespmem:v3+s20+$0x0], $0xffff;
	_ =	sdelay $0x4  }
0x43a: {  	v2 =	vadd.f32 v4, v2;
	_ =	sdelay $0x1  }
0x43b: {  	v4 =	vmul.f32 $2.000000030e-01, v2  }
0x43c: {  	vm15 =	vge.f32 v2, $0.0e+00  }
0x43d: {  	v2 =	vsel vm15, v2, v4  }
0x43e: {  	v1 =	vsub.f32 v2, v1;
	_ =	sdelay $0x1  }
0x43f: {  	v1 =	vmul.f32 $1.442695020e+00, v1;
	_ =	sdelay $0x1  }
0x440: {  	(erf) = vpow2.f32 v1;
	_ =	sdelay $0x8  }
0x441: {  	v1 =	vpop (erf)  }
0x442: {  	[tilespmem:$0xEE00] =	vst v1  }
0x443: {  	[tilespmem:v3+s22+$0x0] =	vst.idx.add.f32.msk $0xffff, v1  }
0x444: {  	[hbm4b:s17+s3] =	stream.linear.scatter [tilespmem:s23], [sflag:$0x1], $0x2710, $0x38;
	[tilespmem:$0xEF00] =	vst v63  }
0x445: {  	_ =	swait.ge [sflag:s18], $0x2710  }
0x446: {  	[sflag:s18] =	ssyncset.done $0x0  }
0x447: {  	s29 =	rddreg [dreg:$0x15];
	[sflag:s18] =	ssyncadd.s32 $0xFFFFD8F0  }
0x448: {  	[hbm4b:s29+s3] =	stream.linear.scatter [tilespmem:s22], [sflag:$0x1], $0x2800, $0x38;
	[tilespmem:$0xEF00] =	vst v63  }
0x449: {  	_ =	swait.ge [sflag:s18], $0x2800  }
0x44a: {  	s24 =	sadd.s32 $0x1, s24;
	s30 =	rddreg [dreg:$0x16]  }
0x44b: {  	p0 =	sne.s32 s24, s30  }
.Ltmp16:
0x44c: {  	_ = 	snop;
	(pc) =	sbr.rel @p0 .LBB2_1-.Ltmp16, $3  }
0x44d: {  	_ =	sdelay $0x1  }
0x44e: {  	[sflag:s18] =	ssyncset.done $0x0  }
0x44f: {  	[sflag:s18] =	ssyncadd.s32 $0xFFFFD800  }
0x450: {  	_ =	sfence.sel $0x180000  }
0x451: {  	[bflag:$0x0] =	sbarrier.arrive $0xFFFF  }
0x452: {  	_ =	strace $0x90000047  }
0x453: {  	s0 =	stileid.u32;
	[bflag:$0x2] =	sbarrier.arrive $0xFFFF  }
0x454: {  	p0 =	sne.s32 s0, $0x0;
	s0 =	rddreg [dreg:$0x2]  }
0x455: {  	s0 =	sadd.s32 @!p0 $0x100000, s0  }
0x456: {  	[sflag:s0] =	ssyncadd.tile.s32 @!p0 $0x1;
	_ =	shalt  }
.Lfunc_end2:
_tile_overlayer_lowered:
.L_overlay_start_2:
0x457: {  	(tag) =	ssettag $0x2  }
0x458: {  	s0 =	rddreg [dreg:$0x0];
	s2 =	stileid.u32  }
0x459: {  	s1 =	rddreg [dreg:$0x1];
	p0 =	sne.s32 s2, $0x0  }
0x45a: {  	s3 =	rddreg [dreg:$0x2];
	[bflag:$0x3] =	sbarrier.arrive $0xFFFF;
	s2 =	simm.s32 @!p0 $0x1C01  }
0x45b: {  	[timem:s3], [sflag:s2] =	dma.local @!p0 [hbm:s0], s1  }
0x45c: {  	s0 =	simm.s32 @!p0 $0x1  }
0x45d: {  	_ =	swait.ge @!p0 [sflag:s0], s1  }
0x45e: {  	s1 =	ssub.s32 @!p0 $0x0, s1;
	[sflag:s0] =	ssyncset.done @!p0 $0x0  }
0x45f: {  	[sflag:s0] =	ssyncadd.s32 @!p0 s1  }
0x460: {  	[bflag:$0x3] =	sbarrier.arrive $0xFFFF  }
0x461: {  	_ =	shalt  }

// kernel: kernel.9.cloned.1.call-start
scs
__scs_entry_jumppad:
0x0: {  	(pc) =	sbr.rel $0x88, $3  }
0x1: {  	(tag) =	ssettag $0x0;
	lr =	simm.s32 $0x1  }
0x2: {  	[smem:$0x3F9D] =	sst lr;
	_ =	strace $0xD0000000  }
0x3: {  	_ = 	snop  }
0x4: {  	_ = 	snop  }
0x5: {  	_ = 	snop  }
0x6: {  	_ = 	snop  }
0x7: {  	_ = 	snop  }
__scs_overlays_trampoline_lowered:
0x8: {  	[smem:$0x3FAC] =	sst s0  }
0x9: {  	[smem:$0x3FAD] =	sst s1  }
0xa: {  	[smem:$0x3FAE] =	sst s2  }
0xb: {  	[smem:$0x3FAF] =	sst s3  }
0xc: {  	[smem:$0x3FB0] =	sst s4  }
0xd: {  	[smem:$0x3FB1] =	sst s5  }
0xe: {  	[smem:$0x3FB2] =	sst s6  }
0xf: {  	[smem:$0x3FB3] =	sst s7  }
0x10: {  	[smem:$0x3FB4] =	sst s8  }
0x11: {  	[smem:$0x3FB5] =	sst s9;
	s0 =	simm.s32 @!p0 $0x0  }
0x12: {  	s1 =	sld [smem:$0x3F9B];
	s0 =	simm.s32 @p0 $0x1  }
0x13: {  	[smem:$0x3FB6] =	sst s0;
	s0 =	simm.s32 @!p1 $0x0  }
0x14: {  	s2 =	sld [smem:$0x3F9A];
	s0 =	simm.s32 @p1 $0x1  }
0x15: {  	[smem:$0x3FB7] =	sst s0;
	s0 =	simm.s32 @!p2 $0x0  }
0x16: {  	s3 =	sld [smem:$0x3FDB];
	s0 =	simm.s32 @p2 $0x1  }
0x17: {  	s4 =	simm.s32 $0x1BF5;
	[smem:$0x3FB9] =	sst s0  }
0x18: {  	s0 =	sld [smem:$0x3F9C];
	_ =	swait.ge [sflag:s4], $0x0  }
0x19: {  	s7 =	sld [smem:$0x3F9D]  }
0x1a: {  	s8 =	sadd.s32 $0xFFFFE003, lr  }
0x1b: {  	s9 =	sadd.s32 $0xFFFFFEF7, lr;
	s5 =	simm.s32 $0xFFFFFFFF;
	p2 =	slt.u32 s8, $0xFFFFF086  }
0x1c: {  	p1 =	slt.u32 s9, $0xF7A;
	s5 =	simm.s32 @!p2 $0x0  }
0x1d: {  	s5 =	simm.s32 @p1 $0x1;
	p0 =	seq.s32 s7, s2  }
0x1e: {  	s7 =	smul.u32 @!p0 $0xF7A, s2;
	p2 =	seq.s32 @!p0 s5, $0x0  }
0x1f: {  	s9 =	smul.u32 $0xF7A, s1;
	s8 =	simm.s32 @!p0 $0x1BF5;
	p2 =	por !p2, p0  }
0x20: {  	[sflag:s8] =	ssyncset.s32 @!p0 $0xFFFFF086;
	s6 =	sadd.s32 @!p0 s3, s7;
	s7 =	simm.s32 @!p0 $0x108  }
0x21: {  	s3 =	sadd.s32 s3, s9;
	s6 =	sadd.s32 @!p0 $0x88, s6;
	s7 =	simm.s32 @p2 $0x1082  }
0x22: {  	[simem:s7], [sflag:s8] =	dma.local @!p0 [hbm:s6], $0xF7A  }
0x23: {  	s9 =	sor.u32 $0xD0000000, s2;
	s6 =	simm.s32 $0x108;
	_ =	swait.ge @!p0 [sflag:s8], $0x0  }
0x24: {  	s3 =	sadd.s32 $0x88, s3;
	s6 =	simm.s32 @!p1 $0x1082;
	[sflag:s4] =	ssyncset.s32 $0xFFFFF086  }
0x25: {  	[simem:s6], [sflag:s4] =	dma.local [hbm:s3], $0xF7A  }
0x26: {  	[smem:$0x3F9D] =	sst s1;
	(tag) =	ssettag s2;
	_ =	strace s9  }
0x27: {  	s1 =	sld [smem:$0x3FAD]  }
0x28: {  	s2 =	sld [smem:$0x3FAE]  }
0x29: {  	s4 =	sld [smem:$0x3FB0]  }
0x2a: {  	p0 =	seq.s32 s5, $0x0;
	s5 =	sld [smem:$0x3FB1]  }
0x2b: {  	s6 =	sld [smem:$0x3FB2]  }
0x2c: {  	s7 =	sld [smem:$0x3FB3]  }
0x2d: {  	s3 =	simm.s32 $0x108;
	s8 =	sld [smem:$0x3FB4]  }
0x2e: {  	s3 =	simm.s32 @!p0 $0x1082;
	s9 =	sld [smem:$0x3FB5]  }
0x2f: {  	lr =	sadd.s32 s0, s3;
	s0 =	sld [smem:$0x3FAC]  }
0x30: {  	s3 =	sld [smem:$0x3FAF]  }
0x31: {  	[smem:$0x3FB8] =	sst s10  }
0x32: {  	s10 =	sld [smem:$0x3FB6];
	_ =	sdelay $0x3  }
0x33: {  	p0 =	seq.s32 s10, $0x1;
	s10 =	sld [smem:$0x3FB8];
	_ =	sdelay $0x3  }
0x34: {  	[smem:$0x3FB8] =	sst s10  }
0x35: {  	s10 =	sld [smem:$0x3FB7];
	_ =	sdelay $0x3  }
0x36: {  	p1 =	seq.s32 s10, $0x1;
	s10 =	sld [smem:$0x3FB8];
	_ =	sdelay $0x3  }
0x37: {  	[smem:$0x3FB8] =	sst s10  }
0x38: {  	s10 =	sld [smem:$0x3FB9]  }
0x39: {  	_ = 	snop;
	(pc) =	sbr.ind lr, $3  }
0x3a: {  	_ = 	snop  }
0x3b: {  	_ = 	snop  }
0x3c: {  	p2 =	seq.s32 s10, $0x1;
	s10 =	sld [smem:$0x3FB8]  }
0x3d: {  	_ =	shalt  }
0x3e: {  	_ =	shalt  }
0x3f: {  	_ =	shalt  }
0x40: {  	_ =	shalt  }
0x41: {  	_ =	shalt  }
0x42: {  	_ =	shalt  }
0x43: {  	_ =	shalt  }
0x44: {  	_ =	shalt  }
0x45: {  	_ =	shalt  }
0x46: {  	_ =	shalt  }
0x47: {  	_ =	shalt  }
0x48: {  	_ =	shalt  }
0x49: {  	_ =	shalt  }
0x4a: {  	_ =	shalt  }
0x4b: {  	_ =	shalt  }
0x4c: {  	_ =	shalt  }
0x4d: {  	_ =	shalt  }
0x4e: {  	_ =	shalt  }
0x4f: {  	_ =	shalt  }
0x50: {  	_ =	shalt  }
0x51: {  	_ =	shalt  }
0x52: {  	_ =	shalt  }
0x53: {  	_ =	shalt  }
0x54: {  	_ =	shalt  }
0x55: {  	_ =	shalt  }
0x56: {  	_ =	shalt  }
0x57: {  	_ =	shalt  }
0x58: {  	_ =	shalt  }
0x59: {  	_ =	shalt  }
0x5a: {  	_ =	shalt  }
0x5b: {  	_ =	shalt  }
0x5c: {  	_ =	shalt  }
0x5d: {  	_ =	shalt  }
0x5e: {  	_ =	shalt  }
0x5f: {  	_ =	shalt  }
0x60: {  	_ =	shalt  }
0x61: {  	_ =	shalt  }
0x62: {  	_ =	shalt  }
0x63: {  	_ =	shalt  }
0x64: {  	_ =	shalt  }
0x65: {  	_ =	shalt  }
0x66: {  	_ =	shalt  }
0x67: {  	_ =	shalt  }
0x68: {  	_ =	shalt  }
0x69: {  	_ =	shalt  }
0x6a: {  	_ =	shalt  }
0x6b: {  	_ =	shalt  }
0x6c: {  	_ =	shalt  }
0x6d: {  	_ =	shalt  }
0x6e: {  	_ =	shalt  }
0x6f: {  	_ =	shalt  }
0x70: {  	_ =	shalt  }
0x71: {  	_ =	shalt  }
0x72: {  	_ =	shalt  }
0x73: {  	_ =	shalt  }
0x74: {  	_ =	shalt  }
0x75: {  	_ =	shalt  }
0x76: {  	_ =	shalt  }
0x77: {  	_ =	shalt  }
0x78: {  	_ =	shalt  }
0x79: {  	_ =	shalt  }
0x7a: {  	_ =	shalt  }
0x7b: {  	_ =	shalt  }
0x7c: {  	_ =	shalt  }
0x7d: {  	_ =	shalt  }
0x7e: {  	_ =	shalt  }
0x7f: {  	_ =	shalt  }
0x80: {  	_ =	shalt  }
0x81: {  	_ =	shalt  }
0x82: {  	_ =	shalt  }
0x83: {  	_ =	shalt  }
0x84: {  	_ =	shalt  }
0x85: {  	_ =	shalt  }
0x86: {  	_ =	shalt  }
0x87: {  	_ =	shalt  }
.Lfunc_end0:
.L_simem_size_0:
called_computation.1_lowered:
.L_overlay_start_0:
0x88: {  	s2 =	sld [smem:$0x3FD9]  }
0x89: {  	s3 =	sld [smem:$0x3FFE];
	_ =	sdelay $0x1  }
0x8a: {  	s1 =	srdreg.scid  }
0x8b: {  	s0 =	sand.u32 $0x1, s1  }
0x8c: {  	s17 =	sshll.u32 s0, $0xA;
	s2 =	sadd.s32 s3, s2  }
0x8d: {  	s2 =	sadd.s32 s2, s17  }
0x8e: {  	[smem:$0x3FC4] =	sst s2  }
0x8f: {  	_ = 	snop  }
0x90: {  	s2 =	sld [smem:$0x3FD0];
	(tm) =	ssettm $0x1  }
0x91: {  	s18 =	sld [smem:$0x3FFB];
	_ =	sdelay $0x3  }
0x92: {  	_ =	strace s18  }
0x93: {  	s3 =	sld [smem:$0x3FFC];
	_ =	sdelay $0x3  }
0x94: {  	_ =	strace s3  }
0x95: {  	s3 =	sld [smem:$0x3FFD];
	_ =	sdelay $0x3  }
0x96: {  	_ =	strace s3  }
0x97: {  	_ =	strace $0x8FFFFFFF  }
0x98: {  	s19 =	sld [smem:$0x3FDB];
	_ =	sdelay $0x1  }
0x99: {  	s4 =	simm.s32 $_scs_section_size  }
0x9a: {  	s5 =	simm.s32 $_size__tile_overlayer_lowered;
	s6 =	simm.s32 $_tile_overlayer_lowered  }
0x9b: {  	s22 =	simm.s32 $0x1BFF;
	s21 =	sshll.u32 s6, $0x1;
	s3 =	sadd.s32 s4, s19  }
0x9c: {  	s7 =	simm.s32 $0x0;
	s20 =	sshll.u32 s5, $0x1;
	s5 =	sadd.s32 s21, s3  }
0x9d: {  	[timem:s7], [sflag:s22] =	dma.local [hbm:s5], s20  }
0x9e: {  	_ =	swait.ge [sflag:s22], s20  }
0x9f: {  	s4 =	ssub.s32 $0x0, s20;
	[sflag:s22] =	ssyncset.done $0x0  }
0xa0: {  	[sflag:s22] =	ssyncadd.s32 s4;
	_ =	sdelay $0x1  }
0xa1: {  	s23 =	simm.s32 $0x1B8B  }
0xa2: {  	_ =	swait.ge [sflag:s23], $0x1  }
0xa3: {  	[sflag:s23] =	ssyncset.done $0x0  }
0xa4: {  	s25 =	simm.s32 $0x1B8E;
	s24 =	sld [smem:$0x3FFE];
	[sflag:s23] =	ssyncadd.s32 $0xFFFFFFFF  }
0xa5: {  	s26 =	simm.s32 $execute0_lowered;
	[smem:$0x3FD2] =	sst s25  }
0xa6: {  	s5 =	sshll.u32 s26, $0x1;
	_ =	strace $0x80000049;
	[dreg:$0x1] =	wrdreg $0xFFFFFFFF  }
0xa7: {  	s28 =	simm.s32 $_size_execute0_lowered;
	s3 =	sadd.s32 s3, s5;
	[dreg:$0x0] =	wrdreg $0x0  }
0xa8: {  	s5 =	sshll.u32 s28, $0x1;
	[dreg:$0x2] =	wrdreg s3  }
0xa9: {  	[dreg:$0x3] =	wrdreg s5  }
0xaa: {  	[dreg:$0x4] =	wrdreg $0xC0  }
0xab: {  	_ =	task [dreg:s7], $0x5FFFF  }
0xac: {  	[dreg:$0x1] =	wrdreg $0xFFFFFFFF  }
0xad: {  	[dreg:$0x0] =	wrdreg $0x60  }
0xae: {  	[dreg:$0x2] =	wrdreg s24  }
0xaf: {  	[dreg:$0x3] =	wrdreg s2  }
0xb0: {  	[dreg:$0x4] =	wrdreg $0x9  }
0xb1: {  	_ =	task.clear_ibuf [dreg:s7], $0x5FFFF;
	_ =	strace $0x90000049  }
0xb2: {  	s29 =	simm.s32 $0x9;
	_ =	strace $0x8000004B  }
0xb3: {  	_ =	swait.ge [sflag:s29], $0x1  }
0xb4: {  	[sflag:s29] =	ssyncadd.s32 $0xFFFFFFFF  }
0xb5: {  	_ =	strace $0x9000004B  }
0xb6: {  	_ =	sfence  }
0xb7: {  	s30 =	sld [smem:$0x0];
	_ =	sdelay $0x2  }
0xb8: {  	s31 =	sshll.u32 s1, $0xD;
	s1 =	sshrl.u32 s1, $0x2  }
0xb9: {  	s3 =	sand.u32 $0x4000, s31;
	s1 =	sadd.s32 s1, s30  }
0xba: {  	s0 =	sor.u32 s3, s0;
	s1 =	sshll.u32 s1, $0x11  }
0xbb: {  	s0 =	sor.u32 s1, s0  }
0xbc: {  	s0 =	sadd.s32 $0x8F2B, s0  }
0xbd: {  	[sflag:s0] =	ssyncadd.remote.s32 $0x1  }
0xbe: {  	_ =	sfence.sel $0xFFFF  }
0xbf: {  	[dreg:$0x0] =	wrdreg $0xFFFFFFFF;
	(pc) =	sbr.abs _section_cstart, $3  }
0xc0: {  	[dreg:$0x1] =	wrdreg $0xFFFFFFFF  }
0xc1: {  	_ =	task.clear_ibuf [dreg:s7], $0x2FFFF;
	_ =	strace $0x9FFFFFFF  }
0xc2: {  	(tm) =	ssettm $0x7FFFFFFF  }
0xc3: {  	_ =	shalt  }
tec
execute0_lowered:
.L_overlay_start_1:
0x0: {  	(tag) =	ssettag $0x1  }
0x1: {  	s1 =	srdreg.scid;
	s18 =	rddreg [dreg:$0x0]  }
0x2: {  	s0 =	stileid.u32;
	s21 =	rddreg [dreg:$0x1]  }
0x3: {  	s2 =	simm.s32 $0x0;
	s23 =	simm.s32 $0x2780;
	s24 =	simm.s32 $0x4F80  }
0x4: {  	s25 =	simm.s32 $0x7700;
	s26 =	simm.s32 $0x0;
	s3 =	sand.u32 $0x1, s1  }
0x5: {  	s30 =	sshll.u32 s0, $0x1;
	[smem:$0x7FF] =	sst s2;
	s8 =	sadd.s32 $0x64C00, s18  }
0x6: {  	s31 =	sadd.s32 $0x14A00, s18;
	s10 =	sadd.s32 $0x15900, s18;
	s12 =	sadd.s32 $0x15E00, s18  }
0x7: {  	s14 =	sadd.s32 $0x16300, s18;
	s1 =	sor.u32 s3, s30;
	s6 =	ssub.s32 $0x2, s3  }
0x8: {  	s16 =	sadd.s32 $0x16800, s18;
	s20 =	smul.u32 $0x2710, s1;
	s9 =	sshrl.u32 s6, $0x1  }
0x9: {  	_ =	strace $0x8000004A;
	[dreg:$0x3] =	wrdreg s31;
	s22 =	ssub.s32 s6, s9  }
0xa: {  	v0 =	vlaneseq.u32;
	s6 =	sadd.s32 $0x14F00, s18;
	s5 =	sshrl.u32 s20, $0x3;
	s20 =	sadd.s32 s21, s20  }
0xb: {  	v0 =	vmul.u32 $0x8, v0;
	s21 =	smax.u32 s22, $0x1;
	s22 =	simm.s32 $0x1;
	s7 =	sadd.s32 $0x9C40, s5  }
0xc: {  	s5 =	sadd.s32 s8, s5;
	s4 =	sadd.s32 s7, s18;
	s7 =	sadd.s32 s8, s7  }
0xd: {  	v1 =	vor.u32 $0x13800, v0;
	v2 =	vor.u32 $0x13801, v0;
	s8 =	sadd.s32 $0x15400, s18;
	s9 =	sadd.s32 $0x13880, s5;
	s11 =	sadd.s32 $0x1D4C0, s5  }
0xe: {  	v3 =	vor.u32 $0x13802, v0;
	v4 =	vor.u32 $0x13803, v0;
	v5 =	vor.u32 $0x13804, v0;
	s13 =	sadd.s32 $0x27100, s5;
	s15 =	sadd.s32 $0x30D40, s5;
	s17 =	sadd.s32 $0x3A980, s5  }
0xf: {  	v6 =	vor.u32 $0x13805, v0;
	v7 =	vor.u32 $0x13806, v0;
	v8 =	vor.u32 $0x13807, v0;
	s18 =	sadd.s32 $0x16D00, s18;
	s19 =	sadd.s32 $0x445C0, s5;
	s4 =	sadd.s32 $0x1000, s4  }
.LBB2_1:
0x10: {  	[tilespmem:s2], [sflag:$0x1] =	stream.linear.gather [hbm4b:s4+s2], $0x2710, $0x38;
	[tilespmem:$0x1AF80] =	vst v63  }
0x11: {  	_ =	swait.ge [sflag:s22], $0x2710  }
0x12: {  	[sflag:s22] =	ssyncset.done $0x0  }
0x13: {  	s0 =	rddreg [dreg:$0x3];
	[sflag:s22] =	ssyncadd.s32 $0xFFFFD8F0  }
0x14: {  	[tilespmem:s23], [sflag:$0x1] =	stream.linear.gather [hbm4b:s0+s2], $0x2800, $0x38;
	[tilespmem:$0x1AF80] =	vst v63  }
0x15: {  	_ =	swait.ge [sflag:s22], $0x2800  }
0x16: {  	[sflag:s22] =	ssyncset.done $0x0  }
0x17: {  	[sflag:s22] =	ssyncadd.s32 $0xFFFFD800  }
0x18: {  	[tilespmem:s24], [sflag:$0x1] =	stream.linear.gather [hbm4b:s5+s2], $0x2710, $0x38;
	[tilespmem:$0x1AF80] =	vst v63  }
0x19: {  	_ =	swait.ge [sflag:s22], $0x2710  }
0x1a: {  	[sflag:s22] =	ssyncset.done $0x0  }
0x1b: {  	s28 =	simm.s32 $0x20;
	[sflag:s22] =	ssyncadd.s32 $0xFFFFD8F0  }
0x1c: {  	v9 =	vld [tilespmem:s28+$0x10];
	_ =	sdelay $0x2  }
0x1d: {  	v10 =	vld [tilespmem:s28+$0xFFFFFFF0]  }
0x1e: {  	v11 =	vld [tilespmem:s28+$0xFFFFFFE0]  }
0x1f: {  	v12 =	vld [tilespmem:s28+$0x0];
	s28 =	simm.s32 $0x60  }
0x20: {  	v13 =	vld [tilespmem:s28+$0x10]  }
0x21: {  	v16 =	vld [tilespmem:s28+$0x0]  }
0x22: {  	v9 =	vld.idx.msk [tilespmem:v9+s23+$0x0], $0xffff  }
0x23: {  	v14 =	vld [tilespmem:s28+$0xFFFFFFF0]  }
0x24: {  	v15 =	vld [tilespmem:s28+$0xFFFFFFE0]  }
0x25: {  	v10 =	vld.idx.msk [tilespmem:v10+s23+$0x0], $0xffff  }
0x26: {  	v11 =	vld.idx.msk [tilespmem:v11+s23+$0x0], $0xffff  }
0x27: {  	s29 =	simm.s32 $0xA0;
	v12 =	vld.idx.msk [tilespmem:v12+s23+$0x0], $0xffff;
	v9 =	vadd.f32 $1.000000020e-16, v9  }
0x28: {  	v18 =	vld [tilespmem:s29+$0x10]  }
0x29: {  	v13 =	vld.idx.msk [tilespmem:v13+s23+$0x0], $0xffff;
	(erf) = vrcp.f32 v9  }
0x2a: {  	v23 =	vld.idx.msk [tilespmem:v16+s23+$0x0], $0xffff;
	v10 =	vadd.f32 $1.000000020e-16, v10  }
0x2b: {  	v11 =	vadd.f32 $1.000000020e-16, v11;
	v9 =	vld.idx.msk [tilespmem:v14+s23+$0x0], $0xffff  }
0x2c: {  	v14 =	vld.idx.msk [tilespmem:v15+s23+$0x0], $0xffff;
	(erf) = vrcp.f32 v10;
	v10 =	vadd.f32 $1.000000020e-16, v12  }
0x2d: {  	s30 =	simm.s32 $0x30;
	v19 =	vld [tilespmem:s29+$0xFFFFFFF0];
	s28 =	simm.s32 $0x4FA0;
	(erf) = vrcp.f32 v11  }
0x2e: {  	v17 =	vld [tilespmem:s28+$0x10];
	v13 =	vadd.f32 $1.000000020e-16, v13;
	v15 =	vmov s30;
	(erf) = vrcp.f32 v10  }
0x2f: {  	v20 =	vld [tilespmem:s29+$0xFFFFFFE0];
	v25 =	vadd.f32 $1.000000020e-16, v23;
	v15 =	vshll.u32 v15, $0x3;
	v11 =	vmov s2  }
0x30: {  	s31 =	simm.s32 $0x10;
	v26 =	vld [tilespmem:s28+$0xFFFFFFE0];
	v22 =	vor.u32 v0, v15;
	(erf) = vrcp.f32 v13;
	v15 =	vadd.f32 $1.000000020e-16, v9  }
0x31: {  	v27 =	vld [tilespmem:s28+$0xFFFFFFF0];
	s30 =	simm.s32 $0x20;
	v10 =	vshll.u32 v11, $0x3;
	v11 =	vmov s31;
	v13 =	vadd.f32 $1.000000020e-16, v14  }
0x32: {  	v12 =	vld [tilespmem:s29+$0x0];
	v21 =	vmov s30;
	v11 =	vshll.u32 v11, $0x3;
	(erf) = vrcp.f32 v15;
	v14 =	vpop (erf)  }
0x33: {  	s29 =	simm.s32 $0x40;
	v10 =	vor.u32 v0, v10;
	v15 =	vld [tilespmem:s28+$0x0];
	(erf) = vrcp.f32 v13;
	v24 =	vmul.f32 v14, v17  }
0x34: {  	s30 =	simm.s32 $0x50;
	s31 =	simm.s32 $0x70;
	v9 =	vshll.u32 v21, $0x3;
	v11 =	vor.u32 v0, v11;
	s28 =	simm.s32 $0x4FE0;
	v13 =	vmov s29;
	v17 =	vld.idx.msk [tilespmem:v18+s23+$0x0], $0xffff  }
0x35: {  	v21 =	vmov s30;
	v18 =	vpop (erf);
	v16 =	vshll.u32 v13, $0x3;
	v14 =	vld [tilespmem:s28+$0x10];
	v13 =	vmov s31  }
0x36: {  	v19 =	vld.idx.msk [tilespmem:v19+s23+$0x0], $0xffff;
	s30 =	simm.s32 $0x60;
	v9 =	vor.u32 v0, v9;
	v28 =	vpop (erf);
	v13 =	vshll.u32 v13, $0x3;
	v18 =	vmul.f32 v18, v27  }
0x37: {  	v20 =	vld.idx.msk [tilespmem:v20+s23+$0x0], $0xffff;
	v23 =	vmov s30;
	s30 =	simm.s32 $0x8;
	s31 =	simm.s32 $0xE0;
	[tilespmem:v22+s25+$0x0] =	vst.idx.msk $0xffff, v24;
	v13 =	vor.u32 v0, v13;
	v22 =	vmul.f32 v28, v26;
	v24 =	vpop (erf)  }
.LBB2_2:
0x38: {  	v26 =	vld [tilespmem:s31+$0x10];
	s30 =	sadd.s32 $0x4, s30;
	v21 =	vshll.u32 v21, $0x3;
	(erf) = vrcp.f32 v25;
	v15 =	vmul.f32 v24, v15  }
0x39: {  	v23 =	vshll.u32 v23, $0x3;
	v25 =	vld [tilespmem:s31+$0xFFFFFFF0];
	p0 =	slt.u32 s30, $0x26C;
	v21 =	vor.u32 v0, v21;
	v24 =	vpop (erf);
	[tilespmem:v10+s25+$0x0] =	vst.idx.msk $0xffff, v22;
	v10 =	vor.u32 v0, v16  }
0x3a: {  	v17 =	vadd.f32 $1.000000020e-16, v17;
	v22 =	vor.u32 v0, v23;
	v16 =	vld [tilespmem:s31+$0x0];
	v14 =	vmul.f32 v24, v14;
	[tilespmem:v11+s25+$0x0] =	vst.idx.msk $0xffff, v18  }
0x3b: {  	v11 =	vmov v21;
	v18 =	vld [tilespmem:s31+$0xFFFFFFE0];
	v27 =	vpop (erf);
	[tilespmem:v9+s25+$0x0] =	vst.idx.msk $0xffff, v15;
	v9 =	vmov v22  }
0x3c: {  	v15 =	vadd.f32 $1.000000020e-16, v19;
	v22 =	vld.idx.msk [tilespmem:v12+s23+$0x0], $0xffff;
	(erf) = vrcp.f32 v17;
	[tilespmem:v13+s25+$0x0] =	vst.idx.msk $0xffff, v14;
	v28 =	vpop (erf)  }
0x3d: {  	v13 =	vadd.f32 $1.000000020e-16, v20;
	v29 =	vld [tilespmem:s28+$0xFFFFFFE0]  }
0x3e: {  	(erf) = vrcp.f32 v15;
	v30 =	vld [tilespmem:s28+$0xFFFFFFF0]  }
.Ltmp0:
0x3f: {  	s29 =	sadd.s32 $0x40, s29;
	(erf) = vrcp.f32 v13;
	v15 =	vld [tilespmem:s28+$0x0];
	v12 =	vmov v16;
	(pc) =	sbr.rel @p0 .LBB2_2-.Ltmp0, $4  }
0x40: {  	s1 =	sadd.s32 $0x10, s29;
	s0 =	sadd.s32 $0x30, s29;
	v13 =	vmov s29;
	s28 =	sadd.s32 $0x40, s28;
	v17 =	vld.idx.msk [tilespmem:v26+s23+$0x0], $0xffff  }
0x41: {  	v21 =	vmov s1;
	s1 =	sadd.s32 $0x20, s29;
	v16 =	vshll.u32 v13, $0x3;
	v13 =	vmov s0;
	v14 =	vld [tilespmem:s28+$0x10];
	v24 =	vpop (erf)  }
0x42: {  	v23 =	vmov s1;
	v13 =	vshll.u32 v13, $0x3;
	v19 =	vld.idx.msk [tilespmem:v25+s23+$0x0], $0xffff;
	v25 =	vadd.f32 $1.000000020e-16, v22  }
0x43: {  	s31 =	sadd.s32 $0x40, s31;
	v13 =	vor.u32 v0, v13;
	v22 =	vmul.f32 v28, v29;
	v20 =	vld.idx.msk [tilespmem:v18+s23+$0x0], $0xffff;
	v18 =	vmul.f32 v27, v30  }
0x44: {  	_ =	sdelay $0x3  }
0x45: {  	v12 =	vld.idx.msk [tilespmem:v12+s23+$0x0], $0xffff;
	_ =	sdelay $0x3  }
0x46: {  	v17 =	vadd.f32 $1.000000020e-16, v17  }
0x47: {  	(erf) = vrcp.f32 v25;
	v19 =	vadd.f32 $1.000000020e-16, v19;
	v12 =	vadd.f32 $1.000000020e-16, v12  }
0x48: {  	(erf) = vrcp.f32 v17;
	v17 =	vadd.f32 $1.000000020e-16, v20  }
0x49: {  	(erf) = vrcp.f32 v19;
	v19 =	vld [tilespmem:s28+$0xFFFFFFE0]  }
0x4a: {  	s0 =	sadd.s32 $0x40, s29;
	(erf) = vrcp.f32 v17;
	v17 =	vshll.u32 v21, $0x3;
	v21 =	vld [tilespmem:s28+$0xFFFFFFF0]  }
0x4b: {  	v15 =	vmul.f32 v24, v15;
	v16 =	vor.u32 v0, v16;
	s1 =	sadd.s32 $0x30, s0;
	[tilespmem:v10+s25+$0x0] =	vst.idx.msk $0xffff, v22;
	s29 =	sadd.s32 $0x10, s0;
	(erf) = vrcp.f32 v12;
	v12 =	vpop (erf)  }
0x4c: {  	[tilespmem:v11+s25+$0x0] =	vst.idx.msk $0xffff, v18;
	v22 =	vmov s1;
	v18 =	vmov s29;
	v20 =	vshll.u32 v23, $0x3;
	v23 =	vld [tilespmem:s28+$0x0];
	s28 =	sadd.s32 $0x40, s28;
	v24 =	vpop (erf)  }
0x4d: {  	v22 =	vshll.u32 v22, $0x3;
	v17 =	vor.u32 v0, v17;
	v10 =	vmul.f32 v12, v14;
	v14 =	vld [tilespmem:s28+$0x10];
	v11 =	vpop (erf)  }
0x4e: {  	v22 =	vor.u32 v0, v22;
	v20 =	vor.u32 v0, v20;
	v11 =	vmul.f32 v11, v19;
	v19 =	vld [tilespmem:s28+$0xFFFFFFF0]  }
0x4f: {  	v25 =	vld [tilespmem:s28+$0xFFFFFFE0];
	v12 =	vmov s0;
	s0 =	sadd.s32 $0x20, s0;
	[tilespmem:v13+s25+$0x0] =	vst.idx.msk $0xffff, v10;
	v10 =	vmul.f32 v24, v21;
	v13 =	vshll.u32 v18, $0x3  }
0x50: {  	[tilespmem:v9+s25+$0x0] =	vst.idx.msk $0xffff, v15;
	v12 =	vshll.u32 v12, $0x3;
	v15 =	vmov s0;
	v9 =	vpop (erf);
	v21 =	vld [tilespmem:s28+$0x0];
	v13 =	vor.u32 v0, v13  }
0x51: {  	v12 =	vor.u32 v0, v12;
	v15 =	vshll.u32 v15, $0x3;
	v18 =	vpop (erf);
	v9 =	vmul.f32 v9, v23;
	[tilespmem:v16+s25+$0x0] =	vst.idx.msk $0xffff, v11  }
0x52: {  	v15 =	vor.u32 v0, v15;
	[tilespmem:v17+s25+$0x0] =	vst.idx.msk $0xffff, v10;
	v14 =	vmul.f32 v18, v14;
	v11 =	vpop (erf)  }
0x53: {  	[tilespmem:v20+s25+$0x0] =	vst.idx.msk $0xffff, v9;
	v10 =	vpop (erf);
	v11 =	vmul.f32 v11, v19  }
0x54: {  	[tilespmem:v22+s25+$0x0] =	vst.idx.msk $0xffff, v14;
	v9 =	vmul.f32 v10, v25;
	v10 =	vpop (erf)  }
0x55: {  	v10 =	vmul.f32 v10, v21;
	[tilespmem:v13+s25+$0x0] =	vst.idx.msk $0xffff, v11  }
0x56: {  	[tilespmem:v12+s25+$0x0] =	vst.idx.msk $0xffff, v9  }
0x57: {  	[tilespmem:v15+s25+$0x0] =	vst.idx.msk $0xffff, v10  }
0x58: {  	v9 =	vld [tilespmem:$0x2700];
	_ =	sdelay $0x7  }
0x59: {  	v9 =	vld.idx.msk [tilespmem:v9+s23+$0x0], $0xffff;
	_ =	sdelay $0x4  }
0x5a: {  	v9 =	vadd.f32 $1.000000020e-16, v9;
	_ =	sdelay $0x1  }
0x5b: {  	(erf) = vrcp.f32 v9;
	_ =	sdelay $0x4  }
0x5c: {  	v9 =	vld [tilespmem:$0x7680];
	_ =	sdelay $0x3  }
0x5d: {  	v10 =	vpop (erf)  }
0x5e: {  	v9 =	vmul.f32 v10, v9;
	_ =	sdelay $0x1  }
0x5f: {  	s0 =	simm.s32 $0x0;
	[tilespmem:v1+s25+$0x0] =	vst.idx.msk $0xffff, v9  }
0x60: {  	[tilespmem:s23], [sflag:$0x1] =	stream.linear.gather [hbm4b:s6+s0], $0x2800, $0x38;
	[tilespmem:$0x1AF80] =	vst v63  }
0x61: {  	_ =	swait.ge [sflag:s22], $0x2800  }
0x62: {  	[sflag:s22] =	ssyncset.done $0x0  }
0x63: {  	[sflag:s22] =	ssyncadd.s32 $0xFFFFD800  }
0x64: {  	[tilespmem:s24], [sflag:$0x1] =	stream.linear.gather [hbm4b:s7+s0], $0x2710, $0x38;
	[tilespmem:$0x1AF80] =	vst v63  }
0x65: {  	_ =	swait.ge [sflag:s22], $0x2710  }
0x66: {  	[sflag:s22] =	ssyncset.done $0x0  }
0x67: {  	s3 =	simm.s32 $0x20;
	[sflag:s22] =	ssyncadd.s32 $0xFFFFD8F0  }
0x68: {  	v9 =	vld [tilespmem:s3+$0x10];
	_ =	sdelay $0x2  }
0x69: {  	v10 =	vld [tilespmem:s3+$0xFFFFFFF0]  }
0x6a: {  	v11 =	vld [tilespmem:s3+$0xFFFFFFE0]  }
0x6b: {  	v12 =	vld [tilespmem:s3+$0x0];
	s3 =	simm.s32 $0x60  }
0x6c: {  	v13 =	vld [tilespmem:s3+$0x10]  }
0x6d: {  	v15 =	vld [tilespmem:s3+$0xFFFFFFE0]  }
0x6e: {  	v9 =	vld.idx.msk [tilespmem:v9+s23+$0x0], $0xffff  }
0x6f: {  	v14 =	vld [tilespmem:s3+$0xFFFFFFF0]  }
0x70: {  	v16 =	vld [tilespmem:s3+$0x0]  }
0x71: {  	v10 =	vld.idx.msk [tilespmem:v10+s23+$0x0], $0xffff  }
0x72: {  	v11 =	vld.idx.msk [tilespmem:v11+s23+$0x0], $0xffff  }
0x73: {  	v9 =	vadd.f32 $1.000000020e-16, v9;
	_ =	sdelay $0x1  }
0x74: {  	v12 =	vld.idx.msk [tilespmem:v12+s23+$0x0], $0xffff;
	(erf) = vrcp.f32 v9  }
0x75: {  	v15 =	vld.idx.msk [tilespmem:v15+s23+$0x0], $0xffff;
	v10 =	vadd.f32 $1.000000020e-16, v10  }
0x76: {  	v11 =	vadd.f32 $1.000000020e-16, v11;
	v9 =	vld.idx.msk [tilespmem:v13+s23+$0x0], $0xffff  }
0x77: {  	s29 =	simm.s32 $0x30;
	s28 =	simm.s32 $0x10;
	v24 =	vld.idx.msk [tilespmem:v16+s23+$0x0], $0xffff;
	(erf) = vrcp.f32 v10  }
0x78: {  	s30 =	simm.s32 $0x70;
	v18 =	vmov s29;
	v10 =	vld.idx.msk [tilespmem:v14+s23+$0x0], $0xffff;
	(erf) = vrcp.f32 v11;
	v11 =	vmov s28;
	s28 =	simm.s32 $0xA0  }
0x79: {  	s1 =	simm.s32 $0x4FA0;
	v23 =	vmov s30;
	v18 =	vshll.u32 v18, $0x3;
	s3 =	simm.s32 $0x20;
	v12 =	vadd.f32 $1.000000020e-16, v12;
	v19 =	vld [tilespmem:s28+$0x10]  }
0x7a: {  	v29 =	vshll.u32 v23, $0x3;
	v18 =	vor.u32 v0, v18;
	v17 =	vmov s3;
	v13 =	vld [tilespmem:s1+$0x10]  }
0x7b: {  	v11 =	vshll.u32 v11, $0x3;
	v20 =	vld [tilespmem:s28+$0xFFFFFFF0];
	(erf) = vrcp.f32 v12;
	v21 =	vadd.f32 $1.000000020e-16, v9  }
0x7c: {  	v18 =	vor.u32 $0x1, v18;
	v17 =	vshll.u32 v17, $0x3;
	v26 =	vld [tilespmem:s28+$0xFFFFFFE0];
	v11 =	vor.u32 v0, v11  }
0x7d: {  	v27 =	vld [tilespmem:s1+$0xFFFFFFF0];
	v9 =	vor.u32 $0x1, v11;
	v11 =	vadd.f32 $1.000000020e-16, v10;
	v16 =	vpop (erf);
	(erf) = vrcp.f32 v21  }
0x7e: {  	v15 =	vadd.f32 $1.000000020e-16, v15;
	v25 =	vadd.f32 $1.000000020e-16, v24;
	v14 =	vmov s0;
	v12 =	vld [tilespmem:s28+$0x0]  }
0x7f: {  	v14 =	vshll.u32 v14, $0x3;
	v10 =	vor.u32 v0, v17;
	v17 =	vld [tilespmem:s1+$0xFFFFFFE0];
	(erf) = vrcp.f32 v11  }
0x80: {  	s3 =	simm.s32 $0x50;
	v14 =	vor.u32 v0, v14;
	s28 =	simm.s32 $0x60;
	v13 =	vmul.f32 v16, v13;
	v16 =	vld [tilespmem:s1+$0x0];
	(erf) = vrcp.f32 v15  }
0x81: {  	s29 =	simm.s32 $0x40;
	v11 =	vor.u32 $0x1, v14;
	v14 =	vmov s3;
	v15 =	vld.idx.msk [tilespmem:v19+s23+$0x0], $0xffff;
	v19 =	vmov s28;
	s28 =	simm.s32 $0x4FE0  }
0x82: {  	v10 =	vor.u32 $0x1, v10;
	v21 =	vmov s29;
	v28 =	vpop (erf);
	v22 =	vshll.u32 v14, $0x3;
	v14 =	vld [tilespmem:s28+$0x10]  }
0x83: {  	v23 =	vshll.u32 v21, $0x3;
	v30 =	vpop (erf);
	v19 =	vshll.u32 v19, $0x3;
	[tilespmem:v18+s25+$0x0] =	vst.idx.msk $0xffff, v13;
	v18 =	vld.idx.msk [tilespmem:v20+s23+$0x0], $0xffff;
	v13 =	vor.u32 v0, v29  }
0x84: {  	s31 =	simm.s32 $0xE0;
	s30 =	simm.s32 $0x8;
	v24 =	vpop (erf);
	v20 =	vld.idx.msk [tilespmem:v26+s23+$0x0], $0xffff;
	v21 =	vmul.f32 v30, v17;
	v17 =	vmul.f32 v28, v27;
	v13 =	vor.u32 $0x1, v13  }
.LBB2_4:
0x85: {  	v26 =	vld [tilespmem:s31+$0x10];
	s30 =	sadd.s32 $0x4, s30;
	v22 =	vor.u32 v0, v22;
	(erf) = vrcp.f32 v25;
	v16 =	vmul.f32 v24, v16  }
0x86: {  	v23 =	vor.u32 v0, v23;
	v19 =	vor.u32 v0, v19;
	v25 =	vld [tilespmem:s31+$0xFFFFFFF0];
	p0 =	slt.u32 s30, $0x26C;
	v22 =	vor.u32 $0x1, v22;
	v24 =	vpop (erf);
	[tilespmem:v11+s25+$0x0] =	vst.idx.msk $0xffff, v21  }
0x87: {  	v15 =	vadd.f32 $1.000000020e-16, v15;
	v19 =	vor.u32 $0x1, v19;
	v21 =	vld [tilespmem:s31+$0x0];
	v14 =	vmul.f32 v24, v14;
	[tilespmem:v9+s25+$0x0] =	vst.idx.msk $0xffff, v17;
	v9 =	vmovc v22  }
0x88: {  	v11 =	vor.u32 $0x1, v23;
	v17 =	vld [tilespmem:s31+$0xFFFFFFE0];
	v27 =	vpop (erf);
	[tilespmem:v10+s25+$0x0] =	vst.idx.msk $0xffff, v16;
	v10 =	vmov v19  }
0x89: {  	v16 =	vadd.f32 $1.000000020e-16, v18;
	v28 =	vld.idx.msk [tilespmem:v12+s23+$0x0], $0xffff;
	(erf) = vrcp.f32 v15;
	[tilespmem:v13+s25+$0x0] =	vst.idx.msk $0xffff, v14;
	v29 =	vpop (erf)  }
0x8a: {  	s29 =	sadd.s32 $0x40, s29;
	v19 =	vadd.f32 $1.000000020e-16, v20;
	v30 =	vld [tilespmem:s28+$0xFFFFFFE0]  }
0x8b: {  	s0 =	sadd.s32 $0x10, s29;
	(erf) = vrcp.f32 v16;
	v31 =	vld [tilespmem:s28+$0xFFFFFFF0]  }
.Ltmp1:
0x8c: {  	s1 =	sadd.s32 $0x20, s29;
	s3 =	sadd.s32 $0x30, s29;
	v13 =	vmov s29;
	(erf) = vrcp.f32 v19;
	v16 =	vld [tilespmem:s28+$0x0];
	(pc) =	sbr.rel @p0 .LBB2_4-.Ltmp1, $4  }
0x8d: {  	v18 =	vmov s1;
	v14 =	vmov s0;
	v20 =	vmov s3;
	s28 =	sadd.s32 $0x40, s28;
	v12 =	vmovc v21;
	v15 =	vld.idx.msk [tilespmem:v26+s23+$0x0], $0xffff  }
0x8e: {  	v22 =	vshll.u32 v14, $0x3;
	v20 =	vshll.u32 v20, $0x3;
	v19 =	vshll.u32 v18, $0x3;
	v14 =	vld [tilespmem:s28+$0x10];
	v24 =	vpop (erf)  }
0x8f: {  	v23 =	vshll.u32 v13, $0x3;
	v13 =	vor.u32 v0, v20;
	v18 =	vld.idx.msk [tilespmem:v25+s23+$0x0], $0xffff;
	v25 =	vadd.f32 $1.000000020e-16, v28  }
0x90: {  	s31 =	sadd.s32 $0x40, s31;
	v13 =	vor.u32 $0x1, v13;
	v21 =	vmul.f32 v29, v30;
	v20 =	vld.idx.msk [tilespmem:v17+s23+$0x0], $0xffff;
	v17 =	vmul.f32 v27, v31  }
0x91: {  	_ =	sdelay $0x3  }
0x92: {  	v12 =	vld.idx.msk [tilespmem:v12+s23+$0x0], $0xffff;
	v15 =	vadd.f32 $1.000000020e-16, v15  }
0x93: {  	(erf) = vrcp.f32 v25;
	v18 =	vadd.f32 $1.000000020e-16, v18  }
0x94: {  	s0 =	sadd.s32 $0x40, s29;
	(erf) = vrcp.f32 v15;
	v15 =	vadd.f32 $1.000000020e-16, v20;
	v20 =	vor.u32 v0, v22  }
0x95: {  	s1 =	sadd.s32 $0x10, s0  }
0x96: {  	v16 =	vmul.f32 v24, v16;
	v24 =	vmov s1;
	(erf) = vrcp.f32 v18  }
0x97: {  	s3 =	sadd.s32 $0x30, s0;
	v22 =	vld [tilespmem:s28+$0xFFFFFFE0];
	v18 =	vor.u32 v0, v19;
	v12 =	vadd.f32 $1.000000020e-16, v12;
	v19 =	vor.u32 $0x1, v20;
	v20 =	vpop (erf)  }
0x98: {  	v25 =	vmov s3;
	(erf) = vrcp.f32 v15;
	v14 =	vmul.f32 v20, v14;
	v20 =	vld [tilespmem:s28+$0xFFFFFFF0]  }
0x99: {  	[tilespmem:v11+s25+$0x0] =	vst.idx.msk $0xffff, v21;
	v25 =	vshll.u32 v25, $0x3;
	v15 =	vor.u32 v0, v23;
	v23 =	vld [tilespmem:s28+$0x0];
	(erf) = vrcp.f32 v12  }
0x9a: {  	[tilespmem:v9+s25+$0x0] =	vst.idx.msk $0xffff, v17;
	s3 =	sadd.s32 $0x40, s28;
	v21 =	vshll.u32 v24, $0x3;
	v17 =	vor.u32 v0, v25;
	v15 =	vor.u32 $0x1, v15;
	v26 =	vpop (erf)  }
0x9b: {  	[tilespmem:v10+s25+$0x0] =	vst.idx.msk $0xffff, v16;
	v24 =	vld [tilespmem:s3+$0x10];
	v16 =	vor.u32 $0x1, v17;
	v18 =	vor.u32 $0x1, v18;
	v12 =	vmov s0;
	s0 =	sadd.s32 $0x20, s0;
	v9 =	vpop (erf)  }
0x9c: {  	v17 =	vld [tilespmem:s3+$0xFFFFFFF0];
	v11 =	vmov s0;
	v12 =	vshll.u32 v12, $0x3;
	v9 =	vmul.f32 v9, v22  }
0x9d: {  	v25 =	vld [tilespmem:s3+$0xFFFFFFE0];
	v11 =	vshll.u32 v11, $0x3;
	v10 =	vpop (erf);
	[tilespmem:v13+s25+$0x0] =	vst.idx.msk $0xffff, v14;
	v14 =	vor.u32 v0, v21;
	v13 =	vmul.f32 v26, v20  }
0x9e: {  	v12 =	vor.u32 v0, v12;
	v21 =	vld [tilespmem:s3+$0x0];
	v10 =	vmul.f32 v10, v23;
	v14 =	vor.u32 $0x1, v14  }
0x9f: {  	v12 =	vor.u32 $0x1, v12;
	v11 =	vor.u32 v0, v11;
	[tilespmem:v15+s25+$0x0] =	vst.idx.msk $0xffff, v9;
	v20 =	vpop (erf)  }
0xa0: {  	v11 =	vor.u32 $0x1, v11;
	[tilespmem:v18+s25+$0x0] =	vst.idx.msk $0xffff, v10;
	v9 =	vpop (erf);
	v15 =	vmul.f32 v20, v24  }
0xa1: {  	[tilespmem:v19+s25+$0x0] =	vst.idx.msk $0xffff, v13;
	v9 =	vmul.f32 v9, v17;
	v13 =	vpop (erf)  }
0xa2: {  	[tilespmem:v16+s25+$0x0] =	vst.idx.msk $0xffff, v15;
	v10 =	vmul.f32 v13, v25;
	v13 =	vpop (erf)  }
0xa3: {  	[tilespmem:v14+s25+$0x0] =	vst.idx.msk $0xffff, v9;
	v13 =	vmul.f32 v13, v21  }
0xa4: {  	[tilespmem:v12+s25+$0x0] =	vst.idx.msk $0xffff, v10  }
0xa5: {  	[tilespmem:v11+s25+$0x0] =	vst.idx.msk $0xffff, v13  }
0xa6: {  	v9 =	vld [tilespmem:$0x2700];
	_ =	sdelay $0x7  }
0xa7: {  	v9 =	vld.idx.msk [tilespmem:v9+s23+$0x0], $0xffff;
	_ =	sdelay $0x4  }
0xa8: {  	v9 =	vadd.f32 $1.000000020e-16, v9;
	_ =	sdelay $0x1  }
0xa9: {  	(erf) = vrcp.f32 v9;
	_ =	sdelay $0x4  }
0xaa: {  	v9 =	vld [tilespmem:$0x7680];
	_ =	sdelay $0x3  }
0xab: {  	v10 =	vpop (erf)  }
0xac: {  	v9 =	vmul.f32 v10, v9;
	_ =	sdelay $0x1  }
0xad: {  	s0 =	simm.s32 $0x0;
	[tilespmem:v2+s25+$0x0] =	vst.idx.msk $0xffff, v9  }
0xae: {  	[tilespmem:s23], [sflag:$0x1] =	stream.linear.gather [hbm4b:s8+s0], $0x2800, $0x38;
	[tilespmem:$0x1AF80] =	vst v63  }
0xaf: {  	_ =	swait.ge [sflag:s22], $0x2800  }
0xb0: {  	[sflag:s22] =	ssyncset.done $0x0  }
0xb1: {  	[sflag:s22] =	ssyncadd.s32 $0xFFFFD800  }
0xb2: {  	[tilespmem:s24], [sflag:$0x1] =	stream.linear.gather [hbm4b:s9+s0], $0x2710, $0x38;
	[tilespmem:$0x1AF80] =	vst v63  }
0xb3: {  	_ =	swait.ge [sflag:s22], $0x2710  }
0xb4: {  	[sflag:s22] =	ssyncset.done $0x0  }
0xb5: {  	s3 =	simm.s32 $0x20;
	[sflag:s22] =	ssyncadd.s32 $0xFFFFD8F0  }
0xb6: {  	v9 =	vld [tilespmem:s3+$0x10];
	_ =	sdelay $0x2  }
0xb7: {  	v10 =	vld [tilespmem:s3+$0xFFFFFFF0]  }
0xb8: {  	v11 =	vld [tilespmem:s3+$0xFFFFFFE0]  }
0xb9: {  	v12 =	vld [tilespmem:s3+$0x0];
	s3 =	simm.s32 $0x60  }
0xba: {  	v13 =	vld [tilespmem:s3+$0x10]  }
0xbb: {  	v15 =	vld [tilespmem:s3+$0xFFFFFFE0]  }
0xbc: {  	v9 =	vld.idx.msk [tilespmem:v9+s23+$0x0], $0xffff  }
0xbd: {  	v14 =	vld [tilespmem:s3+$0xFFFFFFF0]  }
0xbe: {  	v16 =	vld [tilespmem:s3+$0x0]  }
0xbf: {  	v10 =	vld.idx.msk [tilespmem:v10+s23+$0x0], $0xffff  }
0xc0: {  	v11 =	vld.idx.msk [tilespmem:v11+s23+$0x0], $0xffff  }
0xc1: {  	v9 =	vadd.f32 $1.000000020e-16, v9;
	_ =	sdelay $0x1  }
0xc2: {  	v12 =	vld.idx.msk [tilespmem:v12+s23+$0x0], $0xffff;
	(erf) = vrcp.f32 v9  }
0xc3: {  	v15 =	vld.idx.msk [tilespmem:v15+s23+$0x0], $0xffff;
	v10 =	vadd.f32 $1.000000020e-16, v10  }
0xc4: {  	v11 =	vadd.f32 $1.000000020e-16, v11;
	v9 =	vld.idx.msk [tilespmem:v13+s23+$0x0], $0xffff  }
0xc5: {  	s28 =	simm.s32 $0x30;
	s3 =	simm.s32 $0x10;
	v24 =	vld.idx.msk [tilespmem:v16+s23+$0x0], $0xffff;
	(erf) = vrcp.f32 v10  }
0xc6: {  	v18 =	vmov s28;
	s28 =	simm.s32 $0x70;
	v10 =	vld.idx.msk [tilespmem:v14+s23+$0x0], $0xffff;
	(erf) = vrcp.f32 v11;
	v11 =	vmov s3;
	s3 =	simm.s32 $0xA0  }
0xc7: {  	s1 =	simm.s32 $0x4FA0;
	v18 =	vshll.u32 v18, $0x3;
	v23 =	vmov s28;
	v12 =	vadd.f32 $1.000000020e-16, v12;
	v19 =	vld [tilespmem:s3+$0x10]  }
0xc8: {  	v18 =	vor.u32 v0, v18;
	v29 =	vshll.u32 v23, $0x3;
	v13 =	vld [tilespmem:s1+$0x10];
	v14 =	vmov s0  }
0xc9: {  	s0 =	simm.s32 $0x20;
	v11 =	vshll.u32 v11, $0x3;
	v20 =	vld [tilespmem:s3+$0xFFFFFFF0];
	(erf) = vrcp.f32 v12;
	v21 =	vadd.f32 $1.000000020e-16, v9  }
0xca: {  	v18 =	vor.u32 $0x2, v18;
	v17 =	vmov s0;
	v26 =	vld [tilespmem:s3+$0xFFFFFFE0];
	v11 =	vor.u32 v0, v11  }
0xcb: {  	v27 =	vld [tilespmem:s1+$0xFFFFFFF0];
	v9 =	vor.u32 $0x2, v11;
	v11 =	vadd.f32 $1.000000020e-16, v10;
	v16 =	vpop (erf);
	(erf) = vrcp.f32 v21  }
0xcc: {  	v15 =	vadd.f32 $1.000000020e-16, v15;
	v25 =	vadd.f32 $1.000000020e-16, v24;
	v17 =	vshll.u32 v17, $0x3;
	v12 =	vld [tilespmem:s3+$0x0]  }
0xcd: {  	v14 =	vshll.u32 v14, $0x3;
	v10 =	vor.u32 v0, v17;
	v17 =	vld [tilespmem:s1+$0xFFFFFFE0];
	(erf) = vrcp.f32 v11  }
0xce: {  	s0 =	simm.s32 $0x50;
	v14 =	vor.u32 v0, v14;
	v13 =	vmul.f32 v16, v13;
	v16 =	vld [tilespmem:s1+$0x0];
	(erf) = vrcp.f32 v15  }
0xcf: {  	s29 =	simm.s32 $0x40;
	s28 =	simm.s32 $0x4FE0;
	s3 =	simm.s32 $0x60;
	v10 =	vor.u32 $0x2, v10;
	v11 =	vor.u32 $0x2, v14;
	v14 =	vmov s0;
	v15 =	vld.idx.msk [tilespmem:v19+s23+$0x0], $0xffff  }
0xd0: {  	v21 =	vmov s29;
	v28 =	vpop (erf);
	v19 =	vmov s3;
	v22 =	vshll.u32 v14, $0x3;
	v14 =	vld [tilespmem:s28+$0x10]  }
0xd1: {  	v23 =	vshll.u32 v21, $0x3;
	v30 =	vpop (erf);
	v19 =	vshll.u32 v19, $0x3;
	[tilespmem:v18+s25+$0x0] =	vst.idx.msk $0xffff, v13;
	v18 =	vld.idx.msk [tilespmem:v20+s23+$0x0], $0xffff;
	v13 =	vor.u32 v0, v29  }
0xd2: {  	s30 =	simm.s32 $0x8;
	s31 =	simm.s32 $0xE0;
	v24 =	vpop (erf);
	v20 =	vld.idx.msk [tilespmem:v26+s23+$0x0], $0xffff;
	v21 =	vmul.f32 v30, v17;
	v17 =	vmul.f32 v28, v27;
	v13 =	vor.u32 $0x2, v13  }
.LBB2_6:
0xd3: {  	v26 =	vld [tilespmem:s31+$0x10];
	s30 =	sadd.s32 $0x4, s30;
	v22 =	vor.u32 v0, v22;
	(erf) = vrcp.f32 v25;
	v16 =	vmul.f32 v24, v16  }
0xd4: {  	v23 =	vor.u32 v0, v23;
	v19 =	vor.u32 v0, v19;
	v25 =	vld [tilespmem:s31+$0xFFFFFFF0];
	p0 =	slt.u32 s30, $0x26C;
	v22 =	vor.u32 $0x2, v22;
	v24 =	vpop (erf);
	[tilespmem:v11+s25+$0x0] =	vst.idx.msk $0xffff, v21  }
0xd5: {  	v15 =	vadd.f32 $1.000000020e-16, v15;
	v19 =	vor.u32 $0x2, v19;
	v21 =	vld [tilespmem:s31+$0x0];
	v14 =	vmul.f32 v24, v14;
	[tilespmem:v9+s25+$0x0] =	vst.idx.msk $0xffff, v17;
	v9 =	vmovc v22  }
0xd6: {  	v11 =	vor.u32 $0x2, v23;
	v17 =	vld [tilespmem:s31+$0xFFFFFFE0];
	v27 =	vpop (erf);
	[tilespmem:v10+s25+$0x0] =	vst.idx.msk $0xffff, v16;
	v10 =	vmov v19  }
0xd7: {  	v16 =	vadd.f32 $1.000000020e-16, v18;
	v28 =	vld.idx.msk [tilespmem:v12+s23+$0x0], $0xffff;
	(erf) = vrcp.f32 v15;
	[tilespmem:v13+s25+$0x0] =	vst.idx.msk $0xffff, v14;
	v29 =	vpop (erf)  }
0xd8: {  	s29 =	sadd.s32 $0x40, s29;
	v19 =	vadd.f32 $1.000000020e-16, v20;
	v30 =	vld [tilespmem:s28+$0xFFFFFFE0]  }
0xd9: {  	s0 =	sadd.s32 $0x10, s29;
	(erf) = vrcp.f32 v16;
	v31 =	vld [tilespmem:s28+$0xFFFFFFF0]  }
.Ltmp2:
0xda: {  	s1 =	sadd.s32 $0x20, s29;
	s3 =	sadd.s32 $0x30, s29;
	v13 =	vmov s29;
	(erf) = vrcp.f32 v19;
	v16 =	vld [tilespmem:s28+$0x0];
	(pc) =	sbr.rel @p0 .LBB2_6-.Ltmp2, $4  }
0xdb: {  	v18 =	vmov s1;
	v14 =	vmov s0;
	v20 =	vmov s3;
	s28 =	sadd.s32 $0x40, s28;
	v12 =	vmovc v21;
	v15 =	vld.idx.msk [tilespmem:v26+s23+$0x0], $0xffff  }
0xdc: {  	v22 =	vshll.u32 v14, $0x3;
	v20 =	vshll.u32 v20, $0x3;
	v19 =	vshll.u32 v18, $0x3;
	v14 =	vld [tilespmem:s28+$0x10];
	v24 =	vpop (erf)  }
0xdd: {  	v23 =	vshll.u32 v13, $0x3;
	v13 =	vor.u32 v0, v20;
	v18 =	vld.idx.msk [tilespmem:v25+s23+$0x0], $0xffff;
	v25 =	vadd.f32 $1.000000020e-16, v28  }
0xde: {  	s31 =	sadd.s32 $0x40, s31;
	v13 =	vor.u32 $0x2, v13;
	v21 =	vmul.f32 v29, v30;
	v20 =	vld.idx.msk [tilespmem:v17+s23+$0x0], $0xffff;
	v17 =	vmul.f32 v27, v31  }
0xdf: {  	_ =	sdelay $0x3  }
0xe0: {  	v12 =	vld.idx.msk [tilespmem:v12+s23+$0x0], $0xffff;
	v15 =	vadd.f32 $1.000000020e-16, v15  }
0xe1: {  	(erf) = vrcp.f32 v25;
	v18 =	vadd.f32 $1.000000020e-16, v18  }
0xe2: {  	s0 =	sadd.s32 $0x40, s29;
	(erf) = vrcp.f32 v15;
	v15 =	vadd.f32 $1.000000020e-16, v20;
	v20 =	vor.u32 v0, v22  }
0xe3: {  	s1 =	sadd.s32 $0x10, s0  }
0xe4: {  	v16 =	vmul.f32 v24, v16;
	v24 =	vmov s1;
	(erf) = vrcp.f32 v18  }
0xe5: {  	s3 =	sadd.s32 $0x30, s0;
	v22 =	vld [tilespmem:s28+$0xFFFFFFE0];
	v18 =	vor.u32 v0, v19;
	v12 =	vadd.f32 $1.000000020e-16, v12;
	v19 =	vor.u32 $0x2, v20;
	v20 =	vpop (erf)  }
0xe6: {  	v25 =	vmov s3;
	(erf) = vrcp.f32 v15;
	v14 =	vmul.f32 v20, v14;
	v20 =	vld [tilespmem:s28+$0xFFFFFFF0]  }
0xe7: {  	[tilespmem:v11+s25+$0x0] =	vst.idx.msk $0xffff, v21;
	v25 =	vshll.u32 v25, $0x3;
	v15 =	vor.u32 v0, v23;
	v23 =	vld [tilespmem:s28+$0x0];
	(erf) = vrcp.f32 v12  }
0xe8: {  	[tilespmem:v9+s25+$0x0] =	vst.idx.msk $0xffff, v17;
	s3 =	sadd.s32 $0x40, s28;
	v21 =	vshll.u32 v24, $0x3;
	v17 =	vor.u32 v0, v25;
	v15 =	vor.u32 $0x2, v15;
	v26 =	vpop (erf)  }
0xe9: {  	[tilespmem:v10+s25+$0x0] =	vst.idx.msk $0xffff, v16;
	v24 =	vld [tilespmem:s3+$0x10];
	v16 =	vor.u32 $0x2, v17;
	v18 =	vor.u32 $0x2, v18;
	v12 =	vmov s0;
	s0 =	sadd.s32 $0x20, s0;
	v9 =	vpop (erf)  }
0xea: {  	v17 =	vld [tilespmem:s3+$0xFFFFFFF0];
	v11 =	vmov s0;
	v12 =	vshll.u32 v12, $0x3;
	v9 =	vmul.f32 v9, v22  }
0xeb: {  	v25 =	vld [tilespmem:s3+$0xFFFFFFE0];
	v11 =	vshll.u32 v11, $0x3;
	v10 =	vpop (erf);
	[tilespmem:v13+s25+$0x0] =	vst.idx.msk $0xffff, v14;
	v14 =	vor.u32 v0, v21;
	v13 =	vmul.f32 v26, v20  }
0xec: {  	v12 =	vor.u32 v0, v12;
	v21 =	vld [tilespmem:s3+$0x0];
	v10 =	vmul.f32 v10, v23;
	v14 =	vor.u32 $0x2, v14  }
0xed: {  	v12 =	vor.u32 $0x2, v12;
	v11 =	vor.u32 v0, v11;
	[tilespmem:v15+s25+$0x0] =	vst.idx.msk $0xffff, v9;
	v20 =	vpop (erf)  }
0xee: {  	v11 =	vor.u32 $0x2, v11;
	[tilespmem:v18+s25+$0x0] =	vst.idx.msk $0xffff, v10;
	v9 =	vpop (erf);
	v15 =	vmul.f32 v20, v24  }
0xef: {  	[tilespmem:v19+s25+$0x0] =	vst.idx.msk $0xffff, v13;
	v9 =	vmul.f32 v9, v17;
	v13 =	vpop (erf)  }
0xf0: {  	[tilespmem:v16+s25+$0x0] =	vst.idx.msk $0xffff, v15;
	v10 =	vmul.f32 v13, v25;
	v13 =	vpop (erf)  }
0xf1: {  	[tilespmem:v14+s25+$0x0] =	vst.idx.msk $0xffff, v9;
	v13 =	vmul.f32 v13, v21  }
0xf2: {  	[tilespmem:v12+s25+$0x0] =	vst.idx.msk $0xffff, v10  }
0xf3: {  	[tilespmem:v11+s25+$0x0] =	vst.idx.msk $0xffff, v13  }
0xf4: {  	v9 =	vld [tilespmem:$0x2700];
	_ =	sdelay $0x7  }
0xf5: {  	v9 =	vld.idx.msk [tilespmem:v9+s23+$0x0], $0xffff;
	_ =	sdelay $0x4  }
0xf6: {  	v9 =	vadd.f32 $1.000000020e-16, v9;
	_ =	sdelay $0x1  }
0xf7: {  	(erf) = vrcp.f32 v9;
	_ =	sdelay $0x4  }
0xf8: {  	v9 =	vld [tilespmem:$0x7680];
	_ =	sdelay $0x3  }
0xf9: {  	v10 =	vpop (erf)  }
0xfa: {  	v9 =	vmul.f32 v10, v9;
	_ =	sdelay $0x1  }
0xfb: {  	s0 =	simm.s32 $0x0;
	[tilespmem:v3+s25+$0x0] =	vst.idx.msk $0xffff, v9  }
0xfc: {  	[tilespmem:s23], [sflag:$0x1] =	stream.linear.gather [hbm4b:s10+s0], $0x2800, $0x38;
	[tilespmem:$0x1AF80] =	vst v63  }
0xfd: {  	_ =	swait.ge [sflag:s22], $0x2800  }
0xfe: {  	[sflag:s22] =	ssyncset.done $0x0  }
0xff: {  	[sflag:s22] =	ssyncadd.s32 $0xFFFFD800  }
0x100: {  	[tilespmem:s24], [sflag:$0x1] =	stream.linear.gather [hbm4b:s11+s0], $0x2710, $0x38;
	[tilespmem:$0x1AF80] =	vst v63  }
0x101: {  	_ =	swait.ge [sflag:s22], $0x2710  }
0x102: {  	[sflag:s22] =	ssyncset.done $0x0  }
0x103: {  	s3 =	simm.s32 $0x20;
	[sflag:s22] =	ssyncadd.s32 $0xFFFFD8F0  }
0x104: {  	v9 =	vld [tilespmem:s3+$0x10];
	_ =	sdelay $0x2  }
0x105: {  	v10 =	vld [tilespmem:s3+$0xFFFFFFF0]  }
0x106: {  	v11 =	vld [tilespmem:s3+$0xFFFFFFE0]  }
0x107: {  	v12 =	vld [tilespmem:s3+$0x0];
	s3 =	simm.s32 $0x60  }
0x108: {  	v13 =	vld [tilespmem:s3+$0x10]  }
0x109: {  	v15 =	vld [tilespmem:s3+$0xFFFFFFE0]  }
0x10a: {  	v9 =	vld.idx.msk [tilespmem:v9+s23+$0x0], $0xffff  }
0x10b: {  	v14 =	vld [tilespmem:s3+$0xFFFFFFF0]  }
0x10c: {  	v16 =	vld [tilespmem:s3+$0x0]  }
0x10d: {  	v10 =	vld.idx.msk [tilespmem:v10+s23+$0x0], $0xffff  }
0x10e: {  	v11 =	vld.idx.msk [tilespmem:v11+s23+$0x0], $0xffff  }
0x10f: {  	v9 =	vadd.f32 $1.000000020e-16, v9;
	_ =	sdelay $0x1  }
0x110: {  	v12 =	vld.idx.msk [tilespmem:v12+s23+$0x0], $0xffff;
	(erf) = vrcp.f32 v9  }
0x111: {  	v15 =	vld.idx.msk [tilespmem:v15+s23+$0x0], $0xffff;
	v10 =	vadd.f32 $1.000000020e-16, v10  }
0x112: {  	v11 =	vadd.f32 $1.000000020e-16, v11;
	v9 =	vld.idx.msk [tilespmem:v13+s23+$0x0], $0xffff  }
0x113: {  	s28 =	simm.s32 $0x30;
	s3 =	simm.s32 $0x10;
	v24 =	vld.idx.msk [tilespmem:v16+s23+$0x0], $0xffff;
	(erf) = vrcp.f32 v10  }
0x114: {  	v18 =	vmov s28;
	s28 =	simm.s32 $0x70;
	v10 =	vld.idx.msk [tilespmem:v14+s23+$0x0], $0xffff;
	(erf) = vrcp.f32 v11;
	v11 =	vmov s3;
	s3 =	simm.s32 $0xA0  }
0x115: {  	s1 =	simm.s32 $0x4FA0;
	v18 =	vshll.u32 v18, $0x3;
	v23 =	vmov s28;
	v12 =	vadd.f32 $1.000000020e-16, v12;
	v19 =	vld [tilespmem:s3+$0x10]  }
0x116: {  	v18 =	vor.u32 v0, v18;
	v29 =	vshll.u32 v23, $0x3;
	v13 =	vld [tilespmem:s1+$0x10];
	v14 =	vmov s0  }
0x117: {  	s0 =	simm.s32 $0x20;
	v11 =	vshll.u32 v11, $0x3;
	v20 =	vld [tilespmem:s3+$0xFFFFFFF0];
	(erf) = vrcp.f32 v12;
	v21 =	vadd.f32 $1.000000020e-16, v9  }
0x118: {  	v18 =	vor.u32 $0x3, v18;
	v17 =	vmov s0;
	v26 =	vld [tilespmem:s3+$0xFFFFFFE0];
	v11 =	vor.u32 v0, v11  }
0x119: {  	v27 =	vld [tilespmem:s1+$0xFFFFFFF0];
	v9 =	vor.u32 $0x3, v11;
	v11 =	vadd.f32 $1.000000020e-16, v10;
	v16 =	vpop (erf);
	(erf) = vrcp.f32 v21  }
0x11a: {  	v15 =	vadd.f32 $1.000000020e-16, v15;
	v25 =	vadd.f32 $1.000000020e-16, v24;
	v17 =	vshll.u32 v17, $0x3;
	v12 =	vld [tilespmem:s3+$0x0]  }
0x11b: {  	v14 =	vshll.u32 v14, $0x3;
	v10 =	vor.u32 v0, v17;
	v17 =	vld [tilespmem:s1+$0xFFFFFFE0];
	(erf) = vrcp.f32 v11  }
0x11c: {  	s0 =	simm.s32 $0x50;
	v14 =	vor.u32 v0, v14;
	v13 =	vmul.f32 v16, v13;
	v16 =	vld [tilespmem:s1+$0x0];
	(erf) = vrcp.f32 v15  }
0x11d: {  	s29 =	simm.s32 $0x40;
	s28 =	simm.s32 $0x4FE0;
	s3 =	simm.s32 $0x60;
	v10 =	vor.u32 $0x3, v10;
	v11 =	vor.u32 $0x3, v14;
	v14 =	vmov s0;
	v15 =	vld.idx.msk [tilespmem:v19+s23+$0x0], $0xffff  }
0x11e: {  	v21 =	vmov s29;
	v28 =	vpop (erf);
	v19 =	vmov s3;
	v22 =	vshll.u32 v14, $0x3;
	v14 =	vld [tilespmem:s28+$0x10]  }
0x11f: {  	v23 =	vshll.u32 v21, $0x3;
	v30 =	vpop (erf);
	v19 =	vshll.u32 v19, $0x3;
	[tilespmem:v18+s25+$0x0] =	vst.idx.msk $0xffff, v13;
	v18 =	vld.idx.msk [tilespmem:v20+s23+$0x0], $0xffff;
	v13 =	vor.u32 v0, v29  }
0x120: {  	s30 =	simm.s32 $0x8;
	s31 =	simm.s32 $0xE0;
	v24 =	vpop (erf);
	v20 =	vld.idx.msk [tilespmem:v26+s23+$0x0], $0xffff;
	v21 =	vmul.f32 v30, v17;
	v17 =	vmul.f32 v28, v27;
	v13 =	vor.u32 $0x3, v13  }
.LBB2_8:
0x121: {  	v26 =	vld [tilespmem:s31+$0x10];
	s30 =	sadd.s32 $0x4, s30;
	v22 =	vor.u32 v0, v22;
	(erf) = vrcp.f32 v25;
	v16 =	vmul.f32 v24, v16  }
0x122: {  	v23 =	vor.u32 v0, v23;
	v19 =	vor.u32 v0, v19;
	v25 =	vld [tilespmem:s31+$0xFFFFFFF0];
	p0 =	slt.u32 s30, $0x26C;
	v22 =	vor.u32 $0x3, v22;
	v24 =	vpop (erf);
	[tilespmem:v11+s25+$0x0] =	vst.idx.msk $0xffff, v21  }
0x123: {  	v15 =	vadd.f32 $1.000000020e-16, v15;
	v19 =	vor.u32 $0x3, v19;
	v21 =	vld [tilespmem:s31+$0x0];
	v14 =	vmul.f32 v24, v14;
	[tilespmem:v9+s25+$0x0] =	vst.idx.msk $0xffff, v17;
	v9 =	vmovc v22  }
0x124: {  	v11 =	vor.u32 $0x3, v23;
	v17 =	vld [tilespmem:s31+$0xFFFFFFE0];
	v27 =	vpop (erf);
	[tilespmem:v10+s25+$0x0] =	vst.idx.msk $0xffff, v16;
	v10 =	vmov v19  }
0x125: {  	v16 =	vadd.f32 $1.000000020e-16, v18;
	v28 =	vld.idx.msk [tilespmem:v12+s23+$0x0], $0xffff;
	(erf) = vrcp.f32 v15;
	[tilespmem:v13+s25+$0x0] =	vst.idx.msk $0xffff, v14;
	v29 =	vpop (erf)  }
0x126: {  	s29 =	sadd.s32 $0x40, s29;
	v19 =	vadd.f32 $1.000000020e-16, v20;
	v30 =	vld [tilespmem:s28+$0xFFFFFFE0]  }
0x127: {  	s0 =	sadd.s32 $0x10, s29;
	(erf) = vrcp.f32 v16;
	v31 =	vld [tilespmem:s28+$0xFFFFFFF0]  }
.Ltmp3:
0x128: {  	s1 =	sadd.s32 $0x20, s29;
	s3 =	sadd.s32 $0x30, s29;
	v13 =	vmov s29;
	(erf) = vrcp.f32 v19;
	v16 =	vld [tilespmem:s28+$0x0];
	(pc) =	sbr.rel @p0 .LBB2_8-.Ltmp3, $4  }
0x129: {  	v18 =	vmov s1;
	v14 =	vmov s0;
	v20 =	vmov s3;
	s28 =	sadd.s32 $0x40, s28;
	v12 =	vmovc v21;
	v15 =	vld.idx.msk [tilespmem:v26+s23+$0x0], $0xffff  }
0x12a: {  	v22 =	vshll.u32 v14, $0x3;
	v20 =	vshll.u32 v20, $0x3;
	v19 =	vshll.u32 v18, $0x3;
	v14 =	vld [tilespmem:s28+$0x10];
	v24 =	vpop (erf)  }
0x12b: {  	v23 =	vshll.u32 v13, $0x3;
	v13 =	vor.u32 v0, v20;
	v18 =	vld.idx.msk [tilespmem:v25+s23+$0x0], $0xffff;
	v25 =	vadd.f32 $1.000000020e-16, v28  }
0x12c: {  	s31 =	sadd.s32 $0x40, s31;
	v13 =	vor.u32 $0x3, v13;
	v21 =	vmul.f32 v29, v30;
	v20 =	vld.idx.msk [tilespmem:v17+s23+$0x0], $0xffff;
	v17 =	vmul.f32 v27, v31  }
0x12d: {  	_ =	sdelay $0x3  }
0x12e: {  	v12 =	vld.idx.msk [tilespmem:v12+s23+$0x0], $0xffff;
	v15 =	vadd.f32 $1.000000020e-16, v15  }
0x12f: {  	(erf) = vrcp.f32 v25;
	v18 =	vadd.f32 $1.000000020e-16, v18  }
0x130: {  	s0 =	sadd.s32 $0x40, s29;
	(erf) = vrcp.f32 v15;
	v15 =	vadd.f32 $1.000000020e-16, v20;
	v20 =	vor.u32 v0, v22  }
0x131: {  	s1 =	sadd.s32 $0x10, s0  }
0x132: {  	v16 =	vmul.f32 v24, v16;
	v24 =	vmov s1;
	(erf) = vrcp.f32 v18  }
0x133: {  	s3 =	sadd.s32 $0x30, s0;
	v22 =	vld [tilespmem:s28+$0xFFFFFFE0];
	v18 =	vor.u32 v0, v19;
	v12 =	vadd.f32 $1.000000020e-16, v12;
	v19 =	vor.u32 $0x3, v20;
	v20 =	vpop (erf)  }
0x134: {  	v25 =	vmov s3;
	(erf) = vrcp.f32 v15;
	v14 =	vmul.f32 v20, v14;
	v20 =	vld [tilespmem:s28+$0xFFFFFFF0]  }
0x135: {  	[tilespmem:v11+s25+$0x0] =	vst.idx.msk $0xffff, v21;
	v25 =	vshll.u32 v25, $0x3;
	v15 =	vor.u32 v0, v23;
	v23 =	vld [tilespmem:s28+$0x0];
	(erf) = vrcp.f32 v12  }
0x136: {  	[tilespmem:v9+s25+$0x0] =	vst.idx.msk $0xffff, v17;
	s3 =	sadd.s32 $0x40, s28;
	v21 =	vshll.u32 v24, $0x3;
	v17 =	vor.u32 v0, v25;
	v15 =	vor.u32 $0x3, v15;
	v26 =	vpop (erf)  }
0x137: {  	[tilespmem:v10+s25+$0x0] =	vst.idx.msk $0xffff, v16;
	v24 =	vld [tilespmem:s3+$0x10];
	v16 =	vor.u32 $0x3, v17;
	v18 =	vor.u32 $0x3, v18;
	v12 =	vmov s0;
	s0 =	sadd.s32 $0x20, s0;
	v9 =	vpop (erf)  }
0x138: {  	v17 =	vld [tilespmem:s3+$0xFFFFFFF0];
	v11 =	vmov s0;
	v12 =	vshll.u32 v12, $0x3;
	v9 =	vmul.f32 v9, v22  }
0x139: {  	v25 =	vld [tilespmem:s3+$0xFFFFFFE0];
	v11 =	vshll.u32 v11, $0x3;
	v10 =	vpop (erf);
	[tilespmem:v13+s25+$0x0] =	vst.idx.msk $0xffff, v14;
	v14 =	vor.u32 v0, v21;
	v13 =	vmul.f32 v26, v20  }
0x13a: {  	v12 =	vor.u32 v0, v12;
	v21 =	vld [tilespmem:s3+$0x0];
	v10 =	vmul.f32 v10, v23;
	v14 =	vor.u32 $0x3, v14  }
0x13b: {  	v12 =	vor.u32 $0x3, v12;
	v11 =	vor.u32 v0, v11;
	[tilespmem:v15+s25+$0x0] =	vst.idx.msk $0xffff, v9;
	v20 =	vpop (erf)  }
0x13c: {  	v11 =	vor.u32 $0x3, v11;
	[tilespmem:v18+s25+$0x0] =	vst.idx.msk $0xffff, v10;
	v9 =	vpop (erf);
	v15 =	vmul.f32 v20, v24  }
0x13d: {  	[tilespmem:v19+s25+$0x0] =	vst.idx.msk $0xffff, v13;
	v9 =	vmul.f32 v9, v17;
	v13 =	vpop (erf)  }
0x13e: {  	[tilespmem:v16+s25+$0x0] =	vst.idx.msk $0xffff, v15;
	v10 =	vmul.f32 v13, v25;
	v13 =	vpop (erf)  }
0x13f: {  	[tilespmem:v14+s25+$0x0] =	vst.idx.msk $0xffff, v9;
	v13 =	vmul.f32 v13, v21  }
0x140: {  	[tilespmem:v12+s25+$0x0] =	vst.idx.msk $0xffff, v10  }
0x141: {  	[tilespmem:v11+s25+$0x0] =	vst.idx.msk $0xffff, v13  }
0x142: {  	v9 =	vld [tilespmem:$0x2700];
	_ =	sdelay $0x7  }
0x143: {  	v9 =	vld.idx.msk [tilespmem:v9+s23+$0x0], $0xffff;
	_ =	sdelay $0x4  }
0x144: {  	v9 =	vadd.f32 $1.000000020e-16, v9;
	_ =	sdelay $0x1  }
0x145: {  	(erf) = vrcp.f32 v9;
	_ =	sdelay $0x4  }
0x146: {  	v9 =	vld [tilespmem:$0x7680];
	_ =	sdelay $0x3  }
0x147: {  	v10 =	vpop (erf)  }
0x148: {  	v9 =	vmul.f32 v10, v9;
	_ =	sdelay $0x1  }
0x149: {  	s0 =	simm.s32 $0x0;
	[tilespmem:v4+s25+$0x0] =	vst.idx.msk $0xffff, v9  }
0x14a: {  	[tilespmem:s23], [sflag:$0x1] =	stream.linear.gather [hbm4b:s12+s0], $0x2800, $0x38;
	[tilespmem:$0x1AF80] =	vst v63  }
0x14b: {  	_ =	swait.ge [sflag:s22], $0x2800  }
0x14c: {  	[sflag:s22] =	ssyncset.done $0x0  }
0x14d: {  	[sflag:s22] =	ssyncadd.s32 $0xFFFFD800  }
0x14e: {  	[tilespmem:s24], [sflag:$0x1] =	stream.linear.gather [hbm4b:s13+s0], $0x2710, $0x38;
	[tilespmem:$0x1AF80] =	vst v63  }
0x14f: {  	_ =	swait.ge [sflag:s22], $0x2710  }
0x150: {  	[sflag:s22] =	ssyncset.done $0x0  }
0x151: {  	s3 =	simm.s32 $0x20;
	[sflag:s22] =	ssyncadd.s32 $0xFFFFD8F0  }
0x152: {  	v9 =	vld [tilespmem:s3+$0x10];
	_ =	sdelay $0x2  }
0x153: {  	v10 =	vld [tilespmem:s3+$0xFFFFFFF0]  }
0x154: {  	v11 =	vld [tilespmem:s3+$0xFFFFFFE0]  }
0x155: {  	v12 =	vld [tilespmem:s3+$0x0];
	s3 =	simm.s32 $0x60  }
0x156: {  	v13 =	vld [tilespmem:s3+$0x10]  }
0x157: {  	v15 =	vld [tilespmem:s3+$0xFFFFFFE0]  }
0x158: {  	v9 =	vld.idx.msk [tilespmem:v9+s23+$0x0], $0xffff  }
0x159: {  	v14 =	vld [tilespmem:s3+$0xFFFFFFF0]  }
0x15a: {  	v16 =	vld [tilespmem:s3+$0x0]  }
0x15b: {  	v10 =	vld.idx.msk [tilespmem:v10+s23+$0x0], $0xffff  }
0x15c: {  	v11 =	vld.idx.msk [tilespmem:v11+s23+$0x0], $0xffff  }
0x15d: {  	v9 =	vadd.f32 $1.000000020e-16, v9;
	_ =	sdelay $0x1  }
0x15e: {  	v12 =	vld.idx.msk [tilespmem:v12+s23+$0x0], $0xffff;
	(erf) = vrcp.f32 v9  }
0x15f: {  	v15 =	vld.idx.msk [tilespmem:v15+s23+$0x0], $0xffff;
	v10 =	vadd.f32 $1.000000020e-16, v10  }
0x160: {  	v11 =	vadd.f32 $1.000000020e-16, v11;
	v9 =	vld.idx.msk [tilespmem:v13+s23+$0x0], $0xffff  }
0x161: {  	s28 =	simm.s32 $0x30;
	s3 =	simm.s32 $0x10;
	v24 =	vld.idx.msk [tilespmem:v16+s23+$0x0], $0xffff;
	(erf) = vrcp.f32 v10  }
0x162: {  	v18 =	vmov s28;
	s28 =	simm.s32 $0x70;
	v10 =	vld.idx.msk [tilespmem:v14+s23+$0x0], $0xffff;
	(erf) = vrcp.f32 v11;
	v11 =	vmov s3;
	s3 =	simm.s32 $0xA0  }
0x163: {  	s1 =	simm.s32 $0x4FA0;
	v18 =	vshll.u32 v18, $0x3;
	v23 =	vmov s28;
	v12 =	vadd.f32 $1.000000020e-16, v12;
	v19 =	vld [tilespmem:s3+$0x10]  }
0x164: {  	v18 =	vor.u32 v0, v18;
	v29 =	vshll.u32 v23, $0x3;
	v13 =	vld [tilespmem:s1+$0x10];
	v14 =	vmov s0  }
0x165: {  	s0 =	simm.s32 $0x20;
	v11 =	vshll.u32 v11, $0x3;
	v20 =	vld [tilespmem:s3+$0xFFFFFFF0];
	(erf) = vrcp.f32 v12;
	v21 =	vadd.f32 $1.000000020e-16, v9  }
0x166: {  	v18 =	vor.u32 $0x4, v18;
	v17 =	vmov s0;
	v26 =	vld [tilespmem:s3+$0xFFFFFFE0];
	v11 =	vor.u32 v0, v11  }
0x167: {  	v27 =	vld [tilespmem:s1+$0xFFFFFFF0];
	v9 =	vor.u32 $0x4, v11;
	v11 =	vadd.f32 $1.000000020e-16, v10;
	v16 =	vpop (erf);
	(erf) = vrcp.f32 v21  }
0x168: {  	v15 =	vadd.f32 $1.000000020e-16, v15;
	v25 =	vadd.f32 $1.000000020e-16, v24;
	v17 =	vshll.u32 v17, $0x3;
	v12 =	vld [tilespmem:s3+$0x0]  }
0x169: {  	v14 =	vshll.u32 v14, $0x3;
	v10 =	vor.u32 v0, v17;
	v17 =	vld [tilespmem:s1+$0xFFFFFFE0];
	(erf) = vrcp.f32 v11  }
0x16a: {  	s0 =	simm.s32 $0x50;
	v14 =	vor.u32 v0, v14;
	v13 =	vmul.f32 v16, v13;
	v16 =	vld [tilespmem:s1+$0x0];
	(erf) = vrcp.f32 v15  }
0x16b: {  	s29 =	simm.s32 $0x40;
	s28 =	simm.s32 $0x4FE0;
	s3 =	simm.s32 $0x60;
	v10 =	vor.u32 $0x4, v10;
	v11 =	vor.u32 $0x4, v14;
	v14 =	vmov s0;
	v15 =	vld.idx.msk [tilespmem:v19+s23+$0x0], $0xffff  }
0x16c: {  	v21 =	vmov s29;
	v28 =	vpop (erf);
	v19 =	vmov s3;
	v22 =	vshll.u32 v14, $0x3;
	v14 =	vld [tilespmem:s28+$0x10]  }
0x16d: {  	v23 =	vshll.u32 v21, $0x3;
	v30 =	vpop (erf);
	v19 =	vshll.u32 v19, $0x3;
	[tilespmem:v18+s25+$0x0] =	vst.idx.msk $0xffff, v13;
	v18 =	vld.idx.msk [tilespmem:v20+s23+$0x0], $0xffff;
	v13 =	vor.u32 v0, v29  }
0x16e: {  	s30 =	simm.s32 $0x8;
	s31 =	simm.s32 $0xE0;
	v24 =	vpop (erf);
	v20 =	vld.idx.msk [tilespmem:v26+s23+$0x0], $0xffff;
	v21 =	vmul.f32 v30, v17;
	v17 =	vmul.f32 v28, v27;
	v13 =	vor.u32 $0x4, v13  }
.LBB2_10:
0x16f: {  	v26 =	vld [tilespmem:s31+$0x10];
	s30 =	sadd.s32 $0x4, s30;
	v22 =	vor.u32 v0, v22;
	(erf) = vrcp.f32 v25;
	v16 =	vmul.f32 v24, v16  }
0x170: {  	v23 =	vor.u32 v0, v23;
	v19 =	vor.u32 v0, v19;
	v25 =	vld [tilespmem:s31+$0xFFFFFFF0];
	p0 =	slt.u32 s30, $0x26C;
	v22 =	vor.u32 $0x4, v22;
	v24 =	vpop (erf);
	[tilespmem:v11+s25+$0x0] =	vst.idx.msk $0xffff, v21  }
0x171: {  	v15 =	vadd.f32 $1.000000020e-16, v15;
	v19 =	vor.u32 $0x4, v19;
	v21 =	vld [tilespmem:s31+$0x0];
	v14 =	vmul.f32 v24, v14;
	[tilespmem:v9+s25+$0x0] =	vst.idx.msk $0xffff, v17;
	v9 =	vmovc v22  }
0x172: {  	v11 =	vor.u32 $0x4, v23;
	v17 =	vld [tilespmem:s31+$0xFFFFFFE0];
	v27 =	vpop (erf);
	[tilespmem:v10+s25+$0x0] =	vst.idx.msk $0xffff, v16;
	v10 =	vmov v19  }
0x173: {  	v16 =	vadd.f32 $1.000000020e-16, v18;
	v28 =	vld.idx.msk [tilespmem:v12+s23+$0x0], $0xffff;
	(erf) = vrcp.f32 v15;
	[tilespmem:v13+s25+$0x0] =	vst.idx.msk $0xffff, v14;
	v29 =	vpop (erf)  }
0x174: {  	s29 =	sadd.s32 $0x40, s29;
	v19 =	vadd.f32 $1.000000020e-16, v20;
	v30 =	vld [tilespmem:s28+$0xFFFFFFE0]  }
0x175: {  	s0 =	sadd.s32 $0x10, s29;
	(erf) = vrcp.f32 v16;
	v31 =	vld [tilespmem:s28+$0xFFFFFFF0]  }
.Ltmp4:
0x176: {  	s1 =	sadd.s32 $0x20, s29;
	s3 =	sadd.s32 $0x30, s29;
	v13 =	vmov s29;
	(erf) = vrcp.f32 v19;
	v16 =	vld [tilespmem:s28+$0x0];
	(pc) =	sbr.rel @p0 .LBB2_10-.Ltmp4, $4  }
0x177: {  	v18 =	vmov s1;
	v14 =	vmov s0;
	v20 =	vmov s3;
	s28 =	sadd.s32 $0x40, s28;
	v12 =	vmovc v21;
	v15 =	vld.idx.msk [tilespmem:v26+s23+$0x0], $0xffff  }
0x178: {  	v22 =	vshll.u32 v14, $0x3;
	v20 =	vshll.u32 v20, $0x3;
	v19 =	vshll.u32 v18, $0x3;
	v14 =	vld [tilespmem:s28+$0x10];
	v24 =	vpop (erf)  }
0x179: {  	v23 =	vshll.u32 v13, $0x3;
	v13 =	vor.u32 v0, v20;
	v18 =	vld.idx.msk [tilespmem:v25+s23+$0x0], $0xffff;
	v25 =	vadd.f32 $1.000000020e-16, v28  }
0x17a: {  	s31 =	sadd.s32 $0x40, s31;
	v13 =	vor.u32 $0x4, v13;
	v21 =	vmul.f32 v29, v30;
	v20 =	vld.idx.msk [tilespmem:v17+s23+$0x0], $0xffff;
	v17 =	vmul.f32 v27, v31  }
0x17b: {  	_ =	sdelay $0x3  }
0x17c: {  	v12 =	vld.idx.msk [tilespmem:v12+s23+$0x0], $0xffff;
	v15 =	vadd.f32 $1.000000020e-16, v15  }
0x17d: {  	(erf) = vrcp.f32 v25;
	v18 =	vadd.f32 $1.000000020e-16, v18  }
0x17e: {  	s0 =	sadd.s32 $0x40, s29;
	(erf) = vrcp.f32 v15;
	v15 =	vadd.f32 $1.000000020e-16, v20;
	v20 =	vor.u32 v0, v22  }
0x17f: {  	s1 =	sadd.s32 $0x10, s0  }
0x180: {  	v16 =	vmul.f32 v24, v16;
	v24 =	vmov s1;
	(erf) = vrcp.f32 v18  }
0x181: {  	s3 =	sadd.s32 $0x30, s0;
	v22 =	vld [tilespmem:s28+$0xFFFFFFE0];
	v18 =	vor.u32 v0, v19;
	v12 =	vadd.f32 $1.000000020e-16, v12;
	v19 =	vor.u32 $0x4, v20;
	v20 =	vpop (erf)  }
0x182: {  	v25 =	vmov s3;
	(erf) = vrcp.f32 v15;
	v14 =	vmul.f32 v20, v14;
	v20 =	vld [tilespmem:s28+$0xFFFFFFF0]  }
0x183: {  	[tilespmem:v11+s25+$0x0] =	vst.idx.msk $0xffff, v21;
	v25 =	vshll.u32 v25, $0x3;
	v15 =	vor.u32 v0, v23;
	v23 =	vld [tilespmem:s28+$0x0];
	(erf) = vrcp.f32 v12  }
0x184: {  	[tilespmem:v9+s25+$0x0] =	vst.idx.msk $0xffff, v17;
	s3 =	sadd.s32 $0x40, s28;
	v21 =	vshll.u32 v24, $0x3;
	v17 =	vor.u32 v0, v25;
	v15 =	vor.u32 $0x4, v15;
	v26 =	vpop (erf)  }
0x185: {  	[tilespmem:v10+s25+$0x0] =	vst.idx.msk $0xffff, v16;
	v24 =	vld [tilespmem:s3+$0x10];
	v16 =	vor.u32 $0x4, v17;
	v18 =	vor.u32 $0x4, v18;
	v12 =	vmov s0;
	s0 =	sadd.s32 $0x20, s0;
	v9 =	vpop (erf)  }
0x186: {  	v17 =	vld [tilespmem:s3+$0xFFFFFFF0];
	v11 =	vmov s0;
	v12 =	vshll.u32 v12, $0x3;
	v9 =	vmul.f32 v9, v22  }
0x187: {  	v25 =	vld [tilespmem:s3+$0xFFFFFFE0];
	v11 =	vshll.u32 v11, $0x3;
	v10 =	vpop (erf);
	[tilespmem:v13+s25+$0x0] =	vst.idx.msk $0xffff, v14;
	v14 =	vor.u32 v0, v21;
	v13 =	vmul.f32 v26, v20  }
0x188: {  	v12 =	vor.u32 v0, v12;
	v21 =	vld [tilespmem:s3+$0x0];
	v10 =	vmul.f32 v10, v23;
	v14 =	vor.u32 $0x4, v14  }
0x189: {  	v12 =	vor.u32 $0x4, v12;
	v11 =	vor.u32 v0, v11;
	[tilespmem:v15+s25+$0x0] =	vst.idx.msk $0xffff, v9;
	v20 =	vpop (erf)  }
0x18a: {  	v11 =	vor.u32 $0x4, v11;
	[tilespmem:v18+s25+$0x0] =	vst.idx.msk $0xffff, v10;
	v9 =	vpop (erf);
	v15 =	vmul.f32 v20, v24  }
0x18b: {  	[tilespmem:v19+s25+$0x0] =	vst.idx.msk $0xffff, v13;
	v9 =	vmul.f32 v9, v17;
	v13 =	vpop (erf)  }
0x18c: {  	[tilespmem:v16+s25+$0x0] =	vst.idx.msk $0xffff, v15;
	v10 =	vmul.f32 v13, v25;
	v13 =	vpop (erf)  }
0x18d: {  	[tilespmem:v14+s25+$0x0] =	vst.idx.msk $0xffff, v9;
	v13 =	vmul.f32 v13, v21  }
0x18e: {  	[tilespmem:v12+s25+$0x0] =	vst.idx.msk $0xffff, v10  }
0x18f: {  	[tilespmem:v11+s25+$0x0] =	vst.idx.msk $0xffff, v13  }
0x190: {  	v9 =	vld [tilespmem:$0x2700];
	_ =	sdelay $0x7  }
0x191: {  	v9 =	vld.idx.msk [tilespmem:v9+s23+$0x0], $0xffff;
	_ =	sdelay $0x4  }
0x192: {  	v9 =	vadd.f32 $1.000000020e-16, v9;
	_ =	sdelay $0x1  }
0x193: {  	(erf) = vrcp.f32 v9;
	_ =	sdelay $0x4  }
0x194: {  	v9 =	vld [tilespmem:$0x7680];
	_ =	sdelay $0x3  }
0x195: {  	v10 =	vpop (erf)  }
0x196: {  	v9 =	vmul.f32 v10, v9;
	_ =	sdelay $0x1  }
0x197: {  	s0 =	simm.s32 $0x0;
	[tilespmem:v5+s25+$0x0] =	vst.idx.msk $0xffff, v9  }
0x198: {  	[tilespmem:s23], [sflag:$0x1] =	stream.linear.gather [hbm4b:s14+s0], $0x2800, $0x38;
	[tilespmem:$0x1AF80] =	vst v63  }
0x199: {  	_ =	swait.ge [sflag:s22], $0x2800  }
0x19a: {  	[sflag:s22] =	ssyncset.done $0x0  }
0x19b: {  	[sflag:s22] =	ssyncadd.s32 $0xFFFFD800  }
0x19c: {  	[tilespmem:s24], [sflag:$0x1] =	stream.linear.gather [hbm4b:s15+s0], $0x2710, $0x38;
	[tilespmem:$0x1AF80] =	vst v63  }
0x19d: {  	_ =	swait.ge [sflag:s22], $0x2710  }
0x19e: {  	[sflag:s22] =	ssyncset.done $0x0  }
0x19f: {  	s3 =	simm.s32 $0x20;
	[sflag:s22] =	ssyncadd.s32 $0xFFFFD8F0  }
0x1a0: {  	v9 =	vld [tilespmem:s3+$0x10];
	_ =	sdelay $0x2  }
0x1a1: {  	v10 =	vld [tilespmem:s3+$0xFFFFFFF0]  }
0x1a2: {  	v11 =	vld [tilespmem:s3+$0xFFFFFFE0]  }
0x1a3: {  	v12 =	vld [tilespmem:s3+$0x0];
	s3 =	simm.s32 $0x60  }
0x1a4: {  	v13 =	vld [tilespmem:s3+$0x10]  }
0x1a5: {  	v15 =	vld [tilespmem:s3+$0xFFFFFFE0]  }
0x1a6: {  	v9 =	vld.idx.msk [tilespmem:v9+s23+$0x0], $0xffff  }
0x1a7: {  	v14 =	vld [tilespmem:s3+$0xFFFFFFF0]  }
0x1a8: {  	v16 =	vld [tilespmem:s3+$0x0]  }
0x1a9: {  	v10 =	vld.idx.msk [tilespmem:v10+s23+$0x0], $0xffff  }
0x1aa: {  	v11 =	vld.idx.msk [tilespmem:v11+s23+$0x0], $0xffff  }
0x1ab: {  	v9 =	vadd.f32 $1.000000020e-16, v9;
	_ =	sdelay $0x1  }
0x1ac: {  	v12 =	vld.idx.msk [tilespmem:v12+s23+$0x0], $0xffff;
	(erf) = vrcp.f32 v9  }
0x1ad: {  	v15 =	vld.idx.msk [tilespmem:v15+s23+$0x0], $0xffff;
	v10 =	vadd.f32 $1.000000020e-16, v10  }
0x1ae: {  	v11 =	vadd.f32 $1.000000020e-16, v11;
	v9 =	vld.idx.msk [tilespmem:v13+s23+$0x0], $0xffff  }
0x1af: {  	s28 =	simm.s32 $0x30;
	s3 =	simm.s32 $0x10;
	v24 =	vld.idx.msk [tilespmem:v16+s23+$0x0], $0xffff;
	(erf) = vrcp.f32 v10  }
0x1b0: {  	v18 =	vmov s28;
	s28 =	simm.s32 $0x70;
	v10 =	vld.idx.msk [tilespmem:v14+s23+$0x0], $0xffff;
	(erf) = vrcp.f32 v11;
	v11 =	vmov s3;
	s3 =	simm.s32 $0xA0  }
0x1b1: {  	s1 =	simm.s32 $0x4FA0;
	v18 =	vshll.u32 v18, $0x3;
	v23 =	vmov s28;
	v12 =	vadd.f32 $1.000000020e-16, v12;
	v19 =	vld [tilespmem:s3+$0x10]  }
0x1b2: {  	v18 =	vor.u32 v0, v18;
	v29 =	vshll.u32 v23, $0x3;
	v13 =	vld [tilespmem:s1+$0x10];
	v14 =	vmov s0  }
0x1b3: {  	s0 =	simm.s32 $0x20;
	v11 =	vshll.u32 v11, $0x3;
	v20 =	vld [tilespmem:s3+$0xFFFFFFF0];
	(erf) = vrcp.f32 v12;
	v21 =	vadd.f32 $1.000000020e-16, v9  }
0x1b4: {  	v18 =	vor.u32 $0x5, v18;
	v17 =	vmov s0;
	v26 =	vld [tilespmem:s3+$0xFFFFFFE0];
	v11 =	vor.u32 v0, v11  }
0x1b5: {  	v27 =	vld [tilespmem:s1+$0xFFFFFFF0];
	v9 =	vor.u32 $0x5, v11;
	v11 =	vadd.f32 $1.000000020e-16, v10;
	v16 =	vpop (erf);
	(erf) = vrcp.f32 v21  }
0x1b6: {  	v15 =	vadd.f32 $1.000000020e-16, v15;
	v25 =	vadd.f32 $1.000000020e-16, v24;
	v17 =	vshll.u32 v17, $0x3;
	v12 =	vld [tilespmem:s3+$0x0]  }
0x1b7: {  	v14 =	vshll.u32 v14, $0x3;
	v10 =	vor.u32 v0, v17;
	v17 =	vld [tilespmem:s1+$0xFFFFFFE0];
	(erf) = vrcp.f32 v11  }
0x1b8: {  	s0 =	simm.s32 $0x50;
	v14 =	vor.u32 v0, v14;
	v13 =	vmul.f32 v16, v13;
	v16 =	vld [tilespmem:s1+$0x0];
	(erf) = vrcp.f32 v15  }
0x1b9: {  	s29 =	simm.s32 $0x40;
	s28 =	simm.s32 $0x4FE0;
	s3 =	simm.s32 $0x60;
	v10 =	vor.u32 $0x5, v10;
	v11 =	vor.u32 $0x5, v14;
	v14 =	vmov s0;
	v15 =	vld.idx.msk [tilespmem:v19+s23+$0x0], $0xffff  }
0x1ba: {  	v21 =	vmov s29;
	v28 =	vpop (erf);
	v19 =	vmov s3;
	v22 =	vshll.u32 v14, $0x3;
	v14 =	vld [tilespmem:s28+$0x10]  }
0x1bb: {  	v23 =	vshll.u32 v21, $0x3;
	v30 =	vpop (erf);
	v19 =	vshll.u32 v19, $0x3;
	[tilespmem:v18+s25+$0x0] =	vst.idx.msk $0xffff, v13;
	v18 =	vld.idx.msk [tilespmem:v20+s23+$0x0], $0xffff;
	v13 =	vor.u32 v0, v29  }
0x1bc: {  	s30 =	simm.s32 $0x8;
	s31 =	simm.s32 $0xE0;
	v24 =	vpop (erf);
	v20 =	vld.idx.msk [tilespmem:v26+s23+$0x0], $0xffff;
	v21 =	vmul.f32 v30, v17;
	v17 =	vmul.f32 v28, v27;
	v13 =	vor.u32 $0x5, v13  }
.LBB2_12:
0x1bd: {  	v26 =	vld [tilespmem:s31+$0x10];
	s30 =	sadd.s32 $0x4, s30;
	v22 =	vor.u32 v0, v22;
	(erf) = vrcp.f32 v25;
	v16 =	vmul.f32 v24, v16  }
0x1be: {  	v23 =	vor.u32 v0, v23;
	v19 =	vor.u32 v0, v19;
	v25 =	vld [tilespmem:s31+$0xFFFFFFF0];
	p0 =	slt.u32 s30, $0x26C;
	v22 =	vor.u32 $0x5, v22;
	v24 =	vpop (erf);
	[tilespmem:v11+s25+$0x0] =	vst.idx.msk $0xffff, v21  }
0x1bf: {  	v15 =	vadd.f32 $1.000000020e-16, v15;
	v19 =	vor.u32 $0x5, v19;
	v21 =	vld [tilespmem:s31+$0x0];
	v14 =	vmul.f32 v24, v14;
	[tilespmem:v9+s25+$0x0] =	vst.idx.msk $0xffff, v17;
	v9 =	vmovc v22  }
0x1c0: {  	v11 =	vor.u32 $0x5, v23;
	v17 =	vld [tilespmem:s31+$0xFFFFFFE0];
	v27 =	vpop (erf);
	[tilespmem:v10+s25+$0x0] =	vst.idx.msk $0xffff, v16;
	v10 =	vmov v19  }
0x1c1: {  	v16 =	vadd.f32 $1.000000020e-16, v18;
	v28 =	vld.idx.msk [tilespmem:v12+s23+$0x0], $0xffff;
	(erf) = vrcp.f32 v15;
	[tilespmem:v13+s25+$0x0] =	vst.idx.msk $0xffff, v14;
	v29 =	vpop (erf)  }
0x1c2: {  	s29 =	sadd.s32 $0x40, s29;
	v19 =	vadd.f32 $1.000000020e-16, v20;
	v30 =	vld [tilespmem:s28+$0xFFFFFFE0]  }
0x1c3: {  	s0 =	sadd.s32 $0x10, s29;
	(erf) = vrcp.f32 v16;
	v31 =	vld [tilespmem:s28+$0xFFFFFFF0]  }
.Ltmp5:
0x1c4: {  	s1 =	sadd.s32 $0x20, s29;
	s3 =	sadd.s32 $0x30, s29;
	v13 =	vmov s29;
	(erf) = vrcp.f32 v19;
	v16 =	vld [tilespmem:s28+$0x0];
	(pc) =	sbr.rel @p0 .LBB2_12-.Ltmp5, $4  }
0x1c5: {  	v18 =	vmov s1;
	v14 =	vmov s0;
	v20 =	vmov s3;
	s28 =	sadd.s32 $0x40, s28;
	v12 =	vmovc v21;
	v15 =	vld.idx.msk [tilespmem:v26+s23+$0x0], $0xffff  }
0x1c6: {  	v22 =	vshll.u32 v14, $0x3;
	v20 =	vshll.u32 v20, $0x3;
	v19 =	vshll.u32 v18, $0x3;
	v14 =	vld [tilespmem:s28+$0x10];
	v24 =	vpop (erf)  }
0x1c7: {  	v23 =	vshll.u32 v13, $0x3;
	v13 =	vor.u32 v0, v20;
	v18 =	vld.idx.msk [tilespmem:v25+s23+$0x0], $0xffff;
	v25 =	vadd.f32 $1.000000020e-16, v28  }
0x1c8: {  	s31 =	sadd.s32 $0x40, s31;
	v13 =	vor.u32 $0x5, v13;
	v21 =	vmul.f32 v29, v30;
	v20 =	vld.idx.msk [tilespmem:v17+s23+$0x0], $0xffff;
	v17 =	vmul.f32 v27, v31  }
0x1c9: {  	_ =	sdelay $0x3  }
0x1ca: {  	v12 =	vld.idx.msk [tilespmem:v12+s23+$0x0], $0xffff;
	v15 =	vadd.f32 $1.000000020e-16, v15  }
0x1cb: {  	(erf) = vrcp.f32 v25;
	v18 =	vadd.f32 $1.000000020e-16, v18  }
0x1cc: {  	s0 =	sadd.s32 $0x40, s29;
	(erf) = vrcp.f32 v15;
	v15 =	vadd.f32 $1.000000020e-16, v20;
	v20 =	vor.u32 v0, v22  }
0x1cd: {  	s1 =	sadd.s32 $0x10, s0  }
0x1ce: {  	v16 =	vmul.f32 v24, v16;
	v24 =	vmov s1;
	(erf) = vrcp.f32 v18  }
0x1cf: {  	s3 =	sadd.s32 $0x30, s0;
	v22 =	vld [tilespmem:s28+$0xFFFFFFE0];
	v18 =	vor.u32 v0, v19;
	v12 =	vadd.f32 $1.000000020e-16, v12;
	v19 =	vor.u32 $0x5, v20;
	v20 =	vpop (erf)  }
0x1d0: {  	v25 =	vmov s3;
	(erf) = vrcp.f32 v15;
	v14 =	vmul.f32 v20, v14;
	v20 =	vld [tilespmem:s28+$0xFFFFFFF0]  }
0x1d1: {  	[tilespmem:v11+s25+$0x0] =	vst.idx.msk $0xffff, v21;
	v25 =	vshll.u32 v25, $0x3;
	v15 =	vor.u32 v0, v23;
	v23 =	vld [tilespmem:s28+$0x0];
	(erf) = vrcp.f32 v12  }
0x1d2: {  	[tilespmem:v9+s25+$0x0] =	vst.idx.msk $0xffff, v17;
	s3 =	sadd.s32 $0x40, s28;
	v21 =	vshll.u32 v24, $0x3;
	v17 =	vor.u32 v0, v25;
	v15 =	vor.u32 $0x5, v15;
	v26 =	vpop (erf)  }
0x1d3: {  	[tilespmem:v10+s25+$0x0] =	vst.idx.msk $0xffff, v16;
	v24 =	vld [tilespmem:s3+$0x10];
	v16 =	vor.u32 $0x5, v17;
	v18 =	vor.u32 $0x5, v18;
	v12 =	vmov s0;
	s0 =	sadd.s32 $0x20, s0;
	v9 =	vpop (erf)  }
0x1d4: {  	v17 =	vld [tilespmem:s3+$0xFFFFFFF0];
	v11 =	vmov s0;
	v12 =	vshll.u32 v12, $0x3;
	v9 =	vmul.f32 v9, v22  }
0x1d5: {  	v25 =	vld [tilespmem:s3+$0xFFFFFFE0];
	v11 =	vshll.u32 v11, $0x3;
	v10 =	vpop (erf);
	[tilespmem:v13+s25+$0x0] =	vst.idx.msk $0xffff, v14;
	v14 =	vor.u32 v0, v21;
	v13 =	vmul.f32 v26, v20  }
0x1d6: {  	v12 =	vor.u32 v0, v12;
	v21 =	vld [tilespmem:s3+$0x0];
	v10 =	vmul.f32 v10, v23;
	v14 =	vor.u32 $0x5, v14  }
0x1d7: {  	v12 =	vor.u32 $0x5, v12;
	v11 =	vor.u32 v0, v11;
	[tilespmem:v15+s25+$0x0] =	vst.idx.msk $0xffff, v9;
	v20 =	vpop (erf)  }
0x1d8: {  	v11 =	vor.u32 $0x5, v11;
	[tilespmem:v18+s25+$0x0] =	vst.idx.msk $0xffff, v10;
	v9 =	vpop (erf);
	v15 =	vmul.f32 v20, v24  }
0x1d9: {  	[tilespmem:v19+s25+$0x0] =	vst.idx.msk $0xffff, v13;
	v9 =	vmul.f32 v9, v17;
	v13 =	vpop (erf)  }
0x1da: {  	[tilespmem:v16+s25+$0x0] =	vst.idx.msk $0xffff, v15;
	v10 =	vmul.f32 v13, v25;
	v13 =	vpop (erf)  }
0x1db: {  	[tilespmem:v14+s25+$0x0] =	vst.idx.msk $0xffff, v9;
	v13 =	vmul.f32 v13, v21  }
0x1dc: {  	[tilespmem:v12+s25+$0x0] =	vst.idx.msk $0xffff, v10  }
0x1dd: {  	[tilespmem:v11+s25+$0x0] =	vst.idx.msk $0xffff, v13  }
0x1de: {  	v9 =	vld [tilespmem:$0x2700];
	_ =	sdelay $0x7  }
0x1df: {  	v9 =	vld.idx.msk [tilespmem:v9+s23+$0x0], $0xffff;
	_ =	sdelay $0x4  }
0x1e0: {  	v9 =	vadd.f32 $1.000000020e-16, v9;
	_ =	sdelay $0x1  }
0x1e1: {  	(erf) = vrcp.f32 v9;
	_ =	sdelay $0x4  }
0x1e2: {  	v9 =	vld [tilespmem:$0x7680];
	_ =	sdelay $0x3  }
0x1e3: {  	v10 =	vpop (erf)  }
0x1e4: {  	v9 =	vmul.f32 v10, v9;
	_ =	sdelay $0x1  }
0x1e5: {  	s0 =	simm.s32 $0x0;
	[tilespmem:v6+s25+$0x0] =	vst.idx.msk $0xffff, v9  }
0x1e6: {  	[tilespmem:s23], [sflag:$0x1] =	stream.linear.gather [hbm4b:s16+s0], $0x2800, $0x38;
	[tilespmem:$0x1AF80] =	vst v63  }
0x1e7: {  	_ =	swait.ge [sflag:s22], $0x2800  }
0x1e8: {  	[sflag:s22] =	ssyncset.done $0x0  }
0x1e9: {  	[sflag:s22] =	ssyncadd.s32 $0xFFFFD800  }
0x1ea: {  	[tilespmem:s24], [sflag:$0x1] =	stream.linear.gather [hbm4b:s17+s0], $0x2710, $0x38;
	[tilespmem:$0x1AF80] =	vst v63  }
0x1eb: {  	_ =	swait.ge [sflag:s22], $0x2710  }
0x1ec: {  	[sflag:s22] =	ssyncset.done $0x0  }
0x1ed: {  	s3 =	simm.s32 $0x20;
	[sflag:s22] =	ssyncadd.s32 $0xFFFFD8F0  }
0x1ee: {  	v9 =	vld [tilespmem:s3+$0x10];
	_ =	sdelay $0x2  }
0x1ef: {  	v10 =	vld [tilespmem:s3+$0xFFFFFFF0]  }
0x1f0: {  	v11 =	vld [tilespmem:s3+$0xFFFFFFE0]  }
0x1f1: {  	v12 =	vld [tilespmem:s3+$0x0];
	s3 =	simm.s32 $0x60  }
0x1f2: {  	v13 =	vld [tilespmem:s3+$0x10]  }
0x1f3: {  	v15 =	vld [tilespmem:s3+$0xFFFFFFE0]  }
0x1f4: {  	v9 =	vld.idx.msk [tilespmem:v9+s23+$0x0], $0xffff  }
0x1f5: {  	v14 =	vld [tilespmem:s3+$0xFFFFFFF0]  }
0x1f6: {  	v16 =	vld [tilespmem:s3+$0x0]  }
0x1f7: {  	v10 =	vld.idx.msk [tilespmem:v10+s23+$0x0], $0xffff  }
0x1f8: {  	v11 =	vld.idx.msk [tilespmem:v11+s23+$0x0], $0xffff  }
0x1f9: {  	v9 =	vadd.f32 $1.000000020e-16, v9;
	_ =	sdelay $0x1  }
0x1fa: {  	v12 =	vld.idx.msk [tilespmem:v12+s23+$0x0], $0xffff;
	(erf) = vrcp.f32 v9  }
0x1fb: {  	v15 =	vld.idx.msk [tilespmem:v15+s23+$0x0], $0xffff;
	v10 =	vadd.f32 $1.000000020e-16, v10  }
0x1fc: {  	v11 =	vadd.f32 $1.000000020e-16, v11;
	v9 =	vld.idx.msk [tilespmem:v13+s23+$0x0], $0xffff  }
0x1fd: {  	s28 =	simm.s32 $0x30;
	s3 =	simm.s32 $0x10;
	v24 =	vld.idx.msk [tilespmem:v16+s23+$0x0], $0xffff;
	(erf) = vrcp.f32 v10  }
0x1fe: {  	v18 =	vmov s28;
	s28 =	simm.s32 $0x70;
	v10 =	vld.idx.msk [tilespmem:v14+s23+$0x0], $0xffff;
	(erf) = vrcp.f32 v11;
	v11 =	vmov s3;
	s3 =	simm.s32 $0xA0  }
0x1ff: {  	s1 =	simm.s32 $0x4FA0;
	v18 =	vshll.u32 v18, $0x3;
	v23 =	vmov s28;
	v12 =	vadd.f32 $1.000000020e-16, v12;
	v19 =	vld [tilespmem:s3+$0x10]  }
0x200: {  	v18 =	vor.u32 v0, v18;
	v29 =	vshll.u32 v23, $0x3;
	v13 =	vld [tilespmem:s1+$0x10];
	v14 =	vmov s0  }
0x201: {  	s0 =	simm.s32 $0x20;
	v11 =	vshll.u32 v11, $0x3;
	v20 =	vld [tilespmem:s3+$0xFFFFFFF0];
	(erf) = vrcp.f32 v12;
	v21 =	vadd.f32 $1.000000020e-16, v9  }
0x202: {  	v18 =	vor.u32 $0x6, v18;
	v17 =	vmov s0;
	v26 =	vld [tilespmem:s3+$0xFFFFFFE0];
	v11 =	vor.u32 v0, v11  }
0x203: {  	v27 =	vld [tilespmem:s1+$0xFFFFFFF0];
	v9 =	vor.u32 $0x6, v11;
	v11 =	vadd.f32 $1.000000020e-16, v10;
	v16 =	vpop (erf);
	(erf) = vrcp.f32 v21  }
0x204: {  	v15 =	vadd.f32 $1.000000020e-16, v15;
	v25 =	vadd.f32 $1.000000020e-16, v24;
	v17 =	vshll.u32 v17, $0x3;
	v12 =	vld [tilespmem:s3+$0x0]  }
0x205: {  	v14 =	vshll.u32 v14, $0x3;
	v10 =	vor.u32 v0, v17;
	v17 =	vld [tilespmem:s1+$0xFFFFFFE0];
	(erf) = vrcp.f32 v11  }
0x206: {  	s0 =	simm.s32 $0x50;
	v14 =	vor.u32 v0, v14;
	v13 =	vmul.f32 v16, v13;
	v16 =	vld [tilespmem:s1+$0x0];
	(erf) = vrcp.f32 v15  }
0x207: {  	s29 =	simm.s32 $0x40;
	s28 =	simm.s32 $0x4FE0;
	s3 =	simm.s32 $0x60;
	v10 =	vor.u32 $0x6, v10;
	v11 =	vor.u32 $0x6, v14;
	v14 =	vmov s0;
	v15 =	vld.idx.msk [tilespmem:v19+s23+$0x0], $0xffff  }
0x208: {  	v21 =	vmov s29;
	v28 =	vpop (erf);
	v19 =	vmov s3;
	v22 =	vshll.u32 v14, $0x3;
	v14 =	vld [tilespmem:s28+$0x10]  }
0x209: {  	v23 =	vshll.u32 v21, $0x3;
	v30 =	vpop (erf);
	v19 =	vshll.u32 v19, $0x3;
	[tilespmem:v18+s25+$0x0] =	vst.idx.msk $0xffff, v13;
	v18 =	vld.idx.msk [tilespmem:v20+s23+$0x0], $0xffff;
	v13 =	vor.u32 v0, v29  }
0x20a: {  	s30 =	simm.s32 $0x8;
	s31 =	simm.s32 $0xE0;
	v24 =	vpop (erf);
	v20 =	vld.idx.msk [tilespmem:v26+s23+$0x0], $0xffff;
	v21 =	vmul.f32 v30, v17;
	v17 =	vmul.f32 v28, v27;
	v13 =	vor.u32 $0x6, v13  }
.LBB2_14:
0x20b: {  	v26 =	vld [tilespmem:s31+$0x10];
	s30 =	sadd.s32 $0x4, s30;
	v22 =	vor.u32 v0, v22;
	(erf) = vrcp.f32 v25;
	v16 =	vmul.f32 v24, v16  }
0x20c: {  	v23 =	vor.u32 v0, v23;
	v19 =	vor.u32 v0, v19;
	v25 =	vld [tilespmem:s31+$0xFFFFFFF0];
	p0 =	slt.u32 s30, $0x26C;
	v22 =	vor.u32 $0x6, v22;
	v24 =	vpop (erf);
	[tilespmem:v11+s25+$0x0] =	vst.idx.msk $0xffff, v21  }
0x20d: {  	v15 =	vadd.f32 $1.000000020e-16, v15;
	v19 =	vor.u32 $0x6, v19;
	v21 =	vld [tilespmem:s31+$0x0];
	v14 =	vmul.f32 v24, v14;
	[tilespmem:v9+s25+$0x0] =	vst.idx.msk $0xffff, v17;
	v9 =	vmovc v22  }
0x20e: {  	v11 =	vor.u32 $0x6, v23;
	v17 =	vld [tilespmem:s31+$0xFFFFFFE0];
	v27 =	vpop (erf);
	[tilespmem:v10+s25+$0x0] =	vst.idx.msk $0xffff, v16;
	v10 =	vmov v19  }
0x20f: {  	v16 =	vadd.f32 $1.000000020e-16, v18;
	v28 =	vld.idx.msk [tilespmem:v12+s23+$0x0], $0xffff;
	(erf) = vrcp.f32 v15;
	[tilespmem:v13+s25+$0x0] =	vst.idx.msk $0xffff, v14;
	v29 =	vpop (erf)  }
0x210: {  	s29 =	sadd.s32 $0x40, s29;
	v19 =	vadd.f32 $1.000000020e-16, v20;
	v30 =	vld [tilespmem:s28+$0xFFFFFFE0]  }
0x211: {  	s0 =	sadd.s32 $0x10, s29;
	(erf) = vrcp.f32 v16;
	v31 =	vld [tilespmem:s28+$0xFFFFFFF0]  }
.Ltmp6:
0x212: {  	s1 =	sadd.s32 $0x20, s29;
	s3 =	sadd.s32 $0x30, s29;
	v13 =	vmov s29;
	(erf) = vrcp.f32 v19;
	v16 =	vld [tilespmem:s28+$0x0];
	(pc) =	sbr.rel @p0 .LBB2_14-.Ltmp6, $4  }
0x213: {  	v18 =	vmov s1;
	v14 =	vmov s0;
	v20 =	vmov s3;
	s28 =	sadd.s32 $0x40, s28;
	v12 =	vmovc v21;
	v15 =	vld.idx.msk [tilespmem:v26+s23+$0x0], $0xffff  }
0x214: {  	v22 =	vshll.u32 v14, $0x3;
	v20 =	vshll.u32 v20, $0x3;
	v19 =	vshll.u32 v18, $0x3;
	v14 =	vld [tilespmem:s28+$0x10];
	v24 =	vpop (erf)  }
0x215: {  	v23 =	vshll.u32 v13, $0x3;
	v13 =	vor.u32 v0, v20;
	v18 =	vld.idx.msk [tilespmem:v25+s23+$0x0], $0xffff;
	v25 =	vadd.f32 $1.000000020e-16, v28  }
0x216: {  	s31 =	sadd.s32 $0x40, s31;
	v13 =	vor.u32 $0x6, v13;
	v21 =	vmul.f32 v29, v30;
	v20 =	vld.idx.msk [tilespmem:v17+s23+$0x0], $0xffff;
	v17 =	vmul.f32 v27, v31  }
0x217: {  	_ =	sdelay $0x3  }
0x218: {  	v12 =	vld.idx.msk [tilespmem:v12+s23+$0x0], $0xffff;
	v15 =	vadd.f32 $1.000000020e-16, v15  }
0x219: {  	(erf) = vrcp.f32 v25;
	v18 =	vadd.f32 $1.000000020e-16, v18  }
0x21a: {  	s0 =	sadd.s32 $0x40, s29;
	(erf) = vrcp.f32 v15;
	v15 =	vadd.f32 $1.000000020e-16, v20;
	v20 =	vor.u32 v0, v22  }
0x21b: {  	s1 =	sadd.s32 $0x10, s0  }
0x21c: {  	v16 =	vmul.f32 v24, v16;
	v24 =	vmov s1;
	(erf) = vrcp.f32 v18  }
0x21d: {  	s3 =	sadd.s32 $0x30, s0;
	v22 =	vld [tilespmem:s28+$0xFFFFFFE0];
	v18 =	vor.u32 v0, v19;
	v12 =	vadd.f32 $1.000000020e-16, v12;
	v19 =	vor.u32 $0x6, v20;
	v20 =	vpop (erf)  }
0x21e: {  	v25 =	vmov s3;
	(erf) = vrcp.f32 v15;
	v14 =	vmul.f32 v20, v14;
	v20 =	vld [tilespmem:s28+$0xFFFFFFF0]  }
0x21f: {  	[tilespmem:v11+s25+$0x0] =	vst.idx.msk $0xffff, v21;
	v25 =	vshll.u32 v25, $0x3;
	v15 =	vor.u32 v0, v23;
	v23 =	vld [tilespmem:s28+$0x0];
	(erf) = vrcp.f32 v12  }
0x220: {  	[tilespmem:v9+s25+$0x0] =	vst.idx.msk $0xffff, v17;
	s3 =	sadd.s32 $0x40, s28;
	v21 =	vshll.u32 v24, $0x3;
	v17 =	vor.u32 v0, v25;
	v15 =	vor.u32 $0x6, v15;
	v26 =	vpop (erf)  }
0x221: {  	[tilespmem:v10+s25+$0x0] =	vst.idx.msk $0xffff, v16;
	v24 =	vld [tilespmem:s3+$0x10];
	v16 =	vor.u32 $0x6, v17;
	v18 =	vor.u32 $0x6, v18;
	v12 =	vmov s0;
	s0 =	sadd.s32 $0x20, s0;
	v9 =	vpop (erf)  }
0x222: {  	v17 =	vld [tilespmem:s3+$0xFFFFFFF0];
	v11 =	vmov s0;
	v12 =	vshll.u32 v12, $0x3;
	v9 =	vmul.f32 v9, v22  }
0x223: {  	v25 =	vld [tilespmem:s3+$0xFFFFFFE0];
	v11 =	vshll.u32 v11, $0x3;
	v10 =	vpop (erf);
	[tilespmem:v13+s25+$0x0] =	vst.idx.msk $0xffff, v14;
	v14 =	vor.u32 v0, v21;
	v13 =	vmul.f32 v26, v20  }
0x224: {  	v12 =	vor.u32 v0, v12;
	v21 =	vld [tilespmem:s3+$0x0];
	v10 =	vmul.f32 v10, v23;
	v14 =	vor.u32 $0x6, v14  }
0x225: {  	v12 =	vor.u32 $0x6, v12;
	v11 =	vor.u32 v0, v11;
	[tilespmem:v15+s25+$0x0] =	vst.idx.msk $0xffff, v9;
	v20 =	vpop (erf)  }
0x226: {  	v11 =	vor.u32 $0x6, v11;
	[tilespmem:v18+s25+$0x0] =	vst.idx.msk $0xffff, v10;
	v9 =	vpop (erf);
	v15 =	vmul.f32 v20, v24  }
0x227: {  	[tilespmem:v19+s25+$0x0] =	vst.idx.msk $0xffff, v13;
	v9 =	vmul.f32 v9, v17;
	v13 =	vpop (erf)  }
0x228: {  	[tilespmem:v16+s25+$0x0] =	vst.idx.msk $0xffff, v15;
	v10 =	vmul.f32 v13, v25;
	v13 =	vpop (erf)  }
0x229: {  	[tilespmem:v14+s25+$0x0] =	vst.idx.msk $0xffff, v9;
	v13 =	vmul.f32 v13, v21  }
0x22a: {  	[tilespmem:v12+s25+$0x0] =	vst.idx.msk $0xffff, v10  }
0x22b: {  	[tilespmem:v11+s25+$0x0] =	vst.idx.msk $0xffff, v13  }
0x22c: {  	v9 =	vld [tilespmem:$0x2700];
	_ =	sdelay $0x7  }
0x22d: {  	v9 =	vld.idx.msk [tilespmem:v9+s23+$0x0], $0xffff;
	_ =	sdelay $0x4  }
0x22e: {  	v9 =	vadd.f32 $1.000000020e-16, v9;
	_ =	sdelay $0x1  }
0x22f: {  	(erf) = vrcp.f32 v9;
	_ =	sdelay $0x4  }
0x230: {  	v9 =	vld [tilespmem:$0x7680];
	_ =	sdelay $0x3  }
0x231: {  	v10 =	vpop (erf)  }
0x232: {  	v9 =	vmul.f32 v10, v9;
	_ =	sdelay $0x1  }
0x233: {  	s0 =	simm.s32 $0x0;
	[tilespmem:v7+s25+$0x0] =	vst.idx.msk $0xffff, v9  }
0x234: {  	[tilespmem:s23], [sflag:$0x1] =	stream.linear.gather [hbm4b:s18+s0], $0x2800, $0x38;
	[tilespmem:$0x1AF80] =	vst v63  }
0x235: {  	_ =	swait.ge [sflag:s22], $0x2800  }
0x236: {  	[sflag:s22] =	ssyncset.done $0x0  }
0x237: {  	[sflag:s22] =	ssyncadd.s32 $0xFFFFD800  }
0x238: {  	[tilespmem:s24], [sflag:$0x1] =	stream.linear.gather [hbm4b:s19+s0], $0x2710, $0x38;
	[tilespmem:$0x1AF80] =	vst v63  }
0x239: {  	_ =	swait.ge [sflag:s22], $0x2710  }
0x23a: {  	[sflag:s22] =	ssyncset.done $0x0  }
0x23b: {  	s3 =	simm.s32 $0x20;
	[sflag:s22] =	ssyncadd.s32 $0xFFFFD8F0  }
0x23c: {  	v9 =	vld [tilespmem:s3+$0x10];
	_ =	sdelay $0x2  }
0x23d: {  	v10 =	vld [tilespmem:s3+$0xFFFFFFF0]  }
0x23e: {  	v11 =	vld [tilespmem:s3+$0xFFFFFFE0]  }
0x23f: {  	v12 =	vld [tilespmem:s3+$0x0];
	s3 =	simm.s32 $0x60  }
0x240: {  	v13 =	vld [tilespmem:s3+$0x10]  }
0x241: {  	v15 =	vld [tilespmem:s3+$0xFFFFFFE0]  }
0x242: {  	v9 =	vld.idx.msk [tilespmem:v9+s23+$0x0], $0xffff  }
0x243: {  	v14 =	vld [tilespmem:s3+$0xFFFFFFF0]  }
0x244: {  	v16 =	vld [tilespmem:s3+$0x0]  }
0x245: {  	v10 =	vld.idx.msk [tilespmem:v10+s23+$0x0], $0xffff  }
0x246: {  	v11 =	vld.idx.msk [tilespmem:v11+s23+$0x0], $0xffff  }
0x247: {  	v9 =	vadd.f32 $1.000000020e-16, v9;
	_ =	sdelay $0x1  }
0x248: {  	v12 =	vld.idx.msk [tilespmem:v12+s23+$0x0], $0xffff;
	(erf) = vrcp.f32 v9  }
0x249: {  	v15 =	vld.idx.msk [tilespmem:v15+s23+$0x0], $0xffff;
	v10 =	vadd.f32 $1.000000020e-16, v10  }
0x24a: {  	v11 =	vadd.f32 $1.000000020e-16, v11;
	v9 =	vld.idx.msk [tilespmem:v13+s23+$0x0], $0xffff  }
0x24b: {  	s28 =	simm.s32 $0x30;
	s3 =	simm.s32 $0x10;
	v24 =	vld.idx.msk [tilespmem:v16+s23+$0x0], $0xffff;
	(erf) = vrcp.f32 v10  }
0x24c: {  	v18 =	vmov s28;
	s28 =	simm.s32 $0x70;
	v10 =	vld.idx.msk [tilespmem:v14+s23+$0x0], $0xffff;
	(erf) = vrcp.f32 v11;
	v11 =	vmov s3;
	s3 =	simm.s32 $0xA0  }
0x24d: {  	s1 =	simm.s32 $0x4FA0;
	v18 =	vshll.u32 v18, $0x3;
	v23 =	vmov s28;
	v12 =	vadd.f32 $1.000000020e-16, v12;
	v19 =	vld [tilespmem:s3+$0x10]  }
0x24e: {  	v18 =	vor.u32 v0, v18;
	v29 =	vshll.u32 v23, $0x3;
	v13 =	vld [tilespmem:s1+$0x10];
	v14 =	vmov s0  }
0x24f: {  	s0 =	simm.s32 $0x20;
	v11 =	vshll.u32 v11, $0x3;
	v20 =	vld [tilespmem:s3+$0xFFFFFFF0];
	(erf) = vrcp.f32 v12;
	v21 =	vadd.f32 $1.000000020e-16, v9  }
0x250: {  	v18 =	vor.u32 $0x7, v18;
	v17 =	vmov s0;
	v26 =	vld [tilespmem:s3+$0xFFFFFFE0];
	v11 =	vor.u32 v0, v11  }
0x251: {  	v27 =	vld [tilespmem:s1+$0xFFFFFFF0];
	v9 =	vor.u32 $0x7, v11;
	v11 =	vadd.f32 $1.000000020e-16, v10;
	v16 =	vpop (erf);
	(erf) = vrcp.f32 v21  }
0x252: {  	v15 =	vadd.f32 $1.000000020e-16, v15;
	v25 =	vadd.f32 $1.000000020e-16, v24;
	v17 =	vshll.u32 v17, $0x3;
	v12 =	vld [tilespmem:s3+$0x0]  }
0x253: {  	v14 =	vshll.u32 v14, $0x3;
	v10 =	vor.u32 v0, v17;
	v17 =	vld [tilespmem:s1+$0xFFFFFFE0];
	(erf) = vrcp.f32 v11  }
0x254: {  	s0 =	simm.s32 $0x50;
	v14 =	vor.u32 v0, v14;
	v13 =	vmul.f32 v16, v13;
	v16 =	vld [tilespmem:s1+$0x0];
	(erf) = vrcp.f32 v15  }
0x255: {  	s29 =	simm.s32 $0x40;
	s28 =	simm.s32 $0x4FE0;
	s3 =	simm.s32 $0x60;
	v10 =	vor.u32 $0x7, v10;
	v11 =	vor.u32 $0x7, v14;
	v14 =	vmov s0;
	v15 =	vld.idx.msk [tilespmem:v19+s23+$0x0], $0xffff  }
0x256: {  	v21 =	vmov s29;
	v28 =	vpop (erf);
	v19 =	vmov s3;
	v22 =	vshll.u32 v14, $0x3;
	v14 =	vld [tilespmem:s28+$0x10]  }
0x257: {  	v23 =	vshll.u32 v21, $0x3;
	v30 =	vpop (erf);
	v19 =	vshll.u32 v19, $0x3;
	[tilespmem:v18+s25+$0x0] =	vst.idx.msk $0xffff, v13;
	v18 =	vld.idx.msk [tilespmem:v20+s23+$0x0], $0xffff;
	v13 =	vor.u32 v0, v29  }
0x258: {  	s30 =	simm.s32 $0x8;
	s31 =	simm.s32 $0xE0;
	v24 =	vpop (erf);
	v20 =	vld.idx.msk [tilespmem:v26+s23+$0x0], $0xffff;
	v21 =	vmul.f32 v30, v17;
	v17 =	vmul.f32 v28, v27;
	v13 =	vor.u32 $0x7, v13  }
.LBB2_16:
0x259: {  	v26 =	vld [tilespmem:s31+$0x10];
	s30 =	sadd.s32 $0x4, s30;
	v22 =	vor.u32 v0, v22;
	(erf) = vrcp.f32 v25;
	v16 =	vmul.f32 v24, v16  }
0x25a: {  	v23 =	vor.u32 v0, v23;
	v19 =	vor.u32 v0, v19;
	v25 =	vld [tilespmem:s31+$0xFFFFFFF0];
	p0 =	slt.u32 s30, $0x26C;
	v22 =	vor.u32 $0x7, v22;
	v24 =	vpop (erf);
	[tilespmem:v11+s25+$0x0] =	vst.idx.msk $0xffff, v21  }
0x25b: {  	v15 =	vadd.f32 $1.000000020e-16, v15;
	v19 =	vor.u32 $0x7, v19;
	v21 =	vld [tilespmem:s31+$0x0];
	v14 =	vmul.f32 v24, v14;
	[tilespmem:v9+s25+$0x0] =	vst.idx.msk $0xffff, v17;
	v9 =	vmovc v22  }
0x25c: {  	v11 =	vor.u32 $0x7, v23;
	v17 =	vld [tilespmem:s31+$0xFFFFFFE0];
	v27 =	vpop (erf);
	[tilespmem:v10+s25+$0x0] =	vst.idx.msk $0xffff, v16;
	v10 =	vmov v19  }
0x25d: {  	v16 =	vadd.f32 $1.000000020e-16, v18;
	v28 =	vld.idx.msk [tilespmem:v12+s23+$0x0], $0xffff;
	(erf) = vrcp.f32 v15;
	[tilespmem:v13+s25+$0x0] =	vst.idx.msk $0xffff, v14;
	v29 =	vpop (erf)  }
0x25e: {  	s29 =	sadd.s32 $0x40, s29;
	v19 =	vadd.f32 $1.000000020e-16, v20;
	v30 =	vld [tilespmem:s28+$0xFFFFFFE0]  }
0x25f: {  	s0 =	sadd.s32 $0x10, s29;
	(erf) = vrcp.f32 v16;
	v31 =	vld [tilespmem:s28+$0xFFFFFFF0]  }
.Ltmp7:
0x260: {  	s1 =	sadd.s32 $0x20, s29;
	s3 =	sadd.s32 $0x30, s29;
	v13 =	vmov s29;
	(erf) = vrcp.f32 v19;
	v16 =	vld [tilespmem:s28+$0x0];
	(pc) =	sbr.rel @p0 .LBB2_16-.Ltmp7, $4  }
0x261: {  	v18 =	vmov s1;
	v14 =	vmov s0;
	v20 =	vmov s3;
	s28 =	sadd.s32 $0x40, s28;
	v12 =	vmovc v21;
	v15 =	vld.idx.msk [tilespmem:v26+s23+$0x0], $0xffff  }
0x262: {  	v22 =	vshll.u32 v14, $0x3;
	v20 =	vshll.u32 v20, $0x3;
	v19 =	vshll.u32 v18, $0x3;
	v14 =	vld [tilespmem:s28+$0x10];
	v24 =	vpop (erf)  }
0x263: {  	v23 =	vshll.u32 v13, $0x3;
	v13 =	vor.u32 v0, v20;
	v18 =	vld.idx.msk [tilespmem:v25+s23+$0x0], $0xffff;
	v25 =	vadd.f32 $1.000000020e-16, v28  }
0x264: {  	s31 =	sadd.s32 $0x40, s31;
	v13 =	vor.u32 $0x7, v13;
	v21 =	vmul.f32 v29, v30;
	v20 =	vld.idx.msk [tilespmem:v17+s23+$0x0], $0xffff;
	v17 =	vmul.f32 v27, v31  }
0x265: {  	_ =	sdelay $0x3  }
0x266: {  	v12 =	vld.idx.msk [tilespmem:v12+s23+$0x0], $0xffff;
	_ =	sdelay $0x1  }
0x267: {  	(erf) = vrcp.f32 v25;
	v15 =	vadd.f32 $1.000000020e-16, v15  }
0x268: {  	v38 =	vor.u32 v0, v22;
	v16 =	vmul.f32 v24, v16;
	v18 =	vadd.f32 $1.000000020e-16, v18  }
0x269: {  	v39 =	vor.u32 v0, v19;
	(erf) = vrcp.f32 v15;
	v37 =	vadd.f32 $1.000000020e-16, v20  }
0x26a: {  	v40 =	vor.u32 v0, v23;
	s0 =	sadd.s32 $0x40, s29;
	(erf) = vrcp.f32 v18;
	v12 =	vadd.f32 $1.000000020e-16, v12  }
0x26b: {  	v44 =	vld [tilespmem:s28+$0xFFFFFFF0];
	v41 =	vor.u32 $0x7, v38;
	v42 =	vpop (erf);
	s1 =	sadd.s32 $0x10, s0;
	v45 =	vmov s0;
	(erf) = vrcp.f32 v37  }
0x26c: {  	v43 =	vld [tilespmem:s28+$0xFFFFFFE0];
	s3 =	sadd.s32 $0x30, s0;
	s0 =	sadd.s32 $0x20, s0;
	v14 =	vmul.f32 v42, v14;
	v47 =	vmov s1;
	(erf) = vrcp.f32 v12  }
0x26d: {  	v46 =	vld [tilespmem:s28+$0x0];
	s31 =	sadd.s32 $0x40, s28;
	[tilespmem:v11+s25+$0x0] =	vst.idx.msk $0xffff, v21;
	v48 =	vmov s3;
	v11 =	vmov s0;
	v15 =	vor.u32 $0x7, v40  }
0x26e: {  	v50 =	vld [tilespmem:s31+$0x10];
	[tilespmem:v9+s25+$0x0] =	vst.idx.msk $0xffff, v17;
	v49 =	vshll.u32 v47, $0x3;
	v25 =	vshll.u32 v48, $0x3;
	v9 =	vshll.u32 v11, $0x3  }
0x26f: {  	v55 =	vld [tilespmem:s31+$0xFFFFFFF0];
	v26 =	vpop (erf);
	v11 =	vshll.u32 v45, $0x3;
	v51 =	vor.u32 v0, v25;
	v18 =	vor.u32 $0x7, v39  }
0x270: {  	v52 =	vld [tilespmem:s31+$0xFFFFFFE0];
	[tilespmem:v10+s25+$0x0] =	vst.idx.msk $0xffff, v16;
	v27 =	vpop (erf);
	v57 =	vor.u32 v0, v49;
	v10 =	vor.u32 $0x7, v51;
	v56 =	vmul.f32 v26, v44  }
0x271: {  	v59 =	vld [tilespmem:s31+$0x0];
	v11 =	vor.u32 v0, v11;
	[tilespmem:v13+s25+$0x0] =	vst.idx.msk $0xffff, v14;
	v54 =	vmul.f32 v27, v43;
	v14 =	vor.u32 $0x7, v57;
	v53 =	vpop (erf)  }
0x272: {  	v9 =	vor.u32 v0, v9;
	v11 =	vor.u32 $0x7, v11;
	[tilespmem:v41+s25+$0x0] =	vst.idx.msk $0xffff, v56;
	v60 =	vmul.f32 v53, v46;
	v58 =	vpop (erf)  }
0x273: {  	v9 =	vor.u32 $0x7, v9;
	[tilespmem:v15+s25+$0x0] =	vst.idx.msk $0xffff, v54;
	v62 =	vmul.f32 v58, v50;
	v61 =	vpop (erf)  }
0x274: {  	[tilespmem:v18+s25+$0x0] =	vst.idx.msk $0xffff, v60;
	v63 =	vpop (erf);
	v12 =	vmul.f32 v61, v55  }
0x275: {  	[tilespmem:v10+s25+$0x0] =	vst.idx.msk $0xffff, v62;
	v13 =	vmul.f32 v63, v52;
	v10 =	vpop (erf)  }
0x276: {  	v10 =	vmul.f32 v10, v59;
	[tilespmem:v14+s25+$0x0] =	vst.idx.msk $0xffff, v12  }
0x277: {  	[tilespmem:v11+s25+$0x0] =	vst.idx.msk $0xffff, v13  }
0x278: {  	[tilespmem:v9+s25+$0x0] =	vst.idx.msk $0xffff, v10  }
0x279: {  	v9 =	vld [tilespmem:$0x2700];
	_ =	sdelay $0x7  }
0x27a: {  	v9 =	vld.idx.msk [tilespmem:v9+s23+$0x0], $0xffff;
	_ =	sdelay $0x4  }
0x27b: {  	v9 =	vadd.f32 $1.000000020e-16, v9;
	_ =	sdelay $0x1  }
0x27c: {  	(erf) = vrcp.f32 v9;
	_ =	sdelay $0x4  }
0x27d: {  	v9 =	vld [tilespmem:$0x7680];
	_ =	sdelay $0x3  }
0x27e: {  	v10 =	vpop (erf)  }
0x27f: {  	s26 =	sadd.s32 $0x1, s26;
	v9 =	vmul.f32 v10, v9  }
0x280: {  	p0 =	sne.s32 s26, s21  }
.Ltmp8:
0x281: {  	[tilespmem:v8+s25+$0x0] =	vst.idx.msk $0xffff, v9;
	(pc) =	sbr.rel @p0 .LBB2_1-.Ltmp8, $4  }
0x282: {  	[hbm4b:s20+s2] =	stream.linear.scatter [tilespmem:s25], [sflag:$0x1], $0x13880, $0x38;
	[tilespmem:$0x1AF80] =	vst v63  }
0x283: {  	_ =	swait.ge [sflag:s22], $0x13880  }
0x284: {  	[sflag:s22] =	ssyncset.done $0x0  }
0x285: {  	[sflag:s22] =	ssyncadd.s32 $0xFFFEC780  }
0x286: {  	_ =	sfence.sel $0x180000  }
0x287: {  	[bflag:$0x0] =	sbarrier.arrive $0xFFFF  }
0x288: {  	_ =	strace $0x9000004A  }
0x289: {  	s0 =	stileid.u32;
	[bflag:$0x2] =	sbarrier.arrive $0xFFFF  }
0x28a: {  	p0 =	sne.s32 s0, $0x0;
	s0 =	rddreg [dreg:$0x2]  }
0x28b: {  	s0 =	sadd.s32 @!p0 $0x100000, s0  }
0x28c: {  	[sflag:s0] =	ssyncadd.tile.s32 @!p0 $0x1;
	_ =	shalt  }
.Lfunc_end2:
_tile_overlayer_lowered:
.L_overlay_start_2:
0x28d: {  	(tag) =	ssettag $0x2  }
0x28e: {  	s0 =	rddreg [dreg:$0x0];
	s2 =	stileid.u32  }
0x28f: {  	s1 =	rddreg [dreg:$0x1];
	p0 =	sne.s32 s2, $0x0  }
0x290: {  	s3 =	rddreg [dreg:$0x2];
	[bflag:$0x3] =	sbarrier.arrive $0xFFFF;
	s2 =	simm.s32 @!p0 $0x1C01  }
0x291: {  	[timem:s3], [sflag:s2] =	dma.local @!p0 [hbm:s0], s1  }
0x292: {  	s0 =	simm.s32 @!p0 $0x1  }
0x293: {  	_ =	swait.ge @!p0 [sflag:s0], s1  }
0x294: {  	s1 =	ssub.s32 @!p0 $0x0, s1;
	[sflag:s0] =	ssyncset.done @!p0 $0x0  }
0x295: {  	[sflag:s0] =	ssyncadd.s32 @!p0 s1  }
0x296: {  	[bflag:$0x3] =	sbarrier.arrive $0xFFFF  }
0x297: {  	_ =	shalt  }

</sc_bundles>
